<compile_context>
chip_gen: v7x
topology: tpu7x:2x2x1
jax: 0.10.2.dev20260603
libtpu: 0.0.44.dev20260713+nightly
codegen_flags: <defaults>
</compile_context>

<pallas_src>
import functools

import jax
import jax.numpy as jnp
from jax import lax
from jax.experimental import pallas as pl
from jax.experimental.pallas import tpu as pltpu
from jax.experimental.pallas import tpu_sc as plsc

_T = 2
_D = 4
_L = 16
_NW = 32


def kernel(inputs, position_table):
    batch, seq, dim = inputs.shape
    rpw = seq // _NW
    nt = rpw // _T
    mesh = plsc.VectorSubcoreMesh(core_axis_name="core", subcore_axis_name="subcore")

    @functools.partial(
        pl.kernel,
        mesh=mesh,
        out_type=jax.ShapeDtypeStruct(inputs.shape, inputs.dtype),
        scratch_types=[
            pltpu.VMEM((_D, batch, _T, dim), jnp.float32),
            pltpu.VMEM((_D, _T, dim), jnp.float32),
            pltpu.VMEM((_D, batch, _T, dim), jnp.float32),
            pltpu.SemaphoreType.DMA((_D,)),
            pltpu.SemaphoreType.DMA((_D,)),
        ],
    )
    def run(x_hbm, t_hbm, o_hbm, x_v, t_v, o_v, isem, osem):
        wid = lax.axis_index("subcore") * 2 + lax.axis_index("core")
        base = wid * rpw

        def in_copies(k, s):
            r0 = base + k * _T
            cps = [pltpu.make_async_copy(
                t_hbm.at[pl.ds(r0, _T)], t_v.at[s], isem.at[s])]
            for b in range(batch):
                cps.append(pltpu.make_async_copy(
                    x_hbm.at[b, pl.ds(r0, _T)], x_v.at[s, b], isem.at[s]))
            return cps

        def out_copies(k, s):
            r0 = base + k * _T
            return [pltpu.make_async_copy(
                o_v.at[s, b], o_hbm.at[b, pl.ds(r0, _T)], osem.at[s])
                for b in range(batch)]

        def compute(s):
            for r in range(_T):
                @plsc.parallel_loop(0, dim, _L, unroll=8)
                def _col(c, r=r):
                    t = t_v.at[s, r, pl.ds(c, _L)][...]
                    for b in range(batch):
                        o_v.at[s, b, r, pl.ds(c, _L)][...] = (
                            x_v.at[s, b, r, pl.ds(c, _L)][...] + t
                        )

        for s in range(_D):
            for cp in in_copies(s, s):
                cp.start()

        @pl.loop(0, nt, step=_D)
        def _tiles(k0):
            for s in range(_D):
                k = k0 + s
                for cp in in_copies(k, s):
                    cp.wait()
                @pl.when(k0 + s >= _D)
                def _drain():
                    for cp in out_copies(k - _D, s):
                        cp.wait()
                compute(s)
                for cp in out_copies(k, s):
                    cp.start()
                @pl.when(k0 + s + _D < nt)
                def _refill():
                    for cp in in_copies(k + _D, s):
                        cp.start()

        for s in range(_D):
            for cp in out_copies(nt - _D + s, s):
                cp.wait()

    return run(inputs, position_table)

# --- scband reference (transcript-rebuilt; emitter-appended) ---
"""Pipeline reference for scband-positional-embedding-1305670058435 (READ-ONLY COPY).

The authoritative reference and input builder live on the scoring server;
editing this copy changes nothing except your own understanding.
"""

import jax, jax.numpy as jnp
import numpy as np

SEQUENCE_LENGTH = 8192
OUTPUT_DIM = 1024

def setup_inputs(seed: int = 0) -> dict:
    key = jax.random.key(seed)
    k1, k2 = jax.random.split(key)
    inputs = jax.random.normal(k1, (4, 8192, 1024), dtype=jnp.float32)
    # learned positional embedding table, RandomNormal init as in keras layer
    position_table = jax.random.normal(k2, (SEQUENCE_LENGTH, OUTPUT_DIM), dtype=jnp.float32) * 0.05
    return {"inputs": inputs, "position_table": position_table}

def reference(inputs, position_table):
    # length = tf.shape(inputs)[-2]
    length = inputs.shape[-2]
    # positions = tf.range(0, length)
    positions = jnp.arange(0, length, 1)
    # embedded_positions = self.position_embedding(positions)  (embedding gather)
    embedded_positions = jnp.take(position_table, positions, axis=0)
    # return inputs + embedded_positions (broadcast over batch)
    return inputs + embedded_positions

if __name__ == "__main__":
    import jax
    _d = setup_inputs()
    print(jax.jit(kernel)(*tuple(_d.values())))

</pallas_src>

<mosaic_0001>
#map = affine_map<(d0, d1) -> (0, 0, 0)>
#map1 = affine_map<(d0, d1) -> (0, 0)>
module attributes {stable_mosaic.version = 14 : i64} {
  func.func @run(%arg0: i32, %arg1: i32, %arg2: memref<4x8192x1024xf32, #tpu.memory_space<hbm>>, %arg3: memref<8192x1024xf32, #tpu.memory_space<hbm>>, %arg4: memref<4x8192x1024xf32, #tpu.memory_space<hbm>>, %arg5: memref<4x4x2x1024xf32, #tpu.memory_space<vmem>>, %arg6: memref<4x2x1024xf32, #tpu.memory_space<vmem>>, %arg7: memref<4x4x2x1024xf32, #tpu.memory_space<vmem>>, %arg8: memref<4x!tpu.dma_semaphore, #tpu.memory_space<semaphore_mem>>, %arg9: memref<4x!tpu.dma_semaphore, #tpu.memory_space<semaphore_mem>>) attributes {dimension_semantics = [#tpu.dimension_semantics<core_parallel>, #tpu.dimension_semantics<subcore_parallel>], iteration_bounds = array<i64: 2, 16>, scalar_prefetch = 0 : i64, scratch_operands = 5 : i64, tpu.core_type = #tpu.core_type<sc_vector_subcore>, window_params = [{transform_indices = #map}, {transform_indices = #map1}, {transform_indices = #map}]} {
    %mul3A = arith.constant 2 : i32
    %mul3A_0 = arith.muli %arg1, %mul3A : i32
    %add3A = arith.addi %mul3A_0, %arg0 : i32
    %mul3A_1 = arith.constant 256 : i32
    %mul3A_2 = arith.muli %add3A, %mul3A_1 : i32
    %add3A_3 = arith.constant 0 : i32
    %add3A_4 = arith.addi %mul3A_2, %add3A_3 : i32
    %dma_start3A = arith.constant 0 : i32
    %dma_start3A_5 = arith.constant 0 : i32
    %dma_start3A_6 = arith.constant 0 : i32
    %dma_start3A_7 = arith.constant 0 : i32
    %dma_start3A_8 = tpu.memref_slice %arg6[%dma_start3A, %dma_start3A_6, %dma_start3A_7] : memref<4x2x1024xf32, #tpu.memory_space<vmem>> -> memref<1x2x1024xf32, #tpu.memory_space<vmem>>
    %dma_start3A_9 = tpu.memref_squeeze %dma_start3A_8 : memref<1x2x1024xf32, #tpu.memory_space<vmem>> -> memref<2x1024xf32, #tpu.memory_space<vmem>>
    %dma_start3A_10 = arith.constant 0 : i32
    %dma_start3A_11 = tpu.memref_slice %arg3[%add3A_4, %dma_start3A_10] : memref<8192x1024xf32, #tpu.memory_space<hbm>> -> memref<2x1024xf32, #tpu.memory_space<hbm>>
    %dma_start3A_12 = tpu.memref_slice %arg8[%dma_start3A_5] : memref<4x!tpu.dma_semaphore, #tpu.memory_space<semaphore_mem>> -> memref<1x!tpu.dma_semaphore, #tpu.memory_space<semaphore_mem>>
    %dma_start3A_13 = tpu.memref_squeeze %dma_start3A_12 : memref<1x!tpu.dma_semaphore, #tpu.memory_space<semaphore_mem>> -> memref<!tpu.dma_semaphore, #tpu.memory_space<semaphore_mem>>
    %dma_start3A_14 = arith.constant 0 : i32
    %dma_start3A_15 = arith.constant 0 : i32
    %dma_start3A_16 = tpu.memref_slice %arg6[%dma_start3A, %dma_start3A_14, %dma_start3A_15] : memref<4x2x1024xf32, #tpu.memory_space<vmem>> -> memref<1x2x1024xf32, #tpu.memory_space<vmem>>
    %dma_start3A_17 = tpu.memref_squeeze %dma_start3A_16 : memref<1x2x1024xf32, #tpu.memory_space<vmem>> -> memref<2x1024xf32, #tpu.memory_space<vmem>>
    %dma_start3A_18 = arith.constant 0 : i32
    %dma_start3A_19 = tpu.memref_slice %arg3[%add3A_4, %dma_start3A_18] : memref<8192x1024xf32, #tpu.memory_space<hbm>> -> memref<2x1024xf32, #tpu.memory_space<hbm>>
    tpu.enqueue_dma source(%dma_start3A_19 : memref<2x1024xf32, #tpu.memory_space<hbm>>) target(%dma_start3A_17 : memref<2x1024xf32, #tpu.memory_space<vmem>>) target_semaphore(%dma_start3A_13 : memref<!tpu.dma_semaphore, #tpu.memory_space<semaphore_mem>>)
    %dma_start3A_20 = arith.constant 0 : i32
    %dma_start3A_21 = arith.constant 0 : i32
    %dma_start3A_22 = arith.constant 0 : i32
    %dma_start3A_23 = arith.constant 0 : i32
    %dma_start3A_24 = arith.constant 0 : i32
    %dma_start3A_25 = arith.constant 0 : i32
    %dma_start3A_26 = tpu.memref_slice %arg5[%dma_start3A_21, %dma_start3A_22, %dma_start3A_24, %dma_start3A_25] : memref<4x4x2x1024xf32, #tpu.memory_space<vmem>> -> memref<1x1x2x1024xf32, #tpu.memory_space<vmem>>
    %dma_start3A_27 = tpu.memref_squeeze %dma_start3A_26 : memref<1x1x2x1024xf32, #tpu.memory_space<vmem>> -> memref<2x1024xf32, #tpu.memory_space<vmem>>
    %dma_start3A_28 = arith.constant 0 : i32
    %dma_start3A_29 = tpu.memref_slice %arg2[%dma_start3A_20, %add3A_4, %dma_start3A_28] : memref<4x8192x1024xf32, #tpu.memory_space<hbm>> -> memref<1x2x1024xf32, #tpu.memory_space<hbm>>
    %dma_start3A_30 = tpu.memref_squeeze %dma_start3A_29 : memref<1x2x1024xf32, #tpu.memory_space<hbm>> -> memref<2x1024xf32, #tpu.memory_space<hbm>>
    %dma_start3A_31 = tpu.memref_slice %arg8[%dma_start3A_23] : memref<4x!tpu.dma_semaphore, #tpu.memory_space<semaphore_mem>> -> memref<1x!tpu.dma_semaphore, #tpu.memory_space<semaphore_mem>>
    %dma_start3A_32 = tpu.memref_squeeze %dma_start3A_31 : memref<1x!tpu.dma_semaphore, #tpu.memory_space<semaphore_mem>> -> memref<!tpu.dma_semaphore, #tpu.memory_space<semaphore_mem>>
    %dma_start3A_33 = arith.constant 0 : i32
    %dma_start3A_34 = arith.constant 0 : i32
    %dma_start3A_35 = tpu.memref_slice %arg5[%dma_start3A_21, %dma_start3A_22, %dma_start3A_33, %dma_start3A_34] : memref<4x4x2x1024xf32, #tpu.memory_space<vmem>> -> memref<1x1x2x1024xf32, #tpu.memory_space<vmem>>
    %dma_start3A_36 = tpu.memref_squeeze %dma_start3A_35 : memref<1x1x2x1024xf32, #tpu.memory_space<vmem>> -> memref<2x1024xf32, #tpu.memory_space<vmem>>
    %dma_start3A_37 = arith.constant 0 : i32
    %dma_start3A_38 = tpu.memref_slice %arg2[%dma_start3A_20, %add3A_4, %dma_start3A_37] : memref<4x8192x1024xf32, #tpu.memory_space<hbm>> -> memref<1x2x1024xf32, #tpu.memory_space<hbm>>
    %dma_start3A_39 = tpu.memref_squeeze %dma_start3A_38 : memref<1x2x1024xf32, #tpu.memory_space<hbm>> -> memref<2x1024xf32, #tpu.memory_space<hbm>>
    tpu.enqueue_dma source(%dma_start3A_39 : memref<2x1024xf32, #tpu.memory_space<hbm>>) target(%dma_start3A_36 : memref<2x1024xf32, #tpu.memory_space<vmem>>) target_semaphore(%dma_start3A_32 : memref<!tpu.dma_semaphore, #tpu.memory_space<semaphore_mem>>)
    %dma_start3A_40 = arith.constant 1 : i32
    %dma_start3A_41 = arith.constant 0 : i32
    %dma_start3A_42 = arith.constant 1 : i32
    %dma_start3A_43 = arith.constant 0 : i32
    %dma_start3A_44 = arith.constant 0 : i32
    %dma_start3A_45 = arith.constant 0 : i32
    %dma_start3A_46 = tpu.memref_slice %arg5[%dma_start3A_41, %dma_start3A_42, %dma_start3A_44, %dma_start3A_45] : memref<4x4x2x1024xf32, #tpu.memory_space<vmem>> -> memref<1x1x2x1024xf32, #tpu.memory_space<vmem>>
    %dma_start3A_47 = tpu.memref_squeeze %dma_start3A_46 : memref<1x1x2x1024xf32, #tpu.memory_space<vmem>> -> memref<2x1024xf32, #tpu.memory_space<vmem>>
    %dma_start3A_48 = arith.constant 0 : i32
    %dma_start3A_49 = tpu.memref_slice %arg2[%dma_start3A_40, %add3A_4, %dma_start3A_48] : memref<4x8192x1024xf32, #tpu.memory_space<hbm>> -> memref<1x2x1024xf32, #tpu.memory_space<hbm>>
    %dma_start3A_50 = tpu.memref_squeeze %dma_start3A_49 : memref<1x2x1024xf32, #tpu.memory_space<hbm>> -> memref<2x1024xf32, #tpu.memory_space<hbm>>
    %dma_start3A_51 = tpu.memref_slice %arg8[%dma_start3A_43] : memref<4x!tpu.dma_semaphore, #tpu.memory_space<semaphore_mem>> -> memref<1x!tpu.dma_semaphore, #tpu.memory_space<semaphore_mem>>
    %dma_start3A_52 = tpu.memref_squeeze %dma_start3A_51 : memref<1x!tpu.dma_semaphore, #tpu.memory_space<semaphore_mem>> -> memref<!tpu.dma_semaphore, #tpu.memory_space<semaphore_mem>>
    %dma_start3A_53 = arith.constant 0 : i32
    %dma_start3A_54 = arith.constant 0 : i32
    %dma_start3A_55 = tpu.memref_slice %arg5[%dma_start3A_41, %dma_start3A_42, %dma_start3A_53, %dma_start3A_54] : memref<4x4x2x1024xf32, #tpu.memory_space<vmem>> -> memref<1x1x2x1024xf32, #tpu.memory_space<vmem>>
    %dma_start3A_56 = tpu.memref_squeeze %dma_start3A_55 : memref<1x1x2x1024xf32, #tpu.memory_space<vmem>> -> memref<2x1024xf32, #tpu.memory_space<vmem>>
    %dma_start3A_57 = arith.constant 0 : i32
    %dma_start3A_58 = tpu.memref_slice %arg2[%dma_start3A_40, %add3A_4, %dma_start3A_57] : memref<4x8192x1024xf32, #tpu.memory_space<hbm>> -> memref<1x2x1024xf32, #tpu.memory_space<hbm>>
    %dma_start3A_59 = tpu.memref_squeeze %dma_start3A_58 : memref<1x2x1024xf32, #tpu.memory_space<hbm>> -> memref<2x1024xf32, #tpu.memory_space<hbm>>
    tpu.enqueue_dma source(%dma_start3A_59 : memref<2x1024xf32, #tpu.memory_space<hbm>>) target(%dma_start3A_56 : memref<2x1024xf32, #tpu.memory_space<vmem>>) target_semaphore(%dma_start3A_52 : memref<!tpu.dma_semaphore, #tpu.memory_space<semaphore_mem>>)
    %dma_start3A_60 = arith.constant 2 : i32
    %dma_start3A_61 = arith.constant 0 : i32
    %dma_start3A_62 = arith.constant 2 : i32
    %dma_start3A_63 = arith.constant 0 : i32
    %dma_start3A_64 = arith.constant 0 : i32
    %dma_start3A_65 = arith.constant 0 : i32
    %dma_start3A_66 = tpu.memref_slice %arg5[%dma_start3A_61, %dma_start3A_62, %dma_start3A_64, %dma_start3A_65] : memref<4x4x2x1024xf32, #tpu.memory_space<vmem>> -> memref<1x1x2x1024xf32, #tpu.memory_space<vmem>>
    %dma_start3A_67 = tpu.memref_squeeze %dma_start3A_66 : memref<1x1x2x1024xf32, #tpu.memory_space<vmem>> -> memref<2x1024xf32, #tpu.memory_space<vmem>>
    %dma_start3A_68 = arith.constant 0 : i32
    %dma_start3A_69 = tpu.memref_slice %arg2[%dma_start3A_60, %add3A_4, %dma_start3A_68] : memref<4x8192x1024xf32, #tpu.memory_space<hbm>> -> memref<1x2x1024xf32, #tpu.memory_space<hbm>>
    %dma_start3A_70 = tpu.memref_squeeze %dma_start3A_69 : memref<1x2x1024xf32, #tpu.memory_space<hbm>> -> memref<2x1024xf32, #tpu.memory_space<hbm>>
    %dma_start3A_71 = tpu.memref_slice %arg8[%dma_start3A_63] : memref<4x!tpu.dma_semaphore, #tpu.memory_space<semaphore_mem>> -> memref<1x!tpu.dma_semaphore, #tpu.memory_space<semaphore_mem>>
    %dma_start3A_72 = tpu.memref_squeeze %dma_start3A_71 : memref<1x!tpu.dma_semaphore, #tpu.memory_space<semaphore_mem>> -> memref<!tpu.dma_semaphore, #tpu.memory_space<semaphore_mem>>
    %dma_start3A_73 = arith.constant 0 : i32
    %dma_start3A_74 = arith.constant 0 : i32
    %dma_start3A_75 = tpu.memref_slice %arg5[%dma_start3A_61, %dma_start3A_62, %dma_start3A_73, %dma_start3A_74] : memref<4x4x2x1024xf32, #tpu.memory_space<vmem>> -> memref<1x1x2x1024xf32, #tpu.memory_space<vmem>>
    %dma_start3A_76 = tpu.memref_squeeze %dma_start3A_75 : memref<1x1x2x1024xf32, #tpu.memory_space<vmem>> -> memref<2x1024xf32, #tpu.memory_space<vmem>>
    %dma_start3A_77 = arith.constant 0 : i32
    %dma_start3A_78 = tpu.memref_slice %arg2[%dma_start3A_60, %add3A_4, %dma_start3A_77] : memref<4x8192x1024xf32, #tpu.memory_space<hbm>> -> memref<1x2x1024xf32, #tpu.memory_space<hbm>>
    %dma_start3A_79 = tpu.memref_squeeze %dma_start3A_78 : memref<1x2x1024xf32, #tpu.memory_space<hbm>> -> memref<2x1024xf32, #tpu.memory_space<hbm>>
    tpu.enqueue_dma source(%dma_start3A_79 : memref<2x1024xf32, #tpu.memory_space<hbm>>) target(%dma_start3A_76 : memref<2x1024xf32, #tpu.memory_space<vmem>>) target_semaphore(%dma_start3A_72 : memref<!tpu.dma_semaphore, #tpu.memory_space<semaphore_mem>>)
    %dma_start3A_80 = arith.constant 3 : i32
    %dma_start3A_81 = arith.constant 0 : i32
    %dma_start3A_82 = arith.constant 3 : i32
    %dma_start3A_83 = arith.constant 0 : i32
    %dma_start3A_84 = arith.constant 0 : i32
    %dma_start3A_85 = arith.constant 0 : i32
    %dma_start3A_86 = tpu.memref_slice %arg5[%dma_start3A_81, %dma_start3A_82, %dma_start3A_84, %dma_start3A_85] : memref<4x4x2x1024xf32, #tpu.memory_space<vmem>> -> memref<1x1x2x1024xf32, #tpu.memory_space<vmem>>
    %dma_start3A_87 = tpu.memref_squeeze %dma_start3A_86 : memref<1x1x2x1024xf32, #tpu.memory_space<vmem>> -> memref<2x1024xf32, #tpu.memory_space<vmem>>
    %dma_start3A_88 = arith.constant 0 : i32
    %dma_start3A_89 = tpu.memref_slice %arg2[%dma_start3A_80, %add3A_4, %dma_start3A_88] : memref<4x8192x1024xf32, #tpu.memory_space<hbm>> -> memref<1x2x1024xf32, #tpu.memory_space<hbm>>
    %dma_start3A_90 = tpu.memref_squeeze %dma_start3A_89 : memref<1x2x1024xf32, #tpu.memory_space<hbm>> -> memref<2x1024xf32, #tpu.memory_space<hbm>>
    %dma_start3A_91 = tpu.memref_slice %arg8[%dma_start3A_83] : memref<4x!tpu.dma_semaphore, #tpu.memory_space<semaphore_mem>> -> memref<1x!tpu.dma_semaphore, #tpu.memory_space<semaphore_mem>>
    %dma_start3A_92 = tpu.memref_squeeze %dma_start3A_91 : memref<1x!tpu.dma_semaphore, #tpu.memory_space<semaphore_mem>> -> memref<!tpu.dma_semaphore, #tpu.memory_space<semaphore_mem>>
    %dma_start3A_93 = arith.constant 0 : i32
    %dma_start3A_94 = arith.constant 0 : i32
    %dma_start3A_95 = tpu.memref_slice %arg5[%dma_start3A_81, %dma_start3A_82, %dma_start3A_93, %dma_start3A_94] : memref<4x4x2x1024xf32, #tpu.memory_space<vmem>> -> memref<1x1x2x1024xf32, #tpu.memory_space<vmem>>
    %dma_start3A_96 = tpu.memref_squeeze %dma_start3A_95 : memref<1x1x2x1024xf32, #tpu.memory_space<vmem>> -> memref<2x1024xf32, #tpu.memory_space<vmem>>
    %dma_start3A_97 = arith.constant 0 : i32
    %dma_start3A_98 = tpu.memref_slice %arg2[%dma_start3A_80, %add3A_4, %dma_start3A_97] : memref<4x8192x1024xf32, #tpu.memory_space<hbm>> -> memref<1x2x1024xf32, #tpu.memory_space<hbm>>
    %dma_start3A_99 = tpu.memref_squeeze %dma_start3A_98 : memref<1x2x1024xf32, #tpu.memory_space<hbm>> -> memref<2x1024xf32, #tpu.memory_space<hbm>>
    tpu.enqueue_dma source(%dma_start3A_99 : memref<2x1024xf32, #tpu.memory_space<hbm>>) target(%dma_start3A_96 : memref<2x1024xf32, #tpu.memory_space<vmem>>) target_semaphore(%dma_start3A_92 : memref<!tpu.dma_semaphore, #tpu.memory_space<semaphore_mem>>)
    %add3A_100 = arith.constant 2 : i32
    %add3A_101 = arith.addi %mul3A_2, %add3A_100 : i32
    %dma_start3A_102 = arith.constant 1 : i32
    %dma_start3A_103 = arith.constant 1 : i32
    %dma_start3A_104 = arith.constant 0 : i32
    %dma_start3A_105 = arith.constant 0 : i32
    %dma_start3A_106 = tpu.memref_slice %arg6[%dma_start3A_102, %dma_start3A_104, %dma_start3A_105] : memref<4x2x1024xf32, #tpu.memory_space<vmem>> -> memref<1x2x1024xf32, #tpu.memory_space<vmem>>
    %dma_start3A_107 = tpu.memref_squeeze %dma_start3A_106 : memref<1x2x1024xf32, #tpu.memory_space<vmem>> -> memref<2x1024xf32, #tpu.memory_space<vmem>>
    %dma_start3A_108 = arith.constant 0 : i32
    %dma_start3A_109 = tpu.memref_slice %arg3[%add3A_101, %dma_start3A_108] : memref<8192x1024xf32, #tpu.memory_space<hbm>> -> memref<2x1024xf32, #tpu.memory_space<hbm>>
    %dma_start3A_110 = tpu.memref_slice %arg8[%dma_start3A_103] : memref<4x!tpu.dma_semaphore, #tpu.memory_space<semaphore_mem>> -> memref<1x!tpu.dma_semaphore, #tpu.memory_space<semaphore_mem>>
    %dma_start3A_111 = tpu.memref_squeeze %dma_start3A_110 : memref<1x!tpu.dma_semaphore, #tpu.memory_space<semaphore_mem>> -> memref<!tpu.dma_semaphore, #tpu.memory_space<semaphore_mem>>
    %dma_start3A_112 = arith.constant 0 : i32
    %dma_start3A_113 = arith.constant 0 : i32
    %dma_start3A_114 = tpu.memref_slice %arg6[%dma_start3A_102, %dma_start3A_112, %dma_start3A_113] : memref<4x2x1024xf32, #tpu.memory_space<vmem>> -> memref<1x2x1024xf32, #tpu.memory_space<vmem>>
    %dma_start3A_115 = tpu.memref_squeeze %dma_start3A_114 : memref<1x2x1024xf32, #tpu.memory_space<vmem>> -> memref<2x1024xf32, #tpu.memory_space<vmem>>
    %dma_start3A_116 = arith.constant 0 : i32
    %dma_start3A_117 = tpu.memref_slice %arg3[%add3A_101, %dma_start3A_116] : memref<8192x1024xf32, #tpu.memory_space<hbm>> -> memref<2x1024xf32, #tpu.memory_space<hbm>>
    tpu.enqueue_dma source(%dma_start3A_117 : memref<2x1024xf32, #tpu.memory_space<hbm>>) target(%dma_start3A_115 : memref<2x1024xf32, #tpu.memory_space<vmem>>) target_semaphore(%dma_start3A_111 : memref<!tpu.dma_semaphore, #tpu.memory_space<semaphore_mem>>)
    %dma_start3A_118 = arith.constant 0 : i32
    %dma_start3A_119 = arith.constant 1 : i32
    %dma_start3A_120 = arith.constant 0 : i32
    %dma_start3A_121 = arith.constant 1 : i32
    %dma_start3A_122 = arith.constant 0 : i32
    %dma_start3A_123 = arith.constant 0 : i32
    %dma_start3A_124 = tpu.memref_slice %arg5[%dma_start3A_119, %dma_start3A_120, %dma_start3A_122, %dma_start3A_123] : memref<4x4x2x1024xf32, #tpu.memory_space<vmem>> -> memref<1x1x2x1024xf32, #tpu.memory_space<vmem>>
    %dma_start3A_125 = tpu.memref_squeeze %dma_start3A_124 : memref<1x1x2x1024xf32, #tpu.memory_space<vmem>> -> memref<2x1024xf32, #tpu.memory_space<vmem>>
    %dma_start3A_126 = arith.constant 0 : i32
    %dma_start3A_127 = tpu.memref_slice %arg2[%dma_start3A_118, %add3A_101, %dma_start3A_126] : memref<4x8192x1024xf32, #tpu.memory_space<hbm>> -> memref<1x2x1024xf32, #tpu.memory_space<hbm>>
    %dma_start3A_128 = tpu.memref_squeeze %dma_start3A_127 : memref<1x2x1024xf32, #tpu.memory_space<hbm>> -> memref<2x1024xf32, #tpu.memory_space<hbm>>
    %dma_start3A_129 = tpu.memref_slice %arg8[%dma_start3A_121] : memref<4x!tpu.dma_semaphore, #tpu.memory_space<semaphore_mem>> -> memref<1x!tpu.dma_semaphore, #tpu.memory_space<semaphore_mem>>
    %dma_start3A_130 = tpu.memref_squeeze %dma_start3A_129 : memref<1x!tpu.dma_semaphore, #tpu.memory_space<semaphore_mem>> -> memref<!tpu.dma_semaphore, #tpu.memory_space<semaphore_mem>>
    %dma_start3A_131 = arith.constant 0 : i32
    %dma_start3A_132 = arith.constant 0 : i32
    %dma_start3A_133 = tpu.memref_slice %arg5[%dma_start3A_119, %dma_start3A_120, %dma_start3A_131, %dma_start3A_132] : memref<4x4x2x1024xf32, #tpu.memory_space<vmem>> -> memref<1x1x2x1024xf32, #tpu.memory_space<vmem>>
    %dma_start3A_134 = tpu.memref_squeeze %dma_start3A_133 : memref<1x1x2x1024xf32, #tpu.memory_space<vmem>> -> memref<2x1024xf32, #tpu.memory_space<vmem>>
    %dma_start3A_135 = arith.constant 0 : i32
    %dma_start3A_136 = tpu.memref_slice %arg2[%dma_start3A_118, %add3A_101, %dma_start3A_135] : memref<4x8192x1024xf32, #tpu.memory_space<hbm>> -> memref<1x2x1024xf32, #tpu.memory_space<hbm>>
    %dma_start3A_137 = tpu.memref_squeeze %dma_start3A_136 : memref<1x2x1024xf32, #tpu.memory_space<hbm>> -> memref<2x1024xf32, #tpu.memory_space<hbm>>
    tpu.enqueue_dma source(%dma_start3A_137 : memref<2x1024xf32, #tpu.memory_space<hbm>>) target(%dma_start3A_134 : memref<2x1024xf32, #tpu.memory_space<vmem>>) target_semaphore(%dma_start3A_130 : memref<!tpu.dma_semaphore, #tpu.memory_space<semaphore_mem>>)
    %dma_start3A_138 = arith.constant 1 : i32
    %dma_start3A_139 = arith.constant 1 : i32
    %dma_start3A_140 = arith.constant 1 : i32
    %dma_start3A_141 = arith.constant 1 : i32
    %dma_start3A_142 = arith.constant 0 : i32
    %dma_start3A_143 = arith.constant 0 : i32
    %dma_start3A_144 = tpu.memref_slice %arg5[%dma_start3A_139, %dma_start3A_140, %dma_start3A_142, %dma_start3A_143] : memref<4x4x2x1024xf32, #tpu.memory_space<vmem>> -> memref<1x1x2x1024xf32, #tpu.memory_space<vmem>>
    %dma_start3A_145 = tpu.memref_squeeze %dma_start3A_144 : memref<1x1x2x1024xf32, #tpu.memory_space<vmem>> -> memref<2x1024xf32, #tpu.memory_space<vmem>>
    %dma_start3A_146 = arith.constant 0 : i32
    %dma_start3A_147 = tpu.memref_slice %arg2[%dma_start3A_138, %add3A_101, %dma_start3A_146] : memref<4x8192x1024xf32, #tpu.memory_space<hbm>> -> memref<1x2x1024xf32, #tpu.memory_space<hbm>>
    %dma_start3A_148 = tpu.memref_squeeze %dma_start3A_147 : memref<1x2x1024xf32, #tpu.memory_space<hbm>> -> memref<2x1024xf32, #tpu.memory_space<hbm>>
    %dma_start3A_149 = tpu.memref_slice %arg8[%dma_start3A_141] : memref<4x!tpu.dma_semaphore, #tpu.memory_space<semaphore_mem>> -> memref<1x!tpu.dma_semaphore, #tpu.memory_space<semaphore_mem>>
    %dma_start3A_150 = tpu.memref_squeeze %dma_start3A_149 : memref<1x!tpu.dma_semaphore, #tpu.memory_space<semaphore_mem>> -> memref<!tpu.dma_semaphore, #tpu.memory_space<semaphore_mem>>
    %dma_start3A_151 = arith.constant 0 : i32
    %dma_start3A_152 = arith.constant 0 : i32
    %dma_start3A_153 = tpu.memref_slice %arg5[%dma_start3A_139, %dma_start3A_140, %dma_start3A_151, %dma_start3A_152] : memref<4x4x2x1024xf32, #tpu.memory_space<vmem>> -> memref<1x1x2x1024xf32, #tpu.memory_space<vmem>>
    %dma_start3A_154 = tpu.memref_squeeze %dma_start3A_153 : memref<1x1x2x1024xf32, #tpu.memory_space<vmem>> -> memref<2x1024xf32, #tpu.memory_space<vmem>>
    %dma_start3A_155 = arith.constant 0 : i32
    %dma_start3A_156 = tpu.memref_slice %arg2[%dma_start3A_138, %add3A_101, %dma_start3A_155] : memref<4x8192x1024xf32, #tpu.memory_space<hbm>> -> memref<1x2x1024xf32, #tpu.memory_space<hbm>>
    %dma_start3A_157 = tpu.memref_squeeze %dma_start3A_156 : memref<1x2x1024xf32, #tpu.memory_space<hbm>> -> memref<2x1024xf32, #tpu.memory_space<hbm>>
    tpu.enqueue_dma source(%dma_start3A_157 : memref<2x1024xf32, #tpu.memory_space<hbm>>) target(%dma_start3A_154 : memref<2x1024xf32, #tpu.memory_space<vmem>>) target_semaphore(%dma_start3A_150 : memref<!tpu.dma_semaphore, #tpu.memory_space<semaphore_mem>>)
    %dma_start3A_158 = arith.constant 2 : i32
    %dma_start3A_159 = arith.constant 1 : i32
    %dma_start3A_160 = arith.constant 2 : i32
    %dma_start3A_161 = arith.constant 1 : i32
    %dma_start3A_162 = arith.constant 0 : i32
    %dma_start3A_163 = arith.constant 0 : i32
    %dma_start3A_164 = tpu.memref_slice %arg5[%dma_start3A_159, %dma_start3A_160, %dma_start3A_162, %dma_start3A_163] : memref<4x4x2x1024xf32, #tpu.memory_space<vmem>> -> memref<1x1x2x1024xf32, #tpu.memory_space<vmem>>
    %dma_start3A_165 = tpu.memref_squeeze %dma_start3A_164 : memref<1x1x2x1024xf32, #tpu.memory_space<vmem>> -> memref<2x1024xf32, #tpu.memory_space<vmem>>
    %dma_start3A_166 = arith.constant 0 : i32
    %dma_start3A_167 = tpu.memref_slice %arg2[%dma_start3A_158, %add3A_101, %dma_start3A_166] : memref<4x8192x1024xf32, #tpu.memory_space<hbm>> -> memref<1x2x1024xf32, #tpu.memory_space<hbm>>
    %dma_start3A_168 = tpu.memref_squeeze %dma_start3A_167 : memref<1x2x1024xf32, #tpu.memory_space<hbm>> -> memref<2x1024xf32, #tpu.memory_space<hbm>>
    %dma_start3A_169 = tpu.memref_slice %arg8[%dma_start3A_161] : memref<4x!tpu.dma_semaphore, #tpu.memory_space<semaphore_mem>> -> memref<1x!tpu.dma_semaphore, #tpu.memory_space<semaphore_mem>>
    %dma_start3A_170 = tpu.memref_squeeze %dma_start3A_169 : memref<1x!tpu.dma_semaphore, #tpu.memory_space<semaphore_mem>> -> memref<!tpu.dma_semaphore, #tpu.memory_space<semaphore_mem>>
    %dma_start3A_171 = arith.constant 0 : i32
    %dma_start3A_172 = arith.constant 0 : i32
    %dma_start3A_173 = tpu.memref_slice %arg5[%dma_start3A_159, %dma_start3A_160, %dma_start3A_171, %dma_start3A_172] : memref<4x4x2x1024xf32, #tpu.memory_space<vmem>> -> memref<1x1x2x1024xf32, #tpu.memory_space<vmem>>
    %dma_start3A_174 = tpu.memref_squeeze %dma_start3A_173 : memref<1x1x2x1024xf32, #tpu.memory_space<vmem>> -> memref<2x1024xf32, #tpu.memory_space<vmem>>
    %dma_start3A_175 = arith.constant 0 : i32
    %dma_start3A_176 = tpu.memref_slice %arg2[%dma_start3A_158, %add3A_101, %dma_start3A_175] : memref<4x8192x1024xf32, #tpu.memory_space<hbm>> -> memref<1x2x1024xf32, #tpu.memory_space<hbm>>
    %dma_start3A_177 = tpu.memref_squeeze %dma_start3A_176 : memref<1x2x1024xf32, #tpu.memory_space<hbm>> -> memref<2x1024xf32, #tpu.memory_space<hbm>>
    tpu.enqueue_dma source(%dma_start3A_177 : memref<2x1024xf32, #tpu.memory_space<hbm>>) target(%dma_start3A_174 : memref<2x1024xf32, #tpu.memory_space<vmem>>) target_semaphore(%dma_start3A_170 : memref<!tpu.dma_semaphore, #tpu.memory_space<semaphore_mem>>)
    %dma_start3A_178 = arith.constant 3 : i32
    %dma_start3A_179 = arith.constant 1 : i32
    %dma_start3A_180 = arith.constant 3 : i32
    %dma_start3A_181 = arith.constant 1 : i32
    %dma_start3A_182 = arith.constant 0 : i32
    %dma_start3A_183 = arith.constant 0 : i32
    %dma_start3A_184 = tpu.memref_slice %arg5[%dma_start3A_179, %dma_start3A_180, %dma_start3A_182, %dma_start3A_183] : memref<4x4x2x1024xf32, #tpu.memory_space<vmem>> -> memref<1x1x2x1024xf32, #tpu.memory_space<vmem>>
    %dma_start3A_185 = tpu.memref_squeeze %dma_start3A_184 : memref<1x1x2x1024xf32, #tpu.memory_space<vmem>> -> memref<2x1024xf32, #tpu.memory_space<vmem>>
    %dma_start3A_186 = arith.constant 0 : i32
    %dma_start3A_187 = tpu.memref_slice %arg2[%dma_start3A_178, %add3A_101, %dma_start3A_186] : memref<4x8192x1024xf32, #tpu.memory_space<hbm>> -> memref<1x2x1024xf32, #tpu.memory_space<hbm>>
    %dma_start3A_188 = tpu.memref_squeeze %dma_start3A_187 : memref<1x2x1024xf32, #tpu.memory_space<hbm>> -> memref<2x1024xf32, #tpu.memory_space<hbm>>
    %dma_start3A_189 = tpu.memref_slice %arg8[%dma_start3A_181] : memref<4x!tpu.dma_semaphore, #tpu.memory_space<semaphore_mem>> -> memref<1x!tpu.dma_semaphore, #tpu.memory_space<semaphore_mem>>
    %dma_start3A_190 = tpu.memref_squeeze %dma_start3A_189 : memref<1x!tpu.dma_semaphore, #tpu.memory_space<semaphore_mem>> -> memref<!tpu.dma_semaphore, #tpu.memory_space<semaphore_mem>>
    %dma_start3A_191 = arith.constant 0 : i32
    %dma_start3A_192 = arith.constant 0 : i32
    %dma_start3A_193 = tpu.memref_slice %arg5[%dma_start3A_179, %dma_start3A_180, %dma_start3A_191, %dma_start3A_192] : memref<4x4x2x1024xf32, #tpu.memory_space<vmem>> -> memref<1x1x2x1024xf32, #tpu.memory_space<vmem>>
    %dma_start3A_194 = tpu.memref_squeeze %dma_start3A_193 : memref<1x1x2x1024xf32, #tpu.memory_space<vmem>> -> memref<2x1024xf32, #tpu.memory_space<vmem>>
    %dma_start3A_195 = arith.constant 0 : i32
    %dma_start3A_196 = tpu.memref_slice %arg2[%dma_start3A_178, %add3A_101, %dma_start3A_195] : memref<4x8192x1024xf32, #tpu.memory_space<hbm>> -> memref<1x2x1024xf32, #tpu.memory_space<hbm>>
    %dma_start3A_197 = tpu.memref_squeeze %dma_start3A_196 : memref<1x2x1024xf32, #tpu.memory_space<hbm>> -> memref<2x1024xf32, #tpu.memory_space<hbm>>
    tpu.enqueue_dma source(%dma_start3A_197 : memref<2x1024xf32, #tpu.memory_space<hbm>>) target(%dma_start3A_194 : memref<2x1024xf32, #tpu.memory_space<vmem>>) target_semaphore(%dma_start3A_190 : memref<!tpu.dma_semaphore, #tpu.memory_space<semaphore_mem>>)
    %add3A_198 = arith.constant 4 : i32
    %add3A_199 = arith.addi %mul3A_2, %add3A_198 : i32
    %dma_start3A_200 = arith.constant 2 : i32
    %dma_start3A_201 = arith.constant 2 : i32
    %dma_start3A_202 = arith.constant 0 : i32
    %dma_start3A_203 = arith.constant 0 : i32
    %dma_start3A_204 = tpu.memref_slice %arg6[%dma_start3A_200, %dma_start3A_202, %dma_start3A_203] : memref<4x2x1024xf32, #tpu.memory_space<vmem>> -> memref<1x2x1024xf32, #tpu.memory_space<vmem>>
    %dma_start3A_205 = tpu.memref_squeeze %dma_start3A_204 : memref<1x2x1024xf32, #tpu.memory_space<vmem>> -> memref<2x1024xf32, #tpu.memory_space<vmem>>
    %dma_start3A_206 = arith.constant 0 : i32
    %dma_start3A_207 = tpu.memref_slice %arg3[%add3A_199, %dma_start3A_206] : memref<8192x1024xf32, #tpu.memory_space<hbm>> -> memref<2x1024xf32, #tpu.memory_space<hbm>>
    %dma_start3A_208 = tpu.memref_slice %arg8[%dma_start3A_201] : memref<4x!tpu.dma_semaphore, #tpu.memory_space<semaphore_mem>> -> memref<1x!tpu.dma_semaphore, #tpu.memory_space<semaphore_mem>>
    %dma_start3A_209 = tpu.memref_squeeze %dma_start3A_208 : memref<1x!tpu.dma_semaphore, #tpu.memory_space<semaphore_mem>> -> memref<!tpu.dma_semaphore, #tpu.memory_space<semaphore_mem>>
    %dma_start3A_210 = arith.constant 0 : i32
    %dma_start3A_211 = arith.constant 0 : i32
    %dma_start3A_212 = tpu.memref_slice %arg6[%dma_start3A_200, %dma_start3A_210, %dma_start3A_211] : memref<4x2x1024xf32, #tpu.memory_space<vmem>> -> memref<1x2x1024xf32, #tpu.memory_space<vmem>>
    %dma_start3A_213 = tpu.memref_squeeze %dma_start3A_212 : memref<1x2x1024xf32, #tpu.memory_space<vmem>> -> memref<2x1024xf32, #tpu.memory_space<vmem>>
    %dma_start3A_214 = arith.constant 0 : i32
    %dma_start3A_215 = tpu.memref_slice %arg3[%add3A_199, %dma_start3A_214] : memref<8192x1024xf32, #tpu.memory_space<hbm>> -> memref<2x1024xf32, #tpu.memory_space<hbm>>
    tpu.enqueue_dma source(%dma_start3A_215 : memref<2x1024xf32, #tpu.memory_space<hbm>>) target(%dma_start3A_213 : memref<2x1024xf32, #tpu.memory_space<vmem>>) target_semaphore(%dma_start3A_209 : memref<!tpu.dma_semaphore, #tpu.memory_space<semaphore_mem>>)
    %dma_start3A_216 = arith.constant 0 : i32
    %dma_start3A_217 = arith.constant 2 : i32
    %dma_start3A_218 = arith.constant 0 : i32
    %dma_start3A_219 = arith.constant 2 : i32
    %dma_start3A_220 = arith.constant 0 : i32
    %dma_start3A_221 = arith.constant 0 : i32
    %dma_start3A_222 = tpu.memref_slice %arg5[%dma_start3A_217, %dma_start3A_218, %dma_start3A_220, %dma_start3A_221] : memref<4x4x2x1024xf32, #tpu.memory_space<vmem>> -> memref<1x1x2x1024xf32, #tpu.memory_space<vmem>>
    %dma_start3A_223 = tpu.memref_squeeze %dma_start3A_222 : memref<1x1x2x1024xf32, #tpu.memory_space<vmem>> -> memref<2x1024xf32, #tpu.memory_space<vmem>>
    %dma_start3A_224 = arith.constant 0 : i32
    %dma_start3A_225 = tpu.memref_slice %arg2[%dma_start3A_216, %add3A_199, %dma_start3A_224] : memref<4x8192x1024xf32, #tpu.memory_space<hbm>> -> memref<1x2x1024xf32, #tpu.memory_space<hbm>>
    %dma_start3A_226 = tpu.memref_squeeze %dma_start3A_225 : memref<1x2x1024xf32, #tpu.memory_space<hbm>> -> memref<2x1024xf32, #tpu.memory_space<hbm>>
    %dma_start3A_227 = tpu.memref_slice %arg8[%dma_start3A_219] : memref<4x!tpu.dma_semaphore, #tpu.memory_space<semaphore_mem>> -> memref<1x!tpu.dma_semaphore, #tpu.memory_space<semaphore_mem>>
    %dma_start3A_228 = tpu.memref_squeeze %dma_start3A_227 : memref<1x!tpu.dma_semaphore, #tpu.memory_space<semaphore_mem>> -> memref<!tpu.dma_semaphore, #tpu.memory_space<semaphore_mem>>
    %dma_start3A_229 = arith.constant 0 : i32
    %dma_start3A_230 = arith.constant 0 : i32
    %dma_start3A_231 = tpu.memref_slice %arg5[%dma_start3A_217, %dma_start3A_218, %dma_start3A_229, %dma_start3A_230] : memref<4x4x2x1024xf32, #tpu.memory_space<vmem>> -> memref<1x1x2x1024xf32, #tpu.memory_space<vmem>>
    %dma_start3A_232 = tpu.memref_squeeze %dma_start3A_231 : memref<1x1x2x1024xf32, #tpu.memory_space<vmem>> -> memref<2x1024xf32, #tpu.memory_space<vmem>>
    %dma_start3A_233 = arith.constant 0 : i32
    %dma_start3A_234 = tpu.memref_slice %arg2[%dma_start3A_216, %add3A_199, %dma_start3A_233] : memref<4x8192x1024xf32, #tpu.memory_space<hbm>> -> memref<1x2x1024xf32, #tpu.memory_space<hbm>>
    %dma_start3A_235 = tpu.memref_squeeze %dma_start3A_234 : memref<1x2x1024xf32, #tpu.memory_space<hbm>> -> memref<2x1024xf32, #tpu.memory_space<hbm>>
    tpu.enqueue_dma source(%dma_start3A_235 : memref<2x1024xf32, #tpu.memory_space<hbm>>) target(%dma_start3A_232 : memref<2x1024xf32, #tpu.memory_space<vmem>>) target_semaphore(%dma_start3A_228 : memref<!tpu.dma_semaphore, #tpu.memory_space<semaphore_mem>>)
    %dma_start3A_236 = arith.constant 1 : i32
    %dma_start3A_237 = arith.constant 2 : i32
    %dma_start3A_238 = arith.constant 1 : i32
    %dma_start3A_239 = arith.constant 2 : i32
    %dma_start3A_240 = arith.constant 0 : i32
    %dma_start3A_241 = arith.constant 0 : i32
    %dma_start3A_242 = tpu.memref_slice %arg5[%dma_start3A_237, %dma_start3A_238, %dma_start3A_240, %dma_start3A_241] : memref<4x4x2x1024xf32, #tpu.memory_space<vmem>> -> memref<1x1x2x1024xf32, #tpu.memory_space<vmem>>
    %dma_start3A_243 = tpu.memref_squeeze %dma_start3A_242 : memref<1x1x2x1024xf32, #tpu.memory_space<vmem>> -> memref<2x1024xf32, #tpu.memory_space<vmem>>
    %dma_start3A_244 = arith.constant 0 : i32
    %dma_start3A_245 = tpu.memref_slice %arg2[%dma_start3A_236, %add3A_199, %dma_start3A_244] : memref<4x8192x1024xf32, #tpu.memory_space<hbm>> -> memref<1x2x1024xf32, #tpu.memory_space<hbm>>
    %dma_start3A_246 = tpu.memref_squeeze %dma_start3A_245 : memref<1x2x1024xf32, #tpu.memory_space<hbm>> -> memref<2x1024xf32, #tpu.memory_space<hbm>>
    %dma_start3A_247 = tpu.memref_slice %arg8[%dma_start3A_239] : memref<4x!tpu.dma_semaphore, #tpu.memory_space<semaphore_mem>> -> memref<1x!tpu.dma_semaphore, #tpu.memory_space<semaphore_mem>>
    %dma_start3A_248 = tpu.memref_squeeze %dma_start3A_247 : memref<1x!tpu.dma_semaphore, #tpu.memory_space<semaphore_mem>> -> memref<!tpu.dma_semaphore, #tpu.memory_space<semaphore_mem>>
    %dma_start3A_249 = arith.constant 0 : i32
    %dma_start3A_250 = arith.constant 0 : i32
    %dma_start3A_251 = tpu.memref_slice %arg5[%dma_start3A_237, %dma_start3A_238, %dma_start3A_249, %dma_start3A_250] : memref<4x4x2x1024xf32, #tpu.memory_space<vmem>> -> memref<1x1x2x1024xf32, #tpu.memory_space<vmem>>
    %dma_start3A_252 = tpu.memref_squeeze %dma_start3A_251 : memref<1x1x2x1024xf32, #tpu.memory_space<vmem>> -> memref<2x1024xf32, #tpu.memory_space<vmem>>
    %dma_start3A_253 = arith.constant 0 : i32
    %dma_start3A_254 = tpu.memref_slice %arg2[%dma_start3A_236, %add3A_199, %dma_start3A_253] : memref<4x8192x1024xf32, #tpu.memory_space<hbm>> -> memref<1x2x1024xf32, #tpu.memory_space<hbm>>
    %dma_start3A_255 = tpu.memref_squeeze %dma_start3A_254 : memref<1x2x1024xf32, #tpu.memory_space<hbm>> -> memref<2x1024xf32, #tpu.memory_space<hbm>>
    tpu.enqueue_dma source(%dma_start3A_255 : memref<2x1024xf32, #tpu.memory_space<hbm>>) target(%dma_start3A_252 : memref<2x1024xf32, #tpu.memory_space<vmem>>) target_semaphore(%dma_start3A_248 : memref<!tpu.dma_semaphore, #tpu.memory_space<semaphore_mem>>)
    %dma_start3A_256 = arith.constant 2 : i32
    %dma_start3A_257 = arith.constant 2 : i32
    %dma_start3A_258 = arith.constant 2 : i32
    %dma_start3A_259 = arith.constant 2 : i32
    %dma_start3A_260 = arith.constant 0 : i32
    %dma_start3A_261 = arith.constant 0 : i32
    %dma_start3A_262 = tpu.memref_slice %arg5[%dma_start3A_257, %dma_start3A_258, %dma_start3A_260, %dma_start3A_261] : memref<4x4x2x1024xf32, #tpu.memory_space<vmem>> -> memref<1x1x2x1024xf32, #tpu.memory_space<vmem>>
    %dma_start3A_263 = tpu.memref_squeeze %dma_start3A_262 : memref<1x1x2x1024xf32, #tpu.memory_space<vmem>> -> memref<2x1024xf32, #tpu.memory_space<vmem>>
    %dma_start3A_264 = arith.constant 0 : i32
    %dma_start3A_265 = tpu.memref_slice %arg2[%dma_start3A_256, %add3A_199, %dma_start3A_264] : memref<4x8192x1024xf32, #tpu.memory_space<hbm>> -> memref<1x2x1024xf32, #tpu.memory_space<hbm>>
    %dma_start3A_266 = tpu.memref_squeeze %dma_start3A_265 : memref<1x2x1024xf32, #tpu.memory_space<hbm>> -> memref<2x1024xf32, #tpu.memory_space<hbm>>
    %dma_start3A_267 = tpu.memref_slice %arg8[%dma_start3A_259] : memref<4x!tpu.dma_semaphore, #tpu.memory_space<semaphore_mem>> -> memref<1x!tpu.dma_semaphore, #tpu.memory_space<semaphore_mem>>
    %dma_start3A_268 = tpu.memref_squeeze %dma_start3A_267 : memref<1x!tpu.dma_semaphore, #tpu.memory_space<semaphore_mem>> -> memref<!tpu.dma_semaphore, #tpu.memory_space<semaphore_mem>>
    %dma_start3A_269 = arith.constant 0 : i32
    %dma_start3A_270 = arith.constant 0 : i32
    %dma_start3A_271 = tpu.memref_slice %arg5[%dma_start3A_257, %dma_start3A_258, %dma_start3A_269, %dma_start3A_270] : memref<4x4x2x1024xf32, #tpu.memory_space<vmem>> -> memref<1x1x2x1024xf32, #tpu.memory_space<vmem>>
    %dma_start3A_272 = tpu.memref_squeeze %dma_start3A_271 : memref<1x1x2x1024xf32, #tpu.memory_space<vmem>> -> memref<2x1024xf32, #tpu.memory_space<vmem>>
    %dma_start3A_273 = arith.constant 0 : i32
    %dma_start3A_274 = tpu.memref_slice %arg2[%dma_start3A_256, %add3A_199, %dma_start3A_273] : memref<4x8192x1024xf32, #tpu.memory_space<hbm>> -> memref<1x2x1024xf32, #tpu.memory_space<hbm>>
    %dma_start3A_275 = tpu.memref_squeeze %dma_start3A_274 : memref<1x2x1024xf32, #tpu.memory_space<hbm>> -> memref<2x1024xf32, #tpu.memory_space<hbm>>
    tpu.enqueue_dma source(%dma_start3A_275 : memref<2x1024xf32, #tpu.memory_space<hbm>>) target(%dma_start3A_272 : memref<2x1024xf32, #tpu.memory_space<vmem>>) target_semaphore(%dma_start3A_268 : memref<!tpu.dma_semaphore, #tpu.memory_space<semaphore_mem>>)
    %dma_start3A_276 = arith.constant 3 : i32
    %dma_start3A_277 = arith.constant 2 : i32
    %dma_start3A_278 = arith.constant 3 : i32
    %dma_start3A_279 = arith.constant 2 : i32
    %dma_start3A_280 = arith.constant 0 : i32
    %dma_start3A_281 = arith.constant 0 : i32
    %dma_start3A_282 = tpu.memref_slice %arg5[%dma_start3A_277, %dma_start3A_278, %dma_start3A_280, %dma_start3A_281] : memref<4x4x2x1024xf32, #tpu.memory_space<vmem>> -> memref<1x1x2x1024xf32, #tpu.memory_space<vmem>>
    %dma_start3A_283 = tpu.memref_squeeze %dma_start3A_282 : memref<1x1x2x1024xf32, #tpu.memory_space<vmem>> -> memref<2x1024xf32, #tpu.memory_space<vmem>>
    %dma_start3A_284 = arith.constant 0 : i32
    %dma_start3A_285 = tpu.memref_slice %arg2[%dma_start3A_276, %add3A_199, %dma_start3A_284] : memref<4x8192x1024xf32, #tpu.memory_space<hbm>> -> memref<1x2x1024xf32, #tpu.memory_space<hbm>>
    %dma_start3A_286 = tpu.memref_squeeze %dma_start3A_285 : memref<1x2x1024xf32, #tpu.memory_space<hbm>> -> memref<2x1024xf32, #tpu.memory_space<hbm>>
    %dma_start3A_287 = tpu.memref_slice %arg8[%dma_start3A_279] : memref<4x!tpu.dma_semaphore, #tpu.memory_space<semaphore_mem>> -> memref<1x!tpu.dma_semaphore, #tpu.memory_space<semaphore_mem>>
    %dma_start3A_288 = tpu.memref_squeeze %dma_start3A_287 : memref<1x!tpu.dma_semaphore, #tpu.memory_space<semaphore_mem>> -> memref<!tpu.dma_semaphore, #tpu.memory_space<semaphore_mem>>
    %dma_start3A_289 = arith.constant 0 : i32
    %dma_start3A_290 = arith.constant 0 : i32
    %dma_start3A_291 = tpu.memref_slice %arg5[%dma_start3A_277, %dma_start3A_278, %dma_start3A_289, %dma_start3A_290] : memref<4x4x2x1024xf32, #tpu.memory_space<vmem>> -> memref<1x1x2x1024xf32, #tpu.memory_space<vmem>>
    %dma_start3A_292 = tpu.memref_squeeze %dma_start3A_291 : memref<1x1x2x1024xf32, #tpu.memory_space<vmem>> -> memref<2x1024xf32, #tpu.memory_space<vmem>>
    %dma_start3A_293 = arith.constant 0 : i32
    %dma_start3A_294 = tpu.memref_slice %arg2[%dma_start3A_276, %add3A_199, %dma_start3A_293] : memref<4x8192x1024xf32, #tpu.memory_space<hbm>> -> memref<1x2x1024xf32, #tpu.memory_space<hbm>>
    %dma_start3A_295 = tpu.memref_squeeze %dma_start3A_294 : memref<1x2x1024xf32, #tpu.memory_space<hbm>> -> memref<2x1024xf32, #tpu.memory_space<hbm>>
    tpu.enqueue_dma source(%dma_start3A_295 : memref<2x1024xf32, #tpu.memory_space<hbm>>) target(%dma_start3A_292 : memref<2x1024xf32, #tpu.memory_space<vmem>>) target_semaphore(%dma_start3A_288 : memref<!tpu.dma_semaphore, #tpu.memory_space<semaphore_mem>>)
    %add3A_296 = arith.constant 6 : i32
    %add3A_297 = arith.addi %mul3A_2, %add3A_296 : i32
    %dma_start3A_298 = arith.constant 3 : i32
    %dma_start3A_299 = arith.constant 3 : i32
    %dma_start3A_300 = arith.constant 0 : i32
    %dma_start3A_301 = arith.constant 0 : i32
    %dma_start3A_302 = tpu.memref_slice %arg6[%dma_start3A_298, %dma_start3A_300, %dma_start3A_301] : memref<4x2x1024xf32, #tpu.memory_space<vmem>> -> memref<1x2x1024xf32, #tpu.memory_space<vmem>>
    %dma_start3A_303 = tpu.memref_squeeze %dma_start3A_302 : memref<1x2x1024xf32, #tpu.memory_space<vmem>> -> memref<2x1024xf32, #tpu.memory_space<vmem>>
    %dma_start3A_304 = arith.constant 0 : i32
    %dma_start3A_305 = tpu.memref_slice %arg3[%add3A_297, %dma_start3A_304] : memref<8192x1024xf32, #tpu.memory_space<hbm>> -> memref<2x1024xf32, #tpu.memory_space<hbm>>
    %dma_start3A_306 = tpu.memref_slice %arg8[%dma_start3A_299] : memref<4x!tpu.dma_semaphore, #tpu.memory_space<semaphore_mem>> -> memref<1x!tpu.dma_semaphore, #tpu.memory_space<semaphore_mem>>
    %dma_start3A_307 = tpu.memref_squeeze %dma_start3A_306 : memref<1x!tpu.dma_semaphore, #tpu.memory_space<semaphore_mem>> -> memref<!tpu.dma_semaphore, #tpu.memory_space<semaphore_mem>>
    %dma_start3A_308 = arith.constant 0 : i32
    %dma_start3A_309 = arith.constant 0 : i32
    %dma_start3A_310 = tpu.memref_slice %arg6[%dma_start3A_298, %dma_start3A_308, %dma_start3A_309] : memref<4x2x1024xf32, #tpu.memory_space<vmem>> -> memref<1x2x1024xf32, #tpu.memory_space<vmem>>
    %dma_start3A_311 = tpu.memref_squeeze %dma_start3A_310 : memref<1x2x1024xf32, #tpu.memory_space<vmem>> -> memref<2x1024xf32, #tpu.memory_space<vmem>>
    %dma_start3A_312 = arith.constant 0 : i32
    %dma_start3A_313 = tpu.memref_slice %arg3[%add3A_297, %dma_start3A_312] : memref<8192x1024xf32, #tpu.memory_space<hbm>> -> memref<2x1024xf32, #tpu.memory_space<hbm>>
    tpu.enqueue_dma source(%dma_start3A_313 : memref<2x1024xf32, #tpu.memory_space<hbm>>) target(%dma_start3A_311 : memref<2x1024xf32, #tpu.memory_space<vmem>>) target_semaphore(%dma_start3A_307 : memref<!tpu.dma_semaphore, #tpu.memory_space<semaphore_mem>>)
    %dma_start3A_314 = arith.constant 0 : i32
    %dma_start3A_315 = arith.constant 3 : i32
    %dma_start3A_316 = arith.constant 0 : i32
    %dma_start3A_317 = arith.constant 3 : i32
    %dma_start3A_318 = arith.constant 0 : i32
    %dma_start3A_319 = arith.constant 0 : i32
    %dma_start3A_320 = tpu.memref_slice %arg5[%dma_start3A_315, %dma_start3A_316, %dma_start3A_318, %dma_start3A_319] : memref<4x4x2x1024xf32, #tpu.memory_space<vmem>> -> memref<1x1x2x1024xf32, #tpu.memory_space<vmem>>
    %dma_start3A_321 = tpu.memref_squeeze %dma_start3A_320 : memref<1x1x2x1024xf32, #tpu.memory_space<vmem>> -> memref<2x1024xf32, #tpu.memory_space<vmem>>
    %dma_start3A_322 = arith.constant 0 : i32
    %dma_start3A_323 = tpu.memref_slice %arg2[%dma_start3A_314, %add3A_297, %dma_start3A_322] : memref<4x8192x1024xf32, #tpu.memory_space<hbm>> -> memref<1x2x1024xf32, #tpu.memory_space<hbm>>
    %dma_start3A_324 = tpu.memref_squeeze %dma_start3A_323 : memref<1x2x1024xf32, #tpu.memory_space<hbm>> -> memref<2x1024xf32, #tpu.memory_space<hbm>>
    %dma_start3A_325 = tpu.memref_slice %arg8[%dma_start3A_317] : memref<4x!tpu.dma_semaphore, #tpu.memory_space<semaphore_mem>> -> memref<1x!tpu.dma_semaphore, #tpu.memory_space<semaphore_mem>>
    %dma_start3A_326 = tpu.memref_squeeze %dma_start3A_325 : memref<1x!tpu.dma_semaphore, #tpu.memory_space<semaphore_mem>> -> memref<!tpu.dma_semaphore, #tpu.memory_space<semaphore_mem>>
    %dma_start3A_327 = arith.constant 0 : i32
    %dma_start3A_328 = arith.constant 0 : i32
    %dma_start3A_329 = tpu.memref_slice %arg5[%dma_start3A_315, %dma_start3A_316, %dma_start3A_327, %dma_start3A_328] : memref<4x4x2x1024xf32, #tpu.memory_space<vmem>> -> memref<1x1x2x1024xf32, #tpu.memory_space<vmem>>
    %dma_start3A_330 = tpu.memref_squeeze %dma_start3A_329 : memref<1x1x2x1024xf32, #tpu.memory_space<vmem>> -> memref<2x1024xf32, #tpu.memory_space<vmem>>
    %dma_start3A_331 = arith.constant 0 : i32
    %dma_start3A_332 = tpu.memref_slice %arg2[%dma_start3A_314, %add3A_297, %dma_start3A_331] : memref<4x8192x1024xf32, #tpu.memory_space<hbm>> -> memref<1x2x1024xf32, #tpu.memory_space<hbm>>
    %dma_start3A_333 = tpu.memref_squeeze %dma_start3A_332 : memref<1x2x1024xf32, #tpu.memory_space<hbm>> -> memref<2x1024xf32, #tpu.memory_space<hbm>>
    tpu.enqueue_dma source(%dma_start3A_333 : memref<2x1024xf32, #tpu.memory_space<hbm>>) target(%dma_start3A_330 : memref<2x1024xf32, #tpu.memory_space<vmem>>) target_semaphore(%dma_start3A_326 : memref<!tpu.dma_semaphore, #tpu.memory_space<semaphore_mem>>)
    %dma_start3A_334 = arith.constant 1 : i32
    %dma_start3A_335 = arith.constant 3 : i32
    %dma_start3A_336 = arith.constant 1 : i32
    %dma_start3A_337 = arith.constant 3 : i32
    %dma_start3A_338 = arith.constant 0 : i32
    %dma_start3A_339 = arith.constant 0 : i32
    %dma_start3A_340 = tpu.memref_slice %arg5[%dma_start3A_335, %dma_start3A_336, %dma_start3A_338, %dma_start3A_339] : memref<4x4x2x1024xf32, #tpu.memory_space<vmem>> -> memref<1x1x2x1024xf32, #tpu.memory_space<vmem>>
    %dma_start3A_341 = tpu.memref_squeeze %dma_start3A_340 : memref<1x1x2x1024xf32, #tpu.memory_space<vmem>> -> memref<2x1024xf32, #tpu.memory_space<vmem>>
    %dma_start3A_342 = arith.constant 0 : i32
    %dma_start3A_343 = tpu.memref_slice %arg2[%dma_start3A_334, %add3A_297, %dma_start3A_342] : memref<4x8192x1024xf32, #tpu.memory_space<hbm>> -> memref<1x2x1024xf32, #tpu.memory_space<hbm>>
    %dma_start3A_344 = tpu.memref_squeeze %dma_start3A_343 : memref<1x2x1024xf32, #tpu.memory_space<hbm>> -> memref<2x1024xf32, #tpu.memory_space<hbm>>
    %dma_start3A_345 = tpu.memref_slice %arg8[%dma_start3A_337] : memref<4x!tpu.dma_semaphore, #tpu.memory_space<semaphore_mem>> -> memref<1x!tpu.dma_semaphore, #tpu.memory_space<semaphore_mem>>
    %dma_start3A_346 = tpu.memref_squeeze %dma_start3A_345 : memref<1x!tpu.dma_semaphore, #tpu.memory_space<semaphore_mem>> -> memref<!tpu.dma_semaphore, #tpu.memory_space<semaphore_mem>>
    %dma_start3A_347 = arith.constant 0 : i32
    %dma_start3A_348 = arith.constant 0 : i32
    %dma_start3A_349 = tpu.memref_slice %arg5[%dma_start3A_335, %dma_start3A_336, %dma_start3A_347, %dma_start3A_348] : memref<4x4x2x1024xf32, #tpu.memory_space<vmem>> -> memref<1x1x2x1024xf32, #tpu.memory_space<vmem>>
    %dma_start3A_350 = tpu.memref_squeeze %dma_start3A_349 : memref<1x1x2x1024xf32, #tpu.memory_space<vmem>> -> memref<2x1024xf32, #tpu.memory_space<vmem>>
    %dma_start3A_351 = arith.constant 0 : i32
    %dma_start3A_352 = tpu.memref_slice %arg2[%dma_start3A_334, %add3A_297, %dma_start3A_351] : memref<4x8192x1024xf32, #tpu.memory_space<hbm>> -> memref<1x2x1024xf32, #tpu.memory_space<hbm>>
    %dma_start3A_353 = tpu.memref_squeeze %dma_start3A_352 : memref<1x2x1024xf32, #tpu.memory_space<hbm>> -> memref<2x1024xf32, #tpu.memory_space<hbm>>
    tpu.enqueue_dma source(%dma_start3A_353 : memref<2x1024xf32, #tpu.memory_space<hbm>>) target(%dma_start3A_350 : memref<2x1024xf32, #tpu.memory_space<vmem>>) target_semaphore(%dma_start3A_346 : memref<!tpu.dma_semaphore, #tpu.memory_space<semaphore_mem>>)
    %dma_start3A_354 = arith.constant 2 : i32
    %dma_start3A_355 = arith.constant 3 : i32
    %dma_start3A_356 = arith.constant 2 : i32
    %dma_start3A_357 = arith.constant 3 : i32
    %dma_start3A_358 = arith.constant 0 : i32
    %dma_start3A_359 = arith.constant 0 : i32
    %dma_start3A_360 = tpu.memref_slice %arg5[%dma_start3A_355, %dma_start3A_356, %dma_start3A_358, %dma_start3A_359] : memref<4x4x2x1024xf32, #tpu.memory_space<vmem>> -> memref<1x1x2x1024xf32, #tpu.memory_space<vmem>>
    %dma_start3A_361 = tpu.memref_squeeze %dma_start3A_360 : memref<1x1x2x1024xf32, #tpu.memory_space<vmem>> -> memref<2x1024xf32, #tpu.memory_space<vmem>>
    %dma_start3A_362 = arith.constant 0 : i32
    %dma_start3A_363 = tpu.memref_slice %arg2[%dma_start3A_354, %add3A_297, %dma_start3A_362] : memref<4x8192x1024xf32, #tpu.memory_space<hbm>> -> memref<1x2x1024xf32, #tpu.memory_space<hbm>>
    %dma_start3A_364 = tpu.memref_squeeze %dma_start3A_363 : memref<1x2x1024xf32, #tpu.memory_space<hbm>> -> memref<2x1024xf32, #tpu.memory_space<hbm>>
    %dma_start3A_365 = tpu.memref_slice %arg8[%dma_start3A_357] : memref<4x!tpu.dma_semaphore, #tpu.memory_space<semaphore_mem>> -> memref<1x!tpu.dma_semaphore, #tpu.memory_space<semaphore_mem>>
    %dma_start3A_366 = tpu.memref_squeeze %dma_start3A_365 : memref<1x!tpu.dma_semaphore, #tpu.memory_space<semaphore_mem>> -> memref<!tpu.dma_semaphore, #tpu.memory_space<semaphore_mem>>
    %dma_start3A_367 = arith.constant 0 : i32
    %dma_start3A_368 = arith.constant 0 : i32
    %dma_start3A_369 = tpu.memref_slice %arg5[%dma_start3A_355, %dma_start3A_356, %dma_start3A_367, %dma_start3A_368] : memref<4x4x2x1024xf32, #tpu.memory_space<vmem>> -> memref<1x1x2x1024xf32, #tpu.memory_space<vmem>>
    %dma_start3A_370 = tpu.memref_squeeze %dma_start3A_369 : memref<1x1x2x1024xf32, #tpu.memory_space<vmem>> -> memref<2x1024xf32, #tpu.memory_space<vmem>>
    %dma_start3A_371 = arith.constant 0 : i32
    %dma_start3A_372 = tpu.memref_slice %arg2[%dma_start3A_354, %add3A_297, %dma_start3A_371] : memref<4x8192x1024xf32, #tpu.memory_space<hbm>> -> memref<1x2x1024xf32, #tpu.memory_space<hbm>>
    %dma_start3A_373 = tpu.memref_squeeze %dma_start3A_372 : memref<1x2x1024xf32, #tpu.memory_space<hbm>> -> memref<2x1024xf32, #tpu.memory_space<hbm>>
    tpu.enqueue_dma source(%dma_start3A_373 : memref<2x1024xf32, #tpu.memory_space<hbm>>) target(%dma_start3A_370 : memref<2x1024xf32, #tpu.memory_space<vmem>>) target_semaphore(%dma_start3A_366 : memref<!tpu.dma_semaphore, #tpu.memory_space<semaphore_mem>>)
    %dma_start3A_374 = arith.constant 3 : i32
    %dma_start3A_375 = arith.constant 3 : i32
    %dma_start3A_376 = arith.constant 3 : i32
    %dma_start3A_377 = arith.constant 3 : i32
    %dma_start3A_378 = arith.constant 0 : i32
    %dma_start3A_379 = arith.constant 0 : i32
    %dma_start3A_380 = tpu.memref_slice %arg5[%dma_start3A_375, %dma_start3A_376, %dma_start3A_378, %dma_start3A_379] : memref<4x4x2x1024xf32, #tpu.memory_space<vmem>> -> memref<1x1x2x1024xf32, #tpu.memory_space<vmem>>
    %dma_start3A_381 = tpu.memref_squeeze %dma_start3A_380 : memref<1x1x2x1024xf32, #tpu.memory_space<vmem>> -> memref<2x1024xf32, #tpu.memory_space<vmem>>
    %dma_start3A_382 = arith.constant 0 : i32
    %dma_start3A_383 = tpu.memref_slice %arg2[%dma_start3A_374, %add3A_297, %dma_start3A_382] : memref<4x8192x1024xf32, #tpu.memory_space<hbm>> -> memref<1x2x1024xf32, #tpu.memory_space<hbm>>
    %dma_start3A_384 = tpu.memref_squeeze %dma_start3A_383 : memref<1x2x1024xf32, #tpu.memory_space<hbm>> -> memref<2x1024xf32, #tpu.memory_space<hbm>>
    %dma_start3A_385 = tpu.memref_slice %arg8[%dma_start3A_377] : memref<4x!tpu.dma_semaphore, #tpu.memory_space<semaphore_mem>> -> memref<1x!tpu.dma_semaphore, #tpu.memory_space<semaphore_mem>>
    %dma_start3A_386 = tpu.memref_squeeze %dma_start3A_385 : memref<1x!tpu.dma_semaphore, #tpu.memory_space<semaphore_mem>> -> memref<!tpu.dma_semaphore, #tpu.memory_space<semaphore_mem>>
    %dma_start3A_387 = arith.constant 0 : i32
    %dma_start3A_388 = arith.constant 0 : i32
    %dma_start3A_389 = tpu.memref_slice %arg5[%dma_start3A_375, %dma_start3A_376, %dma_start3A_387, %dma_start3A_388] : memref<4x4x2x1024xf32, #tpu.memory_space<vmem>> -> memref<1x1x2x1024xf32, #tpu.memory_space<vmem>>
    %dma_start3A_390 = tpu.memref_squeeze %dma_start3A_389 : memref<1x1x2x1024xf32, #tpu.memory_space<vmem>> -> memref<2x1024xf32, #tpu.memory_space<vmem>>
    %dma_start3A_391 = arith.constant 0 : i32
    %dma_start3A_392 = tpu.memref_slice %arg2[%dma_start3A_374, %add3A_297, %dma_start3A_391] : memref<4x8192x1024xf32, #tpu.memory_space<hbm>> -> memref<1x2x1024xf32, #tpu.memory_space<hbm>>
    %dma_start3A_393 = tpu.memref_squeeze %dma_start3A_392 : memref<1x2x1024xf32, #tpu.memory_space<hbm>> -> memref<2x1024xf32, #tpu.memory_space<hbm>>
    tpu.enqueue_dma source(%dma_start3A_393 : memref<2x1024xf32, #tpu.memory_space<hbm>>) target(%dma_start3A_390 : memref<2x1024xf32, #tpu.memory_space<vmem>>) target_semaphore(%dma_start3A_386 : memref<!tpu.dma_semaphore, #tpu.memory_space<semaphore_mem>>)
    %scan3A = arith.constant 0 : i32
    %scan3A_394 = arith.constant 32 : i32
    %scan3A_395 = arith.addi %scan3A, %scan3A_394 : i32
    %scan3A_396 = arith.constant 1 : i32
    scf.for %scan3A_725 = %scan3A to %scan3A_395 step %scan3A_396  : i32 {
      %mul3A_726 = arith.constant 4 : i32
      %mul3A_727 = arith.muli %scan3A_725, %mul3A_726 : i32
      %add3A_728 = arith.constant 0 : i32
      %add3A_729 = arith.addi %add3A_728, %mul3A_727 : i32
      %add3A_730 = arith.constant 0 : i32
      %add3A_731 = arith.addi %add3A_729, %add3A_730 : i32
      %mul3A_732 = arith.constant 2 : i32
      %mul3A_733 = arith.muli %add3A_731, %mul3A_732 : i32
      %add3A_734 = arith.addi %mul3A_2, %mul3A_733 : i32
      %dma_wait3A_735 = arith.constant 0 : i32
      %dma_wait3A_736 = arith.constant 0 : i32
      %dma_wait3A_737 = arith.constant 0 : i32
      %dma_wait3A_738 = arith.constant 0 : i32
      %dma_wait3A_739 = tpu.memref_slice %arg6[%dma_wait3A_735, %dma_wait3A_737, %dma_wait3A_738] : memref<4x2x1024xf32, #tpu.memory_space<vmem>> -> memref<1x2x1024xf32, #tpu.memory_space<vmem>>
      %dma_wait3A_740 = tpu.memref_squeeze %dma_wait3A_739 : memref<1x2x1024xf32, #tpu.memory_space<vmem>> -> memref<2x1024xf32, #tpu.memory_space<vmem>>
      %dma_wait3A_741 = arith.constant 0 : i32
      %dma_wait3A_742 = tpu.memref_slice %arg3[%add3A_734, %dma_wait3A_741] : memref<8192x1024xf32, #tpu.memory_space<hbm>> -> memref<2x1024xf32, #tpu.memory_space<hbm>>
      %dma_wait3A_743 = tpu.memref_slice %arg8[%dma_wait3A_736] : memref<4x!tpu.dma_semaphore, #tpu.memory_space<semaphore_mem>> -> memref<1x!tpu.dma_semaphore, #tpu.memory_space<semaphore_mem>>
      %dma_wait3A_744 = tpu.memref_squeeze %dma_wait3A_743 : memref<1x!tpu.dma_semaphore, #tpu.memory_space<semaphore_mem>> -> memref<!tpu.dma_semaphore, #tpu.memory_space<semaphore_mem>>
      %dma_wait3A_745 = arith.constant 0 : i32
      %dma_wait3A_746 = arith.constant 0 : i32
      %dma_wait3A_747 = tpu.memref_slice %arg6[%dma_wait3A_735, %dma_wait3A_745, %dma_wait3A_746] : memref<4x2x1024xf32, #tpu.memory_space<vmem>> -> memref<1x2x1024xf32, #tpu.memory_space<vmem>>
      %dma_wait3A_748 = tpu.memref_squeeze %dma_wait3A_747 : memref<1x2x1024xf32, #tpu.memory_space<vmem>> -> memref<2x1024xf32, #tpu.memory_space<vmem>>
      %dma_wait3A_749 = arith.constant 0 : i32
      %dma_wait3A_750 = tpu.memref_slice %arg3[%add3A_734, %dma_wait3A_749] : memref<8192x1024xf32, #tpu.memory_space<hbm>> -> memref<2x1024xf32, #tpu.memory_space<hbm>>
      tpu.wait_dma2 semaphore(%dma_wait3A_744 : memref<!tpu.dma_semaphore, #tpu.memory_space<semaphore_mem>>) src(%dma_wait3A_750 : memref<2x1024xf32, #tpu.memory_space<hbm>>) dst(%dma_wait3A_748 : memref<2x1024xf32, #tpu.memory_space<vmem>>)
      %dma_wait3A_751 = arith.constant 0 : i32
      %dma_wait3A_752 = arith.constant 0 : i32
      %dma_wait3A_753 = arith.constant 0 : i32
      %dma_wait3A_754 = arith.constant 0 : i32
      %dma_wait3A_755 = arith.constant 0 : i32
      %dma_wait3A_756 = arith.constant 0 : i32
      %dma_wait3A_757 = tpu.memref_slice %arg5[%dma_wait3A_752, %dma_wait3A_753, %dma_wait3A_755, %dma_wait3A_756] : memref<4x4x2x1024xf32, #tpu.memory_space<vmem>> -> memref<1x1x2x1024xf32, #tpu.memory_space<vmem>>
      %dma_wait3A_758 = tpu.memref_squeeze %dma_wait3A_757 : memref<1x1x2x1024xf32, #tpu.memory_space<vmem>> -> memref<2x1024xf32, #tpu.memory_space<vmem>>
      %dma_wait3A_759 = arith.constant 0 : i32
      %dma_wait3A_760 = tpu.memref_slice %arg2[%dma_wait3A_751, %add3A_734, %dma_wait3A_759] : memref<4x8192x1024xf32, #tpu.memory_space<hbm>> -> memref<1x2x1024xf32, #tpu.memory_space<hbm>>
      %dma_wait3A_761 = tpu.memref_squeeze %dma_wait3A_760 : memref<1x2x1024xf32, #tpu.memory_space<hbm>> -> memref<2x1024xf32, #tpu.memory_space<hbm>>
      %dma_wait3A_762 = tpu.memref_slice %arg8[%dma_wait3A_754] : memref<4x!tpu.dma_semaphore, #tpu.memory_space<semaphore_mem>> -> memref<1x!tpu.dma_semaphore, #tpu.memory_space<semaphore_mem>>
      %dma_wait3A_763 = tpu.memref_squeeze %dma_wait3A_762 : memref<1x!tpu.dma_semaphore, #tpu.memory_space<semaphore_mem>> -> memref<!tpu.dma_semaphore, #tpu.memory_space<semaphore_mem>>
      %dma_wait3A_764 = arith.constant 0 : i32
      %dma_wait3A_765 = arith.constant 0 : i32
      %dma_wait3A_766 = tpu.memref_slice %arg5[%dma_wait3A_752, %dma_wait3A_753, %dma_wait3A_764, %dma_wait3A_765] : memref<4x4x2x1024xf32, #tpu.memory_space<vmem>> -> memref<1x1x2x1024xf32, #tpu.memory_space<vmem>>
      %dma_wait3A_767 = tpu.memref_squeeze %dma_wait3A_766 : memref<1x1x2x1024xf32, #tpu.memory_space<vmem>> -> memref<2x1024xf32, #tpu.memory_space<vmem>>
      %dma_wait3A_768 = arith.constant 0 : i32
      %dma_wait3A_769 = tpu.memref_slice %arg2[%dma_wait3A_751, %add3A_734, %dma_wait3A_768] : memref<4x8192x1024xf32, #tpu.memory_space<hbm>> -> memref<1x2x1024xf32, #tpu.memory_space<hbm>>
      %dma_wait3A_770 = tpu.memref_squeeze %dma_wait3A_769 : memref<1x2x1024xf32, #tpu.memory_space<hbm>> -> memref<2x1024xf32, #tpu.memory_space<hbm>>
      tpu.wait_dma2 semaphore(%dma_wait3A_763 : memref<!tpu.dma_semaphore, #tpu.memory_space<semaphore_mem>>) src(%dma_wait3A_770 : memref<2x1024xf32, #tpu.memory_space<hbm>>) dst(%dma_wait3A_767 : memref<2x1024xf32, #tpu.memory_space<vmem>>)
      %dma_wait3A_771 = arith.constant 1 : i32
      %dma_wait3A_772 = arith.constant 0 : i32
      %dma_wait3A_773 = arith.constant 1 : i32
      %dma_wait3A_774 = arith.constant 0 : i32
      %dma_wait3A_775 = arith.constant 0 : i32
      %dma_wait3A_776 = arith.constant 0 : i32
      %dma_wait3A_777 = tpu.memref_slice %arg5[%dma_wait3A_772, %dma_wait3A_773, %dma_wait3A_775, %dma_wait3A_776] : memref<4x4x2x1024xf32, #tpu.memory_space<vmem>> -> memref<1x1x2x1024xf32, #tpu.memory_space<vmem>>
      %dma_wait3A_778 = tpu.memref_squeeze %dma_wait3A_777 : memref<1x1x2x1024xf32, #tpu.memory_space<vmem>> -> memref<2x1024xf32, #tpu.memory_space<vmem>>
      %dma_wait3A_779 = arith.constant 0 : i32
      %dma_wait3A_780 = tpu.memref_slice %arg2[%dma_wait3A_771, %add3A_734, %dma_wait3A_779] : memref<4x8192x1024xf32, #tpu.memory_space<hbm>> -> memref<1x2x1024xf32, #tpu.memory_space<hbm>>
      %dma_wait3A_781 = tpu.memref_squeeze %dma_wait3A_780 : memref<1x2x1024xf32, #tpu.memory_space<hbm>> -> memref<2x1024xf32, #tpu.memory_space<hbm>>
      %dma_wait3A_782 = tpu.memref_slice %arg8[%dma_wait3A_774] : memref<4x!tpu.dma_semaphore, #tpu.memory_space<semaphore_mem>> -> memref<1x!tpu.dma_semaphore, #tpu.memory_space<semaphore_mem>>
      %dma_wait3A_783 = tpu.memref_squeeze %dma_wait3A_782 : memref<1x!tpu.dma_semaphore, #tpu.memory_space<semaphore_mem>> -> memref<!tpu.dma_semaphore, #tpu.memory_space<semaphore_mem>>
      %dma_wait3A_784 = arith.constant 0 : i32
      %dma_wait3A_785 = arith.constant 0 : i32
      %dma_wait3A_786 = tpu.memref_slice %arg5[%dma_wait3A_772, %dma_wait3A_773, %dma_wait3A_784, %dma_wait3A_785] : memref<4x4x2x1024xf32, #tpu.memory_space<vmem>> -> memref<1x1x2x1024xf32, #tpu.memory_space<vmem>>
      %dma_wait3A_787 = tpu.memref_squeeze %dma_wait3A_786 : memref<1x1x2x1024xf32, #tpu.memory_space<vmem>> -> memref<2x1024xf32, #tpu.memory_space<vmem>>
      %dma_wait3A_788 = arith.constant 0 : i32
      %dma_wait3A_789 = tpu.memref_slice %arg2[%dma_wait3A_771, %add3A_734, %dma_wait3A_788] : memref<4x8192x1024xf32, #tpu.memory_space<hbm>> -> memref<1x2x1024xf32, #tpu.memory_space<hbm>>
      %dma_wait3A_790 = tpu.memref_squeeze %dma_wait3A_789 : memref<1x2x1024xf32, #tpu.memory_space<hbm>> -> memref<2x1024xf32, #tpu.memory_space<hbm>>
      tpu.wait_dma2 semaphore(%dma_wait3A_783 : memref<!tpu.dma_semaphore, #tpu.memory_space<semaphore_mem>>) src(%dma_wait3A_790 : memref<2x1024xf32, #tpu.memory_space<hbm>>) dst(%dma_wait3A_787 : memref<2x1024xf32, #tpu.memory_space<vmem>>)
      %dma_wait3A_791 = arith.constant 2 : i32
      %dma_wait3A_792 = arith.constant 0 : i32
      %dma_wait3A_793 = arith.constant 2 : i32
      %dma_wait3A_794 = arith.constant 0 : i32
      %dma_wait3A_795 = arith.constant 0 : i32
      %dma_wait3A_796 = arith.constant 0 : i32
      %dma_wait3A_797 = tpu.memref_slice %arg5[%dma_wait3A_792, %dma_wait3A_793, %dma_wait3A_795, %dma_wait3A_796] : memref<4x4x2x1024xf32, #tpu.memory_space<vmem>> -> memref<1x1x2x1024xf32, #tpu.memory_space<vmem>>
      %dma_wait3A_798 = tpu.memref_squeeze %dma_wait3A_797 : memref<1x1x2x1024xf32, #tpu.memory_space<vmem>> -> memref<2x1024xf32, #tpu.memory_space<vmem>>
      %dma_wait3A_799 = arith.constant 0 : i32
      %dma_wait3A_800 = tpu.memref_slice %arg2[%dma_wait3A_791, %add3A_734, %dma_wait3A_799] : memref<4x8192x1024xf32, #tpu.memory_space<hbm>> -> memref<1x2x1024xf32, #tpu.memory_space<hbm>>
      %dma_wait3A_801 = tpu.memref_squeeze %dma_wait3A_800 : memref<1x2x1024xf32, #tpu.memory_space<hbm>> -> memref<2x1024xf32, #tpu.memory_space<hbm>>
      %dma_wait3A_802 = tpu.memref_slice %arg8[%dma_wait3A_794] : memref<4x!tpu.dma_semaphore, #tpu.memory_space<semaphore_mem>> -> memref<1x!tpu.dma_semaphore, #tpu.memory_space<semaphore_mem>>
      %dma_wait3A_803 = tpu.memref_squeeze %dma_wait3A_802 : memref<1x!tpu.dma_semaphore, #tpu.memory_space<semaphore_mem>> -> memref<!tpu.dma_semaphore, #tpu.memory_space<semaphore_mem>>
      %dma_wait3A_804 = arith.constant 0 : i32
      %dma_wait3A_805 = arith.constant 0 : i32
      %dma_wait3A_806 = tpu.memref_slice %arg5[%dma_wait3A_792, %dma_wait3A_793, %dma_wait3A_804, %dma_wait3A_805] : memref<4x4x2x1024xf32, #tpu.memory_space<vmem>> -> memref<1x1x2x1024xf32, #tpu.memory_space<vmem>>
      %dma_wait3A_807 = tpu.memref_squeeze %dma_wait3A_806 : memref<1x1x2x1024xf32, #tpu.memory_space<vmem>> -> memref<2x1024xf32, #tpu.memory_space<vmem>>
      %dma_wait3A_808 = arith.constant 0 : i32
      %dma_wait3A_809 = tpu.memref_slice %arg2[%dma_wait3A_791, %add3A_734, %dma_wait3A_808] : memref<4x8192x1024xf32, #tpu.memory_space<hbm>> -> memref<1x2x1024xf32, #tpu.memory_space<hbm>>
      %dma_wait3A_810 = tpu.memref_squeeze %dma_wait3A_809 : memref<1x2x1024xf32, #tpu.memory_space<hbm>> -> memref<2x1024xf32, #tpu.memory_space<hbm>>
      tpu.wait_dma2 semaphore(%dma_wait3A_803 : memref<!tpu.dma_semaphore, #tpu.memory_space<semaphore_mem>>) src(%dma_wait3A_810 : memref<2x1024xf32, #tpu.memory_space<hbm>>) dst(%dma_wait3A_807 : memref<2x1024xf32, #tpu.memory_space<vmem>>)
      %dma_wait3A_811 = arith.constant 3 : i32
      %dma_wait3A_812 = arith.constant 0 : i32
      %dma_wait3A_813 = arith.constant 3 : i32
      %dma_wait3A_814 = arith.constant 0 : i32
      %dma_wait3A_815 = arith.constant 0 : i32
      %dma_wait3A_816 = arith.constant 0 : i32
      %dma_wait3A_817 = tpu.memref_slice %arg5[%dma_wait3A_812, %dma_wait3A_813, %dma_wait3A_815, %dma_wait3A_816] : memref<4x4x2x1024xf32, #tpu.memory_space<vmem>> -> memref<1x1x2x1024xf32, #tpu.memory_space<vmem>>
      %dma_wait3A_818 = tpu.memref_squeeze %dma_wait3A_817 : memref<1x1x2x1024xf32, #tpu.memory_space<vmem>> -> memref<2x1024xf32, #tpu.memory_space<vmem>>
      %dma_wait3A_819 = arith.constant 0 : i32
      %dma_wait3A_820 = tpu.memref_slice %arg2[%dma_wait3A_811, %add3A_734, %dma_wait3A_819] : memref<4x8192x1024xf32, #tpu.memory_space<hbm>> -> memref<1x2x1024xf32, #tpu.memory_space<hbm>>
      %dma_wait3A_821 = tpu.memref_squeeze %dma_wait3A_820 : memref<1x2x1024xf32, #tpu.memory_space<hbm>> -> memref<2x1024xf32, #tpu.memory_space<hbm>>
      %dma_wait3A_822 = tpu.memref_slice %arg8[%dma_wait3A_814] : memref<4x!tpu.dma_semaphore, #tpu.memory_space<semaphore_mem>> -> memref<1x!tpu.dma_semaphore, #tpu.memory_space<semaphore_mem>>
      %dma_wait3A_823 = tpu.memref_squeeze %dma_wait3A_822 : memref<1x!tpu.dma_semaphore, #tpu.memory_space<semaphore_mem>> -> memref<!tpu.dma_semaphore, #tpu.memory_space<semaphore_mem>>
      %dma_wait3A_824 = arith.constant 0 : i32
      %dma_wait3A_825 = arith.constant 0 : i32
      %dma_wait3A_826 = tpu.memref_slice %arg5[%dma_wait3A_812, %dma_wait3A_813, %dma_wait3A_824, %dma_wait3A_825] : memref<4x4x2x1024xf32, #tpu.memory_space<vmem>> -> memref<1x1x2x1024xf32, #tpu.memory_space<vmem>>
      %dma_wait3A_827 = tpu.memref_squeeze %dma_wait3A_826 : memref<1x1x2x1024xf32, #tpu.memory_space<vmem>> -> memref<2x1024xf32, #tpu.memory_space<vmem>>
      %dma_wait3A_828 = arith.constant 0 : i32
      %dma_wait3A_829 = tpu.memref_slice %arg2[%dma_wait3A_811, %add3A_734, %dma_wait3A_828] : memref<4x8192x1024xf32, #tpu.memory_space<hbm>> -> memref<1x2x1024xf32, #tpu.memory_space<hbm>>
      %dma_wait3A_830 = tpu.memref_squeeze %dma_wait3A_829 : memref<1x2x1024xf32, #tpu.memory_space<hbm>> -> memref<2x1024xf32, #tpu.memory_space<hbm>>
      tpu.wait_dma2 semaphore(%dma_wait3A_823 : memref<!tpu.dma_semaphore, #tpu.memory_space<semaphore_mem>>) src(%dma_wait3A_830 : memref<2x1024xf32, #tpu.memory_space<hbm>>) dst(%dma_wait3A_827 : memref<2x1024xf32, #tpu.memory_space<vmem>>)
      %add3A_831 = arith.constant 0 : i32
      %add3A_832 = arith.addi %add3A_729, %add3A_831 : i32
      %ge3A = arith.constant 4 : i32
      %ge3A_833 = arith.cmpi sge, %add3A_832, %ge3A : i32
      %convert_element_type3A = arith.extui %ge3A_833 : i1 to i32
      %cond3A = arith.constant 0 : i32
      %cond3A_834 = arith.cmpi ne, %convert_element_type3A, %cond3A : i32
      scf.if %cond3A_834 {
        %sub3A = arith.constant 4 : i32
        %sub3A_1549 = arith.subi %add3A_731, %sub3A : i32
        %mul3A_1550 = arith.constant 2 : i32
        %mul3A_1551 = arith.muli %sub3A_1549, %mul3A_1550 : i32
        %add3A_1552 = arith.addi %mul3A_2, %mul3A_1551 : i32
        %dma_wait3A_1553 = arith.constant 0 : i32
        %dma_wait3A_1554 = arith.constant 0 : i32
        %dma_wait3A_1555 = arith.constant 0 : i32
        %dma_wait3A_1556 = arith.constant 0 : i32
        %dma_wait3A_1557 = arith.constant 0 : i32
        %dma_wait3A_1558 = arith.constant 0 : i32
        %dma_wait3A_1559 = tpu.memref_slice %arg7[%dma_wait3A_1553, %dma_wait3A_1554, %dma_wait3A_1557, %dma_wait3A_1558] : memref<4x4x2x1024xf32, #tpu.memory_space<vmem>> -> memref<1x1x2x1024xf32, #tpu.memory_space<vmem>>
        %dma_wait3A_1560 = tpu.memref_squeeze %dma_wait3A_1559 : memref<1x1x2x1024xf32, #tpu.memory_space<vmem>> -> memref<2x1024xf32, #tpu.memory_space<vmem>>
        %dma_wait3A_1561 = arith.constant 0 : i32
        %dma_wait3A_1562 = tpu.memref_slice %arg4[%dma_wait3A_1555, %add3A_1552, %dma_wait3A_1561] : memref<4x8192x1024xf32, #tpu.memory_space<hbm>> -> memref<1x2x1024xf32, #tpu.memory_space<hbm>>
        %dma_wait3A_1563 = tpu.memref_squeeze %dma_wait3A_1562 : memref<1x2x1024xf32, #tpu.memory_space<hbm>> -> memref<2x1024xf32, #tpu.memory_space<hbm>>
        %dma_wait3A_1564 = tpu.memref_slice %arg9[%dma_wait3A_1556] : memref<4x!tpu.dma_semaphore, #tpu.memory_space<semaphore_mem>> -> memref<1x!tpu.dma_semaphore, #tpu.memory_space<semaphore_mem>>
        %dma_wait3A_1565 = tpu.memref_squeeze %dma_wait3A_1564 : memref<1x!tpu.dma_semaphore, #tpu.memory_space<semaphore_mem>> -> memref<!tpu.dma_semaphore, #tpu.memory_space<semaphore_mem>>
        %dma_wait3A_1566 = arith.constant 0 : i32
        %dma_wait3A_1567 = tpu.memref_slice %arg4[%dma_wait3A_1555, %add3A_1552, %dma_wait3A_1566] : memref<4x8192x1024xf32, #tpu.memory_space<hbm>> -> memref<1x2x1024xf32, #tpu.memory_space<hbm>>
        %dma_wait3A_1568 = tpu.memref_squeeze %dma_wait3A_1567 : memref<1x2x1024xf32, #tpu.memory_space<hbm>> -> memref<2x1024xf32, #tpu.memory_space<hbm>>
        %dma_wait3A_1569 = arith.constant 0 : i32
        %dma_wait3A_1570 = arith.constant 0 : i32
        %dma_wait3A_1571 = tpu.memref_slice %arg7[%dma_wait3A_1553, %dma_wait3A_1554, %dma_wait3A_1569, %dma_wait3A_1570] : memref<4x4x2x1024xf32, #tpu.memory_space<vmem>> -> memref<1x1x2x1024xf32, #tpu.memory_space<vmem>>
        %dma_wait3A_1572 = tpu.memref_squeeze %dma_wait3A_1571 : memref<1x1x2x1024xf32, #tpu.memory_space<vmem>> -> memref<2x1024xf32, #tpu.memory_space<vmem>>
        tpu.wait_dma2 semaphore(%dma_wait3A_1565 : memref<!tpu.dma_semaphore, #tpu.memory_space<semaphore_mem>>) src(%dma_wait3A_1572 : memref<2x1024xf32, #tpu.memory_space<vmem>>) dst(%dma_wait3A_1568 : memref<2x1024xf32, #tpu.memory_space<hbm>>)
        %dma_wait3A_1573 = arith.constant 0 : i32
        %dma_wait3A_1574 = arith.constant 1 : i32
        %dma_wait3A_1575 = arith.constant 1 : i32
        %dma_wait3A_1576 = arith.constant 0 : i32
        %dma_wait3A_1577 = arith.constant 0 : i32
        %dma_wait3A_1578 = arith.constant 0 : i32
        %dma_wait3A_1579 = tpu.memref_slice %arg7[%dma_wait3A_1573, %dma_wait3A_1574, %dma_wait3A_1577, %dma_wait3A_1578] : memref<4x4x2x1024xf32, #tpu.memory_space<vmem>> -> memref<1x1x2x1024xf32, #tpu.memory_space<vmem>>
        %dma_wait3A_1580 = tpu.memref_squeeze %dma_wait3A_1579 : memref<1x1x2x1024xf32, #tpu.memory_space<vmem>> -> memref<2x1024xf32, #tpu.memory_space<vmem>>
        %dma_wait3A_1581 = arith.constant 0 : i32
        %dma_wait3A_1582 = tpu.memref_slice %arg4[%dma_wait3A_1575, %add3A_1552, %dma_wait3A_1581] : memref<4x8192x1024xf32, #tpu.memory_space<hbm>> -> memref<1x2x1024xf32, #tpu.memory_space<hbm>>
        %dma_wait3A_1583 = tpu.memref_squeeze %dma_wait3A_1582 : memref<1x2x1024xf32, #tpu.memory_space<hbm>> -> memref<2x1024xf32, #tpu.memory_space<hbm>>
        %dma_wait3A_1584 = tpu.memref_slice %arg9[%dma_wait3A_1576] : memref<4x!tpu.dma_semaphore, #tpu.memory_space<semaphore_mem>> -> memref<1x!tpu.dma_semaphore, #tpu.memory_space<semaphore_mem>>
        %dma_wait3A_1585 = tpu.memref_squeeze %dma_wait3A_1584 : memref<1x!tpu.dma_semaphore, #tpu.memory_space<semaphore_mem>> -> memref<!tpu.dma_semaphore, #tpu.memory_space<semaphore_mem>>
        %dma_wait3A_1586 = arith.constant 0 : i32
        %dma_wait3A_1587 = tpu.memref_slice %arg4[%dma_wait3A_1575, %add3A_1552, %dma_wait3A_1586] : memref<4x8192x1024xf32, #tpu.memory_space<hbm>> -> memref<1x2x1024xf32, #tpu.memory_space<hbm>>
        %dma_wait3A_1588 = tpu.memref_squeeze %dma_wait3A_1587 : memref<1x2x1024xf32, #tpu.memory_space<hbm>> -> memref<2x1024xf32, #tpu.memory_space<hbm>>
        %dma_wait3A_1589 = arith.constant 0 : i32
        %dma_wait3A_1590 = arith.constant 0 : i32
        %dma_wait3A_1591 = tpu.memref_slice %arg7[%dma_wait3A_1573, %dma_wait3A_1574, %dma_wait3A_1589, %dma_wait3A_1590] : memref<4x4x2x1024xf32, #tpu.memory_space<vmem>> -> memref<1x1x2x1024xf32, #tpu.memory_space<vmem>>
        %dma_wait3A_1592 = tpu.memref_squeeze %dma_wait3A_1591 : memref<1x1x2x1024xf32, #tpu.memory_space<vmem>> -> memref<2x1024xf32, #tpu.memory_space<vmem>>
        tpu.wait_dma2 semaphore(%dma_wait3A_1585 : memref<!tpu.dma_semaphore, #tpu.memory_space<semaphore_mem>>) src(%dma_wait3A_1592 : memref<2x1024xf32, #tpu.memory_space<vmem>>) dst(%dma_wait3A_1588 : memref<2x1024xf32, #tpu.memory_space<hbm>>)
        %dma_wait3A_1593 = arith.constant 0 : i32
        %dma_wait3A_1594 = arith.constant 2 : i32
        %dma_wait3A_1595 = arith.constant 2 : i32
        %dma_wait3A_1596 = arith.constant 0 : i32
        %dma_wait3A_1597 = arith.constant 0 : i32
        %dma_wait3A_1598 = arith.constant 0 : i32
        %dma_wait3A_1599 = tpu.memref_slice %arg7[%dma_wait3A_1593, %dma_wait3A_1594, %dma_wait3A_1597, %dma_wait3A_1598] : memref<4x4x2x1024xf32, #tpu.memory_space<vmem>> -> memref<1x1x2x1024xf32, #tpu.memory_space<vmem>>
        %dma_wait3A_1600 = tpu.memref_squeeze %dma_wait3A_1599 : memref<1x1x2x1024xf32, #tpu.memory_space<vmem>> -> memref<2x1024xf32, #tpu.memory_space<vmem>>
        %dma_wait3A_1601 = arith.constant 0 : i32
        %dma_wait3A_1602 = tpu.memref_slice %arg4[%dma_wait3A_1595, %add3A_1552, %dma_wait3A_1601] : memref<4x8192x1024xf32, #tpu.memory_space<hbm>> -> memref<1x2x1024xf32, #tpu.memory_space<hbm>>
        %dma_wait3A_1603 = tpu.memref_squeeze %dma_wait3A_1602 : memref<1x2x1024xf32, #tpu.memory_space<hbm>> -> memref<2x1024xf32, #tpu.memory_space<hbm>>
        %dma_wait3A_1604 = tpu.memref_slice %arg9[%dma_wait3A_1596] : memref<4x!tpu.dma_semaphore, #tpu.memory_space<semaphore_mem>> -> memref<1x!tpu.dma_semaphore, #tpu.memory_space<semaphore_mem>>
        %dma_wait3A_1605 = tpu.memref_squeeze %dma_wait3A_1604 : memref<1x!tpu.dma_semaphore, #tpu.memory_space<semaphore_mem>> -> memref<!tpu.dma_semaphore, #tpu.memory_space<semaphore_mem>>
        %dma_wait3A_1606 = arith.constant 0 : i32
        %dma_wait3A_1607 = tpu.memref_slice %arg4[%dma_wait3A_1595, %add3A_1552, %dma_wait3A_1606] : memref<4x8192x1024xf32, #tpu.memory_space<hbm>> -> memref<1x2x1024xf32, #tpu.memory_space<hbm>>
        %dma_wait3A_1608 = tpu.memref_squeeze %dma_wait3A_1607 : memref<1x2x1024xf32, #tpu.memory_space<hbm>> -> memref<2x1024xf32, #tpu.memory_space<hbm>>
        %dma_wait3A_1609 = arith.constant 0 : i32
        %dma_wait3A_1610 = arith.constant 0 : i32
        %dma_wait3A_1611 = tpu.memref_slice %arg7[%dma_wait3A_1593, %dma_wait3A_1594, %dma_wait3A_1609, %dma_wait3A_1610] : memref<4x4x2x1024xf32, #tpu.memory_space<vmem>> -> memref<1x1x2x1024xf32, #tpu.memory_space<vmem>>
        %dma_wait3A_1612 = tpu.memref_squeeze %dma_wait3A_1611 : memref<1x1x2x1024xf32, #tpu.memory_space<vmem>> -> memref<2x1024xf32, #tpu.memory_space<vmem>>
        tpu.wait_dma2 semaphore(%dma_wait3A_1605 : memref<!tpu.dma_semaphore, #tpu.memory_space<semaphore_mem>>) src(%dma_wait3A_1612 : memref<2x1024xf32, #tpu.memory_space<vmem>>) dst(%dma_wait3A_1608 : memref<2x1024xf32, #tpu.memory_space<hbm>>)
        %dma_wait3A_1613 = arith.constant 0 : i32
        %dma_wait3A_1614 = arith.constant 3 : i32
        %dma_wait3A_1615 = arith.constant 3 : i32
        %dma_wait3A_1616 = arith.constant 0 : i32
        %dma_wait3A_1617 = arith.constant 0 : i32
        %dma_wait3A_1618 = arith.constant 0 : i32
        %dma_wait3A_1619 = tpu.memref_slice %arg7[%dma_wait3A_1613, %dma_wait3A_1614, %dma_wait3A_1617, %dma_wait3A_1618] : memref<4x4x2x1024xf32, #tpu.memory_space<vmem>> -> memref<1x1x2x1024xf32, #tpu.memory_space<vmem>>
        %dma_wait3A_1620 = tpu.memref_squeeze %dma_wait3A_1619 : memref<1x1x2x1024xf32, #tpu.memory_space<vmem>> -> memref<2x1024xf32, #tpu.memory_space<vmem>>
        %dma_wait3A_1621 = arith.constant 0 : i32
        %dma_wait3A_1622 = tpu.memref_slice %arg4[%dma_wait3A_1615, %add3A_1552, %dma_wait3A_1621] : memref<4x8192x1024xf32, #tpu.memory_space<hbm>> -> memref<1x2x1024xf32, #tpu.memory_space<hbm>>
        %dma_wait3A_1623 = tpu.memref_squeeze %dma_wait3A_1622 : memref<1x2x1024xf32, #tpu.memory_space<hbm>> -> memref<2x1024xf32, #tpu.memory_space<hbm>>
        %dma_wait3A_1624 = tpu.memref_slice %arg9[%dma_wait3A_1616] : memref<4x!tpu.dma_semaphore, #tpu.memory_space<semaphore_mem>> -> memref<1x!tpu.dma_semaphore, #tpu.memory_space<semaphore_mem>>
        %dma_wait3A_1625 = tpu.memref_squeeze %dma_wait3A_1624 : memref<1x!tpu.dma_semaphore, #tpu.memory_space<semaphore_mem>> -> memref<!tpu.dma_semaphore, #tpu.memory_space<semaphore_mem>>
        %dma_wait3A_1626 = arith.constant 0 : i32
        %dma_wait3A_1627 = tpu.memref_slice %arg4[%dma_wait3A_1615, %add3A_1552, %dma_wait3A_1626] : memref<4x8192x1024xf32, #tpu.memory_space<hbm>> -> memref<1x2x1024xf32, #tpu.memory_space<hbm>>
        %dma_wait3A_1628 = tpu.memref_squeeze %dma_wait3A_1627 : memref<1x2x1024xf32, #tpu.memory_space<hbm>> -> memref<2x1024xf32, #tpu.memory_space<hbm>>
        %dma_wait3A_1629 = arith.constant 0 : i32
        %dma_wait3A_1630 = arith.constant 0 : i32
        %dma_wait3A_1631 = tpu.memref_slice %arg7[%dma_wait3A_1613, %dma_wait3A_1614, %dma_wait3A_1629, %dma_wait3A_1630] : memref<4x4x2x1024xf32, #tpu.memory_space<vmem>> -> memref<1x1x2x1024xf32, #tpu.memory_space<vmem>>
        %dma_wait3A_1632 = tpu.memref_squeeze %dma_wait3A_1631 : memref<1x1x2x1024xf32, #tpu.memory_space<vmem>> -> memref<2x1024xf32, #tpu.memory_space<vmem>>
        tpu.wait_dma2 semaphore(%dma_wait3A_1625 : memref<!tpu.dma_semaphore, #tpu.memory_space<semaphore_mem>>) src(%dma_wait3A_1632 : memref<2x1024xf32, #tpu.memory_space<vmem>>) dst(%dma_wait3A_1628 : memref<2x1024xf32, #tpu.memory_space<hbm>>)
      } else {
      }
      %parallel_loop3A = arith.constant 0 : i32
      %parallel_loop3A_835 = arith.constant 1024 : i32
      %parallel_loop3A_836 = arith.constant 16 : i32
      scf.for %parallel_loop3A_1549 = %parallel_loop3A to %parallel_loop3A_835 step %parallel_loop3A_836  : i32 {
        %parallel_loop3A_1550 = arith.constant 0 : i32
        %parallel_loop3A_1551 = arith.constant 0 : i32
        %parallel_loop3A_1552 = arith.index_cast %parallel_loop3A_1550 : i32 to index
        %parallel_loop3A_1553 = arith.index_cast %parallel_loop3A_1551 : i32 to index
        %parallel_loop3A_1554 = arith.index_cast %parallel_loop3A_1549 : i32 to index
        %parallel_loop3A_1555 = tpu.vector_load %arg6[%parallel_loop3A_1552, %parallel_loop3A_1553, %parallel_loop3A_1554] {strides = array<i32>} : memref<4x2x1024xf32, #tpu.memory_space<vmem>>, vector<1x1x16xf32>,
        %parallel_loop3A_1556 = vector.shape_cast %parallel_loop3A_1555 : vector<1x1x16xf32> to vector<16xf32>
        %parallel_loop3A_1557 = arith.constant 0 : i32
        %parallel_loop3A_1558 = arith.constant 0 : i32
        %parallel_loop3A_1559 = arith.constant 0 : i32
        %parallel_loop3A_1560 = arith.index_cast %parallel_loop3A_1557 : i32 to index
        %parallel_loop3A_1561 = arith.index_cast %parallel_loop3A_1558 : i32 to index
        %parallel_loop3A_1562 = arith.index_cast %parallel_loop3A_1559 : i32 to index
        %parallel_loop3A_1563 = arith.index_cast %parallel_loop3A_1549 : i32 to index
        %parallel_loop3A_1564 = tpu.vector_load %arg5[%parallel_loop3A_1560, %parallel_loop3A_1561, %parallel_loop3A_1562, %parallel_loop3A_1563] {strides = array<i32>} : memref<4x4x2x1024xf32, #tpu.memory_space<vmem>>, vector<1x1x1x16xf32>,
        %parallel_loop3A_1565 = vector.shape_cast %parallel_loop3A_1564 : vector<1x1x1x16xf32> to vector<16xf32>
        %parallel_loop3A_1566 = arith.addf %parallel_loop3A_1565, %parallel_loop3A_1556 : vector<16xf32>
        %parallel_loop3A_1567 = arith.constant 0 : i32
        %parallel_loop3A_1568 = arith.constant 0 : i32
        %parallel_loop3A_1569 = arith.constant 0 : i32
        %parallel_loop3A_1570 = arith.index_cast %parallel_loop3A_1567 : i32 to index
        %parallel_loop3A_1571 = arith.index_cast %parallel_loop3A_1568 : i32 to index
        %parallel_loop3A_1572 = arith.index_cast %parallel_loop3A_1569 : i32 to index
        %parallel_loop3A_1573 = arith.index_cast %parallel_loop3A_1549 : i32 to index
        %parallel_loop3A_1574 = tpu.vector_load %arg7[%parallel_loop3A_1570, %parallel_loop3A_1571, %parallel_loop3A_1572, %parallel_loop3A_1573] {strides = array<i32>} : memref<4x4x2x1024xf32, #tpu.memory_space<vmem>>, vector<1x1x1x16xf32>,
        %parallel_loop3A_1575 = vector.shape_cast %parallel_loop3A_1574 : vector<1x1x1x16xf32> to vector<16xf32>
        %parallel_loop3A_1576 = vector.shape_cast %parallel_loop3A_1566 : vector<16xf32> to vector<1x1x1x16xf32>
        tpu.vector_store %arg7[%parallel_loop3A_1570, %parallel_loop3A_1571, %parallel_loop3A_1572, %parallel_loop3A_1573], %parallel_loop3A_1576 {strides = array<i32>} : memref<4x4x2x1024xf32, #tpu.memory_space<vmem>>, vector<1x1x1x16xf32>,
        %parallel_loop3A_1577 = arith.constant 0 : i32
        %parallel_loop3A_1578 = arith.constant 1 : i32
        %parallel_loop3A_1579 = arith.constant 0 : i32
        %parallel_loop3A_1580 = arith.index_cast %parallel_loop3A_1577 : i32 to index
        %parallel_loop3A_1581 = arith.index_cast %parallel_loop3A_1578 : i32 to index
        %parallel_loop3A_1582 = arith.index_cast %parallel_loop3A_1579 : i32 to index
        %parallel_loop3A_1583 = arith.index_cast %parallel_loop3A_1549 : i32 to index
        %parallel_loop3A_1584 = tpu.vector_load %arg5[%parallel_loop3A_1580, %parallel_loop3A_1581, %parallel_loop3A_1582, %parallel_loop3A_1583] {strides = array<i32>} : memref<4x4x2x1024xf32, #tpu.memory_space<vmem>>, vector<1x1x1x16xf32>,
        %parallel_loop3A_1585 = vector.shape_cast %parallel_loop3A_1584 : vector<1x1x1x16xf32> to vector<16xf32>
        %parallel_loop3A_1586 = arith.addf %parallel_loop3A_1585, %parallel_loop3A_1556 : vector<16xf32>
        %parallel_loop3A_1587 = arith.constant 0 : i32
        %parallel_loop3A_1588 = arith.constant 1 : i32
        %parallel_loop3A_1589 = arith.constant 0 : i32
        %parallel_loop3A_1590 = arith.index_cast %parallel_loop3A_1587 : i32 to index
        %parallel_loop3A_1591 = arith.index_cast %parallel_loop3A_1588 : i32 to index
        %parallel_loop3A_1592 = arith.index_cast %parallel_loop3A_1589 : i32 to index
        %parallel_loop3A_1593 = arith.index_cast %parallel_loop3A_1549 : i32 to index
        %parallel_loop3A_1594 = tpu.vector_load %arg7[%parallel_loop3A_1590, %parallel_loop3A_1591, %parallel_loop3A_1592, %parallel_loop3A_1593] {strides = array<i32>} : memref<4x4x2x1024xf32, #tpu.memory_space<vmem>>, vector<1x1x1x16xf32>,
        %parallel_loop3A_1595 = vector.shape_cast %parallel_loop3A_1594 : vector<1x1x1x16xf32> to vector<16xf32>
        %parallel_loop3A_1596 = vector.shape_cast %parallel_loop3A_1586 : vector<16xf32> to vector<1x1x1x16xf32>
        tpu.vector_store %arg7[%parallel_loop3A_1590, %parallel_loop3A_1591, %parallel_loop3A_1592, %parallel_loop3A_1593], %parallel_loop3A_1596 {strides = array<i32>} : memref<4x4x2x1024xf32, #tpu.memory_space<vmem>>, vector<1x1x1x16xf32>,
        %parallel_loop3A_1597 = arith.constant 0 : i32
        %parallel_loop3A_1598 = arith.constant 2 : i32
        %parallel_loop3A_1599 = arith.constant 0 : i32
        %parallel_loop3A_1600 = arith.index_cast %parallel_loop3A_1597 : i32 to index
        %parallel_loop3A_1601 = arith.index_cast %parallel_loop3A_1598 : i32 to index
        %parallel_loop3A_1602 = arith.index_cast %parallel_loop3A_1599 : i32 to index
        %parallel_loop3A_1603 = arith.index_cast %parallel_loop3A_1549 : i32 to index
        %parallel_loop3A_1604 = tpu.vector_load %arg5[%parallel_loop3A_1600, %parallel_loop3A_1601, %parallel_loop3A_1602, %parallel_loop3A_1603] {strides = array<i32>} : memref<4x4x2x1024xf32, #tpu.memory_space<vmem>>, vector<1x1x1x16xf32>,
        %parallel_loop3A_1605 = vector.shape_cast %parallel_loop3A_1604 : vector<1x1x1x16xf32> to vector<16xf32>
        %parallel_loop3A_1606 = arith.addf %parallel_loop3A_1605, %parallel_loop3A_1556 : vector<16xf32>
        %parallel_loop3A_1607 = arith.constant 0 : i32
        %parallel_loop3A_1608 = arith.constant 2 : i32
        %parallel_loop3A_1609 = arith.constant 0 : i32
        %parallel_loop3A_1610 = arith.index_cast %parallel_loop3A_1607 : i32 to index
        %parallel_loop3A_1611 = arith.index_cast %parallel_loop3A_1608 : i32 to index
        %parallel_loop3A_1612 = arith.index_cast %parallel_loop3A_1609 : i32 to index
        %parallel_loop3A_1613 = arith.index_cast %parallel_loop3A_1549 : i32 to index
        %parallel_loop3A_1614 = tpu.vector_load %arg7[%parallel_loop3A_1610, %parallel_loop3A_1611, %parallel_loop3A_1612, %parallel_loop3A_1613] {strides = array<i32>} : memref<4x4x2x1024xf32, #tpu.memory_space<vmem>>, vector<1x1x1x16xf32>,
        %parallel_loop3A_1615 = vector.shape_cast %parallel_loop3A_1614 : vector<1x1x1x16xf32> to vector<16xf32>
        %parallel_loop3A_1616 = vector.shape_cast %parallel_loop3A_1606 : vector<16xf32> to vector<1x1x1x16xf32>
        tpu.vector_store %arg7[%parallel_loop3A_1610, %parallel_loop3A_1611, %parallel_loop3A_1612, %parallel_loop3A_1613], %parallel_loop3A_1616 {strides = array<i32>} : memref<4x4x2x1024xf32, #tpu.memory_space<vmem>>, vector<1x1x1x16xf32>,
        %parallel_loop3A_1617 = arith.constant 0 : i32
        %parallel_loop3A_1618 = arith.constant 3 : i32
        %parallel_loop3A_1619 = arith.constant 0 : i32
        %parallel_loop3A_1620 = arith.index_cast %parallel_loop3A_1617 : i32 to index
        %parallel_loop3A_1621 = arith.index_cast %parallel_loop3A_1618 : i32 to index
        %parallel_loop3A_1622 = arith.index_cast %parallel_loop3A_1619 : i32 to index
        %parallel_loop3A_1623 = arith.index_cast %parallel_loop3A_1549 : i32 to index
        %parallel_loop3A_1624 = tpu.vector_load %arg5[%parallel_loop3A_1620, %parallel_loop3A_1621, %parallel_loop3A_1622, %parallel_loop3A_1623] {strides = array<i32>} : memref<4x4x2x1024xf32, #tpu.memory_space<vmem>>, vector<1x1x1x16xf32>,
        %parallel_loop3A_1625 = vector.shape_cast %parallel_loop3A_1624 : vector<1x1x1x16xf32> to vector<16xf32>
        %parallel_loop3A_1626 = arith.addf %parallel_loop3A_1625, %parallel_loop3A_1556 : vector<16xf32>
        %parallel_loop3A_1627 = arith.constant 0 : i32
        %parallel_loop3A_1628 = arith.constant 3 : i32
        %parallel_loop3A_1629 = arith.constant 0 : i32
        %parallel_loop3A_1630 = arith.index_cast %parallel_loop3A_1627 : i32 to index
        %parallel_loop3A_1631 = arith.index_cast %parallel_loop3A_1628 : i32 to index
        %parallel_loop3A_1632 = arith.index_cast %parallel_loop3A_1629 : i32 to index
        %parallel_loop3A_1633 = arith.index_cast %parallel_loop3A_1549 : i32 to index
        %parallel_loop3A_1634 = tpu.vector_load %arg7[%parallel_loop3A_1630, %parallel_loop3A_1631, %parallel_loop3A_1632, %parallel_loop3A_1633] {strides = array<i32>} : memref<4x4x2x1024xf32, #tpu.memory_space<vmem>>, vector<1x1x1x16xf32>,
        %parallel_loop3A_1635 = vector.shape_cast %parallel_loop3A_1634 : vector<1x1x1x16xf32> to vector<16xf32>
        %parallel_loop3A_1636 = vector.shape_cast %parallel_loop3A_1626 : vector<16xf32> to vector<1x1x1x16xf32>
        tpu.vector_store %arg7[%parallel_loop3A_1630, %parallel_loop3A_1631, %parallel_loop3A_1632, %parallel_loop3A_1633], %parallel_loop3A_1636 {strides = array<i32>} : memref<4x4x2x1024xf32, #tpu.memory_space<vmem>>, vector<1x1x1x16xf32>,
      } {sc.loop_unroll_factor = 8 : i64, sc.parallel_access}
      %parallel_loop3A_837 = arith.constant 0 : i32
      %parallel_loop3A_838 = arith.constant 1024 : i32
      %parallel_loop3A_839 = arith.constant 16 : i32
      scf.for %parallel_loop3A_1549 = %parallel_loop3A_837 to %parallel_loop3A_838 step %parallel_loop3A_839  : i32 {
        %parallel_loop3A_1550 = arith.constant 0 : i32
        %parallel_loop3A_1551 = arith.constant 1 : i32
        %parallel_loop3A_1552 = arith.index_cast %parallel_loop3A_1550 : i32 to index
        %parallel_loop3A_1553 = arith.index_cast %parallel_loop3A_1551 : i32 to index
        %parallel_loop3A_1554 = arith.index_cast %parallel_loop3A_1549 : i32 to index
        %parallel_loop3A_1555 = tpu.vector_load %arg6[%parallel_loop3A_1552, %parallel_loop3A_1553, %parallel_loop3A_1554] {strides = array<i32>} : memref<4x2x1024xf32, #tpu.memory_space<vmem>>, vector<1x1x16xf32>,
        %parallel_loop3A_1556 = vector.shape_cast %parallel_loop3A_1555 : vector<1x1x16xf32> to vector<16xf32>
        %parallel_loop3A_1557 = arith.constant 0 : i32
        %parallel_loop3A_1558 = arith.constant 0 : i32
        %parallel_loop3A_1559 = arith.constant 1 : i32
        %parallel_loop3A_1560 = arith.index_cast %parallel_loop3A_1557 : i32 to index
        %parallel_loop3A_1561 = arith.index_cast %parallel_loop3A_1558 : i32 to index
        %parallel_loop3A_1562 = arith.index_cast %parallel_loop3A_1559 : i32 to index
        %parallel_loop3A_1563 = arith.index_cast %parallel_loop3A_1549 : i32 to index
        %parallel_loop3A_1564 = tpu.vector_load %arg5[%parallel_loop3A_1560, %parallel_loop3A_1561, %parallel_loop3A_1562, %parallel_loop3A_1563] {strides = array<i32>} : memref<4x4x2x1024xf32, #tpu.memory_space<vmem>>, vector<1x1x1x16xf32>,
        %parallel_loop3A_1565 = vector.shape_cast %parallel_loop3A_1564 : vector<1x1x1x16xf32> to vector<16xf32>
        %parallel_loop3A_1566 = arith.addf %parallel_loop3A_1565, %parallel_loop3A_1556 : vector<16xf32>
        %parallel_loop3A_1567 = arith.constant 0 : i32
        %parallel_loop3A_1568 = arith.constant 0 : i32
        %parallel_loop3A_1569 = arith.constant 1 : i32
        %parallel_loop3A_1570 = arith.index_cast %parallel_loop3A_1567 : i32 to index
        %parallel_loop3A_1571 = arith.index_cast %parallel_loop3A_1568 : i32 to index
        %parallel_loop3A_1572 = arith.index_cast %parallel_loop3A_1569 : i32 to index
        %parallel_loop3A_1573 = arith.index_cast %parallel_loop3A_1549 : i32 to index
        %parallel_loop3A_1574 = tpu.vector_load %arg7[%parallel_loop3A_1570, %parallel_loop3A_1571, %parallel_loop3A_1572, %parallel_loop3A_1573] {strides = array<i32>} : memref<4x4x2x1024xf32, #tpu.memory_space<vmem>>, vector<1x1x1x16xf32>,
        %parallel_loop3A_1575 = vector.shape_cast %parallel_loop3A_1574 : vector<1x1x1x16xf32> to vector<16xf32>
        %parallel_loop3A_1576 = vector.shape_cast %parallel_loop3A_1566 : vector<16xf32> to vector<1x1x1x16xf32>
        tpu.vector_store %arg7[%parallel_loop3A_1570, %parallel_loop3A_1571, %parallel_loop3A_1572, %parallel_loop3A_1573], %parallel_loop3A_1576 {strides = array<i32>} : memref<4x4x2x1024xf32, #tpu.memory_space<vmem>>, vector<1x1x1x16xf32>,
        %parallel_loop3A_1577 = arith.constant 0 : i32
        %parallel_loop3A_1578 = arith.constant 1 : i32
        %parallel_loop3A_1579 = arith.constant 1 : i32
        %parallel_loop3A_1580 = arith.index_cast %parallel_loop3A_1577 : i32 to index
        %parallel_loop3A_1581 = arith.index_cast %parallel_loop3A_1578 : i32 to index
        %parallel_loop3A_1582 = arith.index_cast %parallel_loop3A_1579 : i32 to index
        %parallel_loop3A_1583 = arith.index_cast %parallel_loop3A_1549 : i32 to index
        %parallel_loop3A_1584 = tpu.vector_load %arg5[%parallel_loop3A_1580, %parallel_loop3A_1581, %parallel_loop3A_1582, %parallel_loop3A_1583] {strides = array<i32>} : memref<4x4x2x1024xf32, #tpu.memory_space<vmem>>, vector<1x1x1x16xf32>,
        %parallel_loop3A_1585 = vector.shape_cast %parallel_loop3A_1584 : vector<1x1x1x16xf32> to vector<16xf32>
        %parallel_loop3A_1586 = arith.addf %parallel_loop3A_1585, %parallel_loop3A_1556 : vector<16xf32>
        %parallel_loop3A_1587 = arith.constant 0 : i32
        %parallel_loop3A_1588 = arith.constant 1 : i32
        %parallel_loop3A_1589 = arith.constant 1 : i32
        %parallel_loop3A_1590 = arith.index_cast %parallel_loop3A_1587 : i32 to index
        %parallel_loop3A_1591 = arith.index_cast %parallel_loop3A_1588 : i32 to index
        %parallel_loop3A_1592 = arith.index_cast %parallel_loop3A_1589 : i32 to index
        %parallel_loop3A_1593 = arith.index_cast %parallel_loop3A_1549 : i32 to index
        %parallel_loop3A_1594 = tpu.vector_load %arg7[%parallel_loop3A_1590, %parallel_loop3A_1591, %parallel_loop3A_1592, %parallel_loop3A_1593] {strides = array<i32>} : memref<4x4x2x1024xf32, #tpu.memory_space<vmem>>, vector<1x1x1x16xf32>,
        %parallel_loop3A_1595 = vector.shape_cast %parallel_loop3A_1594 : vector<1x1x1x16xf32> to vector<16xf32>
        %parallel_loop3A_1596 = vector.shape_cast %parallel_loop3A_1586 : vector<16xf32> to vector<1x1x1x16xf32>
        tpu.vector_store %arg7[%parallel_loop3A_1590, %parallel_loop3A_1591, %parallel_loop3A_1592, %parallel_loop3A_1593], %parallel_loop3A_1596 {strides = array<i32>} : memref<4x4x2x1024xf32, #tpu.memory_space<vmem>>, vector<1x1x1x16xf32>,
        %parallel_loop3A_1597 = arith.constant 0 : i32
        %parallel_loop3A_1598 = arith.constant 2 : i32
        %parallel_loop3A_1599 = arith.constant 1 : i32
        %parallel_loop3A_1600 = arith.index_cast %parallel_loop3A_1597 : i32 to index
        %parallel_loop3A_1601 = arith.index_cast %parallel_loop3A_1598 : i32 to index
        %parallel_loop3A_1602 = arith.index_cast %parallel_loop3A_1599 : i32 to index
        %parallel_loop3A_1603 = arith.index_cast %parallel_loop3A_1549 : i32 to index
        %parallel_loop3A_1604 = tpu.vector_load %arg5[%parallel_loop3A_1600, %parallel_loop3A_1601, %parallel_loop3A_1602, %parallel_loop3A_1603] {strides = array<i32>} : memref<4x4x2x1024xf32, #tpu.memory_space<vmem>>, vector<1x1x1x16xf32>,
        %parallel_loop3A_1605 = vector.shape_cast %parallel_loop3A_1604 : vector<1x1x1x16xf32> to vector<16xf32>
        %parallel_loop3A_1606 = arith.addf %parallel_loop3A_1605, %parallel_loop3A_1556 : vector<16xf32>
        %parallel_loop3A_1607 = arith.constant 0 : i32
        %parallel_loop3A_1608 = arith.constant 2 : i32
        %parallel_loop3A_1609 = arith.constant 1 : i32
        %parallel_loop3A_1610 = arith.index_cast %parallel_loop3A_1607 : i32 to index
        %parallel_loop3A_1611 = arith.index_cast %parallel_loop3A_1608 : i32 to index
        %parallel_loop3A_1612 = arith.index_cast %parallel_loop3A_1609 : i32 to index
        %parallel_loop3A_1613 = arith.index_cast %parallel_loop3A_1549 : i32 to index
        %parallel_loop3A_1614 = tpu.vector_load %arg7[%parallel_loop3A_1610, %parallel_loop3A_1611, %parallel_loop3A_1612, %parallel_loop3A_1613] {strides = array<i32>} : memref<4x4x2x1024xf32, #tpu.memory_space<vmem>>, vector<1x1x1x16xf32>,
        %parallel_loop3A_1615 = vector.shape_cast %parallel_loop3A_1614 : vector<1x1x1x16xf32> to vector<16xf32>
        %parallel_loop3A_1616 = vector.shape_cast %parallel_loop3A_1606 : vector<16xf32> to vector<1x1x1x16xf32>
        tpu.vector_store %arg7[%parallel_loop3A_1610, %parallel_loop3A_1611, %parallel_loop3A_1612, %parallel_loop3A_1613], %parallel_loop3A_1616 {strides = array<i32>} : memref<4x4x2x1024xf32, #tpu.memory_space<vmem>>, vector<1x1x1x16xf32>,
        %parallel_loop3A_1617 = arith.constant 0 : i32
        %parallel_loop3A_1618 = arith.constant 3 : i32
        %parallel_loop3A_1619 = arith.constant 1 : i32
        %parallel_loop3A_1620 = arith.index_cast %parallel_loop3A_1617 : i32 to index
        %parallel_loop3A_1621 = arith.index_cast %parallel_loop3A_1618 : i32 to index
        %parallel_loop3A_1622 = arith.index_cast %parallel_loop3A_1619 : i32 to index
        %parallel_loop3A_1623 = arith.index_cast %parallel_loop3A_1549 : i32 to index
        %parallel_loop3A_1624 = tpu.vector_load %arg5[%parallel_loop3A_1620, %parallel_loop3A_1621, %parallel_loop3A_1622, %parallel_loop3A_1623] {strides = array<i32>} : memref<4x4x2x1024xf32, #tpu.memory_space<vmem>>, vector<1x1x1x16xf32>,
        %parallel_loop3A_1625 = vector.shape_cast %parallel_loop3A_1624 : vector<1x1x1x16xf32> to vector<16xf32>
        %parallel_loop3A_1626 = arith.addf %parallel_loop3A_1625, %parallel_loop3A_1556 : vector<16xf32>
        %parallel_loop3A_1627 = arith.constant 0 : i32
        %parallel_loop3A_1628 = arith.constant 3 : i32
        %parallel_loop3A_1629 = arith.constant 1 : i32
        %parallel_loop3A_1630 = arith.index_cast %parallel_loop3A_1627 : i32 to index
        %parallel_loop3A_1631 = arith.index_cast %parallel_loop3A_1628 : i32 to index
        %parallel_loop3A_1632 = arith.index_cast %parallel_loop3A_1629 : i32 to index
        %parallel_loop3A_1633 = arith.index_cast %parallel_loop3A_1549 : i32 to index
        %parallel_loop3A_1634 = tpu.vector_load %arg7[%parallel_loop3A_1630, %parallel_loop3A_1631, %parallel_loop3A_1632, %parallel_loop3A_1633] {strides = array<i32>} : memref<4x4x2x1024xf32, #tpu.memory_space<vmem>>, vector<1x1x1x16xf32>,
        %parallel_loop3A_1635 = vector.shape_cast %parallel_loop3A_1634 : vector<1x1x1x16xf32> to vector<16xf32>
        %parallel_loop3A_1636 = vector.shape_cast %parallel_loop3A_1626 : vector<16xf32> to vector<1x1x1x16xf32>
        tpu.vector_store %arg7[%parallel_loop3A_1630, %parallel_loop3A_1631, %parallel_loop3A_1632, %parallel_loop3A_1633], %parallel_loop3A_1636 {strides = array<i32>} : memref<4x4x2x1024xf32, #tpu.memory_space<vmem>>, vector<1x1x1x16xf32>,
      } {sc.loop_unroll_factor = 8 : i64, sc.parallel_access}
      %mul3A_840 = arith.constant 2 : i32
      %mul3A_841 = arith.muli %add3A_731, %mul3A_840 : i32
      %add3A_842 = arith.addi %mul3A_2, %mul3A_841 : i32
      %dma_start3A_843 = arith.constant 0 : i32
      %dma_start3A_844 = arith.constant 0 : i32
      %dma_start3A_845 = arith.constant 0 : i32
      %dma_start3A_846 = arith.constant 0 : i32
      %dma_start3A_847 = arith.constant 0 : i32
      %dma_start3A_848 = arith.constant 0 : i32
      %dma_start3A_849 = tpu.memref_slice %arg7[%dma_start3A_843, %dma_start3A_844, %dma_start3A_847, %dma_start3A_848] : memref<4x4x2x1024xf32, #tpu.memory_space<vmem>> -> memref<1x1x2x1024xf32, #tpu.memory_space<vmem>>
      %dma_start3A_850 = tpu.memref_squeeze %dma_start3A_849 : memref<1x1x2x1024xf32, #tpu.memory_space<vmem>> -> memref<2x1024xf32, #tpu.memory_space<vmem>>
      %dma_start3A_851 = arith.constant 0 : i32
      %dma_start3A_852 = tpu.memref_slice %arg4[%dma_start3A_845, %add3A_842, %dma_start3A_851] : memref<4x8192x1024xf32, #tpu.memory_space<hbm>> -> memref<1x2x1024xf32, #tpu.memory_space<hbm>>
      %dma_start3A_853 = tpu.memref_squeeze %dma_start3A_852 : memref<1x2x1024xf32, #tpu.memory_space<hbm>> -> memref<2x1024xf32, #tpu.memory_space<hbm>>
      %dma_start3A_854 = tpu.memref_slice %arg9[%dma_start3A_846] : memref<4x!tpu.dma_semaphore, #tpu.memory_space<semaphore_mem>> -> memref<1x!tpu.dma_semaphore, #tpu.memory_space<semaphore_mem>>
      %dma_start3A_855 = tpu.memref_squeeze %dma_start3A_854 : memref<1x!tpu.dma_semaphore, #tpu.memory_space<semaphore_mem>> -> memref<!tpu.dma_semaphore, #tpu.memory_space<semaphore_mem>>
      %dma_start3A_856 = arith.constant 0 : i32
      %dma_start3A_857 = tpu.memref_slice %arg4[%dma_start3A_845, %add3A_842, %dma_start3A_856] : memref<4x8192x1024xf32, #tpu.memory_space<hbm>> -> memref<1x2x1024xf32, #tpu.memory_space<hbm>>
      %dma_start3A_858 = tpu.memref_squeeze %dma_start3A_857 : memref<1x2x1024xf32, #tpu.memory_space<hbm>> -> memref<2x1024xf32, #tpu.memory_space<hbm>>
      %dma_start3A_859 = arith.constant 0 : i32
      %dma_start3A_860 = arith.constant 0 : i32
      %dma_start3A_861 = tpu.memref_slice %arg7[%dma_start3A_843, %dma_start3A_844, %dma_start3A_859, %dma_start3A_860] : memref<4x4x2x1024xf32, #tpu.memory_space<vmem>> -> memref<1x1x2x1024xf32, #tpu.memory_space<vmem>>
      %dma_start3A_862 = tpu.memref_squeeze %dma_start3A_861 : memref<1x1x2x1024xf32, #tpu.memory_space<vmem>> -> memref<2x1024xf32, #tpu.memory_space<vmem>>
      tpu.enqueue_dma source(%dma_start3A_862 : memref<2x1024xf32, #tpu.memory_space<vmem>>) target(%dma_start3A_858 : memref<2x1024xf32, #tpu.memory_space<hbm>>) target_semaphore(%dma_start3A_855 : memref<!tpu.dma_semaphore, #tpu.memory_space<semaphore_mem>>)
      %dma_start3A_863 = arith.constant 0 : i32
      %dma_start3A_864 = arith.constant 1 : i32
      %dma_start3A_865 = arith.constant 1 : i32
      %dma_start3A_866 = arith.constant 0 : i32
      %dma_start3A_867 = arith.constant 0 : i32
      %dma_start3A_868 = arith.constant 0 : i32
      %dma_start3A_869 = tpu.memref_slice %arg7[%dma_start3A_863, %dma_start3A_864, %dma_start3A_867, %dma_start3A_868] : memref<4x4x2x1024xf32, #tpu.memory_space<vmem>> -> memref<1x1x2x1024xf32, #tpu.memory_space<vmem>>
      %dma_start3A_870 = tpu.memref_squeeze %dma_start3A_869 : memref<1x1x2x1024xf32, #tpu.memory_space<vmem>> -> memref<2x1024xf32, #tpu.memory_space<vmem>>
      %dma_start3A_871 = arith.constant 0 : i32
      %dma_start3A_872 = tpu.memref_slice %arg4[%dma_start3A_865, %add3A_842, %dma_start3A_871] : memref<4x8192x1024xf32, #tpu.memory_space<hbm>> -> memref<1x2x1024xf32, #tpu.memory_space<hbm>>
      %dma_start3A_873 = tpu.memref_squeeze %dma_start3A_872 : memref<1x2x1024xf32, #tpu.memory_space<hbm>> -> memref<2x1024xf32, #tpu.memory_space<hbm>>
      %dma_start3A_874 = tpu.memref_slice %arg9[%dma_start3A_866] : memref<4x!tpu.dma_semaphore, #tpu.memory_space<semaphore_mem>> -> memref<1x!tpu.dma_semaphore, #tpu.memory_space<semaphore_mem>>
      %dma_start3A_875 = tpu.memref_squeeze %dma_start3A_874 : memref<1x!tpu.dma_semaphore, #tpu.memory_space<semaphore_mem>> -> memref<!tpu.dma_semaphore, #tpu.memory_space<semaphore_mem>>
      %dma_start3A_876 = arith.constant 0 : i32
      %dma_start3A_877 = tpu.memref_slice %arg4[%dma_start3A_865, %add3A_842, %dma_start3A_876] : memref<4x8192x1024xf32, #tpu.memory_space<hbm>> -> memref<1x2x1024xf32, #tpu.memory_space<hbm>>
      %dma_start3A_878 = tpu.memref_squeeze %dma_start3A_877 : memref<1x2x1024xf32, #tpu.memory_space<hbm>> -> memref<2x1024xf32, #tpu.memory_space<hbm>>
      %dma_start3A_879 = arith.constant 0 : i32
      %dma_start3A_880 = arith.constant 0 : i32
      %dma_start3A_881 = tpu.memref_slice %arg7[%dma_start3A_863, %dma_start3A_864, %dma_start3A_879, %dma_start3A_880] : memref<4x4x2x1024xf32, #tpu.memory_space<vmem>> -> memref<1x1x2x1024xf32, #tpu.memory_space<vmem>>
      %dma_start3A_882 = tpu.memref_squeeze %dma_start3A_881 : memref<1x1x2x1024xf32, #tpu.memory_space<vmem>> -> memref<2x1024xf32, #tpu.memory_space<vmem>>
      tpu.enqueue_dma source(%dma_start3A_882 : memref<2x1024xf32, #tpu.memory_space<vmem>>) target(%dma_start3A_878 : memref<2x1024xf32, #tpu.memory_space<hbm>>) target_semaphore(%dma_start3A_875 : memref<!tpu.dma_semaphore, #tpu.memory_space<semaphore_mem>>)
      %dma_start3A_883 = arith.constant 0 : i32
      %dma_start3A_884 = arith.constant 2 : i32
      %dma_start3A_885 = arith.constant 2 : i32
      %dma_start3A_886 = arith.constant 0 : i32
      %dma_start3A_887 = arith.constant 0 : i32
      %dma_start3A_888 = arith.constant 0 : i32
      %dma_start3A_889 = tpu.memref_slice %arg7[%dma_start3A_883, %dma_start3A_884, %dma_start3A_887, %dma_start3A_888] : memref<4x4x2x1024xf32, #tpu.memory_space<vmem>> -> memref<1x1x2x1024xf32, #tpu.memory_space<vmem>>
      %dma_start3A_890 = tpu.memref_squeeze %dma_start3A_889 : memref<1x1x2x1024xf32, #tpu.memory_space<vmem>> -> memref<2x1024xf32, #tpu.memory_space<vmem>>
      %dma_start3A_891 = arith.constant 0 : i32
      %dma_start3A_892 = tpu.memref_slice %arg4[%dma_start3A_885, %add3A_842, %dma_start3A_891] : memref<4x8192x1024xf32, #tpu.memory_space<hbm>> -> memref<1x2x1024xf32, #tpu.memory_space<hbm>>
      %dma_start3A_893 = tpu.memref_squeeze %dma_start3A_892 : memref<1x2x1024xf32, #tpu.memory_space<hbm>> -> memref<2x1024xf32, #tpu.memory_space<hbm>>
      %dma_start3A_894 = tpu.memref_slice %arg9[%dma_start3A_886] : memref<4x!tpu.dma_semaphore, #tpu.memory_space<semaphore_mem>> -> memref<1x!tpu.dma_semaphore, #tpu.memory_space<semaphore_mem>>
      %dma_start3A_895 = tpu.memref_squeeze %dma_start3A_894 : memref<1x!tpu.dma_semaphore, #tpu.memory_space<semaphore_mem>> -> memref<!tpu.dma_semaphore, #tpu.memory_space<semaphore_mem>>
      %dma_start3A_896 = arith.constant 0 : i32
      %dma_start3A_897 = tpu.memref_slice %arg4[%dma_start3A_885, %add3A_842, %dma_start3A_896] : memref<4x8192x1024xf32, #tpu.memory_space<hbm>> -> memref<1x2x1024xf32, #tpu.memory_space<hbm>>
      %dma_start3A_898 = tpu.memref_squeeze %dma_start3A_897 : memref<1x2x1024xf32, #tpu.memory_space<hbm>> -> memref<2x1024xf32, #tpu.memory_space<hbm>>
      %dma_start3A_899 = arith.constant 0 : i32
      %dma_start3A_900 = arith.constant 0 : i32
      %dma_start3A_901 = tpu.memref_slice %arg7[%dma_start3A_883, %dma_start3A_884, %dma_start3A_899, %dma_start3A_900] : memref<4x4x2x1024xf32, #tpu.memory_space<vmem>> -> memref<1x1x2x1024xf32, #tpu.memory_space<vmem>>
      %dma_start3A_902 = tpu.memref_squeeze %dma_start3A_901 : memref<1x1x2x1024xf32, #tpu.memory_space<vmem>> -> memref<2x1024xf32, #tpu.memory_space<vmem>>
      tpu.enqueue_dma source(%dma_start3A_902 : memref<2x1024xf32, #tpu.memory_space<vmem>>) target(%dma_start3A_898 : memref<2x1024xf32, #tpu.memory_space<hbm>>) target_semaphore(%dma_start3A_895 : memref<!tpu.dma_semaphore, #tpu.memory_space<semaphore_mem>>)
      %dma_start3A_903 = arith.constant 0 : i32
      %dma_start3A_904 = arith.constant 3 : i32
      %dma_start3A_905 = arith.constant 3 : i32
      %dma_start3A_906 = arith.constant 0 : i32
      %dma_start3A_907 = arith.constant 0 : i32
      %dma_start3A_908 = arith.constant 0 : i32
      %dma_start3A_909 = tpu.memref_slice %arg7[%dma_start3A_903, %dma_start3A_904, %dma_start3A_907, %dma_start3A_908] : memref<4x4x2x1024xf32, #tpu.memory_space<vmem>> -> memref<1x1x2x1024xf32, #tpu.memory_space<vmem>>
      %dma_start3A_910 = tpu.memref_squeeze %dma_start3A_909 : memref<1x1x2x1024xf32, #tpu.memory_space<vmem>> -> memref<2x1024xf32, #tpu.memory_space<vmem>>
      %dma_start3A_911 = arith.constant 0 : i32
      %dma_start3A_912 = tpu.memref_slice %arg4[%dma_start3A_905, %add3A_842, %dma_start3A_911] : memref<4x8192x1024xf32, #tpu.memory_space<hbm>> -> memref<1x2x1024xf32, #tpu.memory_space<hbm>>
      %dma_start3A_913 = tpu.memref_squeeze %dma_start3A_912 : memref<1x2x1024xf32, #tpu.memory_space<hbm>> -> memref<2x1024xf32, #tpu.memory_space<hbm>>
      %dma_start3A_914 = tpu.memref_slice %arg9[%dma_start3A_906] : memref<4x!tpu.dma_semaphore, #tpu.memory_space<semaphore_mem>> -> memref<1x!tpu.dma_semaphore, #tpu.memory_space<semaphore_mem>>
      %dma_start3A_915 = tpu.memref_squeeze %dma_start3A_914 : memref<1x!tpu.dma_semaphore, #tpu.memory_space<semaphore_mem>> -> memref<!tpu.dma_semaphore, #tpu.memory_space<semaphore_mem>>
      %dma_start3A_916 = arith.constant 0 : i32
      %dma_start3A_917 = tpu.memref_slice %arg4[%dma_start3A_905, %add3A_842, %dma_start3A_916] : memref<4x8192x1024xf32, #tpu.memory_space<hbm>> -> memref<1x2x1024xf32, #tpu.memory_space<hbm>>
      %dma_start3A_918 = tpu.memref_squeeze %dma_start3A_917 : memref<1x2x1024xf32, #tpu.memory_space<hbm>> -> memref<2x1024xf32, #tpu.memory_space<hbm>>
      %dma_start3A_919 = arith.constant 0 : i32
      %dma_start3A_920 = arith.constant 0 : i32
      %dma_start3A_921 = tpu.memref_slice %arg7[%dma_start3A_903, %dma_start3A_904, %dma_start3A_919, %dma_start3A_920] : memref<4x4x2x1024xf32, #tpu.memory_space<vmem>> -> memref<1x1x2x1024xf32, #tpu.memory_space<vmem>>
      %dma_start3A_922 = tpu.memref_squeeze %dma_start3A_921 : memref<1x1x2x1024xf32, #tpu.memory_space<vmem>> -> memref<2x1024xf32, #tpu.memory_space<vmem>>
      tpu.enqueue_dma source(%dma_start3A_922 : memref<2x1024xf32, #tpu.memory_space<vmem>>) target(%dma_start3A_918 : memref<2x1024xf32, #tpu.memory_space<hbm>>) target_semaphore(%dma_start3A_915 : memref<!tpu.dma_semaphore, #tpu.memory_space<semaphore_mem>>)
      %add3A_923 = arith.constant 0 : i32
      %add3A_924 = arith.addi %add3A_729, %add3A_923 : i32
      %add3A_925 = arith.constant 4 : i32
      %add3A_926 = arith.addi %add3A_924, %add3A_925 : i32
      %lt3A = arith.constant 128 : i32
      %lt3A_927 = arith.cmpi slt, %add3A_926, %lt3A : i32
      %convert_element_type3A_928 = arith.extui %lt3A_927 : i1 to i32
      %cond3A_929 = arith.constant 0 : i32
      %cond3A_930 = arith.cmpi ne, %convert_element_type3A_928, %cond3A_929 : i32
      scf.if %cond3A_930 {
        %add3A_1549 = arith.constant 4 : i32
        %add3A_1550 = arith.addi %add3A_731, %add3A_1549 : i32
        %mul3A_1551 = arith.constant 2 : i32
        %mul3A_1552 = arith.muli %add3A_1550, %mul3A_1551 : i32
        %add3A_1553 = arith.addi %mul3A_2, %mul3A_1552 : i32
        %dma_start3A_1554 = arith.constant 0 : i32
        %dma_start3A_1555 = arith.constant 0 : i32
        %dma_start3A_1556 = arith.constant 0 : i32
        %dma_start3A_1557 = arith.constant 0 : i32
        %dma_start3A_1558 = tpu.memref_slice %arg6[%dma_start3A_1554, %dma_start3A_1556, %dma_start3A_1557] : memref<4x2x1024xf32, #tpu.memory_space<vmem>> -> memref<1x2x1024xf32, #tpu.memory_space<vmem>>
        %dma_start3A_1559 = tpu.memref_squeeze %dma_start3A_1558 : memref<1x2x1024xf32, #tpu.memory_space<vmem>> -> memref<2x1024xf32, #tpu.memory_space<vmem>>
        %dma_start3A_1560 = arith.constant 0 : i32
        %dma_start3A_1561 = tpu.memref_slice %arg3[%add3A_1553, %dma_start3A_1560] : memref<8192x1024xf32, #tpu.memory_space<hbm>> -> memref<2x1024xf32, #tpu.memory_space<hbm>>
        %dma_start3A_1562 = tpu.memref_slice %arg8[%dma_start3A_1555] : memref<4x!tpu.dma_semaphore, #tpu.memory_space<semaphore_mem>> -> memref<1x!tpu.dma_semaphore, #tpu.memory_space<semaphore_mem>>
        %dma_start3A_1563 = tpu.memref_squeeze %dma_start3A_1562 : memref<1x!tpu.dma_semaphore, #tpu.memory_space<semaphore_mem>> -> memref<!tpu.dma_semaphore, #tpu.memory_space<semaphore_mem>>
        %dma_start3A_1564 = arith.constant 0 : i32
        %dma_start3A_1565 = arith.constant 0 : i32
        %dma_start3A_1566 = tpu.memref_slice %arg6[%dma_start3A_1554, %dma_start3A_1564, %dma_start3A_1565] : memref<4x2x1024xf32, #tpu.memory_space<vmem>> -> memref<1x2x1024xf32, #tpu.memory_space<vmem>>
        %dma_start3A_1567 = tpu.memref_squeeze %dma_start3A_1566 : memref<1x2x1024xf32, #tpu.memory_space<vmem>> -> memref<2x1024xf32, #tpu.memory_space<vmem>>
        %dma_start3A_1568 = arith.constant 0 : i32
        %dma_start3A_1569 = tpu.memref_slice %arg3[%add3A_1553, %dma_start3A_1568] : memref<8192x1024xf32, #tpu.memory_space<hbm>> -> memref<2x1024xf32, #tpu.memory_space<hbm>>
        tpu.enqueue_dma source(%dma_start3A_1569 : memref<2x1024xf32, #tpu.memory_space<hbm>>) target(%dma_start3A_1567 : memref<2x1024xf32, #tpu.memory_space<vmem>>) target_semaphore(%dma_start3A_1563 : memref<!tpu.dma_semaphore, #tpu.memory_space<semaphore_mem>>)
        %dma_start3A_1570 = arith.constant 0 : i32
        %dma_start3A_1571 = arith.constant 0 : i32
        %dma_start3A_1572 = arith.constant 0 : i32
        %dma_start3A_1573 = arith.constant 0 : i32
        %dma_start3A_1574 = arith.constant 0 : i32
        %dma_start3A_1575 = arith.constant 0 : i32
        %dma_start3A_1576 = tpu.memref_slice %arg5[%dma_start3A_1571, %dma_start3A_1572, %dma_start3A_1574, %dma_start3A_1575] : memref<4x4x2x1024xf32, #tpu.memory_space<vmem>> -> memref<1x1x2x1024xf32, #tpu.memory_space<vmem>>
        %dma_start3A_1577 = tpu.memref_squeeze %dma_start3A_1576 : memref<1x1x2x1024xf32, #tpu.memory_space<vmem>> -> memref<2x1024xf32, #tpu.memory_space<vmem>>
        %dma_start3A_1578 = arith.constant 0 : i32
        %dma_start3A_1579 = tpu.memref_slice %arg2[%dma_start3A_1570, %add3A_1553, %dma_start3A_1578] : memref<4x8192x1024xf32, #tpu.memory_space<hbm>> -> memref<1x2x1024xf32, #tpu.memory_space<hbm>>
        %dma_start3A_1580 = tpu.memref_squeeze %dma_start3A_1579 : memref<1x2x1024xf32, #tpu.memory_space<hbm>> -> memref<2x1024xf32, #tpu.memory_space<hbm>>
        %dma_start3A_1581 = tpu.memref_slice %arg8[%dma_start3A_1573] : memref<4x!tpu.dma_semaphore, #tpu.memory_space<semaphore_mem>> -> memref<1x!tpu.dma_semaphore, #tpu.memory_space<semaphore_mem>>
        %dma_start3A_1582 = tpu.memref_squeeze %dma_start3A_1581 : memref<1x!tpu.dma_semaphore, #tpu.memory_space<semaphore_mem>> -> memref<!tpu.dma_semaphore, #tpu.memory_space<semaphore_mem>>
        %dma_start3A_1583 = arith.constant 0 : i32
        %dma_start3A_1584 = arith.constant 0 : i32
        %dma_start3A_1585 = tpu.memref_slice %arg5[%dma_start3A_1571, %dma_start3A_1572, %dma_start3A_1583, %dma_start3A_1584] : memref<4x4x2x1024xf32, #tpu.memory_space<vmem>> -> memref<1x1x2x1024xf32, #tpu.memory_space<vmem>>
        %dma_start3A_1586 = tpu.memref_squeeze %dma_start3A_1585 : memref<1x1x2x1024xf32, #tpu.memory_space<vmem>> -> memref<2x1024xf32, #tpu.memory_space<vmem>>
        %dma_start3A_1587 = arith.constant 0 : i32
        %dma_start3A_1588 = tpu.memref_slice %arg2[%dma_start3A_1570, %add3A_1553, %dma_start3A_1587] : memref<4x8192x1024xf32, #tpu.memory_space<hbm>> -> memref<1x2x1024xf32, #tpu.memory_space<hbm>>
        %dma_start3A_1589 = tpu.memref_squeeze %dma_start3A_1588 : memref<1x2x1024xf32, #tpu.memory_space<hbm>> -> memref<2x1024xf32, #tpu.memory_space<hbm>>
        tpu.enqueue_dma source(%dma_start3A_1589 : memref<2x1024xf32, #tpu.memory_space<hbm>>) target(%dma_start3A_1586 : memref<2x1024xf32, #tpu.memory_space<vmem>>) target_semaphore(%dma_start3A_1582 : memref<!tpu.dma_semaphore, #tpu.memory_space<semaphore_mem>>)
        %dma_start3A_1590 = arith.constant 1 : i32
        %dma_start3A_1591 = arith.constant 0 : i32
        %dma_start3A_1592 = arith.constant 1 : i32
        %dma_start3A_1593 = arith.constant 0 : i32
        %dma_start3A_1594 = arith.constant 0 : i32
        %dma_start3A_1595 = arith.constant 0 : i32
        %dma_start3A_1596 = tpu.memref_slice %arg5[%dma_start3A_1591, %dma_start3A_1592, %dma_start3A_1594, %dma_start3A_1595] : memref<4x4x2x1024xf32, #tpu.memory_space<vmem>> -> memref<1x1x2x1024xf32, #tpu.memory_space<vmem>>
        %dma_start3A_1597 = tpu.memref_squeeze %dma_start3A_1596 : memref<1x1x2x1024xf32, #tpu.memory_space<vmem>> -> memref<2x1024xf32, #tpu.memory_space<vmem>>
        %dma_start3A_1598 = arith.constant 0 : i32
        %dma_start3A_1599 = tpu.memref_slice %arg2[%dma_start3A_1590, %add3A_1553, %dma_start3A_1598] : memref<4x8192x1024xf32, #tpu.memory_space<hbm>> -> memref<1x2x1024xf32, #tpu.memory_space<hbm>>
        %dma_start3A_1600 = tpu.memref_squeeze %dma_start3A_1599 : memref<1x2x1024xf32, #tpu.memory_space<hbm>> -> memref<2x1024xf32, #tpu.memory_space<hbm>>
        %dma_start3A_1601 = tpu.memref_slice %arg8[%dma_start3A_1593] : memref<4x!tpu.dma_semaphore, #tpu.memory_space<semaphore_mem>> -> memref<1x!tpu.dma_semaphore, #tpu.memory_space<semaphore_mem>>
        %dma_start3A_1602 = tpu.memref_squeeze %dma_start3A_1601 : memref<1x!tpu.dma_semaphore, #tpu.memory_space<semaphore_mem>> -> memref<!tpu.dma_semaphore, #tpu.memory_space<semaphore_mem>>
        %dma_start3A_1603 = arith.constant 0 : i32
        %dma_start3A_1604 = arith.constant 0 : i32
        %dma_start3A_1605 = tpu.memref_slice %arg5[%dma_start3A_1591, %dma_start3A_1592, %dma_start3A_1603, %dma_start3A_1604] : memref<4x4x2x1024xf32, #tpu.memory_space<vmem>> -> memref<1x1x2x1024xf32, #tpu.memory_space<vmem>>
        %dma_start3A_1606 = tpu.memref_squeeze %dma_start3A_1605 : memref<1x1x2x1024xf32, #tpu.memory_space<vmem>> -> memref<2x1024xf32, #tpu.memory_space<vmem>>
        %dma_start3A_1607 = arith.constant 0 : i32
        %dma_start3A_1608 = tpu.memref_slice %arg2[%dma_start3A_1590, %add3A_1553, %dma_start3A_1607] : memref<4x8192x1024xf32, #tpu.memory_space<hbm>> -> memref<1x2x1024xf32, #tpu.memory_space<hbm>>
        %dma_start3A_1609 = tpu.memref_squeeze %dma_start3A_1608 : memref<1x2x1024xf32, #tpu.memory_space<hbm>> -> memref<2x1024xf32, #tpu.memory_space<hbm>>
        tpu.enqueue_dma source(%dma_start3A_1609 : memref<2x1024xf32, #tpu.memory_space<hbm>>) target(%dma_start3A_1606 : memref<2x1024xf32, #tpu.memory_space<vmem>>) target_semaphore(%dma_start3A_1602 : memref<!tpu.dma_semaphore, #tpu.memory_space<semaphore_mem>>)
        %dma_start3A_1610 = arith.constant 2 : i32
        %dma_start3A_1611 = arith.constant 0 : i32
        %dma_start3A_1612 = arith.constant 2 : i32
        %dma_start3A_1613 = arith.constant 0 : i32
        %dma_start3A_1614 = arith.constant 0 : i32
        %dma_start3A_1615 = arith.constant 0 : i32
        %dma_start3A_1616 = tpu.memref_slice %arg5[%dma_start3A_1611, %dma_start3A_1612, %dma_start3A_1614, %dma_start3A_1615] : memref<4x4x2x1024xf32, #tpu.memory_space<vmem>> -> memref<1x1x2x1024xf32, #tpu.memory_space<vmem>>
        %dma_start3A_1617 = tpu.memref_squeeze %dma_start3A_1616 : memref<1x1x2x1024xf32, #tpu.memory_space<vmem>> -> memref<2x1024xf32, #tpu.memory_space<vmem>>
        %dma_start3A_1618 = arith.constant 0 : i32
        %dma_start3A_1619 = tpu.memref_slice %arg2[%dma_start3A_1610, %add3A_1553, %dma_start3A_1618] : memref<4x8192x1024xf32, #tpu.memory_space<hbm>> -> memref<1x2x1024xf32, #tpu.memory_space<hbm>>
        %dma_start3A_1620 = tpu.memref_squeeze %dma_start3A_1619 : memref<1x2x1024xf32, #tpu.memory_space<hbm>> -> memref<2x1024xf32, #tpu.memory_space<hbm>>
        %dma_start3A_1621 = tpu.memref_slice %arg8[%dma_start3A_1613] : memref<4x!tpu.dma_semaphore, #tpu.memory_space<semaphore_mem>> -> memref<1x!tpu.dma_semaphore, #tpu.memory_space<semaphore_mem>>
        %dma_start3A_1622 = tpu.memref_squeeze %dma_start3A_1621 : memref<1x!tpu.dma_semaphore, #tpu.memory_space<semaphore_mem>> -> memref<!tpu.dma_semaphore, #tpu.memory_space<semaphore_mem>>
        %dma_start3A_1623 = arith.constant 0 : i32
        %dma_start3A_1624 = arith.constant 0 : i32
        %dma_start3A_1625 = tpu.memref_slice %arg5[%dma_start3A_1611, %dma_start3A_1612, %dma_start3A_1623, %dma_start3A_1624] : memref<4x4x2x1024xf32, #tpu.memory_space<vmem>> -> memref<1x1x2x1024xf32, #tpu.memory_space<vmem>>
        %dma_start3A_1626 = tpu.memref_squeeze %dma_start3A_1625 : memref<1x1x2x1024xf32, #tpu.memory_space<vmem>> -> memref<2x1024xf32, #tpu.memory_space<vmem>>
        %dma_start3A_1627 = arith.constant 0 : i32
        %dma_start3A_1628 = tpu.memref_slice %arg2[%dma_start3A_1610, %add3A_1553, %dma_start3A_1627] : memref<4x8192x1024xf32, #tpu.memory_space<hbm>> -> memref<1x2x1024xf32, #tpu.memory_space<hbm>>
        %dma_start3A_1629 = tpu.memref_squeeze %dma_start3A_1628 : memref<1x2x1024xf32, #tpu.memory_space<hbm>> -> memref<2x1024xf32, #tpu.memory_space<hbm>>
        tpu.enqueue_dma source(%dma_start3A_1629 : memref<2x1024xf32, #tpu.memory_space<hbm>>) target(%dma_start3A_1626 : memref<2x1024xf32, #tpu.memory_space<vmem>>) target_semaphore(%dma_start3A_1622 : memref<!tpu.dma_semaphore, #tpu.memory_space<semaphore_mem>>)
        %dma_start3A_1630 = arith.constant 3 : i32
        %dma_start3A_1631 = arith.constant 0 : i32
        %dma_start3A_1632 = arith.constant 3 : i32
        %dma_start3A_1633 = arith.constant 0 : i32
        %dma_start3A_1634 = arith.constant 0 : i32
        %dma_start3A_1635 = arith.constant 0 : i32
        %dma_start3A_1636 = tpu.memref_slice %arg5[%dma_start3A_1631, %dma_start3A_1632, %dma_start3A_1634, %dma_start3A_1635] : memref<4x4x2x1024xf32, #tpu.memory_space<vmem>> -> memref<1x1x2x1024xf32, #tpu.memory_space<vmem>>
        %dma_start3A_1637 = tpu.memref_squeeze %dma_start3A_1636 : memref<1x1x2x1024xf32, #tpu.memory_space<vmem>> -> memref<2x1024xf32, #tpu.memory_space<vmem>>
        %dma_start3A_1638 = arith.constant 0 : i32
        %dma_start3A_1639 = tpu.memref_slice %arg2[%dma_start3A_1630, %add3A_1553, %dma_start3A_1638] : memref<4x8192x1024xf32, #tpu.memory_space<hbm>> -> memref<1x2x1024xf32, #tpu.memory_space<hbm>>
        %dma_start3A_1640 = tpu.memref_squeeze %dma_start3A_1639 : memref<1x2x1024xf32, #tpu.memory_space<hbm>> -> memref<2x1024xf32, #tpu.memory_space<hbm>>
        %dma_start3A_1641 = tpu.memref_slice %arg8[%dma_start3A_1633] : memref<4x!tpu.dma_semaphore, #tpu.memory_space<semaphore_mem>> -> memref<1x!tpu.dma_semaphore, #tpu.memory_space<semaphore_mem>>
        %dma_start3A_1642 = tpu.memref_squeeze %dma_start3A_1641 : memref<1x!tpu.dma_semaphore, #tpu.memory_space<semaphore_mem>> -> memref<!tpu.dma_semaphore, #tpu.memory_space<semaphore_mem>>
        %dma_start3A_1643 = arith.constant 0 : i32
        %dma_start3A_1644 = arith.constant 0 : i32
        %dma_start3A_1645 = tpu.memref_slice %arg5[%dma_start3A_1631, %dma_start3A_1632, %dma_start3A_1643, %dma_start3A_1644] : memref<4x4x2x1024xf32, #tpu.memory_space<vmem>> -> memref<1x1x2x1024xf32, #tpu.memory_space<vmem>>
        %dma_start3A_1646 = tpu.memref_squeeze %dma_start3A_1645 : memref<1x1x2x1024xf32, #tpu.memory_space<vmem>> -> memref<2x1024xf32, #tpu.memory_space<vmem>>
        %dma_start3A_1647 = arith.constant 0 : i32
        %dma_start3A_1648 = tpu.memref_slice %arg2[%dma_start3A_1630, %add3A_1553, %dma_start3A_1647] : memref<4x8192x1024xf32, #tpu.memory_space<hbm>> -> memref<1x2x1024xf32, #tpu.memory_space<hbm>>
        %dma_start3A_1649 = tpu.memref_squeeze %dma_start3A_1648 : memref<1x2x1024xf32, #tpu.memory_space<hbm>> -> memref<2x1024xf32, #tpu.memory_space<hbm>>
        tpu.enqueue_dma source(%dma_start3A_1649 : memref<2x1024xf32, #tpu.memory_space<hbm>>) target(%dma_start3A_1646 : memref<2x1024xf32, #tpu.memory_space<vmem>>) target_semaphore(%dma_start3A_1642 : memref<!tpu.dma_semaphore, #tpu.memory_space<semaphore_mem>>)
      } else {
      }
      %add3A_931 = arith.constant 1 : i32
      %add3A_932 = arith.addi %add3A_729, %add3A_931 : i32
      %mul3A_933 = arith.constant 2 : i32
      %mul3A_934 = arith.muli %add3A_932, %mul3A_933 : i32
      %add3A_935 = arith.addi %mul3A_2, %mul3A_934 : i32
      %dma_wait3A_936 = arith.constant 1 : i32
      %dma_wait3A_937 = arith.constant 1 : i32
      %dma_wait3A_938 = arith.constant 0 : i32
      %dma_wait3A_939 = arith.constant 0 : i32
      %dma_wait3A_940 = tpu.memref_slice %arg6[%dma_wait3A_936, %dma_wait3A_938, %dma_wait3A_939] : memref<4x2x1024xf32, #tpu.memory_space<vmem>> -> memref<1x2x1024xf32, #tpu.memory_space<vmem>>
      %dma_wait3A_941 = tpu.memref_squeeze %dma_wait3A_940 : memref<1x2x1024xf32, #tpu.memory_space<vmem>> -> memref<2x1024xf32, #tpu.memory_space<vmem>>
      %dma_wait3A_942 = arith.constant 0 : i32
      %dma_wait3A_943 = tpu.memref_slice %arg3[%add3A_935, %dma_wait3A_942] : memref<8192x1024xf32, #tpu.memory_space<hbm>> -> memref<2x1024xf32, #tpu.memory_space<hbm>>
      %dma_wait3A_944 = tpu.memref_slice %arg8[%dma_wait3A_937] : memref<4x!tpu.dma_semaphore, #tpu.memory_space<semaphore_mem>> -> memref<1x!tpu.dma_semaphore, #tpu.memory_space<semaphore_mem>>
      %dma_wait3A_945 = tpu.memref_squeeze %dma_wait3A_944 : memref<1x!tpu.dma_semaphore, #tpu.memory_space<semaphore_mem>> -> memref<!tpu.dma_semaphore, #tpu.memory_space<semaphore_mem>>
      %dma_wait3A_946 = arith.constant 0 : i32
      %dma_wait3A_947 = arith.constant 0 : i32
      %dma_wait3A_948 = tpu.memref_slice %arg6[%dma_wait3A_936, %dma_wait3A_946, %dma_wait3A_947] : memref<4x2x1024xf32, #tpu.memory_space<vmem>> -> memref<1x2x1024xf32, #tpu.memory_space<vmem>>
      %dma_wait3A_949 = tpu.memref_squeeze %dma_wait3A_948 : memref<1x2x1024xf32, #tpu.memory_space<vmem>> -> memref<2x1024xf32, #tpu.memory_space<vmem>>
      %dma_wait3A_950 = arith.constant 0 : i32
      %dma_wait3A_951 = tpu.memref_slice %arg3[%add3A_935, %dma_wait3A_950] : memref<8192x1024xf32, #tpu.memory_space<hbm>> -> memref<2x1024xf32, #tpu.memory_space<hbm>>
      tpu.wait_dma2 semaphore(%dma_wait3A_945 : memref<!tpu.dma_semaphore, #tpu.memory_space<semaphore_mem>>) src(%dma_wait3A_951 : memref<2x1024xf32, #tpu.memory_space<hbm>>) dst(%dma_wait3A_949 : memref<2x1024xf32, #tpu.memory_space<vmem>>)
      %dma_wait3A_952 = arith.constant 0 : i32
      %dma_wait3A_953 = arith.constant 1 : i32
      %dma_wait3A_954 = arith.constant 0 : i32
      %dma_wait3A_955 = arith.constant 1 : i32
      %dma_wait3A_956 = arith.constant 0 : i32
      %dma_wait3A_957 = arith.constant 0 : i32
      %dma_wait3A_958 = tpu.memref_slice %arg5[%dma_wait3A_953, %dma_wait3A_954, %dma_wait3A_956, %dma_wait3A_957] : memref<4x4x2x1024xf32, #tpu.memory_space<vmem>> -> memref<1x1x2x1024xf32, #tpu.memory_space<vmem>>
      %dma_wait3A_959 = tpu.memref_squeeze %dma_wait3A_958 : memref<1x1x2x1024xf32, #tpu.memory_space<vmem>> -> memref<2x1024xf32, #tpu.memory_space<vmem>>
      %dma_wait3A_960 = arith.constant 0 : i32
      %dma_wait3A_961 = tpu.memref_slice %arg2[%dma_wait3A_952, %add3A_935, %dma_wait3A_960] : memref<4x8192x1024xf32, #tpu.memory_space<hbm>> -> memref<1x2x1024xf32, #tpu.memory_space<hbm>>
      %dma_wait3A_962 = tpu.memref_squeeze %dma_wait3A_961 : memref<1x2x1024xf32, #tpu.memory_space<hbm>> -> memref<2x1024xf32, #tpu.memory_space<hbm>>
      %dma_wait3A_963 = tpu.memref_slice %arg8[%dma_wait3A_955] : memref<4x!tpu.dma_semaphore, #tpu.memory_space<semaphore_mem>> -> memref<1x!tpu.dma_semaphore, #tpu.memory_space<semaphore_mem>>
      %dma_wait3A_964 = tpu.memref_squeeze %dma_wait3A_963 : memref<1x!tpu.dma_semaphore, #tpu.memory_space<semaphore_mem>> -> memref<!tpu.dma_semaphore, #tpu.memory_space<semaphore_mem>>
      %dma_wait3A_965 = arith.constant 0 : i32
      %dma_wait3A_966 = arith.constant 0 : i32
      %dma_wait3A_967 = tpu.memref_slice %arg5[%dma_wait3A_953, %dma_wait3A_954, %dma_wait3A_965, %dma_wait3A_966] : memref<4x4x2x1024xf32, #tpu.memory_space<vmem>> -> memref<1x1x2x1024xf32, #tpu.memory_space<vmem>>
      %dma_wait3A_968 = tpu.memref_squeeze %dma_wait3A_967 : memref<1x1x2x1024xf32, #tpu.memory_space<vmem>> -> memref<2x1024xf32, #tpu.memory_space<vmem>>
      %dma_wait3A_969 = arith.constant 0 : i32
      %dma_wait3A_970 = tpu.memref_slice %arg2[%dma_wait3A_952, %add3A_935, %dma_wait3A_969] : memref<4x8192x1024xf32, #tpu.memory_space<hbm>> -> memref<1x2x1024xf32, #tpu.memory_space<hbm>>
      %dma_wait3A_971 = tpu.memref_squeeze %dma_wait3A_970 : memref<1x2x1024xf32, #tpu.memory_space<hbm>> -> memref<2x1024xf32, #tpu.memory_space<hbm>>
      tpu.wait_dma2 semaphore(%dma_wait3A_964 : memref<!tpu.dma_semaphore, #tpu.memory_space<semaphore_mem>>) src(%dma_wait3A_971 : memref<2x1024xf32, #tpu.memory_space<hbm>>) dst(%dma_wait3A_968 : memref<2x1024xf32, #tpu.memory_space<vmem>>)
      %dma_wait3A_972 = arith.constant 1 : i32
      %dma_wait3A_973 = arith.constant 1 : i32
      %dma_wait3A_974 = arith.constant 1 : i32
      %dma_wait3A_975 = arith.constant 1 : i32
      %dma_wait3A_976 = arith.constant 0 : i32
      %dma_wait3A_977 = arith.constant 0 : i32
      %dma_wait3A_978 = tpu.memref_slice %arg5[%dma_wait3A_973, %dma_wait3A_974, %dma_wait3A_976, %dma_wait3A_977] : memref<4x4x2x1024xf32, #tpu.memory_space<vmem>> -> memref<1x1x2x1024xf32, #tpu.memory_space<vmem>>
      %dma_wait3A_979 = tpu.memref_squeeze %dma_wait3A_978 : memref<1x1x2x1024xf32, #tpu.memory_space<vmem>> -> memref<2x1024xf32, #tpu.memory_space<vmem>>
      %dma_wait3A_980 = arith.constant 0 : i32
      %dma_wait3A_981 = tpu.memref_slice %arg2[%dma_wait3A_972, %add3A_935, %dma_wait3A_980] : memref<4x8192x1024xf32, #tpu.memory_space<hbm>> -> memref<1x2x1024xf32, #tpu.memory_space<hbm>>
      %dma_wait3A_982 = tpu.memref_squeeze %dma_wait3A_981 : memref<1x2x1024xf32, #tpu.memory_space<hbm>> -> memref<2x1024xf32, #tpu.memory_space<hbm>>
      %dma_wait3A_983 = tpu.memref_slice %arg8[%dma_wait3A_975] : memref<4x!tpu.dma_semaphore, #tpu.memory_space<semaphore_mem>> -> memref<1x!tpu.dma_semaphore, #tpu.memory_space<semaphore_mem>>
      %dma_wait3A_984 = tpu.memref_squeeze %dma_wait3A_983 : memref<1x!tpu.dma_semaphore, #tpu.memory_space<semaphore_mem>> -> memref<!tpu.dma_semaphore, #tpu.memory_space<semaphore_mem>>
      %dma_wait3A_985 = arith.constant 0 : i32
      %dma_wait3A_986 = arith.constant 0 : i32
      %dma_wait3A_987 = tpu.memref_slice %arg5[%dma_wait3A_973, %dma_wait3A_974, %dma_wait3A_985, %dma_wait3A_986] : memref<4x4x2x1024xf32, #tpu.memory_space<vmem>> -> memref<1x1x2x1024xf32, #tpu.memory_space<vmem>>
      %dma_wait3A_988 = tpu.memref_squeeze %dma_wait3A_987 : memref<1x1x2x1024xf32, #tpu.memory_space<vmem>> -> memref<2x1024xf32, #tpu.memory_space<vmem>>
      %dma_wait3A_989 = arith.constant 0 : i32
      %dma_wait3A_990 = tpu.memref_slice %arg2[%dma_wait3A_972, %add3A_935, %dma_wait3A_989] : memref<4x8192x1024xf32, #tpu.memory_space<hbm>> -> memref<1x2x1024xf32, #tpu.memory_space<hbm>>
      %dma_wait3A_991 = tpu.memref_squeeze %dma_wait3A_990 : memref<1x2x1024xf32, #tpu.memory_space<hbm>> -> memref<2x1024xf32, #tpu.memory_space<hbm>>
      tpu.wait_dma2 semaphore(%dma_wait3A_984 : memref<!tpu.dma_semaphore, #tpu.memory_space<semaphore_mem>>) src(%dma_wait3A_991 : memref<2x1024xf32, #tpu.memory_space<hbm>>) dst(%dma_wait3A_988 : memref<2x1024xf32, #tpu.memory_space<vmem>>)
      %dma_wait3A_992 = arith.constant 2 : i32
      %dma_wait3A_993 = arith.constant 1 : i32
      %dma_wait3A_994 = arith.constant 2 : i32
      %dma_wait3A_995 = arith.constant 1 : i32
      %dma_wait3A_996 = arith.constant 0 : i32
      %dma_wait3A_997 = arith.constant 0 : i32
      %dma_wait3A_998 = tpu.memref_slice %arg5[%dma_wait3A_993, %dma_wait3A_994, %dma_wait3A_996, %dma_wait3A_997] : memref<4x4x2x1024xf32, #tpu.memory_space<vmem>> -> memref<1x1x2x1024xf32, #tpu.memory_space<vmem>>
      %dma_wait3A_999 = tpu.memref_squeeze %dma_wait3A_998 : memref<1x1x2x1024xf32, #tpu.memory_space<vmem>> -> memref<2x1024xf32, #tpu.memory_space<vmem>>
      %dma_wait3A_1000 = arith.constant 0 : i32
      %dma_wait3A_1001 = tpu.memref_slice %arg2[%dma_wait3A_992, %add3A_935, %dma_wait3A_1000] : memref<4x8192x1024xf32, #tpu.memory_space<hbm>> -> memref<1x2x1024xf32, #tpu.memory_space<hbm>>
      %dma_wait3A_1002 = tpu.memref_squeeze %dma_wait3A_1001 : memref<1x2x1024xf32, #tpu.memory_space<hbm>> -> memref<2x1024xf32, #tpu.memory_space<hbm>>
      %dma_wait3A_1003 = tpu.memref_slice %arg8[%dma_wait3A_995] : memref<4x!tpu.dma_semaphore, #tpu.memory_space<semaphore_mem>> -> memref<1x!tpu.dma_semaphore, #tpu.memory_space<semaphore_mem>>
      %dma_wait3A_1004 = tpu.memref_squeeze %dma_wait3A_1003 : memref<1x!tpu.dma_semaphore, #tpu.memory_space<semaphore_mem>> -> memref<!tpu.dma_semaphore, #tpu.memory_space<semaphore_mem>>
      %dma_wait3A_1005 = arith.constant 0 : i32
      %dma_wait3A_1006 = arith.constant 0 : i32
      %dma_wait3A_1007 = tpu.memref_slice %arg5[%dma_wait3A_993, %dma_wait3A_994, %dma_wait3A_1005, %dma_wait3A_1006] : memref<4x4x2x1024xf32, #tpu.memory_space<vmem>> -> memref<1x1x2x1024xf32, #tpu.memory_space<vmem>>
      %dma_wait3A_1008 = tpu.memref_squeeze %dma_wait3A_1007 : memref<1x1x2x1024xf32, #tpu.memory_space<vmem>> -> memref<2x1024xf32, #tpu.memory_space<vmem>>
      %dma_wait3A_1009 = arith.constant 0 : i32
      %dma_wait3A_1010 = tpu.memref_slice %arg2[%dma_wait3A_992, %add3A_935, %dma_wait3A_1009] : memref<4x8192x1024xf32, #tpu.memory_space<hbm>> -> memref<1x2x1024xf32, #tpu.memory_space<hbm>>
      %dma_wait3A_1011 = tpu.memref_squeeze %dma_wait3A_1010 : memref<1x2x1024xf32, #tpu.memory_space<hbm>> -> memref<2x1024xf32, #tpu.memory_space<hbm>>
      tpu.wait_dma2 semaphore(%dma_wait3A_1004 : memref<!tpu.dma_semaphore, #tpu.memory_space<semaphore_mem>>) src(%dma_wait3A_1011 : memref<2x1024xf32, #tpu.memory_space<hbm>>) dst(%dma_wait3A_1008 : memref<2x1024xf32, #tpu.memory_space<vmem>>)
      %dma_wait3A_1012 = arith.constant 3 : i32
      %dma_wait3A_1013 = arith.constant 1 : i32
      %dma_wait3A_1014 = arith.constant 3 : i32
      %dma_wait3A_1015 = arith.constant 1 : i32
      %dma_wait3A_1016 = arith.constant 0 : i32
      %dma_wait3A_1017 = arith.constant 0 : i32
      %dma_wait3A_1018 = tpu.memref_slice %arg5[%dma_wait3A_1013, %dma_wait3A_1014, %dma_wait3A_1016, %dma_wait3A_1017] : memref<4x4x2x1024xf32, #tpu.memory_space<vmem>> -> memref<1x1x2x1024xf32, #tpu.memory_space<vmem>>
      %dma_wait3A_1019 = tpu.memref_squeeze %dma_wait3A_1018 : memref<1x1x2x1024xf32, #tpu.memory_space<vmem>> -> memref<2x1024xf32, #tpu.memory_space<vmem>>
      %dma_wait3A_1020 = arith.constant 0 : i32
      %dma_wait3A_1021 = tpu.memref_slice %arg2[%dma_wait3A_1012, %add3A_935, %dma_wait3A_1020] : memref<4x8192x1024xf32, #tpu.memory_space<hbm>> -> memref<1x2x1024xf32, #tpu.memory_space<hbm>>
      %dma_wait3A_1022 = tpu.memref_squeeze %dma_wait3A_1021 : memref<1x2x1024xf32, #tpu.memory_space<hbm>> -> memref<2x1024xf32, #tpu.memory_space<hbm>>
      %dma_wait3A_1023 = tpu.memref_slice %arg8[%dma_wait3A_1015] : memref<4x!tpu.dma_semaphore, #tpu.memory_space<semaphore_mem>> -> memref<1x!tpu.dma_semaphore, #tpu.memory_space<semaphore_mem>>
      %dma_wait3A_1024 = tpu.memref_squeeze %dma_wait3A_1023 : memref<1x!tpu.dma_semaphore, #tpu.memory_space<semaphore_mem>> -> memref<!tpu.dma_semaphore, #tpu.memory_space<semaphore_mem>>
      %dma_wait3A_1025 = arith.constant 0 : i32
      %dma_wait3A_1026 = arith.constant 0 : i32
      %dma_wait3A_1027 = tpu.memref_slice %arg5[%dma_wait3A_1013, %dma_wait3A_1014, %dma_wait3A_1025, %dma_wait3A_1026] : memref<4x4x2x1024xf32, #tpu.memory_space<vmem>> -> memref<1x1x2x1024xf32, #tpu.memory_space<vmem>>
      %dma_wait3A_1028 = tpu.memref_squeeze %dma_wait3A_1027 : memref<1x1x2x1024xf32, #tpu.memory_space<vmem>> -> memref<2x1024xf32, #tpu.memory_space<vmem>>
      %dma_wait3A_1029 = arith.constant 0 : i32
      %dma_wait3A_1030 = tpu.memref_slice %arg2[%dma_wait3A_1012, %add3A_935, %dma_wait3A_1029] : memref<4x8192x1024xf32, #tpu.memory_space<hbm>> -> memref<1x2x1024xf32, #tpu.memory_space<hbm>>
      %dma_wait3A_1031 = tpu.memref_squeeze %dma_wait3A_1030 : memref<1x2x1024xf32, #tpu.memory_space<hbm>> -> memref<2x1024xf32, #tpu.memory_space<hbm>>
      tpu.wait_dma2 semaphore(%dma_wait3A_1024 : memref<!tpu.dma_semaphore, #tpu.memory_space<semaphore_mem>>) src(%dma_wait3A_1031 : memref<2x1024xf32, #tpu.memory_space<hbm>>) dst(%dma_wait3A_1028 : memref<2x1024xf32, #tpu.memory_space<vmem>>)
      %add3A_1032 = arith.constant 1 : i32
      %add3A_1033 = arith.addi %add3A_729, %add3A_1032 : i32
      %ge3A_1034 = arith.constant 4 : i32
      %ge3A_1035 = arith.cmpi sge, %add3A_1033, %ge3A_1034 : i32
      %convert_element_type3A_1036 = arith.extui %ge3A_1035 : i1 to i32
      %cond3A_1037 = arith.constant 0 : i32
      %cond3A_1038 = arith.cmpi ne, %convert_element_type3A_1036, %cond3A_1037 : i32
      scf.if %cond3A_1038 {
        %sub3A = arith.constant 4 : i32
        %sub3A_1549 = arith.subi %add3A_932, %sub3A : i32
        %mul3A_1550 = arith.constant 2 : i32
        %mul3A_1551 = arith.muli %sub3A_1549, %mul3A_1550 : i32
        %add3A_1552 = arith.addi %mul3A_2, %mul3A_1551 : i32
        %dma_wait3A_1553 = arith.constant 1 : i32
        %dma_wait3A_1554 = arith.constant 0 : i32
        %dma_wait3A_1555 = arith.constant 0 : i32
        %dma_wait3A_1556 = arith.constant 1 : i32
        %dma_wait3A_1557 = arith.constant 0 : i32
        %dma_wait3A_1558 = arith.constant 0 : i32
        %dma_wait3A_1559 = tpu.memref_slice %arg7[%dma_wait3A_1553, %dma_wait3A_1554, %dma_wait3A_1557, %dma_wait3A_1558] : memref<4x4x2x1024xf32, #tpu.memory_space<vmem>> -> memref<1x1x2x1024xf32, #tpu.memory_space<vmem>>
        %dma_wait3A_1560 = tpu.memref_squeeze %dma_wait3A_1559 : memref<1x1x2x1024xf32, #tpu.memory_space<vmem>> -> memref<2x1024xf32, #tpu.memory_space<vmem>>
        %dma_wait3A_1561 = arith.constant 0 : i32
        %dma_wait3A_1562 = tpu.memref_slice %arg4[%dma_wait3A_1555, %add3A_1552, %dma_wait3A_1561] : memref<4x8192x1024xf32, #tpu.memory_space<hbm>> -> memref<1x2x1024xf32, #tpu.memory_space<hbm>>
        %dma_wait3A_1563 = tpu.memref_squeeze %dma_wait3A_1562 : memref<1x2x1024xf32, #tpu.memory_space<hbm>> -> memref<2x1024xf32, #tpu.memory_space<hbm>>
        %dma_wait3A_1564 = tpu.memref_slice %arg9[%dma_wait3A_1556] : memref<4x!tpu.dma_semaphore, #tpu.memory_space<semaphore_mem>> -> memref<1x!tpu.dma_semaphore, #tpu.memory_space<semaphore_mem>>
        %dma_wait3A_1565 = tpu.memref_squeeze %dma_wait3A_1564 : memref<1x!tpu.dma_semaphore, #tpu.memory_space<semaphore_mem>> -> memref<!tpu.dma_semaphore, #tpu.memory_space<semaphore_mem>>
        %dma_wait3A_1566 = arith.constant 0 : i32
        %dma_wait3A_1567 = tpu.memref_slice %arg4[%dma_wait3A_1555, %add3A_1552, %dma_wait3A_1566] : memref<4x8192x1024xf32, #tpu.memory_space<hbm>> -> memref<1x2x1024xf32, #tpu.memory_space<hbm>>
        %dma_wait3A_1568 = tpu.memref_squeeze %dma_wait3A_1567 : memref<1x2x1024xf32, #tpu.memory_space<hbm>> -> memref<2x1024xf32, #tpu.memory_space<hbm>>
        %dma_wait3A_1569 = arith.constant 0 : i32
        %dma_wait3A_1570 = arith.constant 0 : i32
        %dma_wait3A_1571 = tpu.memref_slice %arg7[%dma_wait3A_1553, %dma_wait3A_1554, %dma_wait3A_1569, %dma_wait3A_1570] : memref<4x4x2x1024xf32, #tpu.memory_space<vmem>> -> memref<1x1x2x1024xf32, #tpu.memory_space<vmem>>
        %dma_wait3A_1572 = tpu.memref_squeeze %dma_wait3A_1571 : memref<1x1x2x1024xf32, #tpu.memory_space<vmem>> -> memref<2x1024xf32, #tpu.memory_space<vmem>>
        tpu.wait_dma2 semaphore(%dma_wait3A_1565 : memref<!tpu.dma_semaphore, #tpu.memory_space<semaphore_mem>>) src(%dma_wait3A_1572 : memref<2x1024xf32, #tpu.memory_space<vmem>>) dst(%dma_wait3A_1568 : memref<2x1024xf32, #tpu.memory_space<hbm>>)
        %dma_wait3A_1573 = arith.constant 1 : i32
        %dma_wait3A_1574 = arith.constant 1 : i32
        %dma_wait3A_1575 = arith.constant 1 : i32
        %dma_wait3A_1576 = arith.constant 1 : i32
        %dma_wait3A_1577 = arith.constant 0 : i32
        %dma_wait3A_1578 = arith.constant 0 : i32
        %dma_wait3A_1579 = tpu.memref_slice %arg7[%dma_wait3A_1573, %dma_wait3A_1574, %dma_wait3A_1577, %dma_wait3A_1578] : memref<4x4x2x1024xf32, #tpu.memory_space<vmem>> -> memref<1x1x2x1024xf32, #tpu.memory_space<vmem>>
        %dma_wait3A_1580 = tpu.memref_squeeze %dma_wait3A_1579 : memref<1x1x2x1024xf32, #tpu.memory_space<vmem>> -> memref<2x1024xf32, #tpu.memory_space<vmem>>
        %dma_wait3A_1581 = arith.constant 0 : i32
        %dma_wait3A_1582 = tpu.memref_slice %arg4[%dma_wait3A_1575, %add3A_1552, %dma_wait3A_1581] : memref<4x8192x1024xf32, #tpu.memory_space<hbm>> -> memref<1x2x1024xf32, #tpu.memory_space<hbm>>
        %dma_wait3A_1583 = tpu.memref_squeeze %dma_wait3A_1582 : memref<1x2x1024xf32, #tpu.memory_space<hbm>> -> memref<2x1024xf32, #tpu.memory_space<hbm>>
        %dma_wait3A_1584 = tpu.memref_slice %arg9[%dma_wait3A_1576] : memref<4x!tpu.dma_semaphore, #tpu.memory_space<semaphore_mem>> -> memref<1x!tpu.dma_semaphore, #tpu.memory_space<semaphore_mem>>
        %dma_wait3A_1585 = tpu.memref_squeeze %dma_wait3A_1584 : memref<1x!tpu.dma_semaphore, #tpu.memory_space<semaphore_mem>> -> memref<!tpu.dma_semaphore, #tpu.memory_space<semaphore_mem>>
        %dma_wait3A_1586 = arith.constant 0 : i32
        %dma_wait3A_1587 = tpu.memref_slice %arg4[%dma_wait3A_1575, %add3A_1552, %dma_wait3A_1586] : memref<4x8192x1024xf32, #tpu.memory_space<hbm>> -> memref<1x2x1024xf32, #tpu.memory_space<hbm>>
        %dma_wait3A_1588 = tpu.memref_squeeze %dma_wait3A_1587 : memref<1x2x1024xf32, #tpu.memory_space<hbm>> -> memref<2x1024xf32, #tpu.memory_space<hbm>>
        %dma_wait3A_1589 = arith.constant 0 : i32
        %dma_wait3A_1590 = arith.constant 0 : i32
        %dma_wait3A_1591 = tpu.memref_slice %arg7[%dma_wait3A_1573, %dma_wait3A_1574, %dma_wait3A_1589, %dma_wait3A_1590] : memref<4x4x2x1024xf32, #tpu.memory_space<vmem>> -> memref<1x1x2x1024xf32, #tpu.memory_space<vmem>>
        %dma_wait3A_1592 = tpu.memref_squeeze %dma_wait3A_1591 : memref<1x1x2x1024xf32, #tpu.memory_space<vmem>> -> memref<2x1024xf32, #tpu.memory_space<vmem>>
        tpu.wait_dma2 semaphore(%dma_wait3A_1585 : memref<!tpu.dma_semaphore, #tpu.memory_space<semaphore_mem>>) src(%dma_wait3A_1592 : memref<2x1024xf32, #tpu.memory_space<vmem>>) dst(%dma_wait3A_1588 : memref<2x1024xf32, #tpu.memory_space<hbm>>)
        %dma_wait3A_1593 = arith.constant 1 : i32
        %dma_wait3A_1594 = arith.constant 2 : i32
        %dma_wait3A_1595 = arith.constant 2 : i32
        %dma_wait3A_1596 = arith.constant 1 : i32
        %dma_wait3A_1597 = arith.constant 0 : i32
        %dma_wait3A_1598 = arith.constant 0 : i32
        %dma_wait3A_1599 = tpu.memref_slice %arg7[%dma_wait3A_1593, %dma_wait3A_1594, %dma_wait3A_1597, %dma_wait3A_1598] : memref<4x4x2x1024xf32, #tpu.memory_space<vmem>> -> memref<1x1x2x1024xf32, #tpu.memory_space<vmem>>
        %dma_wait3A_1600 = tpu.memref_squeeze %dma_wait3A_1599 : memref<1x1x2x1024xf32, #tpu.memory_space<vmem>> -> memref<2x1024xf32, #tpu.memory_space<vmem>>
        %dma_wait3A_1601 = arith.constant 0 : i32
        %dma_wait3A_1602 = tpu.memref_slice %arg4[%dma_wait3A_1595, %add3A_1552, %dma_wait3A_1601] : memref<4x8192x1024xf32, #tpu.memory_space<hbm>> -> memref<1x2x1024xf32, #tpu.memory_space<hbm>>
        %dma_wait3A_1603 = tpu.memref_squeeze %dma_wait3A_1602 : memref<1x2x1024xf32, #tpu.memory_space<hbm>> -> memref<2x1024xf32, #tpu.memory_space<hbm>>
        %dma_wait3A_1604 = tpu.memref_slice %arg9[%dma_wait3A_1596] : memref<4x!tpu.dma_semaphore, #tpu.memory_space<semaphore_mem>> -> memref<1x!tpu.dma_semaphore, #tpu.memory_space<semaphore_mem>>
        %dma_wait3A_1605 = tpu.memref_squeeze %dma_wait3A_1604 : memref<1x!tpu.dma_semaphore, #tpu.memory_space<semaphore_mem>> -> memref<!tpu.dma_semaphore, #tpu.memory_space<semaphore_mem>>
        %dma_wait3A_1606 = arith.constant 0 : i32
        %dma_wait3A_1607 = tpu.memref_slice %arg4[%dma_wait3A_1595, %add3A_1552, %dma_wait3A_1606] : memref<4x8192x1024xf32, #tpu.memory_space<hbm>> -> memref<1x2x1024xf32, #tpu.memory_space<hbm>>
        %dma_wait3A_1608 = tpu.memref_squeeze %dma_wait3A_1607 : memref<1x2x1024xf32, #tpu.memory_space<hbm>> -> memref<2x1024xf32, #tpu.memory_space<hbm>>
        %dma_wait3A_1609 = arith.constant 0 : i32
        %dma_wait3A_1610 = arith.constant 0 : i32
        %dma_wait3A_1611 = tpu.memref_slice %arg7[%dma_wait3A_1593, %dma_wait3A_1594, %dma_wait3A_1609, %dma_wait3A_1610] : memref<4x4x2x1024xf32, #tpu.memory_space<vmem>> -> memref<1x1x2x1024xf32, #tpu.memory_space<vmem>>
        %dma_wait3A_1612 = tpu.memref_squeeze %dma_wait3A_1611 : memref<1x1x2x1024xf32, #tpu.memory_space<vmem>> -> memref<2x1024xf32, #tpu.memory_space<vmem>>
        tpu.wait_dma2 semaphore(%dma_wait3A_1605 : memref<!tpu.dma_semaphore, #tpu.memory_space<semaphore_mem>>) src(%dma_wait3A_1612 : memref<2x1024xf32, #tpu.memory_space<vmem>>) dst(%dma_wait3A_1608 : memref<2x1024xf32, #tpu.memory_space<hbm>>)
        %dma_wait3A_1613 = arith.constant 1 : i32
        %dma_wait3A_1614 = arith.constant 3 : i32
        %dma_wait3A_1615 = arith.constant 3 : i32
        %dma_wait3A_1616 = arith.constant 1 : i32
        %dma_wait3A_1617 = arith.constant 0 : i32
        %dma_wait3A_1618 = arith.constant 0 : i32
        %dma_wait3A_1619 = tpu.memref_slice %arg7[%dma_wait3A_1613, %dma_wait3A_1614, %dma_wait3A_1617, %dma_wait3A_1618] : memref<4x4x2x1024xf32, #tpu.memory_space<vmem>> -> memref<1x1x2x1024xf32, #tpu.memory_space<vmem>>
        %dma_wait3A_1620 = tpu.memref_squeeze %dma_wait3A_1619 : memref<1x1x2x1024xf32, #tpu.memory_space<vmem>> -> memref<2x1024xf32, #tpu.memory_space<vmem>>
        %dma_wait3A_1621 = arith.constant 0 : i32
        %dma_wait3A_1622 = tpu.memref_slice %arg4[%dma_wait3A_1615, %add3A_1552, %dma_wait3A_1621] : memref<4x8192x1024xf32, #tpu.memory_space<hbm>> -> memref<1x2x1024xf32, #tpu.memory_space<hbm>>
        %dma_wait3A_1623 = tpu.memref_squeeze %dma_wait3A_1622 : memref<1x2x1024xf32, #tpu.memory_space<hbm>> -> memref<2x1024xf32, #tpu.memory_space<hbm>>
        %dma_wait3A_1624 = tpu.memref_slice %arg9[%dma_wait3A_1616] : memref<4x!tpu.dma_semaphore, #tpu.memory_space<semaphore_mem>> -> memref<1x!tpu.dma_semaphore, #tpu.memory_space<semaphore_mem>>
        %dma_wait3A_1625 = tpu.memref_squeeze %dma_wait3A_1624 : memref<1x!tpu.dma_semaphore, #tpu.memory_space<semaphore_mem>> -> memref<!tpu.dma_semaphore, #tpu.memory_space<semaphore_mem>>
        %dma_wait3A_1626 = arith.constant 0 : i32
        %dma_wait3A_1627 = tpu.memref_slice %arg4[%dma_wait3A_1615, %add3A_1552, %dma_wait3A_1626] : memref<4x8192x1024xf32, #tpu.memory_space<hbm>> -> memref<1x2x1024xf32, #tpu.memory_space<hbm>>
        %dma_wait3A_1628 = tpu.memref_squeeze %dma_wait3A_1627 : memref<1x2x1024xf32, #tpu.memory_space<hbm>> -> memref<2x1024xf32, #tpu.memory_space<hbm>>
        %dma_wait3A_1629 = arith.constant 0 : i32
        %dma_wait3A_1630 = arith.constant 0 : i32
        %dma_wait3A_1631 = tpu.memref_slice %arg7[%dma_wait3A_1613, %dma_wait3A_1614, %dma_wait3A_1629, %dma_wait3A_1630] : memref<4x4x2x1024xf32, #tpu.memory_space<vmem>> -> memref<1x1x2x1024xf32, #tpu.memory_space<vmem>>
        %dma_wait3A_1632 = tpu.memref_squeeze %dma_wait3A_1631 : memref<1x1x2x1024xf32, #tpu.memory_space<vmem>> -> memref<2x1024xf32, #tpu.memory_space<vmem>>
        tpu.wait_dma2 semaphore(%dma_wait3A_1625 : memref<!tpu.dma_semaphore, #tpu.memory_space<semaphore_mem>>) src(%dma_wait3A_1632 : memref<2x1024xf32, #tpu.memory_space<vmem>>) dst(%dma_wait3A_1628 : memref<2x1024xf32, #tpu.memory_space<hbm>>)
      } else {
      }
      %parallel_loop3A_1039 = arith.constant 0 : i32
      %parallel_loop3A_1040 = arith.constant 1024 : i32
      %parallel_loop3A_1041 = arith.constant 16 : i32
      scf.for %parallel_loop3A_1549 = %parallel_loop3A_1039 to %parallel_loop3A_1040 step %parallel_loop3A_1041  : i32 {
        %parallel_loop3A_1550 = arith.constant 1 : i32
        %parallel_loop3A_1551 = arith.constant 0 : i32
        %parallel_loop3A_1552 = arith.index_cast %parallel_loop3A_1550 : i32 to index
        %parallel_loop3A_1553 = arith.index_cast %parallel_loop3A_1551 : i32 to index
        %parallel_loop3A_1554 = arith.index_cast %parallel_loop3A_1549 : i32 to index
        %parallel_loop3A_1555 = tpu.vector_load %arg6[%parallel_loop3A_1552, %parallel_loop3A_1553, %parallel_loop3A_1554] {strides = array<i32>} : memref<4x2x1024xf32, #tpu.memory_space<vmem>>, vector<1x1x16xf32>,
        %parallel_loop3A_1556 = vector.shape_cast %parallel_loop3A_1555 : vector<1x1x16xf32> to vector<16xf32>
        %parallel_loop3A_1557 = arith.constant 1 : i32
        %parallel_loop3A_1558 = arith.constant 0 : i32
        %parallel_loop3A_1559 = arith.constant 0 : i32
        %parallel_loop3A_1560 = arith.index_cast %parallel_loop3A_1557 : i32 to index
        %parallel_loop3A_1561 = arith.index_cast %parallel_loop3A_1558 : i32 to index
        %parallel_loop3A_1562 = arith.index_cast %parallel_loop3A_1559 : i32 to index
        %parallel_loop3A_1563 = arith.index_cast %parallel_loop3A_1549 : i32 to index
        %parallel_loop3A_1564 = tpu.vector_load %arg5[%parallel_loop3A_1560, %parallel_loop3A_1561, %parallel_loop3A_1562, %parallel_loop3A_1563] {strides = array<i32>} : memref<4x4x2x1024xf32, #tpu.memory_space<vmem>>, vector<1x1x1x16xf32>,
        %parallel_loop3A_1565 = vector.shape_cast %parallel_loop3A_1564 : vector<1x1x1x16xf32> to vector<16xf32>
        %parallel_loop3A_1566 = arith.addf %parallel_loop3A_1565, %parallel_loop3A_1556 : vector<16xf32>
        %parallel_loop3A_1567 = arith.constant 1 : i32
        %parallel_loop3A_1568 = arith.constant 0 : i32
        %parallel_loop3A_1569 = arith.constant 0 : i32
        %parallel_loop3A_1570 = arith.index_cast %parallel_loop3A_1567 : i32 to index
        %parallel_loop3A_1571 = arith.index_cast %parallel_loop3A_1568 : i32 to index
        %parallel_loop3A_1572 = arith.index_cast %parallel_loop3A_1569 : i32 to index
        %parallel_loop3A_1573 = arith.index_cast %parallel_loop3A_1549 : i32 to index
        %parallel_loop3A_1574 = tpu.vector_load %arg7[%parallel_loop3A_1570, %parallel_loop3A_1571, %parallel_loop3A_1572, %parallel_loop3A_1573] {strides = array<i32>} : memref<4x4x2x1024xf32, #tpu.memory_space<vmem>>, vector<1x1x1x16xf32>,
        %parallel_loop3A_1575 = vector.shape_cast %parallel_loop3A_1574 : vector<1x1x1x16xf32> to vector<16xf32>
        %parallel_loop3A_1576 = vector.shape_cast %parallel_loop3A_1566 : vector<16xf32> to vector<1x1x1x16xf32>
        tpu.vector_store %arg7[%parallel_loop3A_1570, %parallel_loop3A_1571, %parallel_loop3A_1572, %parallel_loop3A_1573], %parallel_loop3A_1576 {strides = array<i32>} : memref<4x4x2x1024xf32, #tpu.memory_space<vmem>>, vector<1x1x1x16xf32>,
        %parallel_loop3A_1577 = arith.constant 1 : i32
        %parallel_loop3A_1578 = arith.constant 1 : i32
        %parallel_loop3A_1579 = arith.constant 0 : i32
        %parallel_loop3A_1580 = arith.index_cast %parallel_loop3A_1577 : i32 to index
        %parallel_loop3A_1581 = arith.index_cast %parallel_loop3A_1578 : i32 to index
        %parallel_loop3A_1582 = arith.index_cast %parallel_loop3A_1579 : i32 to index
        %parallel_loop3A_1583 = arith.index_cast %parallel_loop3A_1549 : i32 to index
        %parallel_loop3A_1584 = tpu.vector_load %arg5[%parallel_loop3A_1580, %parallel_loop3A_1581, %parallel_loop3A_1582, %parallel_loop3A_1583] {strides = array<i32>} : memref<4x4x2x1024xf32, #tpu.memory_space<vmem>>, vector<1x1x1x16xf32>,
        %parallel_loop3A_1585 = vector.shape_cast %parallel_loop3A_1584 : vector<1x1x1x16xf32> to vector<16xf32>
        %parallel_loop3A_1586 = arith.addf %parallel_loop3A_1585, %parallel_loop3A_1556 : vector<16xf32>
        %parallel_loop3A_1587 = arith.constant 1 : i32
        %parallel_loop3A_1588 = arith.constant 1 : i32
        %parallel_loop3A_1589 = arith.constant 0 : i32
        %parallel_loop3A_1590 = arith.index_cast %parallel_loop3A_1587 : i32 to index
        %parallel_loop3A_1591 = arith.index_cast %parallel_loop3A_1588 : i32 to index
        %parallel_loop3A_1592 = arith.index_cast %parallel_loop3A_1589 : i32 to index
        %parallel_loop3A_1593 = arith.index_cast %parallel_loop3A_1549 : i32 to index
        %parallel_loop3A_1594 = tpu.vector_load %arg7[%parallel_loop3A_1590, %parallel_loop3A_1591, %parallel_loop3A_1592, %parallel_loop3A_1593] {strides = array<i32>} : memref<4x4x2x1024xf32, #tpu.memory_space<vmem>>, vector<1x1x1x16xf32>,
        %parallel_loop3A_1595 = vector.shape_cast %parallel_loop3A_1594 : vector<1x1x1x16xf32> to vector<16xf32>
        %parallel_loop3A_1596 = vector.shape_cast %parallel_loop3A_1586 : vector<16xf32> to vector<1x1x1x16xf32>
        tpu.vector_store %arg7[%parallel_loop3A_1590, %parallel_loop3A_1591, %parallel_loop3A_1592, %parallel_loop3A_1593], %parallel_loop3A_1596 {strides = array<i32>} : memref<4x4x2x1024xf32, #tpu.memory_space<vmem>>, vector<1x1x1x16xf32>,
        %parallel_loop3A_1597 = arith.constant 1 : i32
        %parallel_loop3A_1598 = arith.constant 2 : i32
        %parallel_loop3A_1599 = arith.constant 0 : i32
        %parallel_loop3A_1600 = arith.index_cast %parallel_loop3A_1597 : i32 to index
        %parallel_loop3A_1601 = arith.index_cast %parallel_loop3A_1598 : i32 to index
        %parallel_loop3A_1602 = arith.index_cast %parallel_loop3A_1599 : i32 to index
        %parallel_loop3A_1603 = arith.index_cast %parallel_loop3A_1549 : i32 to index
        %parallel_loop3A_1604 = tpu.vector_load %arg5[%parallel_loop3A_1600, %parallel_loop3A_1601, %parallel_loop3A_1602, %parallel_loop3A_1603] {strides = array<i32>} : memref<4x4x2x1024xf32, #tpu.memory_space<vmem>>, vector<1x1x1x16xf32>,
        %parallel_loop3A_1605 = vector.shape_cast %parallel_loop3A_1604 : vector<1x1x1x16xf32> to vector<16xf32>
        %parallel_loop3A_1606 = arith.addf %parallel_loop3A_1605, %parallel_loop3A_1556 : vector<16xf32>
        %parallel_loop3A_1607 = arith.constant 1 : i32
        %parallel_loop3A_1608 = arith.constant 2 : i32
        %parallel_loop3A_1609 = arith.constant 0 : i32
        %parallel_loop3A_1610 = arith.index_cast %parallel_loop3A_1607 : i32 to index
        %parallel_loop3A_1611 = arith.index_cast %parallel_loop3A_1608 : i32 to index
        %parallel_loop3A_1612 = arith.index_cast %parallel_loop3A_1609 : i32 to index
        %parallel_loop3A_1613 = arith.index_cast %parallel_loop3A_1549 : i32 to index
        %parallel_loop3A_1614 = tpu.vector_load %arg7[%parallel_loop3A_1610, %parallel_loop3A_1611, %parallel_loop3A_1612, %parallel_loop3A_1613] {strides = array<i32>} : memref<4x4x2x1024xf32, #tpu.memory_space<vmem>>, vector<1x1x1x16xf32>,
        %parallel_loop3A_1615 = vector.shape_cast %parallel_loop3A_1614 : vector<1x1x1x16xf32> to vector<16xf32>
        %parallel_loop3A_1616 = vector.shape_cast %parallel_loop3A_1606 : vector<16xf32> to vector<1x1x1x16xf32>
        tpu.vector_store %arg7[%parallel_loop3A_1610, %parallel_loop3A_1611, %parallel_loop3A_1612, %parallel_loop3A_1613], %parallel_loop3A_1616 {strides = array<i32>} : memref<4x4x2x1024xf32, #tpu.memory_space<vmem>>, vector<1x1x1x16xf32>,
        %parallel_loop3A_1617 = arith.constant 1 : i32
        %parallel_loop3A_1618 = arith.constant 3 : i32
        %parallel_loop3A_1619 = arith.constant 0 : i32
        %parallel_loop3A_1620 = arith.index_cast %parallel_loop3A_1617 : i32 to index
        %parallel_loop3A_1621 = arith.index_cast %parallel_loop3A_1618 : i32 to index
        %parallel_loop3A_1622 = arith.index_cast %parallel_loop3A_1619 : i32 to index
        %parallel_loop3A_1623 = arith.index_cast %parallel_loop3A_1549 : i32 to index
        %parallel_loop3A_1624 = tpu.vector_load %arg5[%parallel_loop3A_1620, %parallel_loop3A_1621, %parallel_loop3A_1622, %parallel_loop3A_1623] {strides = array<i32>} : memref<4x4x2x1024xf32, #tpu.memory_space<vmem>>, vector<1x1x1x16xf32>,
        %parallel_loop3A_1625 = vector.shape_cast %parallel_loop3A_1624 : vector<1x1x1x16xf32> to vector<16xf32>
        %parallel_loop3A_1626 = arith.addf %parallel_loop3A_1625, %parallel_loop3A_1556 : vector<16xf32>
        %parallel_loop3A_1627 = arith.constant 1 : i32
        %parallel_loop3A_1628 = arith.constant 3 : i32
        %parallel_loop3A_1629 = arith.constant 0 : i32
        %parallel_loop3A_1630 = arith.index_cast %parallel_loop3A_1627 : i32 to index
        %parallel_loop3A_1631 = arith.index_cast %parallel_loop3A_1628 : i32 to index
        %parallel_loop3A_1632 = arith.index_cast %parallel_loop3A_1629 : i32 to index
        %parallel_loop3A_1633 = arith.index_cast %parallel_loop3A_1549 : i32 to index
        %parallel_loop3A_1634 = tpu.vector_load %arg7[%parallel_loop3A_1630, %parallel_loop3A_1631, %parallel_loop3A_1632, %parallel_loop3A_1633] {strides = array<i32>} : memref<4x4x2x1024xf32, #tpu.memory_space<vmem>>, vector<1x1x1x16xf32>,
        %parallel_loop3A_1635 = vector.shape_cast %parallel_loop3A_1634 : vector<1x1x1x16xf32> to vector<16xf32>
        %parallel_loop3A_1636 = vector.shape_cast %parallel_loop3A_1626 : vector<16xf32> to vector<1x1x1x16xf32>
        tpu.vector_store %arg7[%parallel_loop3A_1630, %parallel_loop3A_1631, %parallel_loop3A_1632, %parallel_loop3A_1633], %parallel_loop3A_1636 {strides = array<i32>} : memref<4x4x2x1024xf32, #tpu.memory_space<vmem>>, vector<1x1x1x16xf32>,
      } {sc.loop_unroll_factor = 8 : i64, sc.parallel_access}
      %parallel_loop3A_1042 = arith.constant 0 : i32
      %parallel_loop3A_1043 = arith.constant 1024 : i32
      %parallel_loop3A_1044 = arith.constant 16 : i32
      scf.for %parallel_loop3A_1549 = %parallel_loop3A_1042 to %parallel_loop3A_1043 step %parallel_loop3A_1044  : i32 {
        %parallel_loop3A_1550 = arith.constant 1 : i32
        %parallel_loop3A_1551 = arith.constant 1 : i32
        %parallel_loop3A_1552 = arith.index_cast %parallel_loop3A_1550 : i32 to index
        %parallel_loop3A_1553 = arith.index_cast %parallel_loop3A_1551 : i32 to index
        %parallel_loop3A_1554 = arith.index_cast %parallel_loop3A_1549 : i32 to index
        %parallel_loop3A_1555 = tpu.vector_load %arg6[%parallel_loop3A_1552, %parallel_loop3A_1553, %parallel_loop3A_1554] {strides = array<i32>} : memref<4x2x1024xf32, #tpu.memory_space<vmem>>, vector<1x1x16xf32>,
        %parallel_loop3A_1556 = vector.shape_cast %parallel_loop3A_1555 : vector<1x1x16xf32> to vector<16xf32>
        %parallel_loop3A_1557 = arith.constant 1 : i32
        %parallel_loop3A_1558 = arith.constant 0 : i32
        %parallel_loop3A_1559 = arith.constant 1 : i32
        %parallel_loop3A_1560 = arith.index_cast %parallel_loop3A_1557 : i32 to index
        %parallel_loop3A_1561 = arith.index_cast %parallel_loop3A_1558 : i32 to index
        %parallel_loop3A_1562 = arith.index_cast %parallel_loop3A_1559 : i32 to index
        %parallel_loop3A_1563 = arith.index_cast %parallel_loop3A_1549 : i32 to index
        %parallel_loop3A_1564 = tpu.vector_load %arg5[%parallel_loop3A_1560, %parallel_loop3A_1561, %parallel_loop3A_1562, %parallel_loop3A_1563] {strides = array<i32>} : memref<4x4x2x1024xf32, #tpu.memory_space<vmem>>, vector<1x1x1x16xf32>,
        %parallel_loop3A_1565 = vector.shape_cast %parallel_loop3A_1564 : vector<1x1x1x16xf32> to vector<16xf32>
        %parallel_loop3A_1566 = arith.addf %parallel_loop3A_1565, %parallel_loop3A_1556 : vector<16xf32>
        %parallel_loop3A_1567 = arith.constant 1 : i32
        %parallel_loop3A_1568 = arith.constant 0 : i32
        %parallel_loop3A_1569 = arith.constant 1 : i32
        %parallel_loop3A_1570 = arith.index_cast %parallel_loop3A_1567 : i32 to index
        %parallel_loop3A_1571 = arith.index_cast %parallel_loop3A_1568 : i32 to index
        %parallel_loop3A_1572 = arith.index_cast %parallel_loop3A_1569 : i32 to index
        %parallel_loop3A_1573 = arith.index_cast %parallel_loop3A_1549 : i32 to index
        %parallel_loop3A_1574 = tpu.vector_load %arg7[%parallel_loop3A_1570, %parallel_loop3A_1571, %parallel_loop3A_1572, %parallel_loop3A_1573] {strides = array<i32>} : memref<4x4x2x1024xf32, #tpu.memory_space<vmem>>, vector<1x1x1x16xf32>,
        %parallel_loop3A_1575 = vector.shape_cast %parallel_loop3A_1574 : vector<1x1x1x16xf32> to vector<16xf32>
        %parallel_loop3A_1576 = vector.shape_cast %parallel_loop3A_1566 : vector<16xf32> to vector<1x1x1x16xf32>
        tpu.vector_store %arg7[%parallel_loop3A_1570, %parallel_loop3A_1571, %parallel_loop3A_1572, %parallel_loop3A_1573], %parallel_loop3A_1576 {strides = array<i32>} : memref<4x4x2x1024xf32, #tpu.memory_space<vmem>>, vector<1x1x1x16xf32>,
        %parallel_loop3A_1577 = arith.constant 1 : i32
        %parallel_loop3A_1578 = arith.constant 1 : i32
        %parallel_loop3A_1579 = arith.constant 1 : i32
        %parallel_loop3A_1580 = arith.index_cast %parallel_loop3A_1577 : i32 to index
        %parallel_loop3A_1581 = arith.index_cast %parallel_loop3A_1578 : i32 to index
        %parallel_loop3A_1582 = arith.index_cast %parallel_loop3A_1579 : i32 to index
        %parallel_loop3A_1583 = arith.index_cast %parallel_loop3A_1549 : i32 to index
        %parallel_loop3A_1584 = tpu.vector_load %arg5[%parallel_loop3A_1580, %parallel_loop3A_1581, %parallel_loop3A_1582, %parallel_loop3A_1583] {strides = array<i32>} : memref<4x4x2x1024xf32, #tpu.memory_space<vmem>>, vector<1x1x1x16xf32>,
        %parallel_loop3A_1585 = vector.shape_cast %parallel_loop3A_1584 : vector<1x1x1x16xf32> to vector<16xf32>
        %parallel_loop3A_1586 = arith.addf %parallel_loop3A_1585, %parallel_loop3A_1556 : vector<16xf32>
        %parallel_loop3A_1587 = arith.constant 1 : i32
        %parallel_loop3A_1588 = arith.constant 1 : i32
        %parallel_loop3A_1589 = arith.constant 1 : i32
        %parallel_loop3A_1590 = arith.index_cast %parallel_loop3A_1587 : i32 to index
        %parallel_loop3A_1591 = arith.index_cast %parallel_loop3A_1588 : i32 to index
        %parallel_loop3A_1592 = arith.index_cast %parallel_loop3A_1589 : i32 to index
        %parallel_loop3A_1593 = arith.index_cast %parallel_loop3A_1549 : i32 to index
        %parallel_loop3A_1594 = tpu.vector_load %arg7[%parallel_loop3A_1590, %parallel_loop3A_1591, %parallel_loop3A_1592, %parallel_loop3A_1593] {strides = array<i32>} : memref<4x4x2x1024xf32, #tpu.memory_space<vmem>>, vector<1x1x1x16xf32>,
        %parallel_loop3A_1595 = vector.shape_cast %parallel_loop3A_1594 : vector<1x1x1x16xf32> to vector<16xf32>
        %parallel_loop3A_1596 = vector.shape_cast %parallel_loop3A_1586 : vector<16xf32> to vector<1x1x1x16xf32>
        tpu.vector_store %arg7[%parallel_loop3A_1590, %parallel_loop3A_1591, %parallel_loop3A_1592, %parallel_loop3A_1593], %parallel_loop3A_1596 {strides = array<i32>} : memref<4x4x2x1024xf32, #tpu.memory_space<vmem>>, vector<1x1x1x16xf32>,
        %parallel_loop3A_1597 = arith.constant 1 : i32
        %parallel_loop3A_1598 = arith.constant 2 : i32
        %parallel_loop3A_1599 = arith.constant 1 : i32
        %parallel_loop3A_1600 = arith.index_cast %parallel_loop3A_1597 : i32 to index
        %parallel_loop3A_1601 = arith.index_cast %parallel_loop3A_1598 : i32 to index
        %parallel_loop3A_1602 = arith.index_cast %parallel_loop3A_1599 : i32 to index
        %parallel_loop3A_1603 = arith.index_cast %parallel_loop3A_1549 : i32 to index
        %parallel_loop3A_1604 = tpu.vector_load %arg5[%parallel_loop3A_1600, %parallel_loop3A_1601, %parallel_loop3A_1602, %parallel_loop3A_1603] {strides = array<i32>} : memref<4x4x2x1024xf32, #tpu.memory_space<vmem>>, vector<1x1x1x16xf32>,
        %parallel_loop3A_1605 = vector.shape_cast %parallel_loop3A_1604 : vector<1x1x1x16xf32> to vector<16xf32>
        %parallel_loop3A_1606 = arith.addf %parallel_loop3A_1605, %parallel_loop3A_1556 : vector<16xf32>
        %parallel_loop3A_1607 = arith.constant 1 : i32
        %parallel_loop3A_1608 = arith.constant 2 : i32
        %parallel_loop3A_1609 = arith.constant 1 : i32
        %parallel_loop3A_1610 = arith.index_cast %parallel_loop3A_1607 : i32 to index
        %parallel_loop3A_1611 = arith.index_cast %parallel_loop3A_1608 : i32 to index
        %parallel_loop3A_1612 = arith.index_cast %parallel_loop3A_1609 : i32 to index
        %parallel_loop3A_1613 = arith.index_cast %parallel_loop3A_1549 : i32 to index
        %parallel_loop3A_1614 = tpu.vector_load %arg7[%parallel_loop3A_1610, %parallel_loop3A_1611, %parallel_loop3A_1612, %parallel_loop3A_1613] {strides = array<i32>} : memref<4x4x2x1024xf32, #tpu.memory_space<vmem>>, vector<1x1x1x16xf32>,
        %parallel_loop3A_1615 = vector.shape_cast %parallel_loop3A_1614 : vector<1x1x1x16xf32> to vector<16xf32>
        %parallel_loop3A_1616 = vector.shape_cast %parallel_loop3A_1606 : vector<16xf32> to vector<1x1x1x16xf32>
        tpu.vector_store %arg7[%parallel_loop3A_1610, %parallel_loop3A_1611, %parallel_loop3A_1612, %parallel_loop3A_1613], %parallel_loop3A_1616 {strides = array<i32>} : memref<4x4x2x1024xf32, #tpu.memory_space<vmem>>, vector<1x1x1x16xf32>,
        %parallel_loop3A_1617 = arith.constant 1 : i32
        %parallel_loop3A_1618 = arith.constant 3 : i32
        %parallel_loop3A_1619 = arith.constant 1 : i32
        %parallel_loop3A_1620 = arith.index_cast %parallel_loop3A_1617 : i32 to index
        %parallel_loop3A_1621 = arith.index_cast %parallel_loop3A_1618 : i32 to index
        %parallel_loop3A_1622 = arith.index_cast %parallel_loop3A_1619 : i32 to index
        %parallel_loop3A_1623 = arith.index_cast %parallel_loop3A_1549 : i32 to index
        %parallel_loop3A_1624 = tpu.vector_load %arg5[%parallel_loop3A_1620, %parallel_loop3A_1621, %parallel_loop3A_1622, %parallel_loop3A_1623] {strides = array<i32>} : memref<4x4x2x1024xf32, #tpu.memory_space<vmem>>, vector<1x1x1x16xf32>,
        %parallel_loop3A_1625 = vector.shape_cast %parallel_loop3A_1624 : vector<1x1x1x16xf32> to vector<16xf32>
        %parallel_loop3A_1626 = arith.addf %parallel_loop3A_1625, %parallel_loop3A_1556 : vector<16xf32>
        %parallel_loop3A_1627 = arith.constant 1 : i32
        %parallel_loop3A_1628 = arith.constant 3 : i32
        %parallel_loop3A_1629 = arith.constant 1 : i32
        %parallel_loop3A_1630 = arith.index_cast %parallel_loop3A_1627 : i32 to index
        %parallel_loop3A_1631 = arith.index_cast %parallel_loop3A_1628 : i32 to index
        %parallel_loop3A_1632 = arith.index_cast %parallel_loop3A_1629 : i32 to index
        %parallel_loop3A_1633 = arith.index_cast %parallel_loop3A_1549 : i32 to index
        %parallel_loop3A_1634 = tpu.vector_load %arg7[%parallel_loop3A_1630, %parallel_loop3A_1631, %parallel_loop3A_1632, %parallel_loop3A_1633] {strides = array<i32>} : memref<4x4x2x1024xf32, #tpu.memory_space<vmem>>, vector<1x1x1x16xf32>,
        %parallel_loop3A_1635 = vector.shape_cast %parallel_loop3A_1634 : vector<1x1x1x16xf32> to vector<16xf32>
        %parallel_loop3A_1636 = vector.shape_cast %parallel_loop3A_1626 : vector<16xf32> to vector<1x1x1x16xf32>
        tpu.vector_store %arg7[%parallel_loop3A_1630, %parallel_loop3A_1631, %parallel_loop3A_1632, %parallel_loop3A_1633], %parallel_loop3A_1636 {strides = array<i32>} : memref<4x4x2x1024xf32, #tpu.memory_space<vmem>>, vector<1x1x1x16xf32>,
      } {sc.loop_unroll_factor = 8 : i64, sc.parallel_access}
      %mul3A_1045 = arith.constant 2 : i32
      %mul3A_1046 = arith.muli %add3A_932, %mul3A_1045 : i32
      %add3A_1047 = arith.addi %mul3A_2, %mul3A_1046 : i32
      %dma_start3A_1048 = arith.constant 1 : i32
      %dma_start3A_1049 = arith.constant 0 : i32
      %dma_start3A_1050 = arith.constant 0 : i32
      %dma_start3A_1051 = arith.constant 1 : i32
      %dma_start3A_1052 = arith.constant 0 : i32
      %dma_start3A_1053 = arith.constant 0 : i32
      %dma_start3A_1054 = tpu.memref_slice %arg7[%dma_start3A_1048, %dma_start3A_1049, %dma_start3A_1052, %dma_start3A_1053] : memref<4x4x2x1024xf32, #tpu.memory_space<vmem>> -> memref<1x1x2x1024xf32, #tpu.memory_space<vmem>>
      %dma_start3A_1055 = tpu.memref_squeeze %dma_start3A_1054 : memref<1x1x2x1024xf32, #tpu.memory_space<vmem>> -> memref<2x1024xf32, #tpu.memory_space<vmem>>
      %dma_start3A_1056 = arith.constant 0 : i32
      %dma_start3A_1057 = tpu.memref_slice %arg4[%dma_start3A_1050, %add3A_1047, %dma_start3A_1056] : memref<4x8192x1024xf32, #tpu.memory_space<hbm>> -> memref<1x2x1024xf32, #tpu.memory_space<hbm>>
      %dma_start3A_1058 = tpu.memref_squeeze %dma_start3A_1057 : memref<1x2x1024xf32, #tpu.memory_space<hbm>> -> memref<2x1024xf32, #tpu.memory_space<hbm>>
      %dma_start3A_1059 = tpu.memref_slice %arg9[%dma_start3A_1051] : memref<4x!tpu.dma_semaphore, #tpu.memory_space<semaphore_mem>> -> memref<1x!tpu.dma_semaphore, #tpu.memory_space<semaphore_mem>>
      %dma_start3A_1060 = tpu.memref_squeeze %dma_start3A_1059 : memref<1x!tpu.dma_semaphore, #tpu.memory_space<semaphore_mem>> -> memref<!tpu.dma_semaphore, #tpu.memory_space<semaphore_mem>>
      %dma_start3A_1061 = arith.constant 0 : i32
      %dma_start3A_1062 = tpu.memref_slice %arg4[%dma_start3A_1050, %add3A_1047, %dma_start3A_1061] : memref<4x8192x1024xf32, #tpu.memory_space<hbm>> -> memref<1x2x1024xf32, #tpu.memory_space<hbm>>
      %dma_start3A_1063 = tpu.memref_squeeze %dma_start3A_1062 : memref<1x2x1024xf32, #tpu.memory_space<hbm>> -> memref<2x1024xf32, #tpu.memory_space<hbm>>
      %dma_start3A_1064 = arith.constant 0 : i32
      %dma_start3A_1065 = arith.constant 0 : i32
      %dma_start3A_1066 = tpu.memref_slice %arg7[%dma_start3A_1048, %dma_start3A_1049, %dma_start3A_1064, %dma_start3A_1065] : memref<4x4x2x1024xf32, #tpu.memory_space<vmem>> -> memref<1x1x2x1024xf32, #tpu.memory_space<vmem>>
      %dma_start3A_1067 = tpu.memref_squeeze %dma_start3A_1066 : memref<1x1x2x1024xf32, #tpu.memory_space<vmem>> -> memref<2x1024xf32, #tpu.memory_space<vmem>>
      tpu.enqueue_dma source(%dma_start3A_1067 : memref<2x1024xf32, #tpu.memory_space<vmem>>) target(%dma_start3A_1063 : memref<2x1024xf32, #tpu.memory_space<hbm>>) target_semaphore(%dma_start3A_1060 : memref<!tpu.dma_semaphore, #tpu.memory_space<semaphore_mem>>)
      %dma_start3A_1068 = arith.constant 1 : i32
      %dma_start3A_1069 = arith.constant 1 : i32
      %dma_start3A_1070 = arith.constant 1 : i32
      %dma_start3A_1071 = arith.constant 1 : i32
      %dma_start3A_1072 = arith.constant 0 : i32
      %dma_start3A_1073 = arith.constant 0 : i32
      %dma_start3A_1074 = tpu.memref_slice %arg7[%dma_start3A_1068, %dma_start3A_1069, %dma_start3A_1072, %dma_start3A_1073] : memref<4x4x2x1024xf32, #tpu.memory_space<vmem>> -> memref<1x1x2x1024xf32, #tpu.memory_space<vmem>>
      %dma_start3A_1075 = tpu.memref_squeeze %dma_start3A_1074 : memref<1x1x2x1024xf32, #tpu.memory_space<vmem>> -> memref<2x1024xf32, #tpu.memory_space<vmem>>
      %dma_start3A_1076 = arith.constant 0 : i32
      %dma_start3A_1077 = tpu.memref_slice %arg4[%dma_start3A_1070, %add3A_1047, %dma_start3A_1076] : memref<4x8192x1024xf32, #tpu.memory_space<hbm>> -> memref<1x2x1024xf32, #tpu.memory_space<hbm>>
      %dma_start3A_1078 = tpu.memref_squeeze %dma_start3A_1077 : memref<1x2x1024xf32, #tpu.memory_space<hbm>> -> memref<2x1024xf32, #tpu.memory_space<hbm>>
      %dma_start3A_1079 = tpu.memref_slice %arg9[%dma_start3A_1071] : memref<4x!tpu.dma_semaphore, #tpu.memory_space<semaphore_mem>> -> memref<1x!tpu.dma_semaphore, #tpu.memory_space<semaphore_mem>>
      %dma_start3A_1080 = tpu.memref_squeeze %dma_start3A_1079 : memref<1x!tpu.dma_semaphore, #tpu.memory_space<semaphore_mem>> -> memref<!tpu.dma_semaphore, #tpu.memory_space<semaphore_mem>>
      %dma_start3A_1081 = arith.constant 0 : i32
      %dma_start3A_1082 = tpu.memref_slice %arg4[%dma_start3A_1070, %add3A_1047, %dma_start3A_1081] : memref<4x8192x1024xf32, #tpu.memory_space<hbm>> -> memref<1x2x1024xf32, #tpu.memory_space<hbm>>
      %dma_start3A_1083 = tpu.memref_squeeze %dma_start3A_1082 : memref<1x2x1024xf32, #tpu.memory_space<hbm>> -> memref<2x1024xf32, #tpu.memory_space<hbm>>
      %dma_start3A_1084 = arith.constant 0 : i32
      %dma_start3A_1085 = arith.constant 0 : i32
      %dma_start3A_1086 = tpu.memref_slice %arg7[%dma_start3A_1068, %dma_start3A_1069, %dma_start3A_1084, %dma_start3A_1085] : memref<4x4x2x1024xf32, #tpu.memory_space<vmem>> -> memref<1x1x2x1024xf32, #tpu.memory_space<vmem>>
      %dma_start3A_1087 = tpu.memref_squeeze %dma_start3A_1086 : memref<1x1x2x1024xf32, #tpu.memory_space<vmem>> -> memref<2x1024xf32, #tpu.memory_space<vmem>>
      tpu.enqueue_dma source(%dma_start3A_1087 : memref<2x1024xf32, #tpu.memory_space<vmem>>) target(%dma_start3A_1083 : memref<2x1024xf32, #tpu.memory_space<hbm>>) target_semaphore(%dma_start3A_1080 : memref<!tpu.dma_semaphore, #tpu.memory_space<semaphore_mem>>)
      %dma_start3A_1088 = arith.constant 1 : i32
      %dma_start3A_1089 = arith.constant 2 : i32
      %dma_start3A_1090 = arith.constant 2 : i32
      %dma_start3A_1091 = arith.constant 1 : i32
      %dma_start3A_1092 = arith.constant 0 : i32
      %dma_start3A_1093 = arith.constant 0 : i32
      %dma_start3A_1094 = tpu.memref_slice %arg7[%dma_start3A_1088, %dma_start3A_1089, %dma_start3A_1092, %dma_start3A_1093] : memref<4x4x2x1024xf32, #tpu.memory_space<vmem>> -> memref<1x1x2x1024xf32, #tpu.memory_space<vmem>>
      %dma_start3A_1095 = tpu.memref_squeeze %dma_start3A_1094 : memref<1x1x2x1024xf32, #tpu.memory_space<vmem>> -> memref<2x1024xf32, #tpu.memory_space<vmem>>
      %dma_start3A_1096 = arith.constant 0 : i32
      %dma_start3A_1097 = tpu.memref_slice %arg4[%dma_start3A_1090, %add3A_1047, %dma_start3A_1096] : memref<4x8192x1024xf32, #tpu.memory_space<hbm>> -> memref<1x2x1024xf32, #tpu.memory_space<hbm>>
      %dma_start3A_1098 = tpu.memref_squeeze %dma_start3A_1097 : memref<1x2x1024xf32, #tpu.memory_space<hbm>> -> memref<2x1024xf32, #tpu.memory_space<hbm>>
      %dma_start3A_1099 = tpu.memref_slice %arg9[%dma_start3A_1091] : memref<4x!tpu.dma_semaphore, #tpu.memory_space<semaphore_mem>> -> memref<1x!tpu.dma_semaphore, #tpu.memory_space<semaphore_mem>>
      %dma_start3A_1100 = tpu.memref_squeeze %dma_start3A_1099 : memref<1x!tpu.dma_semaphore, #tpu.memory_space<semaphore_mem>> -> memref<!tpu.dma_semaphore, #tpu.memory_space<semaphore_mem>>
      %dma_start3A_1101 = arith.constant 0 : i32
      %dma_start3A_1102 = tpu.memref_slice %arg4[%dma_start3A_1090, %add3A_1047, %dma_start3A_1101] : memref<4x8192x1024xf32, #tpu.memory_space<hbm>> -> memref<1x2x1024xf32, #tpu.memory_space<hbm>>
      %dma_start3A_1103 = tpu.memref_squeeze %dma_start3A_1102 : memref<1x2x1024xf32, #tpu.memory_space<hbm>> -> memref<2x1024xf32, #tpu.memory_space<hbm>>
      %dma_start3A_1104 = arith.constant 0 : i32
      %dma_start3A_1105 = arith.constant 0 : i32
      %dma_start3A_1106 = tpu.memref_slice %arg7[%dma_start3A_1088, %dma_start3A_1089, %dma_start3A_1104, %dma_start3A_1105] : memref<4x4x2x1024xf32, #tpu.memory_space<vmem>> -> memref<1x1x2x1024xf32, #tpu.memory_space<vmem>>
      %dma_start3A_1107 = tpu.memref_squeeze %dma_start3A_1106 : memref<1x1x2x1024xf32, #tpu.memory_space<vmem>> -> memref<2x1024xf32, #tpu.memory_space<vmem>>
      tpu.enqueue_dma source(%dma_start3A_1107 : memref<2x1024xf32, #tpu.memory_space<vmem>>) target(%dma_start3A_1103 : memref<2x1024xf32, #tpu.memory_space<hbm>>) target_semaphore(%dma_start3A_1100 : memref<!tpu.dma_semaphore, #tpu.memory_space<semaphore_mem>>)
      %dma_start3A_1108 = arith.constant 1 : i32
      %dma_start3A_1109 = arith.constant 3 : i32
      %dma_start3A_1110 = arith.constant 3 : i32
      %dma_start3A_1111 = arith.constant 1 : i32
      %dma_start3A_1112 = arith.constant 0 : i32
      %dma_start3A_1113 = arith.constant 0 : i32
      %dma_start3A_1114 = tpu.memref_slice %arg7[%dma_start3A_1108, %dma_start3A_1109, %dma_start3A_1112, %dma_start3A_1113] : memref<4x4x2x1024xf32, #tpu.memory_space<vmem>> -> memref<1x1x2x1024xf32, #tpu.memory_space<vmem>>
      %dma_start3A_1115 = tpu.memref_squeeze %dma_start3A_1114 : memref<1x1x2x1024xf32, #tpu.memory_space<vmem>> -> memref<2x1024xf32, #tpu.memory_space<vmem>>
      %dma_start3A_1116 = arith.constant 0 : i32
      %dma_start3A_1117 = tpu.memref_slice %arg4[%dma_start3A_1110, %add3A_1047, %dma_start3A_1116] : memref<4x8192x1024xf32, #tpu.memory_space<hbm>> -> memref<1x2x1024xf32, #tpu.memory_space<hbm>>
      %dma_start3A_1118 = tpu.memref_squeeze %dma_start3A_1117 : memref<1x2x1024xf32, #tpu.memory_space<hbm>> -> memref<2x1024xf32, #tpu.memory_space<hbm>>
      %dma_start3A_1119 = tpu.memref_slice %arg9[%dma_start3A_1111] : memref<4x!tpu.dma_semaphore, #tpu.memory_space<semaphore_mem>> -> memref<1x!tpu.dma_semaphore, #tpu.memory_space<semaphore_mem>>
      %dma_start3A_1120 = tpu.memref_squeeze %dma_start3A_1119 : memref<1x!tpu.dma_semaphore, #tpu.memory_space<semaphore_mem>> -> memref<!tpu.dma_semaphore, #tpu.memory_space<semaphore_mem>>
      %dma_start3A_1121 = arith.constant 0 : i32
      %dma_start3A_1122 = tpu.memref_slice %arg4[%dma_start3A_1110, %add3A_1047, %dma_start3A_1121] : memref<4x8192x1024xf32, #tpu.memory_space<hbm>> -> memref<1x2x1024xf32, #tpu.memory_space<hbm>>
      %dma_start3A_1123 = tpu.memref_squeeze %dma_start3A_1122 : memref<1x2x1024xf32, #tpu.memory_space<hbm>> -> memref<2x1024xf32, #tpu.memory_space<hbm>>
      %dma_start3A_1124 = arith.constant 0 : i32
      %dma_start3A_1125 = arith.constant 0 : i32
      %dma_start3A_1126 = tpu.memref_slice %arg7[%dma_start3A_1108, %dma_start3A_1109, %dma_start3A_1124, %dma_start3A_1125] : memref<4x4x2x1024xf32, #tpu.memory_space<vmem>> -> memref<1x1x2x1024xf32, #tpu.memory_space<vmem>>
      %dma_start3A_1127 = tpu.memref_squeeze %dma_start3A_1126 : memref<1x1x2x1024xf32, #tpu.memory_space<vmem>> -> memref<2x1024xf32, #tpu.memory_space<vmem>>
      tpu.enqueue_dma source(%dma_start3A_1127 : memref<2x1024xf32, #tpu.memory_space<vmem>>) target(%dma_start3A_1123 : memref<2x1024xf32, #tpu.memory_space<hbm>>) target_semaphore(%dma_start3A_1120 : memref<!tpu.dma_semaphore, #tpu.memory_space<semaphore_mem>>)
      %add3A_1128 = arith.constant 1 : i32
      %add3A_1129 = arith.addi %add3A_729, %add3A_1128 : i32
      %add3A_1130 = arith.constant 4 : i32
      %add3A_1131 = arith.addi %add3A_1129, %add3A_1130 : i32
      %lt3A_1132 = arith.constant 128 : i32
      %lt3A_1133 = arith.cmpi slt, %add3A_1131, %lt3A_1132 : i32
      %convert_element_type3A_1134 = arith.extui %lt3A_1133 : i1 to i32
      %cond3A_1135 = arith.constant 0 : i32
      %cond3A_1136 = arith.cmpi ne, %convert_element_type3A_1134, %cond3A_1135 : i32
      scf.if %cond3A_1136 {
        %add3A_1549 = arith.constant 4 : i32
        %add3A_1550 = arith.addi %add3A_932, %add3A_1549 : i32
        %mul3A_1551 = arith.constant 2 : i32
        %mul3A_1552 = arith.muli %add3A_1550, %mul3A_1551 : i32
        %add3A_1553 = arith.addi %mul3A_2, %mul3A_1552 : i32
        %dma_start3A_1554 = arith.constant 1 : i32
        %dma_start3A_1555 = arith.constant 1 : i32
        %dma_start3A_1556 = arith.constant 0 : i32
        %dma_start3A_1557 = arith.constant 0 : i32
        %dma_start3A_1558 = tpu.memref_slice %arg6[%dma_start3A_1554, %dma_start3A_1556, %dma_start3A_1557] : memref<4x2x1024xf32, #tpu.memory_space<vmem>> -> memref<1x2x1024xf32, #tpu.memory_space<vmem>>
        %dma_start3A_1559 = tpu.memref_squeeze %dma_start3A_1558 : memref<1x2x1024xf32, #tpu.memory_space<vmem>> -> memref<2x1024xf32, #tpu.memory_space<vmem>>
        %dma_start3A_1560 = arith.constant 0 : i32
        %dma_start3A_1561 = tpu.memref_slice %arg3[%add3A_1553, %dma_start3A_1560] : memref<8192x1024xf32, #tpu.memory_space<hbm>> -> memref<2x1024xf32, #tpu.memory_space<hbm>>
        %dma_start3A_1562 = tpu.memref_slice %arg8[%dma_start3A_1555] : memref<4x!tpu.dma_semaphore, #tpu.memory_space<semaphore_mem>> -> memref<1x!tpu.dma_semaphore, #tpu.memory_space<semaphore_mem>>
        %dma_start3A_1563 = tpu.memref_squeeze %dma_start3A_1562 : memref<1x!tpu.dma_semaphore, #tpu.memory_space<semaphore_mem>> -> memref<!tpu.dma_semaphore, #tpu.memory_space<semaphore_mem>>
        %dma_start3A_1564 = arith.constant 0 : i32
        %dma_start3A_1565 = arith.constant 0 : i32
        %dma_start3A_1566 = tpu.memref_slice %arg6[%dma_start3A_1554, %dma_start3A_1564, %dma_start3A_1565] : memref<4x2x1024xf32, #tpu.memory_space<vmem>> -> memref<1x2x1024xf32, #tpu.memory_space<vmem>>
        %dma_start3A_1567 = tpu.memref_squeeze %dma_start3A_1566 : memref<1x2x1024xf32, #tpu.memory_space<vmem>> -> memref<2x1024xf32, #tpu.memory_space<vmem>>
        %dma_start3A_1568 = arith.constant 0 : i32
        %dma_start3A_1569 = tpu.memref_slice %arg3[%add3A_1553, %dma_start3A_1568] : memref<8192x1024xf32, #tpu.memory_space<hbm>> -> memref<2x1024xf32, #tpu.memory_space<hbm>>
        tpu.enqueue_dma source(%dma_start3A_1569 : memref<2x1024xf32, #tpu.memory_space<hbm>>) target(%dma_start3A_1567 : memref<2x1024xf32, #tpu.memory_space<vmem>>) target_semaphore(%dma_start3A_1563 : memref<!tpu.dma_semaphore, #tpu.memory_space<semaphore_mem>>)
        %dma_start3A_1570 = arith.constant 0 : i32
        %dma_start3A_1571 = arith.constant 1 : i32
        %dma_start3A_1572 = arith.constant 0 : i32
        %dma_start3A_1573 = arith.constant 1 : i32
        %dma_start3A_1574 = arith.constant 0 : i32
        %dma_start3A_1575 = arith.constant 0 : i32
        %dma_start3A_1576 = tpu.memref_slice %arg5[%dma_start3A_1571, %dma_start3A_1572, %dma_start3A_1574, %dma_start3A_1575] : memref<4x4x2x1024xf32, #tpu.memory_space<vmem>> -> memref<1x1x2x1024xf32, #tpu.memory_space<vmem>>
        %dma_start3A_1577 = tpu.memref_squeeze %dma_start3A_1576 : memref<1x1x2x1024xf32, #tpu.memory_space<vmem>> -> memref<2x1024xf32, #tpu.memory_space<vmem>>
        %dma_start3A_1578 = arith.constant 0 : i32
        %dma_start3A_1579 = tpu.memref_slice %arg2[%dma_start3A_1570, %add3A_1553, %dma_start3A_1578] : memref<4x8192x1024xf32, #tpu.memory_space<hbm>> -> memref<1x2x1024xf32, #tpu.memory_space<hbm>>
        %dma_start3A_1580 = tpu.memref_squeeze %dma_start3A_1579 : memref<1x2x1024xf32, #tpu.memory_space<hbm>> -> memref<2x1024xf32, #tpu.memory_space<hbm>>
        %dma_start3A_1581 = tpu.memref_slice %arg8[%dma_start3A_1573] : memref<4x!tpu.dma_semaphore, #tpu.memory_space<semaphore_mem>> -> memref<1x!tpu.dma_semaphore, #tpu.memory_space<semaphore_mem>>
        %dma_start3A_1582 = tpu.memref_squeeze %dma_start3A_1581 : memref<1x!tpu.dma_semaphore, #tpu.memory_space<semaphore_mem>> -> memref<!tpu.dma_semaphore, #tpu.memory_space<semaphore_mem>>
        %dma_start3A_1583 = arith.constant 0 : i32
        %dma_start3A_1584 = arith.constant 0 : i32
        %dma_start3A_1585 = tpu.memref_slice %arg5[%dma_start3A_1571, %dma_start3A_1572, %dma_start3A_1583, %dma_start3A_1584] : memref<4x4x2x1024xf32, #tpu.memory_space<vmem>> -> memref<1x1x2x1024xf32, #tpu.memory_space<vmem>>
        %dma_start3A_1586 = tpu.memref_squeeze %dma_start3A_1585 : memref<1x1x2x1024xf32, #tpu.memory_space<vmem>> -> memref<2x1024xf32, #tpu.memory_space<vmem>>
        %dma_start3A_1587 = arith.constant 0 : i32
        %dma_start3A_1588 = tpu.memref_slice %arg2[%dma_start3A_1570, %add3A_1553, %dma_start3A_1587] : memref<4x8192x1024xf32, #tpu.memory_space<hbm>> -> memref<1x2x1024xf32, #tpu.memory_space<hbm>>
        %dma_start3A_1589 = tpu.memref_squeeze %dma_start3A_1588 : memref<1x2x1024xf32, #tpu.memory_space<hbm>> -> memref<2x1024xf32, #tpu.memory_space<hbm>>
        tpu.enqueue_dma source(%dma_start3A_1589 : memref<2x1024xf32, #tpu.memory_space<hbm>>) target(%dma_start3A_1586 : memref<2x1024xf32, #tpu.memory_space<vmem>>) target_semaphore(%dma_start3A_1582 : memref<!tpu.dma_semaphore, #tpu.memory_space<semaphore_mem>>)
        %dma_start3A_1590 = arith.constant 1 : i32
        %dma_start3A_1591 = arith.constant 1 : i32
        %dma_start3A_1592 = arith.constant 1 : i32
        %dma_start3A_1593 = arith.constant 1 : i32
        %dma_start3A_1594 = arith.constant 0 : i32
        %dma_start3A_1595 = arith.constant 0 : i32
        %dma_start3A_1596 = tpu.memref_slice %arg5[%dma_start3A_1591, %dma_start3A_1592, %dma_start3A_1594, %dma_start3A_1595] : memref<4x4x2x1024xf32, #tpu.memory_space<vmem>> -> memref<1x1x2x1024xf32, #tpu.memory_space<vmem>>
        %dma_start3A_1597 = tpu.memref_squeeze %dma_start3A_1596 : memref<1x1x2x1024xf32, #tpu.memory_space<vmem>> -> memref<2x1024xf32, #tpu.memory_space<vmem>>
        %dma_start3A_1598 = arith.constant 0 : i32
        %dma_start3A_1599 = tpu.memref_slice %arg2[%dma_start3A_1590, %add3A_1553, %dma_start3A_1598] : memref<4x8192x1024xf32, #tpu.memory_space<hbm>> -> memref<1x2x1024xf32, #tpu.memory_space<hbm>>
        %dma_start3A_1600 = tpu.memref_squeeze %dma_start3A_1599 : memref<1x2x1024xf32, #tpu.memory_space<hbm>> -> memref<2x1024xf32, #tpu.memory_space<hbm>>
        %dma_start3A_1601 = tpu.memref_slice %arg8[%dma_start3A_1593] : memref<4x!tpu.dma_semaphore, #tpu.memory_space<semaphore_mem>> -> memref<1x!tpu.dma_semaphore, #tpu.memory_space<semaphore_mem>>
        %dma_start3A_1602 = tpu.memref_squeeze %dma_start3A_1601 : memref<1x!tpu.dma_semaphore, #tpu.memory_space<semaphore_mem>> -> memref<!tpu.dma_semaphore, #tpu.memory_space<semaphore_mem>>
        %dma_start3A_1603 = arith.constant 0 : i32
        %dma_start3A_1604 = arith.constant 0 : i32
        %dma_start3A_1605 = tpu.memref_slice %arg5[%dma_start3A_1591, %dma_start3A_1592, %dma_start3A_1603, %dma_start3A_1604] : memref<4x4x2x1024xf32, #tpu.memory_space<vmem>> -> memref<1x1x2x1024xf32, #tpu.memory_space<vmem>>
        %dma_start3A_1606 = tpu.memref_squeeze %dma_start3A_1605 : memref<1x1x2x1024xf32, #tpu.memory_space<vmem>> -> memref<2x1024xf32, #tpu.memory_space<vmem>>
        %dma_start3A_1607 = arith.constant 0 : i32
        %dma_start3A_1608 = tpu.memref_slice %arg2[%dma_start3A_1590, %add3A_1553, %dma_start3A_1607] : memref<4x8192x1024xf32, #tpu.memory_space<hbm>> -> memref<1x2x1024xf32, #tpu.memory_space<hbm>>
        %dma_start3A_1609 = tpu.memref_squeeze %dma_start3A_1608 : memref<1x2x1024xf32, #tpu.memory_space<hbm>> -> memref<2x1024xf32, #tpu.memory_space<hbm>>
        tpu.enqueue_dma source(%dma_start3A_1609 : memref<2x1024xf32, #tpu.memory_space<hbm>>) target(%dma_start3A_1606 : memref<2x1024xf32, #tpu.memory_space<vmem>>) target_semaphore(%dma_start3A_1602 : memref<!tpu.dma_semaphore, #tpu.memory_space<semaphore_mem>>)
        %dma_start3A_1610 = arith.constant 2 : i32
        %dma_start3A_1611 = arith.constant 1 : i32
        %dma_start3A_1612 = arith.constant 2 : i32
        %dma_start3A_1613 = arith.constant 1 : i32
        %dma_start3A_1614 = arith.constant 0 : i32
        %dma_start3A_1615 = arith.constant 0 : i32
        %dma_start3A_1616 = tpu.memref_slice %arg5[%dma_start3A_1611, %dma_start3A_1612, %dma_start3A_1614, %dma_start3A_1615] : memref<4x4x2x1024xf32, #tpu.memory_space<vmem>> -> memref<1x1x2x1024xf32, #tpu.memory_space<vmem>>
        %dma_start3A_1617 = tpu.memref_squeeze %dma_start3A_1616 : memref<1x1x2x1024xf32, #tpu.memory_space<vmem>> -> memref<2x1024xf32, #tpu.memory_space<vmem>>
        %dma_start3A_1618 = arith.constant 0 : i32
        %dma_start3A_1619 = tpu.memref_slice %arg2[%dma_start3A_1610, %add3A_1553, %dma_start3A_1618] : memref<4x8192x1024xf32, #tpu.memory_space<hbm>> -> memref<1x2x1024xf32, #tpu.memory_space<hbm>>
        %dma_start3A_1620 = tpu.memref_squeeze %dma_start3A_1619 : memref<1x2x1024xf32, #tpu.memory_space<hbm>> -> memref<2x1024xf32, #tpu.memory_space<hbm>>
        %dma_start3A_1621 = tpu.memref_slice %arg8[%dma_start3A_1613] : memref<4x!tpu.dma_semaphore, #tpu.memory_space<semaphore_mem>> -> memref<1x!tpu.dma_semaphore, #tpu.memory_space<semaphore_mem>>
        %dma_start3A_1622 = tpu.memref_squeeze %dma_start3A_1621 : memref<1x!tpu.dma_semaphore, #tpu.memory_space<semaphore_mem>> -> memref<!tpu.dma_semaphore, #tpu.memory_space<semaphore_mem>>
        %dma_start3A_1623 = arith.constant 0 : i32
        %dma_start3A_1624 = arith.constant 0 : i32
        %dma_start3A_1625 = tpu.memref_slice %arg5[%dma_start3A_1611, %dma_start3A_1612, %dma_start3A_1623, %dma_start3A_1624] : memref<4x4x2x1024xf32, #tpu.memory_space<vmem>> -> memref<1x1x2x1024xf32, #tpu.memory_space<vmem>>
        %dma_start3A_1626 = tpu.memref_squeeze %dma_start3A_1625 : memref<1x1x2x1024xf32, #tpu.memory_space<vmem>> -> memref<2x1024xf32, #tpu.memory_space<vmem>>
        %dma_start3A_1627 = arith.constant 0 : i32
        %dma_start3A_1628 = tpu.memref_slice %arg2[%dma_start3A_1610, %add3A_1553, %dma_start3A_1627] : memref<4x8192x1024xf32, #tpu.memory_space<hbm>> -> memref<1x2x1024xf32, #tpu.memory_space<hbm>>
        %dma_start3A_1629 = tpu.memref_squeeze %dma_start3A_1628 : memref<1x2x1024xf32, #tpu.memory_space<hbm>> -> memref<2x1024xf32, #tpu.memory_space<hbm>>
        tpu.enqueue_dma source(%dma_start3A_1629 : memref<2x1024xf32, #tpu.memory_space<hbm>>) target(%dma_start3A_1626 : memref<2x1024xf32, #tpu.memory_space<vmem>>) target_semaphore(%dma_start3A_1622 : memref<!tpu.dma_semaphore, #tpu.memory_space<semaphore_mem>>)
        %dma_start3A_1630 = arith.constant 3 : i32
        %dma_start3A_1631 = arith.constant 1 : i32
        %dma_start3A_1632 = arith.constant 3 : i32
        %dma_start3A_1633 = arith.constant 1 : i32
        %dma_start3A_1634 = arith.constant 0 : i32
        %dma_start3A_1635 = arith.constant 0 : i32
        %dma_start3A_1636 = tpu.memref_slice %arg5[%dma_start3A_1631, %dma_start3A_1632, %dma_start3A_1634, %dma_start3A_1635] : memref<4x4x2x1024xf32, #tpu.memory_space<vmem>> -> memref<1x1x2x1024xf32, #tpu.memory_space<vmem>>
        %dma_start3A_1637 = tpu.memref_squeeze %dma_start3A_1636 : memref<1x1x2x1024xf32, #tpu.memory_space<vmem>> -> memref<2x1024xf32, #tpu.memory_space<vmem>>
        %dma_start3A_1638 = arith.constant 0 : i32
        %dma_start3A_1639 = tpu.memref_slice %arg2[%dma_start3A_1630, %add3A_1553, %dma_start3A_1638] : memref<4x8192x1024xf32, #tpu.memory_space<hbm>> -> memref<1x2x1024xf32, #tpu.memory_space<hbm>>
        %dma_start3A_1640 = tpu.memref_squeeze %dma_start3A_1639 : memref<1x2x1024xf32, #tpu.memory_space<hbm>> -> memref<2x1024xf32, #tpu.memory_space<hbm>>
        %dma_start3A_1641 = tpu.memref_slice %arg8[%dma_start3A_1633] : memref<4x!tpu.dma_semaphore, #tpu.memory_space<semaphore_mem>> -> memref<1x!tpu.dma_semaphore, #tpu.memory_space<semaphore_mem>>
        %dma_start3A_1642 = tpu.memref_squeeze %dma_start3A_1641 : memref<1x!tpu.dma_semaphore, #tpu.memory_space<semaphore_mem>> -> memref<!tpu.dma_semaphore, #tpu.memory_space<semaphore_mem>>
        %dma_start3A_1643 = arith.constant 0 : i32
        %dma_start3A_1644 = arith.constant 0 : i32
        %dma_start3A_1645 = tpu.memref_slice %arg5[%dma_start3A_1631, %dma_start3A_1632, %dma_start3A_1643, %dma_start3A_1644] : memref<4x4x2x1024xf32, #tpu.memory_space<vmem>> -> memref<1x1x2x1024xf32, #tpu.memory_space<vmem>>
        %dma_start3A_1646 = tpu.memref_squeeze %dma_start3A_1645 : memref<1x1x2x1024xf32, #tpu.memory_space<vmem>> -> memref<2x1024xf32, #tpu.memory_space<vmem>>
        %dma_start3A_1647 = arith.constant 0 : i32
        %dma_start3A_1648 = tpu.memref_slice %arg2[%dma_start3A_1630, %add3A_1553, %dma_start3A_1647] : memref<4x8192x1024xf32, #tpu.memory_space<hbm>> -> memref<1x2x1024xf32, #tpu.memory_space<hbm>>
        %dma_start3A_1649 = tpu.memref_squeeze %dma_start3A_1648 : memref<1x2x1024xf32, #tpu.memory_space<hbm>> -> memref<2x1024xf32, #tpu.memory_space<hbm>>
        tpu.enqueue_dma source(%dma_start3A_1649 : memref<2x1024xf32, #tpu.memory_space<hbm>>) target(%dma_start3A_1646 : memref<2x1024xf32, #tpu.memory_space<vmem>>) target_semaphore(%dma_start3A_1642 : memref<!tpu.dma_semaphore, #tpu.memory_space<semaphore_mem>>)
      } else {
      }
      %add3A_1137 = arith.constant 2 : i32
      %add3A_1138 = arith.addi %add3A_729, %add3A_1137 : i32
      %mul3A_1139 = arith.constant 2 : i32
      %mul3A_1140 = arith.muli %add3A_1138, %mul3A_1139 : i32
      %add3A_1141 = arith.addi %mul3A_2, %mul3A_1140 : i32
      %dma_wait3A_1142 = arith.constant 2 : i32
      %dma_wait3A_1143 = arith.constant 2 : i32
      %dma_wait3A_1144 = arith.constant 0 : i32
      %dma_wait3A_1145 = arith.constant 0 : i32
      %dma_wait3A_1146 = tpu.memref_slice %arg6[%dma_wait3A_1142, %dma_wait3A_1144, %dma_wait3A_1145] : memref<4x2x1024xf32, #tpu.memory_space<vmem>> -> memref<1x2x1024xf32, #tpu.memory_space<vmem>>
      %dma_wait3A_1147 = tpu.memref_squeeze %dma_wait3A_1146 : memref<1x2x1024xf32, #tpu.memory_space<vmem>> -> memref<2x1024xf32, #tpu.memory_space<vmem>>
      %dma_wait3A_1148 = arith.constant 0 : i32
      %dma_wait3A_1149 = tpu.memref_slice %arg3[%add3A_1141, %dma_wait3A_1148] : memref<8192x1024xf32, #tpu.memory_space<hbm>> -> memref<2x1024xf32, #tpu.memory_space<hbm>>
      %dma_wait3A_1150 = tpu.memref_slice %arg8[%dma_wait3A_1143] : memref<4x!tpu.dma_semaphore, #tpu.memory_space<semaphore_mem>> -> memref<1x!tpu.dma_semaphore, #tpu.memory_space<semaphore_mem>>
      %dma_wait3A_1151 = tpu.memref_squeeze %dma_wait3A_1150 : memref<1x!tpu.dma_semaphore, #tpu.memory_space<semaphore_mem>> -> memref<!tpu.dma_semaphore, #tpu.memory_space<semaphore_mem>>
      %dma_wait3A_1152 = arith.constant 0 : i32
      %dma_wait3A_1153 = arith.constant 0 : i32
      %dma_wait3A_1154 = tpu.memref_slice %arg6[%dma_wait3A_1142, %dma_wait3A_1152, %dma_wait3A_1153] : memref<4x2x1024xf32, #tpu.memory_space<vmem>> -> memref<1x2x1024xf32, #tpu.memory_space<vmem>>
      %dma_wait3A_1155 = tpu.memref_squeeze %dma_wait3A_1154 : memref<1x2x1024xf32, #tpu.memory_space<vmem>> -> memref<2x1024xf32, #tpu.memory_space<vmem>>
      %dma_wait3A_1156 = arith.constant 0 : i32
      %dma_wait3A_1157 = tpu.memref_slice %arg3[%add3A_1141, %dma_wait3A_1156] : memref<8192x1024xf32, #tpu.memory_space<hbm>> -> memref<2x1024xf32, #tpu.memory_space<hbm>>
      tpu.wait_dma2 semaphore(%dma_wait3A_1151 : memref<!tpu.dma_semaphore, #tpu.memory_space<semaphore_mem>>) src(%dma_wait3A_1157 : memref<2x1024xf32, #tpu.memory_space<hbm>>) dst(%dma_wait3A_1155 : memref<2x1024xf32, #tpu.memory_space<vmem>>)
      %dma_wait3A_1158 = arith.constant 0 : i32
      %dma_wait3A_1159 = arith.constant 2 : i32
      %dma_wait3A_1160 = arith.constant 0 : i32
      %dma_wait3A_1161 = arith.constant 2 : i32
      %dma_wait3A_1162 = arith.constant 0 : i32
      %dma_wait3A_1163 = arith.constant 0 : i32
      %dma_wait3A_1164 = tpu.memref_slice %arg5[%dma_wait3A_1159, %dma_wait3A_1160, %dma_wait3A_1162, %dma_wait3A_1163] : memref<4x4x2x1024xf32, #tpu.memory_space<vmem>> -> memref<1x1x2x1024xf32, #tpu.memory_space<vmem>>
      %dma_wait3A_1165 = tpu.memref_squeeze %dma_wait3A_1164 : memref<1x1x2x1024xf32, #tpu.memory_space<vmem>> -> memref<2x1024xf32, #tpu.memory_space<vmem>>
      %dma_wait3A_1166 = arith.constant 0 : i32
      %dma_wait3A_1167 = tpu.memref_slice %arg2[%dma_wait3A_1158, %add3A_1141, %dma_wait3A_1166] : memref<4x8192x1024xf32, #tpu.memory_space<hbm>> -> memref<1x2x1024xf32, #tpu.memory_space<hbm>>
      %dma_wait3A_1168 = tpu.memref_squeeze %dma_wait3A_1167 : memref<1x2x1024xf32, #tpu.memory_space<hbm>> -> memref<2x1024xf32, #tpu.memory_space<hbm>>
      %dma_wait3A_1169 = tpu.memref_slice %arg8[%dma_wait3A_1161] : memref<4x!tpu.dma_semaphore, #tpu.memory_space<semaphore_mem>> -> memref<1x!tpu.dma_semaphore, #tpu.memory_space<semaphore_mem>>
      %dma_wait3A_1170 = tpu.memref_squeeze %dma_wait3A_1169 : memref<1x!tpu.dma_semaphore, #tpu.memory_space<semaphore_mem>> -> memref<!tpu.dma_semaphore, #tpu.memory_space<semaphore_mem>>
      %dma_wait3A_1171 = arith.constant 0 : i32
      %dma_wait3A_1172 = arith.constant 0 : i32
      %dma_wait3A_1173 = tpu.memref_slice %arg5[%dma_wait3A_1159, %dma_wait3A_1160, %dma_wait3A_1171, %dma_wait3A_1172] : memref<4x4x2x1024xf32, #tpu.memory_space<vmem>> -> memref<1x1x2x1024xf32, #tpu.memory_space<vmem>>
      %dma_wait3A_1174 = tpu.memref_squeeze %dma_wait3A_1173 : memref<1x1x2x1024xf32, #tpu.memory_space<vmem>> -> memref<2x1024xf32, #tpu.memory_space<vmem>>
      %dma_wait3A_1175 = arith.constant 0 : i32
      %dma_wait3A_1176 = tpu.memref_slice %arg2[%dma_wait3A_1158, %add3A_1141, %dma_wait3A_1175] : memref<4x8192x1024xf32, #tpu.memory_space<hbm>> -> memref<1x2x1024xf32, #tpu.memory_space<hbm>>
      %dma_wait3A_1177 = tpu.memref_squeeze %dma_wait3A_1176 : memref<1x2x1024xf32, #tpu.memory_space<hbm>> -> memref<2x1024xf32, #tpu.memory_space<hbm>>
      tpu.wait_dma2 semaphore(%dma_wait3A_1170 : memref<!tpu.dma_semaphore, #tpu.memory_space<semaphore_mem>>) src(%dma_wait3A_1177 : memref<2x1024xf32, #tpu.memory_space<hbm>>) dst(%dma_wait3A_1174 : memref<2x1024xf32, #tpu.memory_space<vmem>>)
      %dma_wait3A_1178 = arith.constant 1 : i32
      %dma_wait3A_1179 = arith.constant 2 : i32
      %dma_wait3A_1180 = arith.constant 1 : i32
      %dma_wait3A_1181 = arith.constant 2 : i32
      %dma_wait3A_1182 = arith.constant 0 : i32
      %dma_wait3A_1183 = arith.constant 0 : i32
      %dma_wait3A_1184 = tpu.memref_slice %arg5[%dma_wait3A_1179, %dma_wait3A_1180, %dma_wait3A_1182, %dma_wait3A_1183] : memref<4x4x2x1024xf32, #tpu.memory_space<vmem>> -> memref<1x1x2x1024xf32, #tpu.memory_space<vmem>>
      %dma_wait3A_1185 = tpu.memref_squeeze %dma_wait3A_1184 : memref<1x1x2x1024xf32, #tpu.memory_space<vmem>> -> memref<2x1024xf32, #tpu.memory_space<vmem>>
      %dma_wait3A_1186 = arith.constant 0 : i32
      %dma_wait3A_1187 = tpu.memref_slice %arg2[%dma_wait3A_1178, %add3A_1141, %dma_wait3A_1186] : memref<4x8192x1024xf32, #tpu.memory_space<hbm>> -> memref<1x2x1024xf32, #tpu.memory_space<hbm>>
      %dma_wait3A_1188 = tpu.memref_squeeze %dma_wait3A_1187 : memref<1x2x1024xf32, #tpu.memory_space<hbm>> -> memref<2x1024xf32, #tpu.memory_space<hbm>>
      %dma_wait3A_1189 = tpu.memref_slice %arg8[%dma_wait3A_1181] : memref<4x!tpu.dma_semaphore, #tpu.memory_space<semaphore_mem>> -> memref<1x!tpu.dma_semaphore, #tpu.memory_space<semaphore_mem>>
      %dma_wait3A_1190 = tpu.memref_squeeze %dma_wait3A_1189 : memref<1x!tpu.dma_semaphore, #tpu.memory_space<semaphore_mem>> -> memref<!tpu.dma_semaphore, #tpu.memory_space<semaphore_mem>>
      %dma_wait3A_1191 = arith.constant 0 : i32
      %dma_wait3A_1192 = arith.constant 0 : i32
      %dma_wait3A_1193 = tpu.memref_slice %arg5[%dma_wait3A_1179, %dma_wait3A_1180, %dma_wait3A_1191, %dma_wait3A_1192] : memref<4x4x2x1024xf32, #tpu.memory_space<vmem>> -> memref<1x1x2x1024xf32, #tpu.memory_space<vmem>>
      %dma_wait3A_1194 = tpu.memref_squeeze %dma_wait3A_1193 : memref<1x1x2x1024xf32, #tpu.memory_space<vmem>> -> memref<2x1024xf32, #tpu.memory_space<vmem>>
      %dma_wait3A_1195 = arith.constant 0 : i32
      %dma_wait3A_1196 = tpu.memref_slice %arg2[%dma_wait3A_1178, %add3A_1141, %dma_wait3A_1195] : memref<4x8192x1024xf32, #tpu.memory_space<hbm>> -> memref<1x2x1024xf32, #tpu.memory_space<hbm>>
      %dma_wait3A_1197 = tpu.memref_squeeze %dma_wait3A_1196 : memref<1x2x1024xf32, #tpu.memory_space<hbm>> -> memref<2x1024xf32, #tpu.memory_space<hbm>>
      tpu.wait_dma2 semaphore(%dma_wait3A_1190 : memref<!tpu.dma_semaphore, #tpu.memory_space<semaphore_mem>>) src(%dma_wait3A_1197 : memref<2x1024xf32, #tpu.memory_space<hbm>>) dst(%dma_wait3A_1194 : memref<2x1024xf32, #tpu.memory_space<vmem>>)
      %dma_wait3A_1198 = arith.constant 2 : i32
      %dma_wait3A_1199 = arith.constant 2 : i32
      %dma_wait3A_1200 = arith.constant 2 : i32
      %dma_wait3A_1201 = arith.constant 2 : i32
      %dma_wait3A_1202 = arith.constant 0 : i32
      %dma_wait3A_1203 = arith.constant 0 : i32
      %dma_wait3A_1204 = tpu.memref_slice %arg5[%dma_wait3A_1199, %dma_wait3A_1200, %dma_wait3A_1202, %dma_wait3A_1203] : memref<4x4x2x1024xf32, #tpu.memory_space<vmem>> -> memref<1x1x2x1024xf32, #tpu.memory_space<vmem>>
      %dma_wait3A_1205 = tpu.memref_squeeze %dma_wait3A_1204 : memref<1x1x2x1024xf32, #tpu.memory_space<vmem>> -> memref<2x1024xf32, #tpu.memory_space<vmem>>
      %dma_wait3A_1206 = arith.constant 0 : i32
      %dma_wait3A_1207 = tpu.memref_slice %arg2[%dma_wait3A_1198, %add3A_1141, %dma_wait3A_1206] : memref<4x8192x1024xf32, #tpu.memory_space<hbm>> -> memref<1x2x1024xf32, #tpu.memory_space<hbm>>
      %dma_wait3A_1208 = tpu.memref_squeeze %dma_wait3A_1207 : memref<1x2x1024xf32, #tpu.memory_space<hbm>> -> memref<2x1024xf32, #tpu.memory_space<hbm>>
      %dma_wait3A_1209 = tpu.memref_slice %arg8[%dma_wait3A_1201] : memref<4x!tpu.dma_semaphore, #tpu.memory_space<semaphore_mem>> -> memref<1x!tpu.dma_semaphore, #tpu.memory_space<semaphore_mem>>
      %dma_wait3A_1210 = tpu.memref_squeeze %dma_wait3A_1209 : memref<1x!tpu.dma_semaphore, #tpu.memory_space<semaphore_mem>> -> memref<!tpu.dma_semaphore, #tpu.memory_space<semaphore_mem>>
      %dma_wait3A_1211 = arith.constant 0 : i32
      %dma_wait3A_1212 = arith.constant 0 : i32
      %dma_wait3A_1213 = tpu.memref_slice %arg5[%dma_wait3A_1199, %dma_wait3A_1200, %dma_wait3A_1211, %dma_wait3A_1212] : memref<4x4x2x1024xf32, #tpu.memory_space<vmem>> -> memref<1x1x2x1024xf32, #tpu.memory_space<vmem>>
      %dma_wait3A_1214 = tpu.memref_squeeze %dma_wait3A_1213 : memref<1x1x2x1024xf32, #tpu.memory_space<vmem>> -> memref<2x1024xf32, #tpu.memory_space<vmem>>
      %dma_wait3A_1215 = arith.constant 0 : i32
      %dma_wait3A_1216 = tpu.memref_slice %arg2[%dma_wait3A_1198, %add3A_1141, %dma_wait3A_1215] : memref<4x8192x1024xf32, #tpu.memory_space<hbm>> -> memref<1x2x1024xf32, #tpu.memory_space<hbm>>
      %dma_wait3A_1217 = tpu.memref_squeeze %dma_wait3A_1216 : memref<1x2x1024xf32, #tpu.memory_space<hbm>> -> memref<2x1024xf32, #tpu.memory_space<hbm>>
      tpu.wait_dma2 semaphore(%dma_wait3A_1210 : memref<!tpu.dma_semaphore, #tpu.memory_space<semaphore_mem>>) src(%dma_wait3A_1217 : memref<2x1024xf32, #tpu.memory_space<hbm>>) dst(%dma_wait3A_1214 : memref<2x1024xf32, #tpu.memory_space<vmem>>)
      %dma_wait3A_1218 = arith.constant 3 : i32
      %dma_wait3A_1219 = arith.constant 2 : i32
      %dma_wait3A_1220 = arith.constant 3 : i32
      %dma_wait3A_1221 = arith.constant 2 : i32
      %dma_wait3A_1222 = arith.constant 0 : i32
      %dma_wait3A_1223 = arith.constant 0 : i32
      %dma_wait3A_1224 = tpu.memref_slice %arg5[%dma_wait3A_1219, %dma_wait3A_1220, %dma_wait3A_1222, %dma_wait3A_1223] : memref<4x4x2x1024xf32, #tpu.memory_space<vmem>> -> memref<1x1x2x1024xf32, #tpu.memory_space<vmem>>
      %dma_wait3A_1225 = tpu.memref_squeeze %dma_wait3A_1224 : memref<1x1x2x1024xf32, #tpu.memory_space<vmem>> -> memref<2x1024xf32, #tpu.memory_space<vmem>>
      %dma_wait3A_1226 = arith.constant 0 : i32
      %dma_wait3A_1227 = tpu.memref_slice %arg2[%dma_wait3A_1218, %add3A_1141, %dma_wait3A_1226] : memref<4x8192x1024xf32, #tpu.memory_space<hbm>> -> memref<1x2x1024xf32, #tpu.memory_space<hbm>>
      %dma_wait3A_1228 = tpu.memref_squeeze %dma_wait3A_1227 : memref<1x2x1024xf32, #tpu.memory_space<hbm>> -> memref<2x1024xf32, #tpu.memory_space<hbm>>
      %dma_wait3A_1229 = tpu.memref_slice %arg8[%dma_wait3A_1221] : memref<4x!tpu.dma_semaphore, #tpu.memory_space<semaphore_mem>> -> memref<1x!tpu.dma_semaphore, #tpu.memory_space<semaphore_mem>>
      %dma_wait3A_1230 = tpu.memref_squeeze %dma_wait3A_1229 : memref<1x!tpu.dma_semaphore, #tpu.memory_space<semaphore_mem>> -> memref<!tpu.dma_semaphore, #tpu.memory_space<semaphore_mem>>
      %dma_wait3A_1231 = arith.constant 0 : i32
      %dma_wait3A_1232 = arith.constant 0 : i32
      %dma_wait3A_1233 = tpu.memref_slice %arg5[%dma_wait3A_1219, %dma_wait3A_1220, %dma_wait3A_1231, %dma_wait3A_1232] : memref<4x4x2x1024xf32, #tpu.memory_space<vmem>> -> memref<1x1x2x1024xf32, #tpu.memory_space<vmem>>
      %dma_wait3A_1234 = tpu.memref_squeeze %dma_wait3A_1233 : memref<1x1x2x1024xf32, #tpu.memory_space<vmem>> -> memref<2x1024xf32, #tpu.memory_space<vmem>>
      %dma_wait3A_1235 = arith.constant 0 : i32
      %dma_wait3A_1236 = tpu.memref_slice %arg2[%dma_wait3A_1218, %add3A_1141, %dma_wait3A_1235] : memref<4x8192x1024xf32, #tpu.memory_space<hbm>> -> memref<1x2x1024xf32, #tpu.memory_space<hbm>>
      %dma_wait3A_1237 = tpu.memref_squeeze %dma_wait3A_1236 : memref<1x2x1024xf32, #tpu.memory_space<hbm>> -> memref<2x1024xf32, #tpu.memory_space<hbm>>
      tpu.wait_dma2 semaphore(%dma_wait3A_1230 : memref<!tpu.dma_semaphore, #tpu.memory_space<semaphore_mem>>) src(%dma_wait3A_1237 : memref<2x1024xf32, #tpu.memory_space<hbm>>) dst(%dma_wait3A_1234 : memref<2x1024xf32, #tpu.memory_space<vmem>>)
      %add3A_1238 = arith.constant 2 : i32
      %add3A_1239 = arith.addi %add3A_729, %add3A_1238 : i32
      %ge3A_1240 = arith.constant 4 : i32
      %ge3A_1241 = arith.cmpi sge, %add3A_1239, %ge3A_1240 : i32
      %convert_element_type3A_1242 = arith.extui %ge3A_1241 : i1 to i32
      %cond3A_1243 = arith.constant 0 : i32
      %cond3A_1244 = arith.cmpi ne, %convert_element_type3A_1242, %cond3A_1243 : i32
      scf.if %cond3A_1244 {
        %sub3A = arith.constant 4 : i32
        %sub3A_1549 = arith.subi %add3A_1138, %sub3A : i32
        %mul3A_1550 = arith.constant 2 : i32
        %mul3A_1551 = arith.muli %sub3A_1549, %mul3A_1550 : i32
        %add3A_1552 = arith.addi %mul3A_2, %mul3A_1551 : i32
        %dma_wait3A_1553 = arith.constant 2 : i32
        %dma_wait3A_1554 = arith.constant 0 : i32
        %dma_wait3A_1555 = arith.constant 0 : i32
        %dma_wait3A_1556 = arith.constant 2 : i32
        %dma_wait3A_1557 = arith.constant 0 : i32
        %dma_wait3A_1558 = arith.constant 0 : i32
        %dma_wait3A_1559 = tpu.memref_slice %arg7[%dma_wait3A_1553, %dma_wait3A_1554, %dma_wait3A_1557, %dma_wait3A_1558] : memref<4x4x2x1024xf32, #tpu.memory_space<vmem>> -> memref<1x1x2x1024xf32, #tpu.memory_space<vmem>>
        %dma_wait3A_1560 = tpu.memref_squeeze %dma_wait3A_1559 : memref<1x1x2x1024xf32, #tpu.memory_space<vmem>> -> memref<2x1024xf32, #tpu.memory_space<vmem>>
        %dma_wait3A_1561 = arith.constant 0 : i32
        %dma_wait3A_1562 = tpu.memref_slice %arg4[%dma_wait3A_1555, %add3A_1552, %dma_wait3A_1561] : memref<4x8192x1024xf32, #tpu.memory_space<hbm>> -> memref<1x2x1024xf32, #tpu.memory_space<hbm>>
        %dma_wait3A_1563 = tpu.memref_squeeze %dma_wait3A_1562 : memref<1x2x1024xf32, #tpu.memory_space<hbm>> -> memref<2x1024xf32, #tpu.memory_space<hbm>>
        %dma_wait3A_1564 = tpu.memref_slice %arg9[%dma_wait3A_1556] : memref<4x!tpu.dma_semaphore, #tpu.memory_space<semaphore_mem>> -> memref<1x!tpu.dma_semaphore, #tpu.memory_space<semaphore_mem>>
        %dma_wait3A_1565 = tpu.memref_squeeze %dma_wait3A_1564 : memref<1x!tpu.dma_semaphore, #tpu.memory_space<semaphore_mem>> -> memref<!tpu.dma_semaphore, #tpu.memory_space<semaphore_mem>>
        %dma_wait3A_1566 = arith.constant 0 : i32
        %dma_wait3A_1567 = tpu.memref_slice %arg4[%dma_wait3A_1555, %add3A_1552, %dma_wait3A_1566] : memref<4x8192x1024xf32, #tpu.memory_space<hbm>> -> memref<1x2x1024xf32, #tpu.memory_space<hbm>>
        %dma_wait3A_1568 = tpu.memref_squeeze %dma_wait3A_1567 : memref<1x2x1024xf32, #tpu.memory_space<hbm>> -> memref<2x1024xf32, #tpu.memory_space<hbm>>
        %dma_wait3A_1569 = arith.constant 0 : i32
        %dma_wait3A_1570 = arith.constant 0 : i32
        %dma_wait3A_1571 = tpu.memref_slice %arg7[%dma_wait3A_1553, %dma_wait3A_1554, %dma_wait3A_1569, %dma_wait3A_1570] : memref<4x4x2x1024xf32, #tpu.memory_space<vmem>> -> memref<1x1x2x1024xf32, #tpu.memory_space<vmem>>
        %dma_wait3A_1572 = tpu.memref_squeeze %dma_wait3A_1571 : memref<1x1x2x1024xf32, #tpu.memory_space<vmem>> -> memref<2x1024xf32, #tpu.memory_space<vmem>>
        tpu.wait_dma2 semaphore(%dma_wait3A_1565 : memref<!tpu.dma_semaphore, #tpu.memory_space<semaphore_mem>>) src(%dma_wait3A_1572 : memref<2x1024xf32, #tpu.memory_space<vmem>>) dst(%dma_wait3A_1568 : memref<2x1024xf32, #tpu.memory_space<hbm>>)
        %dma_wait3A_1573 = arith.constant 2 : i32
        %dma_wait3A_1574 = arith.constant 1 : i32
        %dma_wait3A_1575 = arith.constant 1 : i32
        %dma_wait3A_1576 = arith.constant 2 : i32
        %dma_wait3A_1577 = arith.constant 0 : i32
        %dma_wait3A_1578 = arith.constant 0 : i32
        %dma_wait3A_1579 = tpu.memref_slice %arg7[%dma_wait3A_1573, %dma_wait3A_1574, %dma_wait3A_1577, %dma_wait3A_1578] : memref<4x4x2x1024xf32, #tpu.memory_space<vmem>> -> memref<1x1x2x1024xf32, #tpu.memory_space<vmem>>
        %dma_wait3A_1580 = tpu.memref_squeeze %dma_wait3A_1579 : memref<1x1x2x1024xf32, #tpu.memory_space<vmem>> -> memref<2x1024xf32, #tpu.memory_space<vmem>>
        %dma_wait3A_1581 = arith.constant 0 : i32
        %dma_wait3A_1582 = tpu.memref_slice %arg4[%dma_wait3A_1575, %add3A_1552, %dma_wait3A_1581] : memref<4x8192x1024xf32, #tpu.memory_space<hbm>> -> memref<1x2x1024xf32, #tpu.memory_space<hbm>>
        %dma_wait3A_1583 = tpu.memref_squeeze %dma_wait3A_1582 : memref<1x2x1024xf32, #tpu.memory_space<hbm>> -> memref<2x1024xf32, #tpu.memory_space<hbm>>
        %dma_wait3A_1584 = tpu.memref_slice %arg9[%dma_wait3A_1576] : memref<4x!tpu.dma_semaphore, #tpu.memory_space<semaphore_mem>> -> memref<1x!tpu.dma_semaphore, #tpu.memory_space<semaphore_mem>>
        %dma_wait3A_1585 = tpu.memref_squeeze %dma_wait3A_1584 : memref<1x!tpu.dma_semaphore, #tpu.memory_space<semaphore_mem>> -> memref<!tpu.dma_semaphore, #tpu.memory_space<semaphore_mem>>
        %dma_wait3A_1586 = arith.constant 0 : i32
        %dma_wait3A_1587 = tpu.memref_slice %arg4[%dma_wait3A_1575, %add3A_1552, %dma_wait3A_1586] : memref<4x8192x1024xf32, #tpu.memory_space<hbm>> -> memref<1x2x1024xf32, #tpu.memory_space<hbm>>
        %dma_wait3A_1588 = tpu.memref_squeeze %dma_wait3A_1587 : memref<1x2x1024xf32, #tpu.memory_space<hbm>> -> memref<2x1024xf32, #tpu.memory_space<hbm>>
        %dma_wait3A_1589 = arith.constant 0 : i32
        %dma_wait3A_1590 = arith.constant 0 : i32
        %dma_wait3A_1591 = tpu.memref_slice %arg7[%dma_wait3A_1573, %dma_wait3A_1574, %dma_wait3A_1589, %dma_wait3A_1590] : memref<4x4x2x1024xf32, #tpu.memory_space<vmem>> -> memref<1x1x2x1024xf32, #tpu.memory_space<vmem>>
        %dma_wait3A_1592 = tpu.memref_squeeze %dma_wait3A_1591 : memref<1x1x2x1024xf32, #tpu.memory_space<vmem>> -> memref<2x1024xf32, #tpu.memory_space<vmem>>
        tpu.wait_dma2 semaphore(%dma_wait3A_1585 : memref<!tpu.dma_semaphore, #tpu.memory_space<semaphore_mem>>) src(%dma_wait3A_1592 : memref<2x1024xf32, #tpu.memory_space<vmem>>) dst(%dma_wait3A_1588 : memref<2x1024xf32, #tpu.memory_space<hbm>>)
        %dma_wait3A_1593 = arith.constant 2 : i32
        %dma_wait3A_1594 = arith.constant 2 : i32
        %dma_wait3A_1595 = arith.constant 2 : i32
        %dma_wait3A_1596 = arith.constant 2 : i32
        %dma_wait3A_1597 = arith.constant 0 : i32
        %dma_wait3A_1598 = arith.constant 0 : i32
        %dma_wait3A_1599 = tpu.memref_slice %arg7[%dma_wait3A_1593, %dma_wait3A_1594, %dma_wait3A_1597, %dma_wait3A_1598] : memref<4x4x2x1024xf32, #tpu.memory_space<vmem>> -> memref<1x1x2x1024xf32, #tpu.memory_space<vmem>>
        %dma_wait3A_1600 = tpu.memref_squeeze %dma_wait3A_1599 : memref<1x1x2x1024xf32, #tpu.memory_space<vmem>> -> memref<2x1024xf32, #tpu.memory_space<vmem>>
        %dma_wait3A_1601 = arith.constant 0 : i32
        %dma_wait3A_1602 = tpu.memref_slice %arg4[%dma_wait3A_1595, %add3A_1552, %dma_wait3A_1601] : memref<4x8192x1024xf32, #tpu.memory_space<hbm>> -> memref<1x2x1024xf32, #tpu.memory_space<hbm>>
        %dma_wait3A_1603 = tpu.memref_squeeze %dma_wait3A_1602 : memref<1x2x1024xf32, #tpu.memory_space<hbm>> -> memref<2x1024xf32, #tpu.memory_space<hbm>>
        %dma_wait3A_1604 = tpu.memref_slice %arg9[%dma_wait3A_1596] : memref<4x!tpu.dma_semaphore, #tpu.memory_space<semaphore_mem>> -> memref<1x!tpu.dma_semaphore, #tpu.memory_space<semaphore_mem>>
        %dma_wait3A_1605 = tpu.memref_squeeze %dma_wait3A_1604 : memref<1x!tpu.dma_semaphore, #tpu.memory_space<semaphore_mem>> -> memref<!tpu.dma_semaphore, #tpu.memory_space<semaphore_mem>>
        %dma_wait3A_1606 = arith.constant 0 : i32
        %dma_wait3A_1607 = tpu.memref_slice %arg4[%dma_wait3A_1595, %add3A_1552, %dma_wait3A_1606] : memref<4x8192x1024xf32, #tpu.memory_space<hbm>> -> memref<1x2x1024xf32, #tpu.memory_space<hbm>>
        %dma_wait3A_1608 = tpu.memref_squeeze %dma_wait3A_1607 : memref<1x2x1024xf32, #tpu.memory_space<hbm>> -> memref<2x1024xf32, #tpu.memory_space<hbm>>
        %dma_wait3A_1609 = arith.constant 0 : i32
        %dma_wait3A_1610 = arith.constant 0 : i32
        %dma_wait3A_1611 = tpu.memref_slice %arg7[%dma_wait3A_1593, %dma_wait3A_1594, %dma_wait3A_1609, %dma_wait3A_1610] : memref<4x4x2x1024xf32, #tpu.memory_space<vmem>> -> memref<1x1x2x1024xf32, #tpu.memory_space<vmem>>
        %dma_wait3A_1612 = tpu.memref_squeeze %dma_wait3A_1611 : memref<1x1x2x1024xf32, #tpu.memory_space<vmem>> -> memref<2x1024xf32, #tpu.memory_space<vmem>>
        tpu.wait_dma2 semaphore(%dma_wait3A_1605 : memref<!tpu.dma_semaphore, #tpu.memory_space<semaphore_mem>>) src(%dma_wait3A_1612 : memref<2x1024xf32, #tpu.memory_space<vmem>>) dst(%dma_wait3A_1608 : memref<2x1024xf32, #tpu.memory_space<hbm>>)
        %dma_wait3A_1613 = arith.constant 2 : i32
        %dma_wait3A_1614 = arith.constant 3 : i32
        %dma_wait3A_1615 = arith.constant 3 : i32
        %dma_wait3A_1616 = arith.constant 2 : i32
        %dma_wait3A_1617 = arith.constant 0 : i32
        %dma_wait3A_1618 = arith.constant 0 : i32
        %dma_wait3A_1619 = tpu.memref_slice %arg7[%dma_wait3A_1613, %dma_wait3A_1614, %dma_wait3A_1617, %dma_wait3A_1618] : memref<4x4x2x1024xf32, #tpu.memory_space<vmem>> -> memref<1x1x2x1024xf32, #tpu.memory_space<vmem>>
        %dma_wait3A_1620 = tpu.memref_squeeze %dma_wait3A_1619 : memref<1x1x2x1024xf32, #tpu.memory_space<vmem>> -> memref<2x1024xf32, #tpu.memory_space<vmem>>
        %dma_wait3A_1621 = arith.constant 0 : i32
        %dma_wait3A_1622 = tpu.memref_slice %arg4[%dma_wait3A_1615, %add3A_1552, %dma_wait3A_1621] : memref<4x8192x1024xf32, #tpu.memory_space<hbm>> -> memref<1x2x1024xf32, #tpu.memory_space<hbm>>
        %dma_wait3A_1623 = tpu.memref_squeeze %dma_wait3A_1622 : memref<1x2x1024xf32, #tpu.memory_space<hbm>> -> memref<2x1024xf32, #tpu.memory_space<hbm>>
        %dma_wait3A_1624 = tpu.memref_slice %arg9[%dma_wait3A_1616] : memref<4x!tpu.dma_semaphore, #tpu.memory_space<semaphore_mem>> -> memref<1x!tpu.dma_semaphore, #tpu.memory_space<semaphore_mem>>
        %dma_wait3A_1625 = tpu.memref_squeeze %dma_wait3A_1624 : memref<1x!tpu.dma_semaphore, #tpu.memory_space<semaphore_mem>> -> memref<!tpu.dma_semaphore, #tpu.memory_space<semaphore_mem>>
        %dma_wait3A_1626 = arith.constant 0 : i32
        %dma_wait3A_1627 = tpu.memref_slice %arg4[%dma_wait3A_1615, %add3A_1552, %dma_wait3A_1626] : memref<4x8192x1024xf32, #tpu.memory_space<hbm>> -> memref<1x2x1024xf32, #tpu.memory_space<hbm>>
        %dma_wait3A_1628 = tpu.memref_squeeze %dma_wait3A_1627 : memref<1x2x1024xf32, #tpu.memory_space<hbm>> -> memref<2x1024xf32, #tpu.memory_space<hbm>>
        %dma_wait3A_1629 = arith.constant 0 : i32
        %dma_wait3A_1630 = arith.constant 0 : i32
        %dma_wait3A_1631 = tpu.memref_slice %arg7[%dma_wait3A_1613, %dma_wait3A_1614, %dma_wait3A_1629, %dma_wait3A_1630] : memref<4x4x2x1024xf32, #tpu.memory_space<vmem>> -> memref<1x1x2x1024xf32, #tpu.memory_space<vmem>>
        %dma_wait3A_1632 = tpu.memref_squeeze %dma_wait3A_1631 : memref<1x1x2x1024xf32, #tpu.memory_space<vmem>> -> memref<2x1024xf32, #tpu.memory_space<vmem>>
        tpu.wait_dma2 semaphore(%dma_wait3A_1625 : memref<!tpu.dma_semaphore, #tpu.memory_space<semaphore_mem>>) src(%dma_wait3A_1632 : memref<2x1024xf32, #tpu.memory_space<vmem>>) dst(%dma_wait3A_1628 : memref<2x1024xf32, #tpu.memory_space<hbm>>)
      } else {
      }
      %parallel_loop3A_1245 = arith.constant 0 : i32
      %parallel_loop3A_1246 = arith.constant 1024 : i32
      %parallel_loop3A_1247 = arith.constant 16 : i32
      scf.for %parallel_loop3A_1549 = %parallel_loop3A_1245 to %parallel_loop3A_1246 step %parallel_loop3A_1247  : i32 {
        %parallel_loop3A_1550 = arith.constant 2 : i32
        %parallel_loop3A_1551 = arith.constant 0 : i32
        %parallel_loop3A_1552 = arith.index_cast %parallel_loop3A_1550 : i32 to index
        %parallel_loop3A_1553 = arith.index_cast %parallel_loop3A_1551 : i32 to index
        %parallel_loop3A_1554 = arith.index_cast %parallel_loop3A_1549 : i32 to index
        %parallel_loop3A_1555 = tpu.vector_load %arg6[%parallel_loop3A_1552, %parallel_loop3A_1553, %parallel_loop3A_1554] {strides = array<i32>} : memref<4x2x1024xf32, #tpu.memory_space<vmem>>, vector<1x1x16xf32>,
        %parallel_loop3A_1556 = vector.shape_cast %parallel_loop3A_1555 : vector<1x1x16xf32> to vector<16xf32>
        %parallel_loop3A_1557 = arith.constant 2 : i32
        %parallel_loop3A_1558 = arith.constant 0 : i32
        %parallel_loop3A_1559 = arith.constant 0 : i32
        %parallel_loop3A_1560 = arith.index_cast %parallel_loop3A_1557 : i32 to index
        %parallel_loop3A_1561 = arith.index_cast %parallel_loop3A_1558 : i32 to index
        %parallel_loop3A_1562 = arith.index_cast %parallel_loop3A_1559 : i32 to index
        %parallel_loop3A_1563 = arith.index_cast %parallel_loop3A_1549 : i32 to index
        %parallel_loop3A_1564 = tpu.vector_load %arg5[%parallel_loop3A_1560, %parallel_loop3A_1561, %parallel_loop3A_1562, %parallel_loop3A_1563] {strides = array<i32>} : memref<4x4x2x1024xf32, #tpu.memory_space<vmem>>, vector<1x1x1x16xf32>,
        %parallel_loop3A_1565 = vector.shape_cast %parallel_loop3A_1564 : vector<1x1x1x16xf32> to vector<16xf32>
        %parallel_loop3A_1566 = arith.addf %parallel_loop3A_1565, %parallel_loop3A_1556 : vector<16xf32>
        %parallel_loop3A_1567 = arith.constant 2 : i32
        %parallel_loop3A_1568 = arith.constant 0 : i32
        %parallel_loop3A_1569 = arith.constant 0 : i32
        %parallel_loop3A_1570 = arith.index_cast %parallel_loop3A_1567 : i32 to index
        %parallel_loop3A_1571 = arith.index_cast %parallel_loop3A_1568 : i32 to index
        %parallel_loop3A_1572 = arith.index_cast %parallel_loop3A_1569 : i32 to index
        %parallel_loop3A_1573 = arith.index_cast %parallel_loop3A_1549 : i32 to index
        %parallel_loop3A_1574 = tpu.vector_load %arg7[%parallel_loop3A_1570, %parallel_loop3A_1571, %parallel_loop3A_1572, %parallel_loop3A_1573] {strides = array<i32>} : memref<4x4x2x1024xf32, #tpu.memory_space<vmem>>, vector<1x1x1x16xf32>,
        %parallel_loop3A_1575 = vector.shape_cast %parallel_loop3A_1574 : vector<1x1x1x16xf32> to vector<16xf32>
        %parallel_loop3A_1576 = vector.shape_cast %parallel_loop3A_1566 : vector<16xf32> to vector<1x1x1x16xf32>
        tpu.vector_store %arg7[%parallel_loop3A_1570, %parallel_loop3A_1571, %parallel_loop3A_1572, %parallel_loop3A_1573], %parallel_loop3A_1576 {strides = array<i32>} : memref<4x4x2x1024xf32, #tpu.memory_space<vmem>>, vector<1x1x1x16xf32>,
        %parallel_loop3A_1577 = arith.constant 2 : i32
        %parallel_loop3A_1578 = arith.constant 1 : i32
        %parallel_loop3A_1579 = arith.constant 0 : i32
        %parallel_loop3A_1580 = arith.index_cast %parallel_loop3A_1577 : i32 to index
        %parallel_loop3A_1581 = arith.index_cast %parallel_loop3A_1578 : i32 to index
        %parallel_loop3A_1582 = arith.index_cast %parallel_loop3A_1579 : i32 to index
        %parallel_loop3A_1583 = arith.index_cast %parallel_loop3A_1549 : i32 to index
        %parallel_loop3A_1584 = tpu.vector_load %arg5[%parallel_loop3A_1580, %parallel_loop3A_1581, %parallel_loop3A_1582, %parallel_loop3A_1583] {strides = array<i32>} : memref<4x4x2x1024xf32, #tpu.memory_space<vmem>>, vector<1x1x1x16xf32>,
        %parallel_loop3A_1585 = vector.shape_cast %parallel_loop3A_1584 : vector<1x1x1x16xf32> to vector<16xf32>
        %parallel_loop3A_1586 = arith.addf %parallel_loop3A_1585, %parallel_loop3A_1556 : vector<16xf32>
        %parallel_loop3A_1587 = arith.constant 2 : i32
        %parallel_loop3A_1588 = arith.constant 1 : i32
        %parallel_loop3A_1589 = arith.constant 0 : i32
        %parallel_loop3A_1590 = arith.index_cast %parallel_loop3A_1587 : i32 to index
        %parallel_loop3A_1591 = arith.index_cast %parallel_loop3A_1588 : i32 to index
        %parallel_loop3A_1592 = arith.index_cast %parallel_loop3A_1589 : i32 to index
        %parallel_loop3A_1593 = arith.index_cast %parallel_loop3A_1549 : i32 to index
        %parallel_loop3A_1594 = tpu.vector_load %arg7[%parallel_loop3A_1590, %parallel_loop3A_1591, %parallel_loop3A_1592, %parallel_loop3A_1593] {strides = array<i32>} : memref<4x4x2x1024xf32, #tpu.memory_space<vmem>>, vector<1x1x1x16xf32>,
        %parallel_loop3A_1595 = vector.shape_cast %parallel_loop3A_1594 : vector<1x1x1x16xf32> to vector<16xf32>
        %parallel_loop3A_1596 = vector.shape_cast %parallel_loop3A_1586 : vector<16xf32> to vector<1x1x1x16xf32>
        tpu.vector_store %arg7[%parallel_loop3A_1590, %parallel_loop3A_1591, %parallel_loop3A_1592, %parallel_loop3A_1593], %parallel_loop3A_1596 {strides = array<i32>} : memref<4x4x2x1024xf32, #tpu.memory_space<vmem>>, vector<1x1x1x16xf32>,
        %parallel_loop3A_1597 = arith.constant 2 : i32
        %parallel_loop3A_1598 = arith.constant 2 : i32
        %parallel_loop3A_1599 = arith.constant 0 : i32
        %parallel_loop3A_1600 = arith.index_cast %parallel_loop3A_1597 : i32 to index
        %parallel_loop3A_1601 = arith.index_cast %parallel_loop3A_1598 : i32 to index
        %parallel_loop3A_1602 = arith.index_cast %parallel_loop3A_1599 : i32 to index
        %parallel_loop3A_1603 = arith.index_cast %parallel_loop3A_1549 : i32 to index
        %parallel_loop3A_1604 = tpu.vector_load %arg5[%parallel_loop3A_1600, %parallel_loop3A_1601, %parallel_loop3A_1602, %parallel_loop3A_1603] {strides = array<i32>} : memref<4x4x2x1024xf32, #tpu.memory_space<vmem>>, vector<1x1x1x16xf32>,
        %parallel_loop3A_1605 = vector.shape_cast %parallel_loop3A_1604 : vector<1x1x1x16xf32> to vector<16xf32>
        %parallel_loop3A_1606 = arith.addf %parallel_loop3A_1605, %parallel_loop3A_1556 : vector<16xf32>
        %parallel_loop3A_1607 = arith.constant 2 : i32
        %parallel_loop3A_1608 = arith.constant 2 : i32
        %parallel_loop3A_1609 = arith.constant 0 : i32
        %parallel_loop3A_1610 = arith.index_cast %parallel_loop3A_1607 : i32 to index
        %parallel_loop3A_1611 = arith.index_cast %parallel_loop3A_1608 : i32 to index
        %parallel_loop3A_1612 = arith.index_cast %parallel_loop3A_1609 : i32 to index
        %parallel_loop3A_1613 = arith.index_cast %parallel_loop3A_1549 : i32 to index
        %parallel_loop3A_1614 = tpu.vector_load %arg7[%parallel_loop3A_1610, %parallel_loop3A_1611, %parallel_loop3A_1612, %parallel_loop3A_1613] {strides = array<i32>} : memref<4x4x2x1024xf32, #tpu.memory_space<vmem>>, vector<1x1x1x16xf32>,
        %parallel_loop3A_1615 = vector.shape_cast %parallel_loop3A_1614 : vector<1x1x1x16xf32> to vector<16xf32>
        %parallel_loop3A_1616 = vector.shape_cast %parallel_loop3A_1606 : vector<16xf32> to vector<1x1x1x16xf32>
        tpu.vector_store %arg7[%parallel_loop3A_1610, %parallel_loop3A_1611, %parallel_loop3A_1612, %parallel_loop3A_1613], %parallel_loop3A_1616 {strides = array<i32>} : memref<4x4x2x1024xf32, #tpu.memory_space<vmem>>, vector<1x1x1x16xf32>,
        %parallel_loop3A_1617 = arith.constant 2 : i32
        %parallel_loop3A_1618 = arith.constant 3 : i32
        %parallel_loop3A_1619 = arith.constant 0 : i32
        %parallel_loop3A_1620 = arith.index_cast %parallel_loop3A_1617 : i32 to index
        %parallel_loop3A_1621 = arith.index_cast %parallel_loop3A_1618 : i32 to index
        %parallel_loop3A_1622 = arith.index_cast %parallel_loop3A_1619 : i32 to index
        %parallel_loop3A_1623 = arith.index_cast %parallel_loop3A_1549 : i32 to index
        %parallel_loop3A_1624 = tpu.vector_load %arg5[%parallel_loop3A_1620, %parallel_loop3A_1621, %parallel_loop3A_1622, %parallel_loop3A_1623] {strides = array<i32>} : memref<4x4x2x1024xf32, #tpu.memory_space<vmem>>, vector<1x1x1x16xf32>,
        %parallel_loop3A_1625 = vector.shape_cast %parallel_loop3A_1624 : vector<1x1x1x16xf32> to vector<16xf32>
        %parallel_loop3A_1626 = arith.addf %parallel_loop3A_1625, %parallel_loop3A_1556 : vector<16xf32>
        %parallel_loop3A_1627 = arith.constant 2 : i32
        %parallel_loop3A_1628 = arith.constant 3 : i32
        %parallel_loop3A_1629 = arith.constant 0 : i32
        %parallel_loop3A_1630 = arith.index_cast %parallel_loop3A_1627 : i32 to index
        %parallel_loop3A_1631 = arith.index_cast %parallel_loop3A_1628 : i32 to index
        %parallel_loop3A_1632 = arith.index_cast %parallel_loop3A_1629 : i32 to index
        %parallel_loop3A_1633 = arith.index_cast %parallel_loop3A_1549 : i32 to index
        %parallel_loop3A_1634 = tpu.vector_load %arg7[%parallel_loop3A_1630, %parallel_loop3A_1631, %parallel_loop3A_1632, %parallel_loop3A_1633] {strides = array<i32>} : memref<4x4x2x1024xf32, #tpu.memory_space<vmem>>, vector<1x1x1x16xf32>,
        %parallel_loop3A_1635 = vector.shape_cast %parallel_loop3A_1634 : vector<1x1x1x16xf32> to vector<16xf32>
        %parallel_loop3A_1636 = vector.shape_cast %parallel_loop3A_1626 : vector<16xf32> to vector<1x1x1x16xf32>
        tpu.vector_store %arg7[%parallel_loop3A_1630, %parallel_loop3A_1631, %parallel_loop3A_1632, %parallel_loop3A_1633], %parallel_loop3A_1636 {strides = array<i32>} : memref<4x4x2x1024xf32, #tpu.memory_space<vmem>>, vector<1x1x1x16xf32>,
      } {sc.loop_unroll_factor = 8 : i64, sc.parallel_access}
      %parallel_loop3A_1248 = arith.constant 0 : i32
      %parallel_loop3A_1249 = arith.constant 1024 : i32
      %parallel_loop3A_1250 = arith.constant 16 : i32
      scf.for %parallel_loop3A_1549 = %parallel_loop3A_1248 to %parallel_loop3A_1249 step %parallel_loop3A_1250  : i32 {
        %parallel_loop3A_1550 = arith.constant 2 : i32
        %parallel_loop3A_1551 = arith.constant 1 : i32
        %parallel_loop3A_1552 = arith.index_cast %parallel_loop3A_1550 : i32 to index
        %parallel_loop3A_1553 = arith.index_cast %parallel_loop3A_1551 : i32 to index
        %parallel_loop3A_1554 = arith.index_cast %parallel_loop3A_1549 : i32 to index
        %parallel_loop3A_1555 = tpu.vector_load %arg6[%parallel_loop3A_1552, %parallel_loop3A_1553, %parallel_loop3A_1554] {strides = array<i32>} : memref<4x2x1024xf32, #tpu.memory_space<vmem>>, vector<1x1x16xf32>,
        %parallel_loop3A_1556 = vector.shape_cast %parallel_loop3A_1555 : vector<1x1x16xf32> to vector<16xf32>
        %parallel_loop3A_1557 = arith.constant 2 : i32
        %parallel_loop3A_1558 = arith.constant 0 : i32
        %parallel_loop3A_1559 = arith.constant 1 : i32
        %parallel_loop3A_1560 = arith.index_cast %parallel_loop3A_1557 : i32 to index
        %parallel_loop3A_1561 = arith.index_cast %parallel_loop3A_1558 : i32 to index
        %parallel_loop3A_1562 = arith.index_cast %parallel_loop3A_1559 : i32 to index
        %parallel_loop3A_1563 = arith.index_cast %parallel_loop3A_1549 : i32 to index
        %parallel_loop3A_1564 = tpu.vector_load %arg5[%parallel_loop3A_1560, %parallel_loop3A_1561, %parallel_loop3A_1562, %parallel_loop3A_1563] {strides = array<i32>} : memref<4x4x2x1024xf32, #tpu.memory_space<vmem>>, vector<1x1x1x16xf32>,
        %parallel_loop3A_1565 = vector.shape_cast %parallel_loop3A_1564 : vector<1x1x1x16xf32> to vector<16xf32>
        %parallel_loop3A_1566 = arith.addf %parallel_loop3A_1565, %parallel_loop3A_1556 : vector<16xf32>
        %parallel_loop3A_1567 = arith.constant 2 : i32
        %parallel_loop3A_1568 = arith.constant 0 : i32
        %parallel_loop3A_1569 = arith.constant 1 : i32
        %parallel_loop3A_1570 = arith.index_cast %parallel_loop3A_1567 : i32 to index
        %parallel_loop3A_1571 = arith.index_cast %parallel_loop3A_1568 : i32 to index
        %parallel_loop3A_1572 = arith.index_cast %parallel_loop3A_1569 : i32 to index
        %parallel_loop3A_1573 = arith.index_cast %parallel_loop3A_1549 : i32 to index
        %parallel_loop3A_1574 = tpu.vector_load %arg7[%parallel_loop3A_1570, %parallel_loop3A_1571, %parallel_loop3A_1572, %parallel_loop3A_1573] {strides = array<i32>} : memref<4x4x2x1024xf32, #tpu.memory_space<vmem>>, vector<1x1x1x16xf32>,
        %parallel_loop3A_1575 = vector.shape_cast %parallel_loop3A_1574 : vector<1x1x1x16xf32> to vector<16xf32>
        %parallel_loop3A_1576 = vector.shape_cast %parallel_loop3A_1566 : vector<16xf32> to vector<1x1x1x16xf32>
        tpu.vector_store %arg7[%parallel_loop3A_1570, %parallel_loop3A_1571, %parallel_loop3A_1572, %parallel_loop3A_1573], %parallel_loop3A_1576 {strides = array<i32>} : memref<4x4x2x1024xf32, #tpu.memory_space<vmem>>, vector<1x1x1x16xf32>,
        %parallel_loop3A_1577 = arith.constant 2 : i32
        %parallel_loop3A_1578 = arith.constant 1 : i32
        %parallel_loop3A_1579 = arith.constant 1 : i32
        %parallel_loop3A_1580 = arith.index_cast %parallel_loop3A_1577 : i32 to index
        %parallel_loop3A_1581 = arith.index_cast %parallel_loop3A_1578 : i32 to index
        %parallel_loop3A_1582 = arith.index_cast %parallel_loop3A_1579 : i32 to index
        %parallel_loop3A_1583 = arith.index_cast %parallel_loop3A_1549 : i32 to index
        %parallel_loop3A_1584 = tpu.vector_load %arg5[%parallel_loop3A_1580, %parallel_loop3A_1581, %parallel_loop3A_1582, %parallel_loop3A_1583] {strides = array<i32>} : memref<4x4x2x1024xf32, #tpu.memory_space<vmem>>, vector<1x1x1x16xf32>,
        %parallel_loop3A_1585 = vector.shape_cast %parallel_loop3A_1584 : vector<1x1x1x16xf32> to vector<16xf32>
        %parallel_loop3A_1586 = arith.addf %parallel_loop3A_1585, %parallel_loop3A_1556 : vector<16xf32>
        %parallel_loop3A_1587 = arith.constant 2 : i32
        %parallel_loop3A_1588 = arith.constant 1 : i32
        %parallel_loop3A_1589 = arith.constant 1 : i32
        %parallel_loop3A_1590 = arith.index_cast %parallel_loop3A_1587 : i32 to index
        %parallel_loop3A_1591 = arith.index_cast %parallel_loop3A_1588 : i32 to index
        %parallel_loop3A_1592 = arith.index_cast %parallel_loop3A_1589 : i32 to index
        %parallel_loop3A_1593 = arith.index_cast %parallel_loop3A_1549 : i32 to index
        %parallel_loop3A_1594 = tpu.vector_load %arg7[%parallel_loop3A_1590, %parallel_loop3A_1591, %parallel_loop3A_1592, %parallel_loop3A_1593] {strides = array<i32>} : memref<4x4x2x1024xf32, #tpu.memory_space<vmem>>, vector<1x1x1x16xf32>,
        %parallel_loop3A_1595 = vector.shape_cast %parallel_loop3A_1594 : vector<1x1x1x16xf32> to vector<16xf32>
        %parallel_loop3A_1596 = vector.shape_cast %parallel_loop3A_1586 : vector<16xf32> to vector<1x1x1x16xf32>
        tpu.vector_store %arg7[%parallel_loop3A_1590, %parallel_loop3A_1591, %parallel_loop3A_1592, %parallel_loop3A_1593], %parallel_loop3A_1596 {strides = array<i32>} : memref<4x4x2x1024xf32, #tpu.memory_space<vmem>>, vector<1x1x1x16xf32>,
        %parallel_loop3A_1597 = arith.constant 2 : i32
        %parallel_loop3A_1598 = arith.constant 2 : i32
        %parallel_loop3A_1599 = arith.constant 1 : i32
        %parallel_loop3A_1600 = arith.index_cast %parallel_loop3A_1597 : i32 to index
        %parallel_loop3A_1601 = arith.index_cast %parallel_loop3A_1598 : i32 to index
        %parallel_loop3A_1602 = arith.index_cast %parallel_loop3A_1599 : i32 to index
        %parallel_loop3A_1603 = arith.index_cast %parallel_loop3A_1549 : i32 to index
        %parallel_loop3A_1604 = tpu.vector_load %arg5[%parallel_loop3A_1600, %parallel_loop3A_1601, %parallel_loop3A_1602, %parallel_loop3A_1603] {strides = array<i32>} : memref<4x4x2x1024xf32, #tpu.memory_space<vmem>>, vector<1x1x1x16xf32>,
        %parallel_loop3A_1605 = vector.shape_cast %parallel_loop3A_1604 : vector<1x1x1x16xf32> to vector<16xf32>
        %parallel_loop3A_1606 = arith.addf %parallel_loop3A_1605, %parallel_loop3A_1556 : vector<16xf32>
        %parallel_loop3A_1607 = arith.constant 2 : i32
        %parallel_loop3A_1608 = arith.constant 2 : i32
        %parallel_loop3A_1609 = arith.constant 1 : i32
        %parallel_loop3A_1610 = arith.index_cast %parallel_loop3A_1607 : i32 to index
        %parallel_loop3A_1611 = arith.index_cast %parallel_loop3A_1608 : i32 to index
        %parallel_loop3A_1612 = arith.index_cast %parallel_loop3A_1609 : i32 to index
        %parallel_loop3A_1613 = arith.index_cast %parallel_loop3A_1549 : i32 to index
        %parallel_loop3A_1614 = tpu.vector_load %arg7[%parallel_loop3A_1610, %parallel_loop3A_1611, %parallel_loop3A_1612, %parallel_loop3A_1613] {strides = array<i32>} : memref<4x4x2x1024xf32, #tpu.memory_space<vmem>>, vector<1x1x1x16xf32>,
        %parallel_loop3A_1615 = vector.shape_cast %parallel_loop3A_1614 : vector<1x1x1x16xf32> to vector<16xf32>
        %parallel_loop3A_1616 = vector.shape_cast %parallel_loop3A_1606 : vector<16xf32> to vector<1x1x1x16xf32>
        tpu.vector_store %arg7[%parallel_loop3A_1610, %parallel_loop3A_1611, %parallel_loop3A_1612, %parallel_loop3A_1613], %parallel_loop3A_1616 {strides = array<i32>} : memref<4x4x2x1024xf32, #tpu.memory_space<vmem>>, vector<1x1x1x16xf32>,
        %parallel_loop3A_1617 = arith.constant 2 : i32
        %parallel_loop3A_1618 = arith.constant 3 : i32
        %parallel_loop3A_1619 = arith.constant 1 : i32
        %parallel_loop3A_1620 = arith.index_cast %parallel_loop3A_1617 : i32 to index
        %parallel_loop3A_1621 = arith.index_cast %parallel_loop3A_1618 : i32 to index
        %parallel_loop3A_1622 = arith.index_cast %parallel_loop3A_1619 : i32 to index
        %parallel_loop3A_1623 = arith.index_cast %parallel_loop3A_1549 : i32 to index
        %parallel_loop3A_1624 = tpu.vector_load %arg5[%parallel_loop3A_1620, %parallel_loop3A_1621, %parallel_loop3A_1622, %parallel_loop3A_1623] {strides = array<i32>} : memref<4x4x2x1024xf32, #tpu.memory_space<vmem>>, vector<1x1x1x16xf32>,
        %parallel_loop3A_1625 = vector.shape_cast %parallel_loop3A_1624 : vector<1x1x1x16xf32> to vector<16xf32>
        %parallel_loop3A_1626 = arith.addf %parallel_loop3A_1625, %parallel_loop3A_1556 : vector<16xf32>
        %parallel_loop3A_1627 = arith.constant 2 : i32
        %parallel_loop3A_1628 = arith.constant 3 : i32
        %parallel_loop3A_1629 = arith.constant 1 : i32
        %parallel_loop3A_1630 = arith.index_cast %parallel_loop3A_1627 : i32 to index
        %parallel_loop3A_1631 = arith.index_cast %parallel_loop3A_1628 : i32 to index
        %parallel_loop3A_1632 = arith.index_cast %parallel_loop3A_1629 : i32 to index
        %parallel_loop3A_1633 = arith.index_cast %parallel_loop3A_1549 : i32 to index
        %parallel_loop3A_1634 = tpu.vector_load %arg7[%parallel_loop3A_1630, %parallel_loop3A_1631, %parallel_loop3A_1632, %parallel_loop3A_1633] {strides = array<i32>} : memref<4x4x2x1024xf32, #tpu.memory_space<vmem>>, vector<1x1x1x16xf32>,
        %parallel_loop3A_1635 = vector.shape_cast %parallel_loop3A_1634 : vector<1x1x1x16xf32> to vector<16xf32>
        %parallel_loop3A_1636 = vector.shape_cast %parallel_loop3A_1626 : vector<16xf32> to vector<1x1x1x16xf32>
        tpu.vector_store %arg7[%parallel_loop3A_1630, %parallel_loop3A_1631, %parallel_loop3A_1632, %parallel_loop3A_1633], %parallel_loop3A_1636 {strides = array<i32>} : memref<4x4x2x1024xf32, #tpu.memory_space<vmem>>, vector<1x1x1x16xf32>,
      } {sc.loop_unroll_factor = 8 : i64, sc.parallel_access}
      %mul3A_1251 = arith.constant 2 : i32
      %mul3A_1252 = arith.muli %add3A_1138, %mul3A_1251 : i32
      %add3A_1253 = arith.addi %mul3A_2, %mul3A_1252 : i32
      %dma_start3A_1254 = arith.constant 2 : i32
      %dma_start3A_1255 = arith.constant 0 : i32
      %dma_start3A_1256 = arith.constant 0 : i32
      %dma_start3A_1257 = arith.constant 2 : i32
      %dma_start3A_1258 = arith.constant 0 : i32
      %dma_start3A_1259 = arith.constant 0 : i32
      %dma_start3A_1260 = tpu.memref_slice %arg7[%dma_start3A_1254, %dma_start3A_1255, %dma_start3A_1258, %dma_start3A_1259] : memref<4x4x2x1024xf32, #tpu.memory_space<vmem>> -> memref<1x1x2x1024xf32, #tpu.memory_space<vmem>>
      %dma_start3A_1261 = tpu.memref_squeeze %dma_start3A_1260 : memref<1x1x2x1024xf32, #tpu.memory_space<vmem>> -> memref<2x1024xf32, #tpu.memory_space<vmem>>
      %dma_start3A_1262 = arith.constant 0 : i32
      %dma_start3A_1263 = tpu.memref_slice %arg4[%dma_start3A_1256, %add3A_1253, %dma_start3A_1262] : memref<4x8192x1024xf32, #tpu.memory_space<hbm>> -> memref<1x2x1024xf32, #tpu.memory_space<hbm>>
      %dma_start3A_1264 = tpu.memref_squeeze %dma_start3A_1263 : memref<1x2x1024xf32, #tpu.memory_space<hbm>> -> memref<2x1024xf32, #tpu.memory_space<hbm>>
      %dma_start3A_1265 = tpu.memref_slice %arg9[%dma_start3A_1257] : memref<4x!tpu.dma_semaphore, #tpu.memory_space<semaphore_mem>> -> memref<1x!tpu.dma_semaphore, #tpu.memory_space<semaphore_mem>>
      %dma_start3A_1266 = tpu.memref_squeeze %dma_start3A_1265 : memref<1x!tpu.dma_semaphore, #tpu.memory_space<semaphore_mem>> -> memref<!tpu.dma_semaphore, #tpu.memory_space<semaphore_mem>>
      %dma_start3A_1267 = arith.constant 0 : i32
      %dma_start3A_1268 = tpu.memref_slice %arg4[%dma_start3A_1256, %add3A_1253, %dma_start3A_1267] : memref<4x8192x1024xf32, #tpu.memory_space<hbm>> -> memref<1x2x1024xf32, #tpu.memory_space<hbm>>
      %dma_start3A_1269 = tpu.memref_squeeze %dma_start3A_1268 : memref<1x2x1024xf32, #tpu.memory_space<hbm>> -> memref<2x1024xf32, #tpu.memory_space<hbm>>
      %dma_start3A_1270 = arith.constant 0 : i32
      %dma_start3A_1271 = arith.constant 0 : i32
      %dma_start3A_1272 = tpu.memref_slice %arg7[%dma_start3A_1254, %dma_start3A_1255, %dma_start3A_1270, %dma_start3A_1271] : memref<4x4x2x1024xf32, #tpu.memory_space<vmem>> -> memref<1x1x2x1024xf32, #tpu.memory_space<vmem>>
      %dma_start3A_1273 = tpu.memref_squeeze %dma_start3A_1272 : memref<1x1x2x1024xf32, #tpu.memory_space<vmem>> -> memref<2x1024xf32, #tpu.memory_space<vmem>>
      tpu.enqueue_dma source(%dma_start3A_1273 : memref<2x1024xf32, #tpu.memory_space<vmem>>) target(%dma_start3A_1269 : memref<2x1024xf32, #tpu.memory_space<hbm>>) target_semaphore(%dma_start3A_1266 : memref<!tpu.dma_semaphore, #tpu.memory_space<semaphore_mem>>)
      %dma_start3A_1274 = arith.constant 2 : i32
      %dma_start3A_1275 = arith.constant 1 : i32
      %dma_start3A_1276 = arith.constant 1 : i32
      %dma_start3A_1277 = arith.constant 2 : i32
      %dma_start3A_1278 = arith.constant 0 : i32
      %dma_start3A_1279 = arith.constant 0 : i32
      %dma_start3A_1280 = tpu.memref_slice %arg7[%dma_start3A_1274, %dma_start3A_1275, %dma_start3A_1278, %dma_start3A_1279] : memref<4x4x2x1024xf32, #tpu.memory_space<vmem>> -> memref<1x1x2x1024xf32, #tpu.memory_space<vmem>>
      %dma_start3A_1281 = tpu.memref_squeeze %dma_start3A_1280 : memref<1x1x2x1024xf32, #tpu.memory_space<vmem>> -> memref<2x1024xf32, #tpu.memory_space<vmem>>
      %dma_start3A_1282 = arith.constant 0 : i32
      %dma_start3A_1283 = tpu.memref_slice %arg4[%dma_start3A_1276, %add3A_1253, %dma_start3A_1282] : memref<4x8192x1024xf32, #tpu.memory_space<hbm>> -> memref<1x2x1024xf32, #tpu.memory_space<hbm>>
      %dma_start3A_1284 = tpu.memref_squeeze %dma_start3A_1283 : memref<1x2x1024xf32, #tpu.memory_space<hbm>> -> memref<2x1024xf32, #tpu.memory_space<hbm>>
      %dma_start3A_1285 = tpu.memref_slice %arg9[%dma_start3A_1277] : memref<4x!tpu.dma_semaphore, #tpu.memory_space<semaphore_mem>> -> memref<1x!tpu.dma_semaphore, #tpu.memory_space<semaphore_mem>>
      %dma_start3A_1286 = tpu.memref_squeeze %dma_start3A_1285 : memref<1x!tpu.dma_semaphore, #tpu.memory_space<semaphore_mem>> -> memref<!tpu.dma_semaphore, #tpu.memory_space<semaphore_mem>>
      %dma_start3A_1287 = arith.constant 0 : i32
      %dma_start3A_1288 = tpu.memref_slice %arg4[%dma_start3A_1276, %add3A_1253, %dma_start3A_1287] : memref<4x8192x1024xf32, #tpu.memory_space<hbm>> -> memref<1x2x1024xf32, #tpu.memory_space<hbm>>
      %dma_start3A_1289 = tpu.memref_squeeze %dma_start3A_1288 : memref<1x2x1024xf32, #tpu.memory_space<hbm>> -> memref<2x1024xf32, #tpu.memory_space<hbm>>
      %dma_start3A_1290 = arith.constant 0 : i32
      %dma_start3A_1291 = arith.constant 0 : i32
      %dma_start3A_1292 = tpu.memref_slice %arg7[%dma_start3A_1274, %dma_start3A_1275, %dma_start3A_1290, %dma_start3A_1291] : memref<4x4x2x1024xf32, #tpu.memory_space<vmem>> -> memref<1x1x2x1024xf32, #tpu.memory_space<vmem>>
      %dma_start3A_1293 = tpu.memref_squeeze %dma_start3A_1292 : memref<1x1x2x1024xf32, #tpu.memory_space<vmem>> -> memref<2x1024xf32, #tpu.memory_space<vmem>>
      tpu.enqueue_dma source(%dma_start3A_1293 : memref<2x1024xf32, #tpu.memory_space<vmem>>) target(%dma_start3A_1289 : memref<2x1024xf32, #tpu.memory_space<hbm>>) target_semaphore(%dma_start3A_1286 : memref<!tpu.dma_semaphore, #tpu.memory_space<semaphore_mem>>)
      %dma_start3A_1294 = arith.constant 2 : i32
      %dma_start3A_1295 = arith.constant 2 : i32
      %dma_start3A_1296 = arith.constant 2 : i32
      %dma_start3A_1297 = arith.constant 2 : i32
      %dma_start3A_1298 = arith.constant 0 : i32
      %dma_start3A_1299 = arith.constant 0 : i32
      %dma_start3A_1300 = tpu.memref_slice %arg7[%dma_start3A_1294, %dma_start3A_1295, %dma_start3A_1298, %dma_start3A_1299] : memref<4x4x2x1024xf32, #tpu.memory_space<vmem>> -> memref<1x1x2x1024xf32, #tpu.memory_space<vmem>>
      %dma_start3A_1301 = tpu.memref_squeeze %dma_start3A_1300 : memref<1x1x2x1024xf32, #tpu.memory_space<vmem>> -> memref<2x1024xf32, #tpu.memory_space<vmem>>
      %dma_start3A_1302 = arith.constant 0 : i32
      %dma_start3A_1303 = tpu.memref_slice %arg4[%dma_start3A_1296, %add3A_1253, %dma_start3A_1302] : memref<4x8192x1024xf32, #tpu.memory_space<hbm>> -> memref<1x2x1024xf32, #tpu.memory_space<hbm>>
      %dma_start3A_1304 = tpu.memref_squeeze %dma_start3A_1303 : memref<1x2x1024xf32, #tpu.memory_space<hbm>> -> memref<2x1024xf32, #tpu.memory_space<hbm>>
      %dma_start3A_1305 = tpu.memref_slice %arg9[%dma_start3A_1297] : memref<4x!tpu.dma_semaphore, #tpu.memory_space<semaphore_mem>> -> memref<1x!tpu.dma_semaphore, #tpu.memory_space<semaphore_mem>>
      %dma_start3A_1306 = tpu.memref_squeeze %dma_start3A_1305 : memref<1x!tpu.dma_semaphore, #tpu.memory_space<semaphore_mem>> -> memref<!tpu.dma_semaphore, #tpu.memory_space<semaphore_mem>>
      %dma_start3A_1307 = arith.constant 0 : i32
      %dma_start3A_1308 = tpu.memref_slice %arg4[%dma_start3A_1296, %add3A_1253, %dma_start3A_1307] : memref<4x8192x1024xf32, #tpu.memory_space<hbm>> -> memref<1x2x1024xf32, #tpu.memory_space<hbm>>
      %dma_start3A_1309 = tpu.memref_squeeze %dma_start3A_1308 : memref<1x2x1024xf32, #tpu.memory_space<hbm>> -> memref<2x1024xf32, #tpu.memory_space<hbm>>
      %dma_start3A_1310 = arith.constant 0 : i32
      %dma_start3A_1311 = arith.constant 0 : i32
      %dma_start3A_1312 = tpu.memref_slice %arg7[%dma_start3A_1294, %dma_start3A_1295, %dma_start3A_1310, %dma_start3A_1311] : memref<4x4x2x1024xf32, #tpu.memory_space<vmem>> -> memref<1x1x2x1024xf32, #tpu.memory_space<vmem>>
      %dma_start3A_1313 = tpu.memref_squeeze %dma_start3A_1312 : memref<1x1x2x1024xf32, #tpu.memory_space<vmem>> -> memref<2x1024xf32, #tpu.memory_space<vmem>>
      tpu.enqueue_dma source(%dma_start3A_1313 : memref<2x1024xf32, #tpu.memory_space<vmem>>) target(%dma_start3A_1309 : memref<2x1024xf32, #tpu.memory_space<hbm>>) target_semaphore(%dma_start3A_1306 : memref<!tpu.dma_semaphore, #tpu.memory_space<semaphore_mem>>)
      %dma_start3A_1314 = arith.constant 2 : i32
      %dma_start3A_1315 = arith.constant 3 : i32
      %dma_start3A_1316 = arith.constant 3 : i32
      %dma_start3A_1317 = arith.constant 2 : i32
      %dma_start3A_1318 = arith.constant 0 : i32
      %dma_start3A_1319 = arith.constant 0 : i32
      %dma_start3A_1320 = tpu.memref_slice %arg7[%dma_start3A_1314, %dma_start3A_1315, %dma_start3A_1318, %dma_start3A_1319] : memref<4x4x2x1024xf32, #tpu.memory_space<vmem>> -> memref<1x1x2x1024xf32, #tpu.memory_space<vmem>>
      %dma_start3A_1321 = tpu.memref_squeeze %dma_start3A_1320 : memref<1x1x2x1024xf32, #tpu.memory_space<vmem>> -> memref<2x1024xf32, #tpu.memory_space<vmem>>
      %dma_start3A_1322 = arith.constant 0 : i32
      %dma_start3A_1323 = tpu.memref_slice %arg4[%dma_start3A_1316, %add3A_1253, %dma_start3A_1322] : memref<4x8192x1024xf32, #tpu.memory_space<hbm>> -> memref<1x2x1024xf32, #tpu.memory_space<hbm>>
      %dma_start3A_1324 = tpu.memref_squeeze %dma_start3A_1323 : memref<1x2x1024xf32, #tpu.memory_space<hbm>> -> memref<2x1024xf32, #tpu.memory_space<hbm>>
      %dma_start3A_1325 = tpu.memref_slice %arg9[%dma_start3A_1317] : memref<4x!tpu.dma_semaphore, #tpu.memory_space<semaphore_mem>> -> memref<1x!tpu.dma_semaphore, #tpu.memory_space<semaphore_mem>>
      %dma_start3A_1326 = tpu.memref_squeeze %dma_start3A_1325 : memref<1x!tpu.dma_semaphore, #tpu.memory_space<semaphore_mem>> -> memref<!tpu.dma_semaphore, #tpu.memory_space<semaphore_mem>>
      %dma_start3A_1327 = arith.constant 0 : i32
      %dma_start3A_1328 = tpu.memref_slice %arg4[%dma_start3A_1316, %add3A_1253, %dma_start3A_1327] : memref<4x8192x1024xf32, #tpu.memory_space<hbm>> -> memref<1x2x1024xf32, #tpu.memory_space<hbm>>
      %dma_start3A_1329 = tpu.memref_squeeze %dma_start3A_1328 : memref<1x2x1024xf32, #tpu.memory_space<hbm>> -> memref<2x1024xf32, #tpu.memory_space<hbm>>
      %dma_start3A_1330 = arith.constant 0 : i32
      %dma_start3A_1331 = arith.constant 0 : i32
      %dma_start3A_1332 = tpu.memref_slice %arg7[%dma_start3A_1314, %dma_start3A_1315, %dma_start3A_1330, %dma_start3A_1331] : memref<4x4x2x1024xf32, #tpu.memory_space<vmem>> -> memref<1x1x2x1024xf32, #tpu.memory_space<vmem>>
      %dma_start3A_1333 = tpu.memref_squeeze %dma_start3A_1332 : memref<1x1x2x1024xf32, #tpu.memory_space<vmem>> -> memref<2x1024xf32, #tpu.memory_space<vmem>>
      tpu.enqueue_dma source(%dma_start3A_1333 : memref<2x1024xf32, #tpu.memory_space<vmem>>) target(%dma_start3A_1329 : memref<2x1024xf32, #tpu.memory_space<hbm>>) target_semaphore(%dma_start3A_1326 : memref<!tpu.dma_semaphore, #tpu.memory_space<semaphore_mem>>)
      %add3A_1334 = arith.constant 2 : i32
      %add3A_1335 = arith.addi %add3A_729, %add3A_1334 : i32
      %add3A_1336 = arith.constant 4 : i32
      %add3A_1337 = arith.addi %add3A_1335, %add3A_1336 : i32
      %lt3A_1338 = arith.constant 128 : i32
      %lt3A_1339 = arith.cmpi slt, %add3A_1337, %lt3A_1338 : i32
      %convert_element_type3A_1340 = arith.extui %lt3A_1339 : i1 to i32
      %cond3A_1341 = arith.constant 0 : i32
      %cond3A_1342 = arith.cmpi ne, %convert_element_type3A_1340, %cond3A_1341 : i32
      scf.if %cond3A_1342 {
        %add3A_1549 = arith.constant 4 : i32
        %add3A_1550 = arith.addi %add3A_1138, %add3A_1549 : i32
        %mul3A_1551 = arith.constant 2 : i32
        %mul3A_1552 = arith.muli %add3A_1550, %mul3A_1551 : i32
        %add3A_1553 = arith.addi %mul3A_2, %mul3A_1552 : i32
        %dma_start3A_1554 = arith.constant 2 : i32
        %dma_start3A_1555 = arith.constant 2 : i32
        %dma_start3A_1556 = arith.constant 0 : i32
        %dma_start3A_1557 = arith.constant 0 : i32
        %dma_start3A_1558 = tpu.memref_slice %arg6[%dma_start3A_1554, %dma_start3A_1556, %dma_start3A_1557] : memref<4x2x1024xf32, #tpu.memory_space<vmem>> -> memref<1x2x1024xf32, #tpu.memory_space<vmem>>
        %dma_start3A_1559 = tpu.memref_squeeze %dma_start3A_1558 : memref<1x2x1024xf32, #tpu.memory_space<vmem>> -> memref<2x1024xf32, #tpu.memory_space<vmem>>
        %dma_start3A_1560 = arith.constant 0 : i32
        %dma_start3A_1561 = tpu.memref_slice %arg3[%add3A_1553, %dma_start3A_1560] : memref<8192x1024xf32, #tpu.memory_space<hbm>> -> memref<2x1024xf32, #tpu.memory_space<hbm>>
        %dma_start3A_1562 = tpu.memref_slice %arg8[%dma_start3A_1555] : memref<4x!tpu.dma_semaphore, #tpu.memory_space<semaphore_mem>> -> memref<1x!tpu.dma_semaphore, #tpu.memory_space<semaphore_mem>>
        %dma_start3A_1563 = tpu.memref_squeeze %dma_start3A_1562 : memref<1x!tpu.dma_semaphore, #tpu.memory_space<semaphore_mem>> -> memref<!tpu.dma_semaphore, #tpu.memory_space<semaphore_mem>>
        %dma_start3A_1564 = arith.constant 0 : i32
        %dma_start3A_1565 = arith.constant 0 : i32
        %dma_start3A_1566 = tpu.memref_slice %arg6[%dma_start3A_1554, %dma_start3A_1564, %dma_start3A_1565] : memref<4x2x1024xf32, #tpu.memory_space<vmem>> -> memref<1x2x1024xf32, #tpu.memory_space<vmem>>
        %dma_start3A_1567 = tpu.memref_squeeze %dma_start3A_1566 : memref<1x2x1024xf32, #tpu.memory_space<vmem>> -> memref<2x1024xf32, #tpu.memory_space<vmem>>
        %dma_start3A_1568 = arith.constant 0 : i32
        %dma_start3A_1569 = tpu.memref_slice %arg3[%add3A_1553, %dma_start3A_1568] : memref<8192x1024xf32, #tpu.memory_space<hbm>> -> memref<2x1024xf32, #tpu.memory_space<hbm>>
        tpu.enqueue_dma source(%dma_start3A_1569 : memref<2x1024xf32, #tpu.memory_space<hbm>>) target(%dma_start3A_1567 : memref<2x1024xf32, #tpu.memory_space<vmem>>) target_semaphore(%dma_start3A_1563 : memref<!tpu.dma_semaphore, #tpu.memory_space<semaphore_mem>>)
        %dma_start3A_1570 = arith.constant 0 : i32
        %dma_start3A_1571 = arith.constant 2 : i32
        %dma_start3A_1572 = arith.constant 0 : i32
        %dma_start3A_1573 = arith.constant 2 : i32
        %dma_start3A_1574 = arith.constant 0 : i32
        %dma_start3A_1575 = arith.constant 0 : i32
        %dma_start3A_1576 = tpu.memref_slice %arg5[%dma_start3A_1571, %dma_start3A_1572, %dma_start3A_1574, %dma_start3A_1575] : memref<4x4x2x1024xf32, #tpu.memory_space<vmem>> -> memref<1x1x2x1024xf32, #tpu.memory_space<vmem>>
        %dma_start3A_1577 = tpu.memref_squeeze %dma_start3A_1576 : memref<1x1x2x1024xf32, #tpu.memory_space<vmem>> -> memref<2x1024xf32, #tpu.memory_space<vmem>>
        %dma_start3A_1578 = arith.constant 0 : i32
        %dma_start3A_1579 = tpu.memref_slice %arg2[%dma_start3A_1570, %add3A_1553, %dma_start3A_1578] : memref<4x8192x1024xf32, #tpu.memory_space<hbm>> -> memref<1x2x1024xf32, #tpu.memory_space<hbm>>
        %dma_start3A_1580 = tpu.memref_squeeze %dma_start3A_1579 : memref<1x2x1024xf32, #tpu.memory_space<hbm>> -> memref<2x1024xf32, #tpu.memory_space<hbm>>
        %dma_start3A_1581 = tpu.memref_slice %arg8[%dma_start3A_1573] : memref<4x!tpu.dma_semaphore, #tpu.memory_space<semaphore_mem>> -> memref<1x!tpu.dma_semaphore, #tpu.memory_space<semaphore_mem>>
        %dma_start3A_1582 = tpu.memref_squeeze %dma_start3A_1581 : memref<1x!tpu.dma_semaphore, #tpu.memory_space<semaphore_mem>> -> memref<!tpu.dma_semaphore, #tpu.memory_space<semaphore_mem>>
        %dma_start3A_1583 = arith.constant 0 : i32
        %dma_start3A_1584 = arith.constant 0 : i32
        %dma_start3A_1585 = tpu.memref_slice %arg5[%dma_start3A_1571, %dma_start3A_1572, %dma_start3A_1583, %dma_start3A_1584] : memref<4x4x2x1024xf32, #tpu.memory_space<vmem>> -> memref<1x1x2x1024xf32, #tpu.memory_space<vmem>>
        %dma_start3A_1586 = tpu.memref_squeeze %dma_start3A_1585 : memref<1x1x2x1024xf32, #tpu.memory_space<vmem>> -> memref<2x1024xf32, #tpu.memory_space<vmem>>
        %dma_start3A_1587 = arith.constant 0 : i32
        %dma_start3A_1588 = tpu.memref_slice %arg2[%dma_start3A_1570, %add3A_1553, %dma_start3A_1587] : memref<4x8192x1024xf32, #tpu.memory_space<hbm>> -> memref<1x2x1024xf32, #tpu.memory_space<hbm>>
        %dma_start3A_1589 = tpu.memref_squeeze %dma_start3A_1588 : memref<1x2x1024xf32, #tpu.memory_space<hbm>> -> memref<2x1024xf32, #tpu.memory_space<hbm>>
        tpu.enqueue_dma source(%dma_start3A_1589 : memref<2x1024xf32, #tpu.memory_space<hbm>>) target(%dma_start3A_1586 : memref<2x1024xf32, #tpu.memory_space<vmem>>) target_semaphore(%dma_start3A_1582 : memref<!tpu.dma_semaphore, #tpu.memory_space<semaphore_mem>>)
        %dma_start3A_1590 = arith.constant 1 : i32
        %dma_start3A_1591 = arith.constant 2 : i32
        %dma_start3A_1592 = arith.constant 1 : i32
        %dma_start3A_1593 = arith.constant 2 : i32
        %dma_start3A_1594 = arith.constant 0 : i32
        %dma_start3A_1595 = arith.constant 0 : i32
        %dma_start3A_1596 = tpu.memref_slice %arg5[%dma_start3A_1591, %dma_start3A_1592, %dma_start3A_1594, %dma_start3A_1595] : memref<4x4x2x1024xf32, #tpu.memory_space<vmem>> -> memref<1x1x2x1024xf32, #tpu.memory_space<vmem>>
        %dma_start3A_1597 = tpu.memref_squeeze %dma_start3A_1596 : memref<1x1x2x1024xf32, #tpu.memory_space<vmem>> -> memref<2x1024xf32, #tpu.memory_space<vmem>>
        %dma_start3A_1598 = arith.constant 0 : i32
        %dma_start3A_1599 = tpu.memref_slice %arg2[%dma_start3A_1590, %add3A_1553, %dma_start3A_1598] : memref<4x8192x1024xf32, #tpu.memory_space<hbm>> -> memref<1x2x1024xf32, #tpu.memory_space<hbm>>
        %dma_start3A_1600 = tpu.memref_squeeze %dma_start3A_1599 : memref<1x2x1024xf32, #tpu.memory_space<hbm>> -> memref<2x1024xf32, #tpu.memory_space<hbm>>
        %dma_start3A_1601 = tpu.memref_slice %arg8[%dma_start3A_1593] : memref<4x!tpu.dma_semaphore, #tpu.memory_space<semaphore_mem>> -> memref<1x!tpu.dma_semaphore, #tpu.memory_space<semaphore_mem>>
        %dma_start3A_1602 = tpu.memref_squeeze %dma_start3A_1601 : memref<1x!tpu.dma_semaphore, #tpu.memory_space<semaphore_mem>> -> memref<!tpu.dma_semaphore, #tpu.memory_space<semaphore_mem>>
        %dma_start3A_1603 = arith.constant 0 : i32
        %dma_start3A_1604 = arith.constant 0 : i32
        %dma_start3A_1605 = tpu.memref_slice %arg5[%dma_start3A_1591, %dma_start3A_1592, %dma_start3A_1603, %dma_start3A_1604] : memref<4x4x2x1024xf32, #tpu.memory_space<vmem>> -> memref<1x1x2x1024xf32, #tpu.memory_space<vmem>>
        %dma_start3A_1606 = tpu.memref_squeeze %dma_start3A_1605 : memref<1x1x2x1024xf32, #tpu.memory_space<vmem>> -> memref<2x1024xf32, #tpu.memory_space<vmem>>
        %dma_start3A_1607 = arith.constant 0 : i32
        %dma_start3A_1608 = tpu.memref_slice %arg2[%dma_start3A_1590, %add3A_1553, %dma_start3A_1607] : memref<4x8192x1024xf32, #tpu.memory_space<hbm>> -> memref<1x2x1024xf32, #tpu.memory_space<hbm>>
        %dma_start3A_1609 = tpu.memref_squeeze %dma_start3A_1608 : memref<1x2x1024xf32, #tpu.memory_space<hbm>> -> memref<2x1024xf32, #tpu.memory_space<hbm>>
        tpu.enqueue_dma source(%dma_start3A_1609 : memref<2x1024xf32, #tpu.memory_space<hbm>>) target(%dma_start3A_1606 : memref<2x1024xf32, #tpu.memory_space<vmem>>) target_semaphore(%dma_start3A_1602 : memref<!tpu.dma_semaphore, #tpu.memory_space<semaphore_mem>>)
        %dma_start3A_1610 = arith.constant 2 : i32
        %dma_start3A_1611 = arith.constant 2 : i32
        %dma_start3A_1612 = arith.constant 2 : i32
        %dma_start3A_1613 = arith.constant 2 : i32
        %dma_start3A_1614 = arith.constant 0 : i32
        %dma_start3A_1615 = arith.constant 0 : i32
        %dma_start3A_1616 = tpu.memref_slice %arg5[%dma_start3A_1611, %dma_start3A_1612, %dma_start3A_1614, %dma_start3A_1615] : memref<4x4x2x1024xf32, #tpu.memory_space<vmem>> -> memref<1x1x2x1024xf32, #tpu.memory_space<vmem>>
        %dma_start3A_1617 = tpu.memref_squeeze %dma_start3A_1616 : memref<1x1x2x1024xf32, #tpu.memory_space<vmem>> -> memref<2x1024xf32, #tpu.memory_space<vmem>>
        %dma_start3A_1618 = arith.constant 0 : i32
        %dma_start3A_1619 = tpu.memref_slice %arg2[%dma_start3A_1610, %add3A_1553, %dma_start3A_1618] : memref<4x8192x1024xf32, #tpu.memory_space<hbm>> -> memref<1x2x1024xf32, #tpu.memory_space<hbm>>
        %dma_start3A_1620 = tpu.memref_squeeze %dma_start3A_1619 : memref<1x2x1024xf32, #tpu.memory_space<hbm>> -> memref<2x1024xf32, #tpu.memory_space<hbm>>
        %dma_start3A_1621 = tpu.memref_slice %arg8[%dma_start3A_1613] : memref<4x!tpu.dma_semaphore, #tpu.memory_space<semaphore_mem>> -> memref<1x!tpu.dma_semaphore, #tpu.memory_space<semaphore_mem>>
        %dma_start3A_1622 = tpu.memref_squeeze %dma_start3A_1621 : memref<1x!tpu.dma_semaphore, #tpu.memory_space<semaphore_mem>> -> memref<!tpu.dma_semaphore, #tpu.memory_space<semaphore_mem>>
        %dma_start3A_1623 = arith.constant 0 : i32
        %dma_start3A_1624 = arith.constant 0 : i32
        %dma_start3A_1625 = tpu.memref_slice %arg5[%dma_start3A_1611, %dma_start3A_1612, %dma_start3A_1623, %dma_start3A_1624] : memref<4x4x2x1024xf32, #tpu.memory_space<vmem>> -> memref<1x1x2x1024xf32, #tpu.memory_space<vmem>>
        %dma_start3A_1626 = tpu.memref_squeeze %dma_start3A_1625 : memref<1x1x2x1024xf32, #tpu.memory_space<vmem>> -> memref<2x1024xf32, #tpu.memory_space<vmem>>
        %dma_start3A_1627 = arith.constant 0 : i32
        %dma_start3A_1628 = tpu.memref_slice %arg2[%dma_start3A_1610, %add3A_1553, %dma_start3A_1627] : memref<4x8192x1024xf32, #tpu.memory_space<hbm>> -> memref<1x2x1024xf32, #tpu.memory_space<hbm>>
        %dma_start3A_1629 = tpu.memref_squeeze %dma_start3A_1628 : memref<1x2x1024xf32, #tpu.memory_space<hbm>> -> memref<2x1024xf32, #tpu.memory_space<hbm>>
        tpu.enqueue_dma source(%dma_start3A_1629 : memref<2x1024xf32, #tpu.memory_space<hbm>>) target(%dma_start3A_1626 : memref<2x1024xf32, #tpu.memory_space<vmem>>) target_semaphore(%dma_start3A_1622 : memref<!tpu.dma_semaphore, #tpu.memory_space<semaphore_mem>>)
        %dma_start3A_1630 = arith.constant 3 : i32
        %dma_start3A_1631 = arith.constant 2 : i32
        %dma_start3A_1632 = arith.constant 3 : i32
        %dma_start3A_1633 = arith.constant 2 : i32
        %dma_start3A_1634 = arith.constant 0 : i32
        %dma_start3A_1635 = arith.constant 0 : i32
        %dma_start3A_1636 = tpu.memref_slice %arg5[%dma_start3A_1631, %dma_start3A_1632, %dma_start3A_1634, %dma_start3A_1635] : memref<4x4x2x1024xf32, #tpu.memory_space<vmem>> -> memref<1x1x2x1024xf32, #tpu.memory_space<vmem>>
        %dma_start3A_1637 = tpu.memref_squeeze %dma_start3A_1636 : memref<1x1x2x1024xf32, #tpu.memory_space<vmem>> -> memref<2x1024xf32, #tpu.memory_space<vmem>>
        %dma_start3A_1638 = arith.constant 0 : i32
        %dma_start3A_1639 = tpu.memref_slice %arg2[%dma_start3A_1630, %add3A_1553, %dma_start3A_1638] : memref<4x8192x1024xf32, #tpu.memory_space<hbm>> -> memref<1x2x1024xf32, #tpu.memory_space<hbm>>
        %dma_start3A_1640 = tpu.memref_squeeze %dma_start3A_1639 : memref<1x2x1024xf32, #tpu.memory_space<hbm>> -> memref<2x1024xf32, #tpu.memory_space<hbm>>
        %dma_start3A_1641 = tpu.memref_slice %arg8[%dma_start3A_1633] : memref<4x!tpu.dma_semaphore, #tpu.memory_space<semaphore_mem>> -> memref<1x!tpu.dma_semaphore, #tpu.memory_space<semaphore_mem>>
        %dma_start3A_1642 = tpu.memref_squeeze %dma_start3A_1641 : memref<1x!tpu.dma_semaphore, #tpu.memory_space<semaphore_mem>> -> memref<!tpu.dma_semaphore, #tpu.memory_space<semaphore_mem>>
        %dma_start3A_1643 = arith.constant 0 : i32
        %dma_start3A_1644 = arith.constant 0 : i32
        %dma_start3A_1645 = tpu.memref_slice %arg5[%dma_start3A_1631, %dma_start3A_1632, %dma_start3A_1643, %dma_start3A_1644] : memref<4x4x2x1024xf32, #tpu.memory_space<vmem>> -> memref<1x1x2x1024xf32, #tpu.memory_space<vmem>>
        %dma_start3A_1646 = tpu.memref_squeeze %dma_start3A_1645 : memref<1x1x2x1024xf32, #tpu.memory_space<vmem>> -> memref<2x1024xf32, #tpu.memory_space<vmem>>
        %dma_start3A_1647 = arith.constant 0 : i32
        %dma_start3A_1648 = tpu.memref_slice %arg2[%dma_start3A_1630, %add3A_1553, %dma_start3A_1647] : memref<4x8192x1024xf32, #tpu.memory_space<hbm>> -> memref<1x2x1024xf32, #tpu.memory_space<hbm>>
        %dma_start3A_1649 = tpu.memref_squeeze %dma_start3A_1648 : memref<1x2x1024xf32, #tpu.memory_space<hbm>> -> memref<2x1024xf32, #tpu.memory_space<hbm>>
        tpu.enqueue_dma source(%dma_start3A_1649 : memref<2x1024xf32, #tpu.memory_space<hbm>>) target(%dma_start3A_1646 : memref<2x1024xf32, #tpu.memory_space<vmem>>) target_semaphore(%dma_start3A_1642 : memref<!tpu.dma_semaphore, #tpu.memory_space<semaphore_mem>>)
      } else {
      }
      %add3A_1343 = arith.constant 3 : i32
      %add3A_1344 = arith.addi %add3A_729, %add3A_1343 : i32
      %mul3A_1345 = arith.constant 2 : i32
      %mul3A_1346 = arith.muli %add3A_1344, %mul3A_1345 : i32
      %add3A_1347 = arith.addi %mul3A_2, %mul3A_1346 : i32
      %dma_wait3A_1348 = arith.constant 3 : i32
      %dma_wait3A_1349 = arith.constant 3 : i32
      %dma_wait3A_1350 = arith.constant 0 : i32
      %dma_wait3A_1351 = arith.constant 0 : i32
      %dma_wait3A_1352 = tpu.memref_slice %arg6[%dma_wait3A_1348, %dma_wait3A_1350, %dma_wait3A_1351] : memref<4x2x1024xf32, #tpu.memory_space<vmem>> -> memref<1x2x1024xf32, #tpu.memory_space<vmem>>
      %dma_wait3A_1353 = tpu.memref_squeeze %dma_wait3A_1352 : memref<1x2x1024xf32, #tpu.memory_space<vmem>> -> memref<2x1024xf32, #tpu.memory_space<vmem>>
      %dma_wait3A_1354 = arith.constant 0 : i32
      %dma_wait3A_1355 = tpu.memref_slice %arg3[%add3A_1347, %dma_wait3A_1354] : memref<8192x1024xf32, #tpu.memory_space<hbm>> -> memref<2x1024xf32, #tpu.memory_space<hbm>>
      %dma_wait3A_1356 = tpu.memref_slice %arg8[%dma_wait3A_1349] : memref<4x!tpu.dma_semaphore, #tpu.memory_space<semaphore_mem>> -> memref<1x!tpu.dma_semaphore, #tpu.memory_space<semaphore_mem>>
      %dma_wait3A_1357 = tpu.memref_squeeze %dma_wait3A_1356 : memref<1x!tpu.dma_semaphore, #tpu.memory_space<semaphore_mem>> -> memref<!tpu.dma_semaphore, #tpu.memory_space<semaphore_mem>>
      %dma_wait3A_1358 = arith.constant 0 : i32
      %dma_wait3A_1359 = arith.constant 0 : i32
      %dma_wait3A_1360 = tpu.memref_slice %arg6[%dma_wait3A_1348, %dma_wait3A_1358, %dma_wait3A_1359] : memref<4x2x1024xf32, #tpu.memory_space<vmem>> -> memref<1x2x1024xf32, #tpu.memory_space<vmem>>
      %dma_wait3A_1361 = tpu.memref_squeeze %dma_wait3A_1360 : memref<1x2x1024xf32, #tpu.memory_space<vmem>> -> memref<2x1024xf32, #tpu.memory_space<vmem>>
      %dma_wait3A_1362 = arith.constant 0 : i32
      %dma_wait3A_1363 = tpu.memref_slice %arg3[%add3A_1347, %dma_wait3A_1362] : memref<8192x1024xf32, #tpu.memory_space<hbm>> -> memref<2x1024xf32, #tpu.memory_space<hbm>>
      tpu.wait_dma2 semaphore(%dma_wait3A_1357 : memref<!tpu.dma_semaphore, #tpu.memory_space<semaphore_mem>>) src(%dma_wait3A_1363 : memref<2x1024xf32, #tpu.memory_space<hbm>>) dst(%dma_wait3A_1361 : memref<2x1024xf32, #tpu.memory_space<vmem>>)
      %dma_wait3A_1364 = arith.constant 0 : i32
      %dma_wait3A_1365 = arith.constant 3 : i32
      %dma_wait3A_1366 = arith.constant 0 : i32
      %dma_wait3A_1367 = arith.constant 3 : i32
      %dma_wait3A_1368 = arith.constant 0 : i32
      %dma_wait3A_1369 = arith.constant 0 : i32
      %dma_wait3A_1370 = tpu.memref_slice %arg5[%dma_wait3A_1365, %dma_wait3A_1366, %dma_wait3A_1368, %dma_wait3A_1369] : memref<4x4x2x1024xf32, #tpu.memory_space<vmem>> -> memref<1x1x2x1024xf32, #tpu.memory_space<vmem>>
      %dma_wait3A_1371 = tpu.memref_squeeze %dma_wait3A_1370 : memref<1x1x2x1024xf32, #tpu.memory_space<vmem>> -> memref<2x1024xf32, #tpu.memory_space<vmem>>
      %dma_wait3A_1372 = arith.constant 0 : i32
      %dma_wait3A_1373 = tpu.memref_slice %arg2[%dma_wait3A_1364, %add3A_1347, %dma_wait3A_1372] : memref<4x8192x1024xf32, #tpu.memory_space<hbm>> -> memref<1x2x1024xf32, #tpu.memory_space<hbm>>
      %dma_wait3A_1374 = tpu.memref_squeeze %dma_wait3A_1373 : memref<1x2x1024xf32, #tpu.memory_space<hbm>> -> memref<2x1024xf32, #tpu.memory_space<hbm>>
      %dma_wait3A_1375 = tpu.memref_slice %arg8[%dma_wait3A_1367] : memref<4x!tpu.dma_semaphore, #tpu.memory_space<semaphore_mem>> -> memref<1x!tpu.dma_semaphore, #tpu.memory_space<semaphore_mem>>
      %dma_wait3A_1376 = tpu.memref_squeeze %dma_wait3A_1375 : memref<1x!tpu.dma_semaphore, #tpu.memory_space<semaphore_mem>> -> memref<!tpu.dma_semaphore, #tpu.memory_space<semaphore_mem>>
      %dma_wait3A_1377 = arith.constant 0 : i32
      %dma_wait3A_1378 = arith.constant 0 : i32
      %dma_wait3A_1379 = tpu.memref_slice %arg5[%dma_wait3A_1365, %dma_wait3A_1366, %dma_wait3A_1377, %dma_wait3A_1378] : memref<4x4x2x1024xf32, #tpu.memory_space<vmem>> -> memref<1x1x2x1024xf32, #tpu.memory_space<vmem>>
      %dma_wait3A_1380 = tpu.memref_squeeze %dma_wait3A_1379 : memref<1x1x2x1024xf32, #tpu.memory_space<vmem>> -> memref<2x1024xf32, #tpu.memory_space<vmem>>
      %dma_wait3A_1381 = arith.constant 0 : i32
      %dma_wait3A_1382 = tpu.memref_slice %arg2[%dma_wait3A_1364, %add3A_1347, %dma_wait3A_1381] : memref<4x8192x1024xf32, #tpu.memory_space<hbm>> -> memref<1x2x1024xf32, #tpu.memory_space<hbm>>
      %dma_wait3A_1383 = tpu.memref_squeeze %dma_wait3A_1382 : memref<1x2x1024xf32, #tpu.memory_space<hbm>> -> memref<2x1024xf32, #tpu.memory_space<hbm>>
      tpu.wait_dma2 semaphore(%dma_wait3A_1376 : memref<!tpu.dma_semaphore, #tpu.memory_space<semaphore_mem>>) src(%dma_wait3A_1383 : memref<2x1024xf32, #tpu.memory_space<hbm>>) dst(%dma_wait3A_1380 : memref<2x1024xf32, #tpu.memory_space<vmem>>)
      %dma_wait3A_1384 = arith.constant 1 : i32
      %dma_wait3A_1385 = arith.constant 3 : i32
      %dma_wait3A_1386 = arith.constant 1 : i32
      %dma_wait3A_1387 = arith.constant 3 : i32
      %dma_wait3A_1388 = arith.constant 0 : i32
      %dma_wait3A_1389 = arith.constant 0 : i32
      %dma_wait3A_1390 = tpu.memref_slice %arg5[%dma_wait3A_1385, %dma_wait3A_1386, %dma_wait3A_1388, %dma_wait3A_1389] : memref<4x4x2x1024xf32, #tpu.memory_space<vmem>> -> memref<1x1x2x1024xf32, #tpu.memory_space<vmem>>
      %dma_wait3A_1391 = tpu.memref_squeeze %dma_wait3A_1390 : memref<1x1x2x1024xf32, #tpu.memory_space<vmem>> -> memref<2x1024xf32, #tpu.memory_space<vmem>>
      %dma_wait3A_1392 = arith.constant 0 : i32
      %dma_wait3A_1393 = tpu.memref_slice %arg2[%dma_wait3A_1384, %add3A_1347, %dma_wait3A_1392] : memref<4x8192x1024xf32, #tpu.memory_space<hbm>> -> memref<1x2x1024xf32, #tpu.memory_space<hbm>>
      %dma_wait3A_1394 = tpu.memref_squeeze %dma_wait3A_1393 : memref<1x2x1024xf32, #tpu.memory_space<hbm>> -> memref<2x1024xf32, #tpu.memory_space<hbm>>
      %dma_wait3A_1395 = tpu.memref_slice %arg8[%dma_wait3A_1387] : memref<4x!tpu.dma_semaphore, #tpu.memory_space<semaphore_mem>> -> memref<1x!tpu.dma_semaphore, #tpu.memory_space<semaphore_mem>>
      %dma_wait3A_1396 = tpu.memref_squeeze %dma_wait3A_1395 : memref<1x!tpu.dma_semaphore, #tpu.memory_space<semaphore_mem>> -> memref<!tpu.dma_semaphore, #tpu.memory_space<semaphore_mem>>
      %dma_wait3A_1397 = arith.constant 0 : i32
      %dma_wait3A_1398 = arith.constant 0 : i32
      %dma_wait3A_1399 = tpu.memref_slice %arg5[%dma_wait3A_1385, %dma_wait3A_1386, %dma_wait3A_1397, %dma_wait3A_1398] : memref<4x4x2x1024xf32, #tpu.memory_space<vmem>> -> memref<1x1x2x1024xf32, #tpu.memory_space<vmem>>
      %dma_wait3A_1400 = tpu.memref_squeeze %dma_wait3A_1399 : memref<1x1x2x1024xf32, #tpu.memory_space<vmem>> -> memref<2x1024xf32, #tpu.memory_space<vmem>>
      %dma_wait3A_1401 = arith.constant 0 : i32
      %dma_wait3A_1402 = tpu.memref_slice %arg2[%dma_wait3A_1384, %add3A_1347, %dma_wait3A_1401] : memref<4x8192x1024xf32, #tpu.memory_space<hbm>> -> memref<1x2x1024xf32, #tpu.memory_space<hbm>>
      %dma_wait3A_1403 = tpu.memref_squeeze %dma_wait3A_1402 : memref<1x2x1024xf32, #tpu.memory_space<hbm>> -> memref<2x1024xf32, #tpu.memory_space<hbm>>
      tpu.wait_dma2 semaphore(%dma_wait3A_1396 : memref<!tpu.dma_semaphore, #tpu.memory_space<semaphore_mem>>) src(%dma_wait3A_1403 : memref<2x1024xf32, #tpu.memory_space<hbm>>) dst(%dma_wait3A_1400 : memref<2x1024xf32, #tpu.memory_space<vmem>>)
      %dma_wait3A_1404 = arith.constant 2 : i32
      %dma_wait3A_1405 = arith.constant 3 : i32
      %dma_wait3A_1406 = arith.constant 2 : i32
      %dma_wait3A_1407 = arith.constant 3 : i32
      %dma_wait3A_1408 = arith.constant 0 : i32
      %dma_wait3A_1409 = arith.constant 0 : i32
      %dma_wait3A_1410 = tpu.memref_slice %arg5[%dma_wait3A_1405, %dma_wait3A_1406, %dma_wait3A_1408, %dma_wait3A_1409] : memref<4x4x2x1024xf32, #tpu.memory_space<vmem>> -> memref<1x1x2x1024xf32, #tpu.memory_space<vmem>>
      %dma_wait3A_1411 = tpu.memref_squeeze %dma_wait3A_1410 : memref<1x1x2x1024xf32, #tpu.memory_space<vmem>> -> memref<2x1024xf32, #tpu.memory_space<vmem>>
      %dma_wait3A_1412 = arith.constant 0 : i32
      %dma_wait3A_1413 = tpu.memref_slice %arg2[%dma_wait3A_1404, %add3A_1347, %dma_wait3A_1412] : memref<4x8192x1024xf32, #tpu.memory_space<hbm>> -> memref<1x2x1024xf32, #tpu.memory_space<hbm>>
      %dma_wait3A_1414 = tpu.memref_squeeze %dma_wait3A_1413 : memref<1x2x1024xf32, #tpu.memory_space<hbm>> -> memref<2x1024xf32, #tpu.memory_space<hbm>>
      %dma_wait3A_1415 = tpu.memref_slice %arg8[%dma_wait3A_1407] : memref<4x!tpu.dma_semaphore, #tpu.memory_space<semaphore_mem>> -> memref<1x!tpu.dma_semaphore, #tpu.memory_space<semaphore_mem>>
      %dma_wait3A_1416 = tpu.memref_squeeze %dma_wait3A_1415 : memref<1x!tpu.dma_semaphore, #tpu.memory_space<semaphore_mem>> -> memref<!tpu.dma_semaphore, #tpu.memory_space<semaphore_mem>>
      %dma_wait3A_1417 = arith.constant 0 : i32
      %dma_wait3A_1418 = arith.constant 0 : i32
      %dma_wait3A_1419 = tpu.memref_slice %arg5[%dma_wait3A_1405, %dma_wait3A_1406, %dma_wait3A_1417, %dma_wait3A_1418] : memref<4x4x2x1024xf32, #tpu.memory_space<vmem>> -> memref<1x1x2x1024xf32, #tpu.memory_space<vmem>>
      %dma_wait3A_1420 = tpu.memref_squeeze %dma_wait3A_1419 : memref<1x1x2x1024xf32, #tpu.memory_space<vmem>> -> memref<2x1024xf32, #tpu.memory_space<vmem>>
      %dma_wait3A_1421 = arith.constant 0 : i32
      %dma_wait3A_1422 = tpu.memref_slice %arg2[%dma_wait3A_1404, %add3A_1347, %dma_wait3A_1421] : memref<4x8192x1024xf32, #tpu.memory_space<hbm>> -> memref<1x2x1024xf32, #tpu.memory_space<hbm>>
      %dma_wait3A_1423 = tpu.memref_squeeze %dma_wait3A_1422 : memref<1x2x1024xf32, #tpu.memory_space<hbm>> -> memref<2x1024xf32, #tpu.memory_space<hbm>>
      tpu.wait_dma2 semaphore(%dma_wait3A_1416 : memref<!tpu.dma_semaphore, #tpu.memory_space<semaphore_mem>>) src(%dma_wait3A_1423 : memref<2x1024xf32, #tpu.memory_space<hbm>>) dst(%dma_wait3A_1420 : memref<2x1024xf32, #tpu.memory_space<vmem>>)
      %dma_wait3A_1424 = arith.constant 3 : i32
      %dma_wait3A_1425 = arith.constant 3 : i32
      %dma_wait3A_1426 = arith.constant 3 : i32
      %dma_wait3A_1427 = arith.constant 3 : i32
      %dma_wait3A_1428 = arith.constant 0 : i32
      %dma_wait3A_1429 = arith.constant 0 : i32
      %dma_wait3A_1430 = tpu.memref_slice %arg5[%dma_wait3A_1425, %dma_wait3A_1426, %dma_wait3A_1428, %dma_wait3A_1429] : memref<4x4x2x1024xf32, #tpu.memory_space<vmem>> -> memref<1x1x2x1024xf32, #tpu.memory_space<vmem>>
      %dma_wait3A_1431 = tpu.memref_squeeze %dma_wait3A_1430 : memref<1x1x2x1024xf32, #tpu.memory_space<vmem>> -> memref<2x1024xf32, #tpu.memory_space<vmem>>
      %dma_wait3A_1432 = arith.constant 0 : i32
      %dma_wait3A_1433 = tpu.memref_slice %arg2[%dma_wait3A_1424, %add3A_1347, %dma_wait3A_1432] : memref<4x8192x1024xf32, #tpu.memory_space<hbm>> -> memref<1x2x1024xf32, #tpu.memory_space<hbm>>
      %dma_wait3A_1434 = tpu.memref_squeeze %dma_wait3A_1433 : memref<1x2x1024xf32, #tpu.memory_space<hbm>> -> memref<2x1024xf32, #tpu.memory_space<hbm>>
      %dma_wait3A_1435 = tpu.memref_slice %arg8[%dma_wait3A_1427] : memref<4x!tpu.dma_semaphore, #tpu.memory_space<semaphore_mem>> -> memref<1x!tpu.dma_semaphore, #tpu.memory_space<semaphore_mem>>
      %dma_wait3A_1436 = tpu.memref_squeeze %dma_wait3A_1435 : memref<1x!tpu.dma_semaphore, #tpu.memory_space<semaphore_mem>> -> memref<!tpu.dma_semaphore, #tpu.memory_space<semaphore_mem>>
      %dma_wait3A_1437 = arith.constant 0 : i32
      %dma_wait3A_1438 = arith.constant 0 : i32
      %dma_wait3A_1439 = tpu.memref_slice %arg5[%dma_wait3A_1425, %dma_wait3A_1426, %dma_wait3A_1437, %dma_wait3A_1438] : memref<4x4x2x1024xf32, #tpu.memory_space<vmem>> -> memref<1x1x2x1024xf32, #tpu.memory_space<vmem>>
      %dma_wait3A_1440 = tpu.memref_squeeze %dma_wait3A_1439 : memref<1x1x2x1024xf32, #tpu.memory_space<vmem>> -> memref<2x1024xf32, #tpu.memory_space<vmem>>
      %dma_wait3A_1441 = arith.constant 0 : i32
      %dma_wait3A_1442 = tpu.memref_slice %arg2[%dma_wait3A_1424, %add3A_1347, %dma_wait3A_1441] : memref<4x8192x1024xf32, #tpu.memory_space<hbm>> -> memref<1x2x1024xf32, #tpu.memory_space<hbm>>
      %dma_wait3A_1443 = tpu.memref_squeeze %dma_wait3A_1442 : memref<1x2x1024xf32, #tpu.memory_space<hbm>> -> memref<2x1024xf32, #tpu.memory_space<hbm>>
      tpu.wait_dma2 semaphore(%dma_wait3A_1436 : memref<!tpu.dma_semaphore, #tpu.memory_space<semaphore_mem>>) src(%dma_wait3A_1443 : memref<2x1024xf32, #tpu.memory_space<hbm>>) dst(%dma_wait3A_1440 : memref<2x1024xf32, #tpu.memory_space<vmem>>)
      %add3A_1444 = arith.constant 3 : i32
      %add3A_1445 = arith.addi %add3A_729, %add3A_1444 : i32
      %ge3A_1446 = arith.constant 4 : i32
      %ge3A_1447 = arith.cmpi sge, %add3A_1445, %ge3A_1446 : i32
      %convert_element_type3A_1448 = arith.extui %ge3A_1447 : i1 to i32
      %cond3A_1449 = arith.constant 0 : i32
      %cond3A_1450 = arith.cmpi ne, %convert_element_type3A_1448, %cond3A_1449 : i32
      scf.if %cond3A_1450 {
        %sub3A = arith.constant 4 : i32
        %sub3A_1549 = arith.subi %add3A_1344, %sub3A : i32
        %mul3A_1550 = arith.constant 2 : i32
        %mul3A_1551 = arith.muli %sub3A_1549, %mul3A_1550 : i32
        %add3A_1552 = arith.addi %mul3A_2, %mul3A_1551 : i32
        %dma_wait3A_1553 = arith.constant 3 : i32
        %dma_wait3A_1554 = arith.constant 0 : i32
        %dma_wait3A_1555 = arith.constant 0 : i32
        %dma_wait3A_1556 = arith.constant 3 : i32
        %dma_wait3A_1557 = arith.constant 0 : i32
        %dma_wait3A_1558 = arith.constant 0 : i32
        %dma_wait3A_1559 = tpu.memref_slice %arg7[%dma_wait3A_1553, %dma_wait3A_1554, %dma_wait3A_1557, %dma_wait3A_1558] : memref<4x4x2x1024xf32, #tpu.memory_space<vmem>> -> memref<1x1x2x1024xf32, #tpu.memory_space<vmem>>
        %dma_wait3A_1560 = tpu.memref_squeeze %dma_wait3A_1559 : memref<1x1x2x1024xf32, #tpu.memory_space<vmem>> -> memref<2x1024xf32, #tpu.memory_space<vmem>>
        %dma_wait3A_1561 = arith.constant 0 : i32
        %dma_wait3A_1562 = tpu.memref_slice %arg4[%dma_wait3A_1555, %add3A_1552, %dma_wait3A_1561] : memref<4x8192x1024xf32, #tpu.memory_space<hbm>> -> memref<1x2x1024xf32, #tpu.memory_space<hbm>>
        %dma_wait3A_1563 = tpu.memref_squeeze %dma_wait3A_1562 : memref<1x2x1024xf32, #tpu.memory_space<hbm>> -> memref<2x1024xf32, #tpu.memory_space<hbm>>
        %dma_wait3A_1564 = tpu.memref_slice %arg9[%dma_wait3A_1556] : memref<4x!tpu.dma_semaphore, #tpu.memory_space<semaphore_mem>> -> memref<1x!tpu.dma_semaphore, #tpu.memory_space<semaphore_mem>>
        %dma_wait3A_1565 = tpu.memref_squeeze %dma_wait3A_1564 : memref<1x!tpu.dma_semaphore, #tpu.memory_space<semaphore_mem>> -> memref<!tpu.dma_semaphore, #tpu.memory_space<semaphore_mem>>
        %dma_wait3A_1566 = arith.constant 0 : i32
        %dma_wait3A_1567 = tpu.memref_slice %arg4[%dma_wait3A_1555, %add3A_1552, %dma_wait3A_1566] : memref<4x8192x1024xf32, #tpu.memory_space<hbm>> -> memref<1x2x1024xf32, #tpu.memory_space<hbm>>
        %dma_wait3A_1568 = tpu.memref_squeeze %dma_wait3A_1567 : memref<1x2x1024xf32, #tpu.memory_space<hbm>> -> memref<2x1024xf32, #tpu.memory_space<hbm>>
        %dma_wait3A_1569 = arith.constant 0 : i32
        %dma_wait3A_1570 = arith.constant 0 : i32
        %dma_wait3A_1571 = tpu.memref_slice %arg7[%dma_wait3A_1553, %dma_wait3A_1554, %dma_wait3A_1569, %dma_wait3A_1570] : memref<4x4x2x1024xf32, #tpu.memory_space<vmem>> -> memref<1x1x2x1024xf32, #tpu.memory_space<vmem>>
        %dma_wait3A_1572 = tpu.memref_squeeze %dma_wait3A_1571 : memref<1x1x2x1024xf32, #tpu.memory_space<vmem>> -> memref<2x1024xf32, #tpu.memory_space<vmem>>
        tpu.wait_dma2 semaphore(%dma_wait3A_1565 : memref<!tpu.dma_semaphore, #tpu.memory_space<semaphore_mem>>) src(%dma_wait3A_1572 : memref<2x1024xf32, #tpu.memory_space<vmem>>) dst(%dma_wait3A_1568 : memref<2x1024xf32, #tpu.memory_space<hbm>>)
        %dma_wait3A_1573 = arith.constant 3 : i32
        %dma_wait3A_1574 = arith.constant 1 : i32
        %dma_wait3A_1575 = arith.constant 1 : i32
        %dma_wait3A_1576 = arith.constant 3 : i32
        %dma_wait3A_1577 = arith.constant 0 : i32
        %dma_wait3A_1578 = arith.constant 0 : i32
        %dma_wait3A_1579 = tpu.memref_slice %arg7[%dma_wait3A_1573, %dma_wait3A_1574, %dma_wait3A_1577, %dma_wait3A_1578] : memref<4x4x2x1024xf32, #tpu.memory_space<vmem>> -> memref<1x1x2x1024xf32, #tpu.memory_space<vmem>>
        %dma_wait3A_1580 = tpu.memref_squeeze %dma_wait3A_1579 : memref<1x1x2x1024xf32, #tpu.memory_space<vmem>> -> memref<2x1024xf32, #tpu.memory_space<vmem>>
        %dma_wait3A_1581 = arith.constant 0 : i32
        %dma_wait3A_1582 = tpu.memref_slice %arg4[%dma_wait3A_1575, %add3A_1552, %dma_wait3A_1581] : memref<4x8192x1024xf32, #tpu.memory_space<hbm>> -> memref<1x2x1024xf32, #tpu.memory_space<hbm>>
        %dma_wait3A_1583 = tpu.memref_squeeze %dma_wait3A_1582 : memref<1x2x1024xf32, #tpu.memory_space<hbm>> -> memref<2x1024xf32, #tpu.memory_space<hbm>>
        %dma_wait3A_1584 = tpu.memref_slice %arg9[%dma_wait3A_1576] : memref<4x!tpu.dma_semaphore, #tpu.memory_space<semaphore_mem>> -> memref<1x!tpu.dma_semaphore, #tpu.memory_space<semaphore_mem>>
        %dma_wait3A_1585 = tpu.memref_squeeze %dma_wait3A_1584 : memref<1x!tpu.dma_semaphore, #tpu.memory_space<semaphore_mem>> -> memref<!tpu.dma_semaphore, #tpu.memory_space<semaphore_mem>>
        %dma_wait3A_1586 = arith.constant 0 : i32
        %dma_wait3A_1587 = tpu.memref_slice %arg4[%dma_wait3A_1575, %add3A_1552, %dma_wait3A_1586] : memref<4x8192x1024xf32, #tpu.memory_space<hbm>> -> memref<1x2x1024xf32, #tpu.memory_space<hbm>>
        %dma_wait3A_1588 = tpu.memref_squeeze %dma_wait3A_1587 : memref<1x2x1024xf32, #tpu.memory_space<hbm>> -> memref<2x1024xf32, #tpu.memory_space<hbm>>
        %dma_wait3A_1589 = arith.constant 0 : i32
        %dma_wait3A_1590 = arith.constant 0 : i32
        %dma_wait3A_1591 = tpu.memref_slice %arg7[%dma_wait3A_1573, %dma_wait3A_1574, %dma_wait3A_1589, %dma_wait3A_1590] : memref<4x4x2x1024xf32, #tpu.memory_space<vmem>> -> memref<1x1x2x1024xf32, #tpu.memory_space<vmem>>
        %dma_wait3A_1592 = tpu.memref_squeeze %dma_wait3A_1591 : memref<1x1x2x1024xf32, #tpu.memory_space<vmem>> -> memref<2x1024xf32, #tpu.memory_space<vmem>>
        tpu.wait_dma2 semaphore(%dma_wait3A_1585 : memref<!tpu.dma_semaphore, #tpu.memory_space<semaphore_mem>>) src(%dma_wait3A_1592 : memref<2x1024xf32, #tpu.memory_space<vmem>>) dst(%dma_wait3A_1588 : memref<2x1024xf32, #tpu.memory_space<hbm>>)
        %dma_wait3A_1593 = arith.constant 3 : i32
        %dma_wait3A_1594 = arith.constant 2 : i32
        %dma_wait3A_1595 = arith.constant 2 : i32
        %dma_wait3A_1596 = arith.constant 3 : i32
        %dma_wait3A_1597 = arith.constant 0 : i32
        %dma_wait3A_1598 = arith.constant 0 : i32
        %dma_wait3A_1599 = tpu.memref_slice %arg7[%dma_wait3A_1593, %dma_wait3A_1594, %dma_wait3A_1597, %dma_wait3A_1598] : memref<4x4x2x1024xf32, #tpu.memory_space<vmem>> -> memref<1x1x2x1024xf32, #tpu.memory_space<vmem>>
        %dma_wait3A_1600 = tpu.memref_squeeze %dma_wait3A_1599 : memref<1x1x2x1024xf32, #tpu.memory_space<vmem>> -> memref<2x1024xf32, #tpu.memory_space<vmem>>
        %dma_wait3A_1601 = arith.constant 0 : i32
        %dma_wait3A_1602 = tpu.memref_slice %arg4[%dma_wait3A_1595, %add3A_1552, %dma_wait3A_1601] : memref<4x8192x1024xf32, #tpu.memory_space<hbm>> -> memref<1x2x1024xf32, #tpu.memory_space<hbm>>
        %dma_wait3A_1603 = tpu.memref_squeeze %dma_wait3A_1602 : memref<1x2x1024xf32, #tpu.memory_space<hbm>> -> memref<2x1024xf32, #tpu.memory_space<hbm>>
        %dma_wait3A_1604 = tpu.memref_slice %arg9[%dma_wait3A_1596] : memref<4x!tpu.dma_semaphore, #tpu.memory_space<semaphore_mem>> -> memref<1x!tpu.dma_semaphore, #tpu.memory_space<semaphore_mem>>
        %dma_wait3A_1605 = tpu.memref_squeeze %dma_wait3A_1604 : memref<1x!tpu.dma_semaphore, #tpu.memory_space<semaphore_mem>> -> memref<!tpu.dma_semaphore, #tpu.memory_space<semaphore_mem>>
        %dma_wait3A_1606 = arith.constant 0 : i32
        %dma_wait3A_1607 = tpu.memref_slice %arg4[%dma_wait3A_1595, %add3A_1552, %dma_wait3A_1606] : memref<4x8192x1024xf32, #tpu.memory_space<hbm>> -> memref<1x2x1024xf32, #tpu.memory_space<hbm>>
        %dma_wait3A_1608 = tpu.memref_squeeze %dma_wait3A_1607 : memref<1x2x1024xf32, #tpu.memory_space<hbm>> -> memref<2x1024xf32, #tpu.memory_space<hbm>>
        %dma_wait3A_1609 = arith.constant 0 : i32
        %dma_wait3A_1610 = arith.constant 0 : i32
        %dma_wait3A_1611 = tpu.memref_slice %arg7[%dma_wait3A_1593, %dma_wait3A_1594, %dma_wait3A_1609, %dma_wait3A_1610] : memref<4x4x2x1024xf32, #tpu.memory_space<vmem>> -> memref<1x1x2x1024xf32, #tpu.memory_space<vmem>>
        %dma_wait3A_1612 = tpu.memref_squeeze %dma_wait3A_1611 : memref<1x1x2x1024xf32, #tpu.memory_space<vmem>> -> memref<2x1024xf32, #tpu.memory_space<vmem>>
        tpu.wait_dma2 semaphore(%dma_wait3A_1605 : memref<!tpu.dma_semaphore, #tpu.memory_space<semaphore_mem>>) src(%dma_wait3A_1612 : memref<2x1024xf32, #tpu.memory_space<vmem>>) dst(%dma_wait3A_1608 : memref<2x1024xf32, #tpu.memory_space<hbm>>)
        %dma_wait3A_1613 = arith.constant 3 : i32
        %dma_wait3A_1614 = arith.constant 3 : i32
        %dma_wait3A_1615 = arith.constant 3 : i32
        %dma_wait3A_1616 = arith.constant 3 : i32
        %dma_wait3A_1617 = arith.constant 0 : i32
        %dma_wait3A_1618 = arith.constant 0 : i32
        %dma_wait3A_1619 = tpu.memref_slice %arg7[%dma_wait3A_1613, %dma_wait3A_1614, %dma_wait3A_1617, %dma_wait3A_1618] : memref<4x4x2x1024xf32, #tpu.memory_space<vmem>> -> memref<1x1x2x1024xf32, #tpu.memory_space<vmem>>
        %dma_wait3A_1620 = tpu.memref_squeeze %dma_wait3A_1619 : memref<1x1x2x1024xf32, #tpu.memory_space<vmem>> -> memref<2x1024xf32, #tpu.memory_space<vmem>>
        %dma_wait3A_1621 = arith.constant 0 : i32
        %dma_wait3A_1622 = tpu.memref_slice %arg4[%dma_wait3A_1615, %add3A_1552, %dma_wait3A_1621] : memref<4x8192x1024xf32, #tpu.memory_space<hbm>> -> memref<1x2x1024xf32, #tpu.memory_space<hbm>>
        %dma_wait3A_1623 = tpu.memref_squeeze %dma_wait3A_1622 : memref<1x2x1024xf32, #tpu.memory_space<hbm>> -> memref<2x1024xf32, #tpu.memory_space<hbm>>
        %dma_wait3A_1624 = tpu.memref_slice %arg9[%dma_wait3A_1616] : memref<4x!tpu.dma_semaphore, #tpu.memory_space<semaphore_mem>> -> memref<1x!tpu.dma_semaphore, #tpu.memory_space<semaphore_mem>>
        %dma_wait3A_1625 = tpu.memref_squeeze %dma_wait3A_1624 : memref<1x!tpu.dma_semaphore, #tpu.memory_space<semaphore_mem>> -> memref<!tpu.dma_semaphore, #tpu.memory_space<semaphore_mem>>
        %dma_wait3A_1626 = arith.constant 0 : i32
        %dma_wait3A_1627 = tpu.memref_slice %arg4[%dma_wait3A_1615, %add3A_1552, %dma_wait3A_1626] : memref<4x8192x1024xf32, #tpu.memory_space<hbm>> -> memref<1x2x1024xf32, #tpu.memory_space<hbm>>
        %dma_wait3A_1628 = tpu.memref_squeeze %dma_wait3A_1627 : memref<1x2x1024xf32, #tpu.memory_space<hbm>> -> memref<2x1024xf32, #tpu.memory_space<hbm>>
        %dma_wait3A_1629 = arith.constant 0 : i32
        %dma_wait3A_1630 = arith.constant 0 : i32
        %dma_wait3A_1631 = tpu.memref_slice %arg7[%dma_wait3A_1613, %dma_wait3A_1614, %dma_wait3A_1629, %dma_wait3A_1630] : memref<4x4x2x1024xf32, #tpu.memory_space<vmem>> -> memref<1x1x2x1024xf32, #tpu.memory_space<vmem>>
        %dma_wait3A_1632 = tpu.memref_squeeze %dma_wait3A_1631 : memref<1x1x2x1024xf32, #tpu.memory_space<vmem>> -> memref<2x1024xf32, #tpu.memory_space<vmem>>
        tpu.wait_dma2 semaphore(%dma_wait3A_1625 : memref<!tpu.dma_semaphore, #tpu.memory_space<semaphore_mem>>) src(%dma_wait3A_1632 : memref<2x1024xf32, #tpu.memory_space<vmem>>) dst(%dma_wait3A_1628 : memref<2x1024xf32, #tpu.memory_space<hbm>>)
      } else {
      }
      %parallel_loop3A_1451 = arith.constant 0 : i32
      %parallel_loop3A_1452 = arith.constant 1024 : i32
      %parallel_loop3A_1453 = arith.constant 16 : i32
      scf.for %parallel_loop3A_1549 = %parallel_loop3A_1451 to %parallel_loop3A_1452 step %parallel_loop3A_1453  : i32 {
        %parallel_loop3A_1550 = arith.constant 3 : i32
        %parallel_loop3A_1551 = arith.constant 0 : i32
        %parallel_loop3A_1552 = arith.index_cast %parallel_loop3A_1550 : i32 to index
        %parallel_loop3A_1553 = arith.index_cast %parallel_loop3A_1551 : i32 to index
        %parallel_loop3A_1554 = arith.index_cast %parallel_loop3A_1549 : i32 to index
        %parallel_loop3A_1555 = tpu.vector_load %arg6[%parallel_loop3A_1552, %parallel_loop3A_1553, %parallel_loop3A_1554] {strides = array<i32>} : memref<4x2x1024xf32, #tpu.memory_space<vmem>>, vector<1x1x16xf32>,
        %parallel_loop3A_1556 = vector.shape_cast %parallel_loop3A_1555 : vector<1x1x16xf32> to vector<16xf32>
        %parallel_loop3A_1557 = arith.constant 3 : i32
        %parallel_loop3A_1558 = arith.constant 0 : i32
        %parallel_loop3A_1559 = arith.constant 0 : i32
        %parallel_loop3A_1560 = arith.index_cast %parallel_loop3A_1557 : i32 to index
        %parallel_loop3A_1561 = arith.index_cast %parallel_loop3A_1558 : i32 to index
        %parallel_loop3A_1562 = arith.index_cast %parallel_loop3A_1559 : i32 to index
        %parallel_loop3A_1563 = arith.index_cast %parallel_loop3A_1549 : i32 to index
        %parallel_loop3A_1564 = tpu.vector_load %arg5[%parallel_loop3A_1560, %parallel_loop3A_1561, %parallel_loop3A_1562, %parallel_loop3A_1563] {strides = array<i32>} : memref<4x4x2x1024xf32, #tpu.memory_space<vmem>>, vector<1x1x1x16xf32>,
        %parallel_loop3A_1565 = vector.shape_cast %parallel_loop3A_1564 : vector<1x1x1x16xf32> to vector<16xf32>
        %parallel_loop3A_1566 = arith.addf %parallel_loop3A_1565, %parallel_loop3A_1556 : vector<16xf32>
        %parallel_loop3A_1567 = arith.constant 3 : i32
        %parallel_loop3A_1568 = arith.constant 0 : i32
        %parallel_loop3A_1569 = arith.constant 0 : i32
        %parallel_loop3A_1570 = arith.index_cast %parallel_loop3A_1567 : i32 to index
        %parallel_loop3A_1571 = arith.index_cast %parallel_loop3A_1568 : i32 to index
        %parallel_loop3A_1572 = arith.index_cast %parallel_loop3A_1569 : i32 to index
        %parallel_loop3A_1573 = arith.index_cast %parallel_loop3A_1549 : i32 to index
        %parallel_loop3A_1574 = tpu.vector_load %arg7[%parallel_loop3A_1570, %parallel_loop3A_1571, %parallel_loop3A_1572, %parallel_loop3A_1573] {strides = array<i32>} : memref<4x4x2x1024xf32, #tpu.memory_space<vmem>>, vector<1x1x1x16xf32>,
        %parallel_loop3A_1575 = vector.shape_cast %parallel_loop3A_1574 : vector<1x1x1x16xf32> to vector<16xf32>
        %parallel_loop3A_1576 = vector.shape_cast %parallel_loop3A_1566 : vector<16xf32> to vector<1x1x1x16xf32>
        tpu.vector_store %arg7[%parallel_loop3A_1570, %parallel_loop3A_1571, %parallel_loop3A_1572, %parallel_loop3A_1573], %parallel_loop3A_1576 {strides = array<i32>} : memref<4x4x2x1024xf32, #tpu.memory_space<vmem>>, vector<1x1x1x16xf32>,
        %parallel_loop3A_1577 = arith.constant 3 : i32
        %parallel_loop3A_1578 = arith.constant 1 : i32
        %parallel_loop3A_1579 = arith.constant 0 : i32
        %parallel_loop3A_1580 = arith.index_cast %parallel_loop3A_1577 : i32 to index
        %parallel_loop3A_1581 = arith.index_cast %parallel_loop3A_1578 : i32 to index
        %parallel_loop3A_1582 = arith.index_cast %parallel_loop3A_1579 : i32 to index
        %parallel_loop3A_1583 = arith.index_cast %parallel_loop3A_1549 : i32 to index
        %parallel_loop3A_1584 = tpu.vector_load %arg5[%parallel_loop3A_1580, %parallel_loop3A_1581, %parallel_loop3A_1582, %parallel_loop3A_1583] {strides = array<i32>} : memref<4x4x2x1024xf32, #tpu.memory_space<vmem>>, vector<1x1x1x16xf32>,
        %parallel_loop3A_1585 = vector.shape_cast %parallel_loop3A_1584 : vector<1x1x1x16xf32> to vector<16xf32>
        %parallel_loop3A_1586 = arith.addf %parallel_loop3A_1585, %parallel_loop3A_1556 : vector<16xf32>
        %parallel_loop3A_1587 = arith.constant 3 : i32
        %parallel_loop3A_1588 = arith.constant 1 : i32
        %parallel_loop3A_1589 = arith.constant 0 : i32
        %parallel_loop3A_1590 = arith.index_cast %parallel_loop3A_1587 : i32 to index
        %parallel_loop3A_1591 = arith.index_cast %parallel_loop3A_1588 : i32 to index
        %parallel_loop3A_1592 = arith.index_cast %parallel_loop3A_1589 : i32 to index
        %parallel_loop3A_1593 = arith.index_cast %parallel_loop3A_1549 : i32 to index
        %parallel_loop3A_1594 = tpu.vector_load %arg7[%parallel_loop3A_1590, %parallel_loop3A_1591, %parallel_loop3A_1592, %parallel_loop3A_1593] {strides = array<i32>} : memref<4x4x2x1024xf32, #tpu.memory_space<vmem>>, vector<1x1x1x16xf32>,
        %parallel_loop3A_1595 = vector.shape_cast %parallel_loop3A_1594 : vector<1x1x1x16xf32> to vector<16xf32>
        %parallel_loop3A_1596 = vector.shape_cast %parallel_loop3A_1586 : vector<16xf32> to vector<1x1x1x16xf32>
        tpu.vector_store %arg7[%parallel_loop3A_1590, %parallel_loop3A_1591, %parallel_loop3A_1592, %parallel_loop3A_1593], %parallel_loop3A_1596 {strides = array<i32>} : memref<4x4x2x1024xf32, #tpu.memory_space<vmem>>, vector<1x1x1x16xf32>,
        %parallel_loop3A_1597 = arith.constant 3 : i32
        %parallel_loop3A_1598 = arith.constant 2 : i32
        %parallel_loop3A_1599 = arith.constant 0 : i32
        %parallel_loop3A_1600 = arith.index_cast %parallel_loop3A_1597 : i32 to index
        %parallel_loop3A_1601 = arith.index_cast %parallel_loop3A_1598 : i32 to index
        %parallel_loop3A_1602 = arith.index_cast %parallel_loop3A_1599 : i32 to index
        %parallel_loop3A_1603 = arith.index_cast %parallel_loop3A_1549 : i32 to index
        %parallel_loop3A_1604 = tpu.vector_load %arg5[%parallel_loop3A_1600, %parallel_loop3A_1601, %parallel_loop3A_1602, %parallel_loop3A_1603] {strides = array<i32>} : memref<4x4x2x1024xf32, #tpu.memory_space<vmem>>, vector<1x1x1x16xf32>,
        %parallel_loop3A_1605 = vector.shape_cast %parallel_loop3A_1604 : vector<1x1x1x16xf32> to vector<16xf32>
        %parallel_loop3A_1606 = arith.addf %parallel_loop3A_1605, %parallel_loop3A_1556 : vector<16xf32>
        %parallel_loop3A_1607 = arith.constant 3 : i32
        %parallel_loop3A_1608 = arith.constant 2 : i32
        %parallel_loop3A_1609 = arith.constant 0 : i32
        %parallel_loop3A_1610 = arith.index_cast %parallel_loop3A_1607 : i32 to index
        %parallel_loop3A_1611 = arith.index_cast %parallel_loop3A_1608 : i32 to index
        %parallel_loop3A_1612 = arith.index_cast %parallel_loop3A_1609 : i32 to index
        %parallel_loop3A_1613 = arith.index_cast %parallel_loop3A_1549 : i32 to index
        %parallel_loop3A_1614 = tpu.vector_load %arg7[%parallel_loop3A_1610, %parallel_loop3A_1611, %parallel_loop3A_1612, %parallel_loop3A_1613] {strides = array<i32>} : memref<4x4x2x1024xf32, #tpu.memory_space<vmem>>, vector<1x1x1x16xf32>,
        %parallel_loop3A_1615 = vector.shape_cast %parallel_loop3A_1614 : vector<1x1x1x16xf32> to vector<16xf32>
        %parallel_loop3A_1616 = vector.shape_cast %parallel_loop3A_1606 : vector<16xf32> to vector<1x1x1x16xf32>
        tpu.vector_store %arg7[%parallel_loop3A_1610, %parallel_loop3A_1611, %parallel_loop3A_1612, %parallel_loop3A_1613], %parallel_loop3A_1616 {strides = array<i32>} : memref<4x4x2x1024xf32, #tpu.memory_space<vmem>>, vector<1x1x1x16xf32>,
        %parallel_loop3A_1617 = arith.constant 3 : i32
        %parallel_loop3A_1618 = arith.constant 3 : i32
        %parallel_loop3A_1619 = arith.constant 0 : i32
        %parallel_loop3A_1620 = arith.index_cast %parallel_loop3A_1617 : i32 to index
        %parallel_loop3A_1621 = arith.index_cast %parallel_loop3A_1618 : i32 to index
        %parallel_loop3A_1622 = arith.index_cast %parallel_loop3A_1619 : i32 to index
        %parallel_loop3A_1623 = arith.index_cast %parallel_loop3A_1549 : i32 to index
        %parallel_loop3A_1624 = tpu.vector_load %arg5[%parallel_loop3A_1620, %parallel_loop3A_1621, %parallel_loop3A_1622, %parallel_loop3A_1623] {strides = array<i32>} : memref<4x4x2x1024xf32, #tpu.memory_space<vmem>>, vector<1x1x1x16xf32>,
        %parallel_loop3A_1625 = vector.shape_cast %parallel_loop3A_1624 : vector<1x1x1x16xf32> to vector<16xf32>
        %parallel_loop3A_1626 = arith.addf %parallel_loop3A_1625, %parallel_loop3A_1556 : vector<16xf32>
        %parallel_loop3A_1627 = arith.constant 3 : i32
        %parallel_loop3A_1628 = arith.constant 3 : i32
        %parallel_loop3A_1629 = arith.constant 0 : i32
        %parallel_loop3A_1630 = arith.index_cast %parallel_loop3A_1627 : i32 to index
        %parallel_loop3A_1631 = arith.index_cast %parallel_loop3A_1628 : i32 to index
        %parallel_loop3A_1632 = arith.index_cast %parallel_loop3A_1629 : i32 to index
        %parallel_loop3A_1633 = arith.index_cast %parallel_loop3A_1549 : i32 to index
        %parallel_loop3A_1634 = tpu.vector_load %arg7[%parallel_loop3A_1630, %parallel_loop3A_1631, %parallel_loop3A_1632, %parallel_loop3A_1633] {strides = array<i32>} : memref<4x4x2x1024xf32, #tpu.memory_space<vmem>>, vector<1x1x1x16xf32>,
        %parallel_loop3A_1635 = vector.shape_cast %parallel_loop3A_1634 : vector<1x1x1x16xf32> to vector<16xf32>
        %parallel_loop3A_1636 = vector.shape_cast %parallel_loop3A_1626 : vector<16xf32> to vector<1x1x1x16xf32>
        tpu.vector_store %arg7[%parallel_loop3A_1630, %parallel_loop3A_1631, %parallel_loop3A_1632, %parallel_loop3A_1633], %parallel_loop3A_1636 {strides = array<i32>} : memref<4x4x2x1024xf32, #tpu.memory_space<vmem>>, vector<1x1x1x16xf32>,
      } {sc.loop_unroll_factor = 8 : i64, sc.parallel_access}
      %parallel_loop3A_1454 = arith.constant 0 : i32
      %parallel_loop3A_1455 = arith.constant 1024 : i32
      %parallel_loop3A_1456 = arith.constant 16 : i32
      scf.for %parallel_loop3A_1549 = %parallel_loop3A_1454 to %parallel_loop3A_1455 step %parallel_loop3A_1456  : i32 {
        %parallel_loop3A_1550 = arith.constant 3 : i32
        %parallel_loop3A_1551 = arith.constant 1 : i32
        %parallel_loop3A_1552 = arith.index_cast %parallel_loop3A_1550 : i32 to index
        %parallel_loop3A_1553 = arith.index_cast %parallel_loop3A_1551 : i32 to index
        %parallel_loop3A_1554 = arith.index_cast %parallel_loop3A_1549 : i32 to index
        %parallel_loop3A_1555 = tpu.vector_load %arg6[%parallel_loop3A_1552, %parallel_loop3A_1553, %parallel_loop3A_1554] {strides = array<i32>} : memref<4x2x1024xf32, #tpu.memory_space<vmem>>, vector<1x1x16xf32>,
        %parallel_loop3A_1556 = vector.shape_cast %parallel_loop3A_1555 : vector<1x1x16xf32> to vector<16xf32>
        %parallel_loop3A_1557 = arith.constant 3 : i32
        %parallel_loop3A_1558 = arith.constant 0 : i32
        %parallel_loop3A_1559 = arith.constant 1 : i32
        %parallel_loop3A_1560 = arith.index_cast %parallel_loop3A_1557 : i32 to index
        %parallel_loop3A_1561 = arith.index_cast %parallel_loop3A_1558 : i32 to index
        %parallel_loop3A_1562 = arith.index_cast %parallel_loop3A_1559 : i32 to index
        %parallel_loop3A_1563 = arith.index_cast %parallel_loop3A_1549 : i32 to index
        %parallel_loop3A_1564 = tpu.vector_load %arg5[%parallel_loop3A_1560, %parallel_loop3A_1561, %parallel_loop3A_1562, %parallel_loop3A_1563] {strides = array<i32>} : memref<4x4x2x1024xf32, #tpu.memory_space<vmem>>, vector<1x1x1x16xf32>,
        %parallel_loop3A_1565 = vector.shape_cast %parallel_loop3A_1564 : vector<1x1x1x16xf32> to vector<16xf32>
        %parallel_loop3A_1566 = arith.addf %parallel_loop3A_1565, %parallel_loop3A_1556 : vector<16xf32>
        %parallel_loop3A_1567 = arith.constant 3 : i32
        %parallel_loop3A_1568 = arith.constant 0 : i32
        %parallel_loop3A_1569 = arith.constant 1 : i32
        %parallel_loop3A_1570 = arith.index_cast %parallel_loop3A_1567 : i32 to index
        %parallel_loop3A_1571 = arith.index_cast %parallel_loop3A_1568 : i32 to index
        %parallel_loop3A_1572 = arith.index_cast %parallel_loop3A_1569 : i32 to index
        %parallel_loop3A_1573 = arith.index_cast %parallel_loop3A_1549 : i32 to index
        %parallel_loop3A_1574 = tpu.vector_load %arg7[%parallel_loop3A_1570, %parallel_loop3A_1571, %parallel_loop3A_1572, %parallel_loop3A_1573] {strides = array<i32>} : memref<4x4x2x1024xf32, #tpu.memory_space<vmem>>, vector<1x1x1x16xf32>,
        %parallel_loop3A_1575 = vector.shape_cast %parallel_loop3A_1574 : vector<1x1x1x16xf32> to vector<16xf32>
        %parallel_loop3A_1576 = vector.shape_cast %parallel_loop3A_1566 : vector<16xf32> to vector<1x1x1x16xf32>
        tpu.vector_store %arg7[%parallel_loop3A_1570, %parallel_loop3A_1571, %parallel_loop3A_1572, %parallel_loop3A_1573], %parallel_loop3A_1576 {strides = array<i32>} : memref<4x4x2x1024xf32, #tpu.memory_space<vmem>>, vector<1x1x1x16xf32>,
        %parallel_loop3A_1577 = arith.constant 3 : i32
        %parallel_loop3A_1578 = arith.constant 1 : i32
        %parallel_loop3A_1579 = arith.constant 1 : i32
        %parallel_loop3A_1580 = arith.index_cast %parallel_loop3A_1577 : i32 to index
        %parallel_loop3A_1581 = arith.index_cast %parallel_loop3A_1578 : i32 to index
        %parallel_loop3A_1582 = arith.index_cast %parallel_loop3A_1579 : i32 to index
        %parallel_loop3A_1583 = arith.index_cast %parallel_loop3A_1549 : i32 to index
        %parallel_loop3A_1584 = tpu.vector_load %arg5[%parallel_loop3A_1580, %parallel_loop3A_1581, %parallel_loop3A_1582, %parallel_loop3A_1583] {strides = array<i32>} : memref<4x4x2x1024xf32, #tpu.memory_space<vmem>>, vector<1x1x1x16xf32>,
        %parallel_loop3A_1585 = vector.shape_cast %parallel_loop3A_1584 : vector<1x1x1x16xf32> to vector<16xf32>
        %parallel_loop3A_1586 = arith.addf %parallel_loop3A_1585, %parallel_loop3A_1556 : vector<16xf32>
        %parallel_loop3A_1587 = arith.constant 3 : i32
        %parallel_loop3A_1588 = arith.constant 1 : i32
        %parallel_loop3A_1589 = arith.constant 1 : i32
        %parallel_loop3A_1590 = arith.index_cast %parallel_loop3A_1587 : i32 to index
        %parallel_loop3A_1591 = arith.index_cast %parallel_loop3A_1588 : i32 to index
        %parallel_loop3A_1592 = arith.index_cast %parallel_loop3A_1589 : i32 to index
        %parallel_loop3A_1593 = arith.index_cast %parallel_loop3A_1549 : i32 to index
        %parallel_loop3A_1594 = tpu.vector_load %arg7[%parallel_loop3A_1590, %parallel_loop3A_1591, %parallel_loop3A_1592, %parallel_loop3A_1593] {strides = array<i32>} : memref<4x4x2x1024xf32, #tpu.memory_space<vmem>>, vector<1x1x1x16xf32>,
        %parallel_loop3A_1595 = vector.shape_cast %parallel_loop3A_1594 : vector<1x1x1x16xf32> to vector<16xf32>
        %parallel_loop3A_1596 = vector.shape_cast %parallel_loop3A_1586 : vector<16xf32> to vector<1x1x1x16xf32>
        tpu.vector_store %arg7[%parallel_loop3A_1590, %parallel_loop3A_1591, %parallel_loop3A_1592, %parallel_loop3A_1593], %parallel_loop3A_1596 {strides = array<i32>} : memref<4x4x2x1024xf32, #tpu.memory_space<vmem>>, vector<1x1x1x16xf32>,
        %parallel_loop3A_1597 = arith.constant 3 : i32
        %parallel_loop3A_1598 = arith.constant 2 : i32
        %parallel_loop3A_1599 = arith.constant 1 : i32
        %parallel_loop3A_1600 = arith.index_cast %parallel_loop3A_1597 : i32 to index
        %parallel_loop3A_1601 = arith.index_cast %parallel_loop3A_1598 : i32 to index
        %parallel_loop3A_1602 = arith.index_cast %parallel_loop3A_1599 : i32 to index
        %parallel_loop3A_1603 = arith.index_cast %parallel_loop3A_1549 : i32 to index
        %parallel_loop3A_1604 = tpu.vector_load %arg5[%parallel_loop3A_1600, %parallel_loop3A_1601, %parallel_loop3A_1602, %parallel_loop3A_1603] {strides = array<i32>} : memref<4x4x2x1024xf32, #tpu.memory_space<vmem>>, vector<1x1x1x16xf32>,
        %parallel_loop3A_1605 = vector.shape_cast %parallel_loop3A_1604 : vector<1x1x1x16xf32> to vector<16xf32>
        %parallel_loop3A_1606 = arith.addf %parallel_loop3A_1605, %parallel_loop3A_1556 : vector<16xf32>
        %parallel_loop3A_1607 = arith.constant 3 : i32
        %parallel_loop3A_1608 = arith.constant 2 : i32
        %parallel_loop3A_1609 = arith.constant 1 : i32
        %parallel_loop3A_1610 = arith.index_cast %parallel_loop3A_1607 : i32 to index
        %parallel_loop3A_1611 = arith.index_cast %parallel_loop3A_1608 : i32 to index
        %parallel_loop3A_1612 = arith.index_cast %parallel_loop3A_1609 : i32 to index
        %parallel_loop3A_1613 = arith.index_cast %parallel_loop3A_1549 : i32 to index
        %parallel_loop3A_1614 = tpu.vector_load %arg7[%parallel_loop3A_1610, %parallel_loop3A_1611, %parallel_loop3A_1612, %parallel_loop3A_1613] {strides = array<i32>} : memref<4x4x2x1024xf32, #tpu.memory_space<vmem>>, vector<1x1x1x16xf32>,
        %parallel_loop3A_1615 = vector.shape_cast %parallel_loop3A_1614 : vector<1x1x1x16xf32> to vector<16xf32>
        %parallel_loop3A_1616 = vector.shape_cast %parallel_loop3A_1606 : vector<16xf32> to vector<1x1x1x16xf32>
        tpu.vector_store %arg7[%parallel_loop3A_1610, %parallel_loop3A_1611, %parallel_loop3A_1612, %parallel_loop3A_1613], %parallel_loop3A_1616 {strides = array<i32>} : memref<4x4x2x1024xf32, #tpu.memory_space<vmem>>, vector<1x1x1x16xf32>,
        %parallel_loop3A_1617 = arith.constant 3 : i32
        %parallel_loop3A_1618 = arith.constant 3 : i32
        %parallel_loop3A_1619 = arith.constant 1 : i32
        %parallel_loop3A_1620 = arith.index_cast %parallel_loop3A_1617 : i32 to index
        %parallel_loop3A_1621 = arith.index_cast %parallel_loop3A_1618 : i32 to index
        %parallel_loop3A_1622 = arith.index_cast %parallel_loop3A_1619 : i32 to index
        %parallel_loop3A_1623 = arith.index_cast %parallel_loop3A_1549 : i32 to index
        %parallel_loop3A_1624 = tpu.vector_load %arg5[%parallel_loop3A_1620, %parallel_loop3A_1621, %parallel_loop3A_1622, %parallel_loop3A_1623] {strides = array<i32>} : memref<4x4x2x1024xf32, #tpu.memory_space<vmem>>, vector<1x1x1x16xf32>,
        %parallel_loop3A_1625 = vector.shape_cast %parallel_loop3A_1624 : vector<1x1x1x16xf32> to vector<16xf32>
        %parallel_loop3A_1626 = arith.addf %parallel_loop3A_1625, %parallel_loop3A_1556 : vector<16xf32>
        %parallel_loop3A_1627 = arith.constant 3 : i32
        %parallel_loop3A_1628 = arith.constant 3 : i32
        %parallel_loop3A_1629 = arith.constant 1 : i32
        %parallel_loop3A_1630 = arith.index_cast %parallel_loop3A_1627 : i32 to index
        %parallel_loop3A_1631 = arith.index_cast %parallel_loop3A_1628 : i32 to index
        %parallel_loop3A_1632 = arith.index_cast %parallel_loop3A_1629 : i32 to index
        %parallel_loop3A_1633 = arith.index_cast %parallel_loop3A_1549 : i32 to index
        %parallel_loop3A_1634 = tpu.vector_load %arg7[%parallel_loop3A_1630, %parallel_loop3A_1631, %parallel_loop3A_1632, %parallel_loop3A_1633] {strides = array<i32>} : memref<4x4x2x1024xf32, #tpu.memory_space<vmem>>, vector<1x1x1x16xf32>,
        %parallel_loop3A_1635 = vector.shape_cast %parallel_loop3A_1634 : vector<1x1x1x16xf32> to vector<16xf32>
        %parallel_loop3A_1636 = vector.shape_cast %parallel_loop3A_1626 : vector<16xf32> to vector<1x1x1x16xf32>
        tpu.vector_store %arg7[%parallel_loop3A_1630, %parallel_loop3A_1631, %parallel_loop3A_1632, %parallel_loop3A_1633], %parallel_loop3A_1636 {strides = array<i32>} : memref<4x4x2x1024xf32, #tpu.memory_space<vmem>>, vector<1x1x1x16xf32>,
      } {sc.loop_unroll_factor = 8 : i64, sc.parallel_access}
      %mul3A_1457 = arith.constant 2 : i32
      %mul3A_1458 = arith.muli %add3A_1344, %mul3A_1457 : i32
      %add3A_1459 = arith.addi %mul3A_2, %mul3A_1458 : i32
      %dma_start3A_1460 = arith.constant 3 : i32
      %dma_start3A_1461 = arith.constant 0 : i32
      %dma_start3A_1462 = arith.constant 0 : i32
      %dma_start3A_1463 = arith.constant 3 : i32
      %dma_start3A_1464 = arith.constant 0 : i32
      %dma_start3A_1465 = arith.constant 0 : i32
      %dma_start3A_1466 = tpu.memref_slice %arg7[%dma_start3A_1460, %dma_start3A_1461, %dma_start3A_1464, %dma_start3A_1465] : memref<4x4x2x1024xf32, #tpu.memory_space<vmem>> -> memref<1x1x2x1024xf32, #tpu.memory_space<vmem>>
      %dma_start3A_1467 = tpu.memref_squeeze %dma_start3A_1466 : memref<1x1x2x1024xf32, #tpu.memory_space<vmem>> -> memref<2x1024xf32, #tpu.memory_space<vmem>>
      %dma_start3A_1468 = arith.constant 0 : i32
      %dma_start3A_1469 = tpu.memref_slice %arg4[%dma_start3A_1462, %add3A_1459, %dma_start3A_1468] : memref<4x8192x1024xf32, #tpu.memory_space<hbm>> -> memref<1x2x1024xf32, #tpu.memory_space<hbm>>
      %dma_start3A_1470 = tpu.memref_squeeze %dma_start3A_1469 : memref<1x2x1024xf32, #tpu.memory_space<hbm>> -> memref<2x1024xf32, #tpu.memory_space<hbm>>
      %dma_start3A_1471 = tpu.memref_slice %arg9[%dma_start3A_1463] : memref<4x!tpu.dma_semaphore, #tpu.memory_space<semaphore_mem>> -> memref<1x!tpu.dma_semaphore, #tpu.memory_space<semaphore_mem>>
      %dma_start3A_1472 = tpu.memref_squeeze %dma_start3A_1471 : memref<1x!tpu.dma_semaphore, #tpu.memory_space<semaphore_mem>> -> memref<!tpu.dma_semaphore, #tpu.memory_space<semaphore_mem>>
      %dma_start3A_1473 = arith.constant 0 : i32
      %dma_start3A_1474 = tpu.memref_slice %arg4[%dma_start3A_1462, %add3A_1459, %dma_start3A_1473] : memref<4x8192x1024xf32, #tpu.memory_space<hbm>> -> memref<1x2x1024xf32, #tpu.memory_space<hbm>>
      %dma_start3A_1475 = tpu.memref_squeeze %dma_start3A_1474 : memref<1x2x1024xf32, #tpu.memory_space<hbm>> -> memref<2x1024xf32, #tpu.memory_space<hbm>>
      %dma_start3A_1476 = arith.constant 0 : i32
      %dma_start3A_1477 = arith.constant 0 : i32
      %dma_start3A_1478 = tpu.memref_slice %arg7[%dma_start3A_1460, %dma_start3A_1461, %dma_start3A_1476, %dma_start3A_1477] : memref<4x4x2x1024xf32, #tpu.memory_space<vmem>> -> memref<1x1x2x1024xf32, #tpu.memory_space<vmem>>
      %dma_start3A_1479 = tpu.memref_squeeze %dma_start3A_1478 : memref<1x1x2x1024xf32, #tpu.memory_space<vmem>> -> memref<2x1024xf32, #tpu.memory_space<vmem>>
      tpu.enqueue_dma source(%dma_start3A_1479 : memref<2x1024xf32, #tpu.memory_space<vmem>>) target(%dma_start3A_1475 : memref<2x1024xf32, #tpu.memory_space<hbm>>) target_semaphore(%dma_start3A_1472 : memref<!tpu.dma_semaphore, #tpu.memory_space<semaphore_mem>>)
      %dma_start3A_1480 = arith.constant 3 : i32
      %dma_start3A_1481 = arith.constant 1 : i32
      %dma_start3A_1482 = arith.constant 1 : i32
      %dma_start3A_1483 = arith.constant 3 : i32
      %dma_start3A_1484 = arith.constant 0 : i32
      %dma_start3A_1485 = arith.constant 0 : i32
      %dma_start3A_1486 = tpu.memref_slice %arg7[%dma_start3A_1480, %dma_start3A_1481, %dma_start3A_1484, %dma_start3A_1485] : memref<4x4x2x1024xf32, #tpu.memory_space<vmem>> -> memref<1x1x2x1024xf32, #tpu.memory_space<vmem>>
      %dma_start3A_1487 = tpu.memref_squeeze %dma_start3A_1486 : memref<1x1x2x1024xf32, #tpu.memory_space<vmem>> -> memref<2x1024xf32, #tpu.memory_space<vmem>>
      %dma_start3A_1488 = arith.constant 0 : i32
      %dma_start3A_1489 = tpu.memref_slice %arg4[%dma_start3A_1482, %add3A_1459, %dma_start3A_1488] : memref<4x8192x1024xf32, #tpu.memory_space<hbm>> -> memref<1x2x1024xf32, #tpu.memory_space<hbm>>
      %dma_start3A_1490 = tpu.memref_squeeze %dma_start3A_1489 : memref<1x2x1024xf32, #tpu.memory_space<hbm>> -> memref<2x1024xf32, #tpu.memory_space<hbm>>
      %dma_start3A_1491 = tpu.memref_slice %arg9[%dma_start3A_1483] : memref<4x!tpu.dma_semaphore, #tpu.memory_space<semaphore_mem>> -> memref<1x!tpu.dma_semaphore, #tpu.memory_space<semaphore_mem>>
      %dma_start3A_1492 = tpu.memref_squeeze %dma_start3A_1491 : memref<1x!tpu.dma_semaphore, #tpu.memory_space<semaphore_mem>> -> memref<!tpu.dma_semaphore, #tpu.memory_space<semaphore_mem>>
      %dma_start3A_1493 = arith.constant 0 : i32
      %dma_start3A_1494 = tpu.memref_slice %arg4[%dma_start3A_1482, %add3A_1459, %dma_start3A_1493] : memref<4x8192x1024xf32, #tpu.memory_space<hbm>> -> memref<1x2x1024xf32, #tpu.memory_space<hbm>>
      %dma_start3A_1495 = tpu.memref_squeeze %dma_start3A_1494 : memref<1x2x1024xf32, #tpu.memory_space<hbm>> -> memref<2x1024xf32, #tpu.memory_space<hbm>>
      %dma_start3A_1496 = arith.constant 0 : i32
      %dma_start3A_1497 = arith.constant 0 : i32
      %dma_start3A_1498 = tpu.memref_slice %arg7[%dma_start3A_1480, %dma_start3A_1481, %dma_start3A_1496, %dma_start3A_1497] : memref<4x4x2x1024xf32, #tpu.memory_space<vmem>> -> memref<1x1x2x1024xf32, #tpu.memory_space<vmem>>
      %dma_start3A_1499 = tpu.memref_squeeze %dma_start3A_1498 : memref<1x1x2x1024xf32, #tpu.memory_space<vmem>> -> memref<2x1024xf32, #tpu.memory_space<vmem>>
      tpu.enqueue_dma source(%dma_start3A_1499 : memref<2x1024xf32, #tpu.memory_space<vmem>>) target(%dma_start3A_1495 : memref<2x1024xf32, #tpu.memory_space<hbm>>) target_semaphore(%dma_start3A_1492 : memref<!tpu.dma_semaphore, #tpu.memory_space<semaphore_mem>>)
      %dma_start3A_1500 = arith.constant 3 : i32
      %dma_start3A_1501 = arith.constant 2 : i32
      %dma_start3A_1502 = arith.constant 2 : i32
      %dma_start3A_1503 = arith.constant 3 : i32
      %dma_start3A_1504 = arith.constant 0 : i32
      %dma_start3A_1505 = arith.constant 0 : i32
      %dma_start3A_1506 = tpu.memref_slice %arg7[%dma_start3A_1500, %dma_start3A_1501, %dma_start3A_1504, %dma_start3A_1505] : memref<4x4x2x1024xf32, #tpu.memory_space<vmem>> -> memref<1x1x2x1024xf32, #tpu.memory_space<vmem>>
      %dma_start3A_1507 = tpu.memref_squeeze %dma_start3A_1506 : memref<1x1x2x1024xf32, #tpu.memory_space<vmem>> -> memref<2x1024xf32, #tpu.memory_space<vmem>>
      %dma_start3A_1508 = arith.constant 0 : i32
      %dma_start3A_1509 = tpu.memref_slice %arg4[%dma_start3A_1502, %add3A_1459, %dma_start3A_1508] : memref<4x8192x1024xf32, #tpu.memory_space<hbm>> -> memref<1x2x1024xf32, #tpu.memory_space<hbm>>
      %dma_start3A_1510 = tpu.memref_squeeze %dma_start3A_1509 : memref<1x2x1024xf32, #tpu.memory_space<hbm>> -> memref<2x1024xf32, #tpu.memory_space<hbm>>
      %dma_start3A_1511 = tpu.memref_slice %arg9[%dma_start3A_1503] : memref<4x!tpu.dma_semaphore, #tpu.memory_space<semaphore_mem>> -> memref<1x!tpu.dma_semaphore, #tpu.memory_space<semaphore_mem>>
      %dma_start3A_1512 = tpu.memref_squeeze %dma_start3A_1511 : memref<1x!tpu.dma_semaphore, #tpu.memory_space<semaphore_mem>> -> memref<!tpu.dma_semaphore, #tpu.memory_space<semaphore_mem>>
      %dma_start3A_1513 = arith.constant 0 : i32
      %dma_start3A_1514 = tpu.memref_slice %arg4[%dma_start3A_1502, %add3A_1459, %dma_start3A_1513] : memref<4x8192x1024xf32, #tpu.memory_space<hbm>> -> memref<1x2x1024xf32, #tpu.memory_space<hbm>>
      %dma_start3A_1515 = tpu.memref_squeeze %dma_start3A_1514 : memref<1x2x1024xf32, #tpu.memory_space<hbm>> -> memref<2x1024xf32, #tpu.memory_space<hbm>>
      %dma_start3A_1516 = arith.constant 0 : i32
      %dma_start3A_1517 = arith.constant 0 : i32
      %dma_start3A_1518 = tpu.memref_slice %arg7[%dma_start3A_1500, %dma_start3A_1501, %dma_start3A_1516, %dma_start3A_1517] : memref<4x4x2x1024xf32, #tpu.memory_space<vmem>> -> memref<1x1x2x1024xf32, #tpu.memory_space<vmem>>
      %dma_start3A_1519 = tpu.memref_squeeze %dma_start3A_1518 : memref<1x1x2x1024xf32, #tpu.memory_space<vmem>> -> memref<2x1024xf32, #tpu.memory_space<vmem>>
      tpu.enqueue_dma source(%dma_start3A_1519 : memref<2x1024xf32, #tpu.memory_space<vmem>>) target(%dma_start3A_1515 : memref<2x1024xf32, #tpu.memory_space<hbm>>) target_semaphore(%dma_start3A_1512 : memref<!tpu.dma_semaphore, #tpu.memory_space<semaphore_mem>>)
      %dma_start3A_1520 = arith.constant 3 : i32
      %dma_start3A_1521 = arith.constant 3 : i32
      %dma_start3A_1522 = arith.constant 3 : i32
      %dma_start3A_1523 = arith.constant 3 : i32
      %dma_start3A_1524 = arith.constant 0 : i32
      %dma_start3A_1525 = arith.constant 0 : i32
      %dma_start3A_1526 = tpu.memref_slice %arg7[%dma_start3A_1520, %dma_start3A_1521, %dma_start3A_1524, %dma_start3A_1525] : memref<4x4x2x1024xf32, #tpu.memory_space<vmem>> -> memref<1x1x2x1024xf32, #tpu.memory_space<vmem>>
      %dma_start3A_1527 = tpu.memref_squeeze %dma_start3A_1526 : memref<1x1x2x1024xf32, #tpu.memory_space<vmem>> -> memref<2x1024xf32, #tpu.memory_space<vmem>>
      %dma_start3A_1528 = arith.constant 0 : i32
      %dma_start3A_1529 = tpu.memref_slice %arg4[%dma_start3A_1522, %add3A_1459, %dma_start3A_1528] : memref<4x8192x1024xf32, #tpu.memory_space<hbm>> -> memref<1x2x1024xf32, #tpu.memory_space<hbm>>
      %dma_start3A_1530 = tpu.memref_squeeze %dma_start3A_1529 : memref<1x2x1024xf32, #tpu.memory_space<hbm>> -> memref<2x1024xf32, #tpu.memory_space<hbm>>
      %dma_start3A_1531 = tpu.memref_slice %arg9[%dma_start3A_1523] : memref<4x!tpu.dma_semaphore, #tpu.memory_space<semaphore_mem>> -> memref<1x!tpu.dma_semaphore, #tpu.memory_space<semaphore_mem>>
      %dma_start3A_1532 = tpu.memref_squeeze %dma_start3A_1531 : memref<1x!tpu.dma_semaphore, #tpu.memory_space<semaphore_mem>> -> memref<!tpu.dma_semaphore, #tpu.memory_space<semaphore_mem>>
      %dma_start3A_1533 = arith.constant 0 : i32
      %dma_start3A_1534 = tpu.memref_slice %arg4[%dma_start3A_1522, %add3A_1459, %dma_start3A_1533] : memref<4x8192x1024xf32, #tpu.memory_space<hbm>> -> memref<1x2x1024xf32, #tpu.memory_space<hbm>>
      %dma_start3A_1535 = tpu.memref_squeeze %dma_start3A_1534 : memref<1x2x1024xf32, #tpu.memory_space<hbm>> -> memref<2x1024xf32, #tpu.memory_space<hbm>>
      %dma_start3A_1536 = arith.constant 0 : i32
      %dma_start3A_1537 = arith.constant 0 : i32
      %dma_start3A_1538 = tpu.memref_slice %arg7[%dma_start3A_1520, %dma_start3A_1521, %dma_start3A_1536, %dma_start3A_1537] : memref<4x4x2x1024xf32, #tpu.memory_space<vmem>> -> memref<1x1x2x1024xf32, #tpu.memory_space<vmem>>
      %dma_start3A_1539 = tpu.memref_squeeze %dma_start3A_1538 : memref<1x1x2x1024xf32, #tpu.memory_space<vmem>> -> memref<2x1024xf32, #tpu.memory_space<vmem>>
      tpu.enqueue_dma source(%dma_start3A_1539 : memref<2x1024xf32, #tpu.memory_space<vmem>>) target(%dma_start3A_1535 : memref<2x1024xf32, #tpu.memory_space<hbm>>) target_semaphore(%dma_start3A_1532 : memref<!tpu.dma_semaphore, #tpu.memory_space<semaphore_mem>>)
      %add3A_1540 = arith.constant 3 : i32
      %add3A_1541 = arith.addi %add3A_729, %add3A_1540 : i32
      %add3A_1542 = arith.constant 4 : i32
      %add3A_1543 = arith.addi %add3A_1541, %add3A_1542 : i32
      %lt3A_1544 = arith.constant 128 : i32
      %lt3A_1545 = arith.cmpi slt, %add3A_1543, %lt3A_1544 : i32
      %convert_element_type3A_1546 = arith.extui %lt3A_1545 : i1 to i32
      %cond3A_1547 = arith.constant 0 : i32
      %cond3A_1548 = arith.cmpi ne, %convert_element_type3A_1546, %cond3A_1547 : i32
      scf.if %cond3A_1548 {
        %add3A_1549 = arith.constant 4 : i32
        %add3A_1550 = arith.addi %add3A_1344, %add3A_1549 : i32
        %mul3A_1551 = arith.constant 2 : i32
        %mul3A_1552 = arith.muli %add3A_1550, %mul3A_1551 : i32
        %add3A_1553 = arith.addi %mul3A_2, %mul3A_1552 : i32
        %dma_start3A_1554 = arith.constant 3 : i32
        %dma_start3A_1555 = arith.constant 3 : i32
        %dma_start3A_1556 = arith.constant 0 : i32
        %dma_start3A_1557 = arith.constant 0 : i32
        %dma_start3A_1558 = tpu.memref_slice %arg6[%dma_start3A_1554, %dma_start3A_1556, %dma_start3A_1557] : memref<4x2x1024xf32, #tpu.memory_space<vmem>> -> memref<1x2x1024xf32, #tpu.memory_space<vmem>>
        %dma_start3A_1559 = tpu.memref_squeeze %dma_start3A_1558 : memref<1x2x1024xf32, #tpu.memory_space<vmem>> -> memref<2x1024xf32, #tpu.memory_space<vmem>>
        %dma_start3A_1560 = arith.constant 0 : i32
        %dma_start3A_1561 = tpu.memref_slice %arg3[%add3A_1553, %dma_start3A_1560] : memref<8192x1024xf32, #tpu.memory_space<hbm>> -> memref<2x1024xf32, #tpu.memory_space<hbm>>
        %dma_start3A_1562 = tpu.memref_slice %arg8[%dma_start3A_1555] : memref<4x!tpu.dma_semaphore, #tpu.memory_space<semaphore_mem>> -> memref<1x!tpu.dma_semaphore, #tpu.memory_space<semaphore_mem>>
        %dma_start3A_1563 = tpu.memref_squeeze %dma_start3A_1562 : memref<1x!tpu.dma_semaphore, #tpu.memory_space<semaphore_mem>> -> memref<!tpu.dma_semaphore, #tpu.memory_space<semaphore_mem>>
        %dma_start3A_1564 = arith.constant 0 : i32
        %dma_start3A_1565 = arith.constant 0 : i32
        %dma_start3A_1566 = tpu.memref_slice %arg6[%dma_start3A_1554, %dma_start3A_1564, %dma_start3A_1565] : memref<4x2x1024xf32, #tpu.memory_space<vmem>> -> memref<1x2x1024xf32, #tpu.memory_space<vmem>>
        %dma_start3A_1567 = tpu.memref_squeeze %dma_start3A_1566 : memref<1x2x1024xf32, #tpu.memory_space<vmem>> -> memref<2x1024xf32, #tpu.memory_space<vmem>>
        %dma_start3A_1568 = arith.constant 0 : i32
        %dma_start3A_1569 = tpu.memref_slice %arg3[%add3A_1553, %dma_start3A_1568] : memref<8192x1024xf32, #tpu.memory_space<hbm>> -> memref<2x1024xf32, #tpu.memory_space<hbm>>
        tpu.enqueue_dma source(%dma_start3A_1569 : memref<2x1024xf32, #tpu.memory_space<hbm>>) target(%dma_start3A_1567 : memref<2x1024xf32, #tpu.memory_space<vmem>>) target_semaphore(%dma_start3A_1563 : memref<!tpu.dma_semaphore, #tpu.memory_space<semaphore_mem>>)
        %dma_start3A_1570 = arith.constant 0 : i32
        %dma_start3A_1571 = arith.constant 3 : i32
        %dma_start3A_1572 = arith.constant 0 : i32
        %dma_start3A_1573 = arith.constant 3 : i32
        %dma_start3A_1574 = arith.constant 0 : i32
        %dma_start3A_1575 = arith.constant 0 : i32
        %dma_start3A_1576 = tpu.memref_slice %arg5[%dma_start3A_1571, %dma_start3A_1572, %dma_start3A_1574, %dma_start3A_1575] : memref<4x4x2x1024xf32, #tpu.memory_space<vmem>> -> memref<1x1x2x1024xf32, #tpu.memory_space<vmem>>
        %dma_start3A_1577 = tpu.memref_squeeze %dma_start3A_1576 : memref<1x1x2x1024xf32, #tpu.memory_space<vmem>> -> memref<2x1024xf32, #tpu.memory_space<vmem>>
        %dma_start3A_1578 = arith.constant 0 : i32
        %dma_start3A_1579 = tpu.memref_slice %arg2[%dma_start3A_1570, %add3A_1553, %dma_start3A_1578] : memref<4x8192x1024xf32, #tpu.memory_space<hbm>> -> memref<1x2x1024xf32, #tpu.memory_space<hbm>>
        %dma_start3A_1580 = tpu.memref_squeeze %dma_start3A_1579 : memref<1x2x1024xf32, #tpu.memory_space<hbm>> -> memref<2x1024xf32, #tpu.memory_space<hbm>>
        %dma_start3A_1581 = tpu.memref_slice %arg8[%dma_start3A_1573] : memref<4x!tpu.dma_semaphore, #tpu.memory_space<semaphore_mem>> -> memref<1x!tpu.dma_semaphore, #tpu.memory_space<semaphore_mem>>
        %dma_start3A_1582 = tpu.memref_squeeze %dma_start3A_1581 : memref<1x!tpu.dma_semaphore, #tpu.memory_space<semaphore_mem>> -> memref<!tpu.dma_semaphore, #tpu.memory_space<semaphore_mem>>
        %dma_start3A_1583 = arith.constant 0 : i32
        %dma_start3A_1584 = arith.constant 0 : i32
        %dma_start3A_1585 = tpu.memref_slice %arg5[%dma_start3A_1571, %dma_start3A_1572, %dma_start3A_1583, %dma_start3A_1584] : memref<4x4x2x1024xf32, #tpu.memory_space<vmem>> -> memref<1x1x2x1024xf32, #tpu.memory_space<vmem>>
        %dma_start3A_1586 = tpu.memref_squeeze %dma_start3A_1585 : memref<1x1x2x1024xf32, #tpu.memory_space<vmem>> -> memref<2x1024xf32, #tpu.memory_space<vmem>>
        %dma_start3A_1587 = arith.constant 0 : i32
        %dma_start3A_1588 = tpu.memref_slice %arg2[%dma_start3A_1570, %add3A_1553, %dma_start3A_1587] : memref<4x8192x1024xf32, #tpu.memory_space<hbm>> -> memref<1x2x1024xf32, #tpu.memory_space<hbm>>
        %dma_start3A_1589 = tpu.memref_squeeze %dma_start3A_1588 : memref<1x2x1024xf32, #tpu.memory_space<hbm>> -> memref<2x1024xf32, #tpu.memory_space<hbm>>
        tpu.enqueue_dma source(%dma_start3A_1589 : memref<2x1024xf32, #tpu.memory_space<hbm>>) target(%dma_start3A_1586 : memref<2x1024xf32, #tpu.memory_space<vmem>>) target_semaphore(%dma_start3A_1582 : memref<!tpu.dma_semaphore, #tpu.memory_space<semaphore_mem>>)
        %dma_start3A_1590 = arith.constant 1 : i32
        %dma_start3A_1591 = arith.constant 3 : i32
        %dma_start3A_1592 = arith.constant 1 : i32
        %dma_start3A_1593 = arith.constant 3 : i32
        %dma_start3A_1594 = arith.constant 0 : i32
        %dma_start3A_1595 = arith.constant 0 : i32
        %dma_start3A_1596 = tpu.memref_slice %arg5[%dma_start3A_1591, %dma_start3A_1592, %dma_start3A_1594, %dma_start3A_1595] : memref<4x4x2x1024xf32, #tpu.memory_space<vmem>> -> memref<1x1x2x1024xf32, #tpu.memory_space<vmem>>
        %dma_start3A_1597 = tpu.memref_squeeze %dma_start3A_1596 : memref<1x1x2x1024xf32, #tpu.memory_space<vmem>> -> memref<2x1024xf32, #tpu.memory_space<vmem>>
        %dma_start3A_1598 = arith.constant 0 : i32
        %dma_start3A_1599 = tpu.memref_slice %arg2[%dma_start3A_1590, %add3A_1553, %dma_start3A_1598] : memref<4x8192x1024xf32, #tpu.memory_space<hbm>> -> memref<1x2x1024xf32, #tpu.memory_space<hbm>>
        %dma_start3A_1600 = tpu.memref_squeeze %dma_start3A_1599 : memref<1x2x1024xf32, #tpu.memory_space<hbm>> -> memref<2x1024xf32, #tpu.memory_space<hbm>>
        %dma_start3A_1601 = tpu.memref_slice %arg8[%dma_start3A_1593] : memref<4x!tpu.dma_semaphore, #tpu.memory_space<semaphore_mem>> -> memref<1x!tpu.dma_semaphore, #tpu.memory_space<semaphore_mem>>
        %dma_start3A_1602 = tpu.memref_squeeze %dma_start3A_1601 : memref<1x!tpu.dma_semaphore, #tpu.memory_space<semaphore_mem>> -> memref<!tpu.dma_semaphore, #tpu.memory_space<semaphore_mem>>
        %dma_start3A_1603 = arith.constant 0 : i32
        %dma_start3A_1604 = arith.constant 0 : i32
        %dma_start3A_1605 = tpu.memref_slice %arg5[%dma_start3A_1591, %dma_start3A_1592, %dma_start3A_1603, %dma_start3A_1604] : memref<4x4x2x1024xf32, #tpu.memory_space<vmem>> -> memref<1x1x2x1024xf32, #tpu.memory_space<vmem>>
        %dma_start3A_1606 = tpu.memref_squeeze %dma_start3A_1605 : memref<1x1x2x1024xf32, #tpu.memory_space<vmem>> -> memref<2x1024xf32, #tpu.memory_space<vmem>>
        %dma_start3A_1607 = arith.constant 0 : i32
        %dma_start3A_1608 = tpu.memref_slice %arg2[%dma_start3A_1590, %add3A_1553, %dma_start3A_1607] : memref<4x8192x1024xf32, #tpu.memory_space<hbm>> -> memref<1x2x1024xf32, #tpu.memory_space<hbm>>
        %dma_start3A_1609 = tpu.memref_squeeze %dma_start3A_1608 : memref<1x2x1024xf32, #tpu.memory_space<hbm>> -> memref<2x1024xf32, #tpu.memory_space<hbm>>
        tpu.enqueue_dma source(%dma_start3A_1609 : memref<2x1024xf32, #tpu.memory_space<hbm>>) target(%dma_start3A_1606 : memref<2x1024xf32, #tpu.memory_space<vmem>>) target_semaphore(%dma_start3A_1602 : memref<!tpu.dma_semaphore, #tpu.memory_space<semaphore_mem>>)
        %dma_start3A_1610 = arith.constant 2 : i32
        %dma_start3A_1611 = arith.constant 3 : i32
        %dma_start3A_1612 = arith.constant 2 : i32
        %dma_start3A_1613 = arith.constant 3 : i32
        %dma_start3A_1614 = arith.constant 0 : i32
        %dma_start3A_1615 = arith.constant 0 : i32
        %dma_start3A_1616 = tpu.memref_slice %arg5[%dma_start3A_1611, %dma_start3A_1612, %dma_start3A_1614, %dma_start3A_1615] : memref<4x4x2x1024xf32, #tpu.memory_space<vmem>> -> memref<1x1x2x1024xf32, #tpu.memory_space<vmem>>
        %dma_start3A_1617 = tpu.memref_squeeze %dma_start3A_1616 : memref<1x1x2x1024xf32, #tpu.memory_space<vmem>> -> memref<2x1024xf32, #tpu.memory_space<vmem>>
        %dma_start3A_1618 = arith.constant 0 : i32
        %dma_start3A_1619 = tpu.memref_slice %arg2[%dma_start3A_1610, %add3A_1553, %dma_start3A_1618] : memref<4x8192x1024xf32, #tpu.memory_space<hbm>> -> memref<1x2x1024xf32, #tpu.memory_space<hbm>>
        %dma_start3A_1620 = tpu.memref_squeeze %dma_start3A_1619 : memref<1x2x1024xf32, #tpu.memory_space<hbm>> -> memref<2x1024xf32, #tpu.memory_space<hbm>>
        %dma_start3A_1621 = tpu.memref_slice %arg8[%dma_start3A_1613] : memref<4x!tpu.dma_semaphore, #tpu.memory_space<semaphore_mem>> -> memref<1x!tpu.dma_semaphore, #tpu.memory_space<semaphore_mem>>
        %dma_start3A_1622 = tpu.memref_squeeze %dma_start3A_1621 : memref<1x!tpu.dma_semaphore, #tpu.memory_space<semaphore_mem>> -> memref<!tpu.dma_semaphore, #tpu.memory_space<semaphore_mem>>
        %dma_start3A_1623 = arith.constant 0 : i32
        %dma_start3A_1624 = arith.constant 0 : i32
        %dma_start3A_1625 = tpu.memref_slice %arg5[%dma_start3A_1611, %dma_start3A_1612, %dma_start3A_1623, %dma_start3A_1624] : memref<4x4x2x1024xf32, #tpu.memory_space<vmem>> -> memref<1x1x2x1024xf32, #tpu.memory_space<vmem>>
        %dma_start3A_1626 = tpu.memref_squeeze %dma_start3A_1625 : memref<1x1x2x1024xf32, #tpu.memory_space<vmem>> -> memref<2x1024xf32, #tpu.memory_space<vmem>>
        %dma_start3A_1627 = arith.constant 0 : i32
        %dma_start3A_1628 = tpu.memref_slice %arg2[%dma_start3A_1610, %add3A_1553, %dma_start3A_1627] : memref<4x8192x1024xf32, #tpu.memory_space<hbm>> -> memref<1x2x1024xf32, #tpu.memory_space<hbm>>
        %dma_start3A_1629 = tpu.memref_squeeze %dma_start3A_1628 : memref<1x2x1024xf32, #tpu.memory_space<hbm>> -> memref<2x1024xf32, #tpu.memory_space<hbm>>
        tpu.enqueue_dma source(%dma_start3A_1629 : memref<2x1024xf32, #tpu.memory_space<hbm>>) target(%dma_start3A_1626 : memref<2x1024xf32, #tpu.memory_space<vmem>>) target_semaphore(%dma_start3A_1622 : memref<!tpu.dma_semaphore, #tpu.memory_space<semaphore_mem>>)
        %dma_start3A_1630 = arith.constant 3 : i32
        %dma_start3A_1631 = arith.constant 3 : i32
        %dma_start3A_1632 = arith.constant 3 : i32
        %dma_start3A_1633 = arith.constant 3 : i32
        %dma_start3A_1634 = arith.constant 0 : i32
        %dma_start3A_1635 = arith.constant 0 : i32
        %dma_start3A_1636 = tpu.memref_slice %arg5[%dma_start3A_1631, %dma_start3A_1632, %dma_start3A_1634, %dma_start3A_1635] : memref<4x4x2x1024xf32, #tpu.memory_space<vmem>> -> memref<1x1x2x1024xf32, #tpu.memory_space<vmem>>
        %dma_start3A_1637 = tpu.memref_squeeze %dma_start3A_1636 : memref<1x1x2x1024xf32, #tpu.memory_space<vmem>> -> memref<2x1024xf32, #tpu.memory_space<vmem>>
        %dma_start3A_1638 = arith.constant 0 : i32
        %dma_start3A_1639 = tpu.memref_slice %arg2[%dma_start3A_1630, %add3A_1553, %dma_start3A_1638] : memref<4x8192x1024xf32, #tpu.memory_space<hbm>> -> memref<1x2x1024xf32, #tpu.memory_space<hbm>>
        %dma_start3A_1640 = tpu.memref_squeeze %dma_start3A_1639 : memref<1x2x1024xf32, #tpu.memory_space<hbm>> -> memref<2x1024xf32, #tpu.memory_space<hbm>>
        %dma_start3A_1641 = tpu.memref_slice %arg8[%dma_start3A_1633] : memref<4x!tpu.dma_semaphore, #tpu.memory_space<semaphore_mem>> -> memref<1x!tpu.dma_semaphore, #tpu.memory_space<semaphore_mem>>
        %dma_start3A_1642 = tpu.memref_squeeze %dma_start3A_1641 : memref<1x!tpu.dma_semaphore, #tpu.memory_space<semaphore_mem>> -> memref<!tpu.dma_semaphore, #tpu.memory_space<semaphore_mem>>
        %dma_start3A_1643 = arith.constant 0 : i32
        %dma_start3A_1644 = arith.constant 0 : i32
        %dma_start3A_1645 = tpu.memref_slice %arg5[%dma_start3A_1631, %dma_start3A_1632, %dma_start3A_1643, %dma_start3A_1644] : memref<4x4x2x1024xf32, #tpu.memory_space<vmem>> -> memref<1x1x2x1024xf32, #tpu.memory_space<vmem>>
        %dma_start3A_1646 = tpu.memref_squeeze %dma_start3A_1645 : memref<1x1x2x1024xf32, #tpu.memory_space<vmem>> -> memref<2x1024xf32, #tpu.memory_space<vmem>>
        %dma_start3A_1647 = arith.constant 0 : i32
        %dma_start3A_1648 = tpu.memref_slice %arg2[%dma_start3A_1630, %add3A_1553, %dma_start3A_1647] : memref<4x8192x1024xf32, #tpu.memory_space<hbm>> -> memref<1x2x1024xf32, #tpu.memory_space<hbm>>
        %dma_start3A_1649 = tpu.memref_squeeze %dma_start3A_1648 : memref<1x2x1024xf32, #tpu.memory_space<hbm>> -> memref<2x1024xf32, #tpu.memory_space<hbm>>
        tpu.enqueue_dma source(%dma_start3A_1649 : memref<2x1024xf32, #tpu.memory_space<hbm>>) target(%dma_start3A_1646 : memref<2x1024xf32, #tpu.memory_space<vmem>>) target_semaphore(%dma_start3A_1642 : memref<!tpu.dma_semaphore, #tpu.memory_space<semaphore_mem>>)
      } else {
      }
    }
    %scan3A_397 = arith.constant 32 : i32
    %add3A_398 = arith.constant 248 : i32
    %add3A_399 = arith.addi %mul3A_2, %add3A_398 : i32
    %dma_wait3A = arith.constant 0 : i32
    %dma_wait3A_400 = arith.constant 0 : i32
    %dma_wait3A_401 = arith.constant 0 : i32
    %dma_wait3A_402 = arith.constant 0 : i32
    %dma_wait3A_403 = arith.constant 0 : i32
    %dma_wait3A_404 = arith.constant 0 : i32
    %dma_wait3A_405 = tpu.memref_slice %arg7[%dma_wait3A, %dma_wait3A_400, %dma_wait3A_403, %dma_wait3A_404] : memref<4x4x2x1024xf32, #tpu.memory_space<vmem>> -> memref<1x1x2x1024xf32, #tpu.memory_space<vmem>>
    %dma_wait3A_406 = tpu.memref_squeeze %dma_wait3A_405 : memref<1x1x2x1024xf32, #tpu.memory_space<vmem>> -> memref<2x1024xf32, #tpu.memory_space<vmem>>
    %dma_wait3A_407 = arith.constant 0 : i32
    %dma_wait3A_408 = tpu.memref_slice %arg4[%dma_wait3A_401, %add3A_399, %dma_wait3A_407] : memref<4x8192x1024xf32, #tpu.memory_space<hbm>> -> memref<1x2x1024xf32, #tpu.memory_space<hbm>>
    %dma_wait3A_409 = tpu.memref_squeeze %dma_wait3A_408 : memref<1x2x1024xf32, #tpu.memory_space<hbm>> -> memref<2x1024xf32, #tpu.memory_space<hbm>>
    %dma_wait3A_410 = tpu.memref_slice %arg9[%dma_wait3A_402] : memref<4x!tpu.dma_semaphore, #tpu.memory_space<semaphore_mem>> -> memref<1x!tpu.dma_semaphore, #tpu.memory_space<semaphore_mem>>
    %dma_wait3A_411 = tpu.memref_squeeze %dma_wait3A_410 : memref<1x!tpu.dma_semaphore, #tpu.memory_space<semaphore_mem>> -> memref<!tpu.dma_semaphore, #tpu.memory_space<semaphore_mem>>
    %dma_wait3A_412 = arith.constant 0 : i32
    %dma_wait3A_413 = tpu.memref_slice %arg4[%dma_wait3A_401, %add3A_399, %dma_wait3A_412] : memref<4x8192x1024xf32, #tpu.memory_space<hbm>> -> memref<1x2x1024xf32, #tpu.memory_space<hbm>>
    %dma_wait3A_414 = tpu.memref_squeeze %dma_wait3A_413 : memref<1x2x1024xf32, #tpu.memory_space<hbm>> -> memref<2x1024xf32, #tpu.memory_space<hbm>>
    %dma_wait3A_415 = arith.constant 0 : i32
    %dma_wait3A_416 = arith.constant 0 : i32
    %dma_wait3A_417 = tpu.memref_slice %arg7[%dma_wait3A, %dma_wait3A_400, %dma_wait3A_415, %dma_wait3A_416] : memref<4x4x2x1024xf32, #tpu.memory_space<vmem>> -> memref<1x1x2x1024xf32, #tpu.memory_space<vmem>>
    %dma_wait3A_418 = tpu.memref_squeeze %dma_wait3A_417 : memref<1x1x2x1024xf32, #tpu.memory_space<vmem>> -> memref<2x1024xf32, #tpu.memory_space<vmem>>
    tpu.wait_dma2 semaphore(%dma_wait3A_411 : memref<!tpu.dma_semaphore, #tpu.memory_space<semaphore_mem>>) src(%dma_wait3A_418 : memref<2x1024xf32, #tpu.memory_space<vmem>>) dst(%dma_wait3A_414 : memref<2x1024xf32, #tpu.memory_space<hbm>>)
    %dma_wait3A_419 = arith.constant 0 : i32
    %dma_wait3A_420 = arith.constant 1 : i32
    %dma_wait3A_421 = arith.constant 1 : i32
    %dma_wait3A_422 = arith.constant 0 : i32
    %dma_wait3A_423 = arith.constant 0 : i32
    %dma_wait3A_424 = arith.constant 0 : i32
    %dma_wait3A_425 = tpu.memref_slice %arg7[%dma_wait3A_419, %dma_wait3A_420, %dma_wait3A_423, %dma_wait3A_424] : memref<4x4x2x1024xf32, #tpu.memory_space<vmem>> -> memref<1x1x2x1024xf32, #tpu.memory_space<vmem>>
    %dma_wait3A_426 = tpu.memref_squeeze %dma_wait3A_425 : memref<1x1x2x1024xf32, #tpu.memory_space<vmem>> -> memref<2x1024xf32, #tpu.memory_space<vmem>>
    %dma_wait3A_427 = arith.constant 0 : i32
    %dma_wait3A_428 = tpu.memref_slice %arg4[%dma_wait3A_421, %add3A_399, %dma_wait3A_427] : memref<4x8192x1024xf32, #tpu.memory_space<hbm>> -> memref<1x2x1024xf32, #tpu.memory_space<hbm>>
    %dma_wait3A_429 = tpu.memref_squeeze %dma_wait3A_428 : memref<1x2x1024xf32, #tpu.memory_space<hbm>> -> memref<2x1024xf32, #tpu.memory_space<hbm>>
    %dma_wait3A_430 = tpu.memref_slice %arg9[%dma_wait3A_422] : memref<4x!tpu.dma_semaphore, #tpu.memory_space<semaphore_mem>> -> memref<1x!tpu.dma_semaphore, #tpu.memory_space<semaphore_mem>>
    %dma_wait3A_431 = tpu.memref_squeeze %dma_wait3A_430 : memref<1x!tpu.dma_semaphore, #tpu.memory_space<semaphore_mem>> -> memref<!tpu.dma_semaphore, #tpu.memory_space<semaphore_mem>>
    %dma_wait3A_432 = arith.constant 0 : i32
    %dma_wait3A_433 = tpu.memref_slice %arg4[%dma_wait3A_421, %add3A_399, %dma_wait3A_432] : memref<4x8192x1024xf32, #tpu.memory_space<hbm>> -> memref<1x2x1024xf32, #tpu.memory_space<hbm>>
    %dma_wait3A_434 = tpu.memref_squeeze %dma_wait3A_433 : memref<1x2x1024xf32, #tpu.memory_space<hbm>> -> memref<2x1024xf32, #tpu.memory_space<hbm>>
    %dma_wait3A_435 = arith.constant 0 : i32
    %dma_wait3A_436 = arith.constant 0 : i32
    %dma_wait3A_437 = tpu.memref_slice %arg7[%dma_wait3A_419, %dma_wait3A_420, %dma_wait3A_435, %dma_wait3A_436] : memref<4x4x2x1024xf32, #tpu.memory_space<vmem>> -> memref<1x1x2x1024xf32, #tpu.memory_space<vmem>>
    %dma_wait3A_438 = tpu.memref_squeeze %dma_wait3A_437 : memref<1x1x2x1024xf32, #tpu.memory_space<vmem>> -> memref<2x1024xf32, #tpu.memory_space<vmem>>
    tpu.wait_dma2 semaphore(%dma_wait3A_431 : memref<!tpu.dma_semaphore, #tpu.memory_space<semaphore_mem>>) src(%dma_wait3A_438 : memref<2x1024xf32, #tpu.memory_space<vmem>>) dst(%dma_wait3A_434 : memref<2x1024xf32, #tpu.memory_space<hbm>>)
    %dma_wait3A_439 = arith.constant 0 : i32
    %dma_wait3A_440 = arith.constant 2 : i32
    %dma_wait3A_441 = arith.constant 2 : i32
    %dma_wait3A_442 = arith.constant 0 : i32
    %dma_wait3A_443 = arith.constant 0 : i32
    %dma_wait3A_444 = arith.constant 0 : i32
    %dma_wait3A_445 = tpu.memref_slice %arg7[%dma_wait3A_439, %dma_wait3A_440, %dma_wait3A_443, %dma_wait3A_444] : memref<4x4x2x1024xf32, #tpu.memory_space<vmem>> -> memref<1x1x2x1024xf32, #tpu.memory_space<vmem>>
    %dma_wait3A_446 = tpu.memref_squeeze %dma_wait3A_445 : memref<1x1x2x1024xf32, #tpu.memory_space<vmem>> -> memref<2x1024xf32, #tpu.memory_space<vmem>>
    %dma_wait3A_447 = arith.constant 0 : i32
    %dma_wait3A_448 = tpu.memref_slice %arg4[%dma_wait3A_441, %add3A_399, %dma_wait3A_447] : memref<4x8192x1024xf32, #tpu.memory_space<hbm>> -> memref<1x2x1024xf32, #tpu.memory_space<hbm>>
    %dma_wait3A_449 = tpu.memref_squeeze %dma_wait3A_448 : memref<1x2x1024xf32, #tpu.memory_space<hbm>> -> memref<2x1024xf32, #tpu.memory_space<hbm>>
    %dma_wait3A_450 = tpu.memref_slice %arg9[%dma_wait3A_442] : memref<4x!tpu.dma_semaphore, #tpu.memory_space<semaphore_mem>> -> memref<1x!tpu.dma_semaphore, #tpu.memory_space<semaphore_mem>>
    %dma_wait3A_451 = tpu.memref_squeeze %dma_wait3A_450 : memref<1x!tpu.dma_semaphore, #tpu.memory_space<semaphore_mem>> -> memref<!tpu.dma_semaphore, #tpu.memory_space<semaphore_mem>>
    %dma_wait3A_452 = arith.constant 0 : i32
    %dma_wait3A_453 = tpu.memref_slice %arg4[%dma_wait3A_441, %add3A_399, %dma_wait3A_452] : memref<4x8192x1024xf32, #tpu.memory_space<hbm>> -> memref<1x2x1024xf32, #tpu.memory_space<hbm>>
    %dma_wait3A_454 = tpu.memref_squeeze %dma_wait3A_453 : memref<1x2x1024xf32, #tpu.memory_space<hbm>> -> memref<2x1024xf32, #tpu.memory_space<hbm>>
    %dma_wait3A_455 = arith.constant 0 : i32
    %dma_wait3A_456 = arith.constant 0 : i32
    %dma_wait3A_457 = tpu.memref_slice %arg7[%dma_wait3A_439, %dma_wait3A_440, %dma_wait3A_455, %dma_wait3A_456] : memref<4x4x2x1024xf32, #tpu.memory_space<vmem>> -> memref<1x1x2x1024xf32, #tpu.memory_space<vmem>>
    %dma_wait3A_458 = tpu.memref_squeeze %dma_wait3A_457 : memref<1x1x2x1024xf32, #tpu.memory_space<vmem>> -> memref<2x1024xf32, #tpu.memory_space<vmem>>
    tpu.wait_dma2 semaphore(%dma_wait3A_451 : memref<!tpu.dma_semaphore, #tpu.memory_space<semaphore_mem>>) src(%dma_wait3A_458 : memref<2x1024xf32, #tpu.memory_space<vmem>>) dst(%dma_wait3A_454 : memref<2x1024xf32, #tpu.memory_space<hbm>>)
    %dma_wait3A_459 = arith.constant 0 : i32
    %dma_wait3A_460 = arith.constant 3 : i32
    %dma_wait3A_461 = arith.constant 3 : i32
    %dma_wait3A_462 = arith.constant 0 : i32
    %dma_wait3A_463 = arith.constant 0 : i32
    %dma_wait3A_464 = arith.constant 0 : i32
    %dma_wait3A_465 = tpu.memref_slice %arg7[%dma_wait3A_459, %dma_wait3A_460, %dma_wait3A_463, %dma_wait3A_464] : memref<4x4x2x1024xf32, #tpu.memory_space<vmem>> -> memref<1x1x2x1024xf32, #tpu.memory_space<vmem>>
    %dma_wait3A_466 = tpu.memref_squeeze %dma_wait3A_465 : memref<1x1x2x1024xf32, #tpu.memory_space<vmem>> -> memref<2x1024xf32, #tpu.memory_space<vmem>>
    %dma_wait3A_467 = arith.constant 0 : i32
    %dma_wait3A_468 = tpu.memref_slice %arg4[%dma_wait3A_461, %add3A_399, %dma_wait3A_467] : memref<4x8192x1024xf32, #tpu.memory_space<hbm>> -> memref<1x2x1024xf32, #tpu.memory_space<hbm>>
    %dma_wait3A_469 = tpu.memref_squeeze %dma_wait3A_468 : memref<1x2x1024xf32, #tpu.memory_space<hbm>> -> memref<2x1024xf32, #tpu.memory_space<hbm>>
    %dma_wait3A_470 = tpu.memref_slice %arg9[%dma_wait3A_462] : memref<4x!tpu.dma_semaphore, #tpu.memory_space<semaphore_mem>> -> memref<1x!tpu.dma_semaphore, #tpu.memory_space<semaphore_mem>>
    %dma_wait3A_471 = tpu.memref_squeeze %dma_wait3A_470 : memref<1x!tpu.dma_semaphore, #tpu.memory_space<semaphore_mem>> -> memref<!tpu.dma_semaphore, #tpu.memory_space<semaphore_mem>>
    %dma_wait3A_472 = arith.constant 0 : i32
    %dma_wait3A_473 = tpu.memref_slice %arg4[%dma_wait3A_461, %add3A_399, %dma_wait3A_472] : memref<4x8192x1024xf32, #tpu.memory_space<hbm>> -> memref<1x2x1024xf32, #tpu.memory_space<hbm>>
    %dma_wait3A_474 = tpu.memref_squeeze %dma_wait3A_473 : memref<1x2x1024xf32, #tpu.memory_space<hbm>> -> memref<2x1024xf32, #tpu.memory_space<hbm>>
    %dma_wait3A_475 = arith.constant 0 : i32
    %dma_wait3A_476 = arith.constant 0 : i32
    %dma_wait3A_477 = tpu.memref_slice %arg7[%dma_wait3A_459, %dma_wait3A_460, %dma_wait3A_475, %dma_wait3A_476] : memref<4x4x2x1024xf32, #tpu.memory_space<vmem>> -> memref<1x1x2x1024xf32, #tpu.memory_space<vmem>>
    %dma_wait3A_478 = tpu.memref_squeeze %dma_wait3A_477 : memref<1x1x2x1024xf32, #tpu.memory_space<vmem>> -> memref<2x1024xf32, #tpu.memory_space<vmem>>
    tpu.wait_dma2 semaphore(%dma_wait3A_471 : memref<!tpu.dma_semaphore, #tpu.memory_space<semaphore_mem>>) src(%dma_wait3A_478 : memref<2x1024xf32, #tpu.memory_space<vmem>>) dst(%dma_wait3A_474 : memref<2x1024xf32, #tpu.memory_space<hbm>>)
    %add3A_479 = arith.constant 250 : i32
    %add3A_480 = arith.addi %mul3A_2, %add3A_479 : i32
    %dma_wait3A_481 = arith.constant 1 : i32
    %dma_wait3A_482 = arith.constant 0 : i32
    %dma_wait3A_483 = arith.constant 0 : i32
    %dma_wait3A_484 = arith.constant 1 : i32
    %dma_wait3A_485 = arith.constant 0 : i32
    %dma_wait3A_486 = arith.constant 0 : i32
    %dma_wait3A_487 = tpu.memref_slice %arg7[%dma_wait3A_481, %dma_wait3A_482, %dma_wait3A_485, %dma_wait3A_486] : memref<4x4x2x1024xf32, #tpu.memory_space<vmem>> -> memref<1x1x2x1024xf32, #tpu.memory_space<vmem>>
    %dma_wait3A_488 = tpu.memref_squeeze %dma_wait3A_487 : memref<1x1x2x1024xf32, #tpu.memory_space<vmem>> -> memref<2x1024xf32, #tpu.memory_space<vmem>>
    %dma_wait3A_489 = arith.constant 0 : i32
    %dma_wait3A_490 = tpu.memref_slice %arg4[%dma_wait3A_483, %add3A_480, %dma_wait3A_489] : memref<4x8192x1024xf32, #tpu.memory_space<hbm>> -> memref<1x2x1024xf32, #tpu.memory_space<hbm>>
    %dma_wait3A_491 = tpu.memref_squeeze %dma_wait3A_490 : memref<1x2x1024xf32, #tpu.memory_space<hbm>> -> memref<2x1024xf32, #tpu.memory_space<hbm>>
    %dma_wait3A_492 = tpu.memref_slice %arg9[%dma_wait3A_484] : memref<4x!tpu.dma_semaphore, #tpu.memory_space<semaphore_mem>> -> memref<1x!tpu.dma_semaphore, #tpu.memory_space<semaphore_mem>>
    %dma_wait3A_493 = tpu.memref_squeeze %dma_wait3A_492 : memref<1x!tpu.dma_semaphore, #tpu.memory_space<semaphore_mem>> -> memref<!tpu.dma_semaphore, #tpu.memory_space<semaphore_mem>>
    %dma_wait3A_494 = arith.constant 0 : i32
    %dma_wait3A_495 = tpu.memref_slice %arg4[%dma_wait3A_483, %add3A_480, %dma_wait3A_494] : memref<4x8192x1024xf32, #tpu.memory_space<hbm>> -> memref<1x2x1024xf32, #tpu.memory_space<hbm>>
    %dma_wait3A_496 = tpu.memref_squeeze %dma_wait3A_495 : memref<1x2x1024xf32, #tpu.memory_space<hbm>> -> memref<2x1024xf32, #tpu.memory_space<hbm>>
    %dma_wait3A_497 = arith.constant 0 : i32
    %dma_wait3A_498 = arith.constant 0 : i32
    %dma_wait3A_499 = tpu.memref_slice %arg7[%dma_wait3A_481, %dma_wait3A_482, %dma_wait3A_497, %dma_wait3A_498] : memref<4x4x2x1024xf32, #tpu.memory_space<vmem>> -> memref<1x1x2x1024xf32, #tpu.memory_space<vmem>>
    %dma_wait3A_500 = tpu.memref_squeeze %dma_wait3A_499 : memref<1x1x2x1024xf32, #tpu.memory_space<vmem>> -> memref<2x1024xf32, #tpu.memory_space<vmem>>
    tpu.wait_dma2 semaphore(%dma_wait3A_493 : memref<!tpu.dma_semaphore, #tpu.memory_space<semaphore_mem>>) src(%dma_wait3A_500 : memref<2x1024xf32, #tpu.memory_space<vmem>>) dst(%dma_wait3A_496 : memref<2x1024xf32, #tpu.memory_space<hbm>>)
    %dma_wait3A_501 = arith.constant 1 : i32
    %dma_wait3A_502 = arith.constant 1 : i32
    %dma_wait3A_503 = arith.constant 1 : i32
    %dma_wait3A_504 = arith.constant 1 : i32
    %dma_wait3A_505 = arith.constant 0 : i32
    %dma_wait3A_506 = arith.constant 0 : i32
    %dma_wait3A_507 = tpu.memref_slice %arg7[%dma_wait3A_501, %dma_wait3A_502, %dma_wait3A_505, %dma_wait3A_506] : memref<4x4x2x1024xf32, #tpu.memory_space<vmem>> -> memref<1x1x2x1024xf32, #tpu.memory_space<vmem>>
    %dma_wait3A_508 = tpu.memref_squeeze %dma_wait3A_507 : memref<1x1x2x1024xf32, #tpu.memory_space<vmem>> -> memref<2x1024xf32, #tpu.memory_space<vmem>>
    %dma_wait3A_509 = arith.constant 0 : i32
    %dma_wait3A_510 = tpu.memref_slice %arg4[%dma_wait3A_503, %add3A_480, %dma_wait3A_509] : memref<4x8192x1024xf32, #tpu.memory_space<hbm>> -> memref<1x2x1024xf32, #tpu.memory_space<hbm>>
    %dma_wait3A_511 = tpu.memref_squeeze %dma_wait3A_510 : memref<1x2x1024xf32, #tpu.memory_space<hbm>> -> memref<2x1024xf32, #tpu.memory_space<hbm>>
    %dma_wait3A_512 = tpu.memref_slice %arg9[%dma_wait3A_504] : memref<4x!tpu.dma_semaphore, #tpu.memory_space<semaphore_mem>> -> memref<1x!tpu.dma_semaphore, #tpu.memory_space<semaphore_mem>>
    %dma_wait3A_513 = tpu.memref_squeeze %dma_wait3A_512 : memref<1x!tpu.dma_semaphore, #tpu.memory_space<semaphore_mem>> -> memref<!tpu.dma_semaphore, #tpu.memory_space<semaphore_mem>>
    %dma_wait3A_514 = arith.constant 0 : i32
    %dma_wait3A_515 = tpu.memref_slice %arg4[%dma_wait3A_503, %add3A_480, %dma_wait3A_514] : memref<4x8192x1024xf32, #tpu.memory_space<hbm>> -> memref<1x2x1024xf32, #tpu.memory_space<hbm>>
    %dma_wait3A_516 = tpu.memref_squeeze %dma_wait3A_515 : memref<1x2x1024xf32, #tpu.memory_space<hbm>> -> memref<2x1024xf32, #tpu.memory_space<hbm>>
    %dma_wait3A_517 = arith.constant 0 : i32
    %dma_wait3A_518 = arith.constant 0 : i32
    %dma_wait3A_519 = tpu.memref_slice %arg7[%dma_wait3A_501, %dma_wait3A_502, %dma_wait3A_517, %dma_wait3A_518] : memref<4x4x2x1024xf32, #tpu.memory_space<vmem>> -> memref<1x1x2x1024xf32, #tpu.memory_space<vmem>>
    %dma_wait3A_520 = tpu.memref_squeeze %dma_wait3A_519 : memref<1x1x2x1024xf32, #tpu.memory_space<vmem>> -> memref<2x1024xf32, #tpu.memory_space<vmem>>
    tpu.wait_dma2 semaphore(%dma_wait3A_513 : memref<!tpu.dma_semaphore, #tpu.memory_space<semaphore_mem>>) src(%dma_wait3A_520 : memref<2x1024xf32, #tpu.memory_space<vmem>>) dst(%dma_wait3A_516 : memref<2x1024xf32, #tpu.memory_space<hbm>>)
    %dma_wait3A_521 = arith.constant 1 : i32
    %dma_wait3A_522 = arith.constant 2 : i32
    %dma_wait3A_523 = arith.constant 2 : i32
    %dma_wait3A_524 = arith.constant 1 : i32
    %dma_wait3A_525 = arith.constant 0 : i32
    %dma_wait3A_526 = arith.constant 0 : i32
    %dma_wait3A_527 = tpu.memref_slice %arg7[%dma_wait3A_521, %dma_wait3A_522, %dma_wait3A_525, %dma_wait3A_526] : memref<4x4x2x1024xf32, #tpu.memory_space<vmem>> -> memref<1x1x2x1024xf32, #tpu.memory_space<vmem>>
    %dma_wait3A_528 = tpu.memref_squeeze %dma_wait3A_527 : memref<1x1x2x1024xf32, #tpu.memory_space<vmem>> -> memref<2x1024xf32, #tpu.memory_space<vmem>>
    %dma_wait3A_529 = arith.constant 0 : i32
    %dma_wait3A_530 = tpu.memref_slice %arg4[%dma_wait3A_523, %add3A_480, %dma_wait3A_529] : memref<4x8192x1024xf32, #tpu.memory_space<hbm>> -> memref<1x2x1024xf32, #tpu.memory_space<hbm>>
    %dma_wait3A_531 = tpu.memref_squeeze %dma_wait3A_530 : memref<1x2x1024xf32, #tpu.memory_space<hbm>> -> memref<2x1024xf32, #tpu.memory_space<hbm>>
    %dma_wait3A_532 = tpu.memref_slice %arg9[%dma_wait3A_524] : memref<4x!tpu.dma_semaphore, #tpu.memory_space<semaphore_mem>> -> memref<1x!tpu.dma_semaphore, #tpu.memory_space<semaphore_mem>>
    %dma_wait3A_533 = tpu.memref_squeeze %dma_wait3A_532 : memref<1x!tpu.dma_semaphore, #tpu.memory_space<semaphore_mem>> -> memref<!tpu.dma_semaphore, #tpu.memory_space<semaphore_mem>>
    %dma_wait3A_534 = arith.constant 0 : i32
    %dma_wait3A_535 = tpu.memref_slice %arg4[%dma_wait3A_523, %add3A_480, %dma_wait3A_534] : memref<4x8192x1024xf32, #tpu.memory_space<hbm>> -> memref<1x2x1024xf32, #tpu.memory_space<hbm>>
    %dma_wait3A_536 = tpu.memref_squeeze %dma_wait3A_535 : memref<1x2x1024xf32, #tpu.memory_space<hbm>> -> memref<2x1024xf32, #tpu.memory_space<hbm>>
    %dma_wait3A_537 = arith.constant 0 : i32
    %dma_wait3A_538 = arith.constant 0 : i32
    %dma_wait3A_539 = tpu.memref_slice %arg7[%dma_wait3A_521, %dma_wait3A_522, %dma_wait3A_537, %dma_wait3A_538] : memref<4x4x2x1024xf32, #tpu.memory_space<vmem>> -> memref<1x1x2x1024xf32, #tpu.memory_space<vmem>>
    %dma_wait3A_540 = tpu.memref_squeeze %dma_wait3A_539 : memref<1x1x2x1024xf32, #tpu.memory_space<vmem>> -> memref<2x1024xf32, #tpu.memory_space<vmem>>
    tpu.wait_dma2 semaphore(%dma_wait3A_533 : memref<!tpu.dma_semaphore, #tpu.memory_space<semaphore_mem>>) src(%dma_wait3A_540 : memref<2x1024xf32, #tpu.memory_space<vmem>>) dst(%dma_wait3A_536 : memref<2x1024xf32, #tpu.memory_space<hbm>>)
    %dma_wait3A_541 = arith.constant 1 : i32
    %dma_wait3A_542 = arith.constant 3 : i32
    %dma_wait3A_543 = arith.constant 3 : i32
    %dma_wait3A_544 = arith.constant 1 : i32
    %dma_wait3A_545 = arith.constant 0 : i32
    %dma_wait3A_546 = arith.constant 0 : i32
    %dma_wait3A_547 = tpu.memref_slice %arg7[%dma_wait3A_541, %dma_wait3A_542, %dma_wait3A_545, %dma_wait3A_546] : memref<4x4x2x1024xf32, #tpu.memory_space<vmem>> -> memref<1x1x2x1024xf32, #tpu.memory_space<vmem>>
    %dma_wait3A_548 = tpu.memref_squeeze %dma_wait3A_547 : memref<1x1x2x1024xf32, #tpu.memory_space<vmem>> -> memref<2x1024xf32, #tpu.memory_space<vmem>>
    %dma_wait3A_549 = arith.constant 0 : i32
    %dma_wait3A_550 = tpu.memref_slice %arg4[%dma_wait3A_543, %add3A_480, %dma_wait3A_549] : memref<4x8192x1024xf32, #tpu.memory_space<hbm>> -> memref<1x2x1024xf32, #tpu.memory_space<hbm>>
    %dma_wait3A_551 = tpu.memref_squeeze %dma_wait3A_550 : memref<1x2x1024xf32, #tpu.memory_space<hbm>> -> memref<2x1024xf32, #tpu.memory_space<hbm>>
    %dma_wait3A_552 = tpu.memref_slice %arg9[%dma_wait3A_544] : memref<4x!tpu.dma_semaphore, #tpu.memory_space<semaphore_mem>> -> memref<1x!tpu.dma_semaphore, #tpu.memory_space<semaphore_mem>>
    %dma_wait3A_553 = tpu.memref_squeeze %dma_wait3A_552 : memref<1x!tpu.dma_semaphore, #tpu.memory_space<semaphore_mem>> -> memref<!tpu.dma_semaphore, #tpu.memory_space<semaphore_mem>>
    %dma_wait3A_554 = arith.constant 0 : i32
    %dma_wait3A_555 = tpu.memref_slice %arg4[%dma_wait3A_543, %add3A_480, %dma_wait3A_554] : memref<4x8192x1024xf32, #tpu.memory_space<hbm>> -> memref<1x2x1024xf32, #tpu.memory_space<hbm>>
    %dma_wait3A_556 = tpu.memref_squeeze %dma_wait3A_555 : memref<1x2x1024xf32, #tpu.memory_space<hbm>> -> memref<2x1024xf32, #tpu.memory_space<hbm>>
    %dma_wait3A_557 = arith.constant 0 : i32
    %dma_wait3A_558 = arith.constant 0 : i32
    %dma_wait3A_559 = tpu.memref_slice %arg7[%dma_wait3A_541, %dma_wait3A_542, %dma_wait3A_557, %dma_wait3A_558] : memref<4x4x2x1024xf32, #tpu.memory_space<vmem>> -> memref<1x1x2x1024xf32, #tpu.memory_space<vmem>>
    %dma_wait3A_560 = tpu.memref_squeeze %dma_wait3A_559 : memref<1x1x2x1024xf32, #tpu.memory_space<vmem>> -> memref<2x1024xf32, #tpu.memory_space<vmem>>
    tpu.wait_dma2 semaphore(%dma_wait3A_553 : memref<!tpu.dma_semaphore, #tpu.memory_space<semaphore_mem>>) src(%dma_wait3A_560 : memref<2x1024xf32, #tpu.memory_space<vmem>>) dst(%dma_wait3A_556 : memref<2x1024xf32, #tpu.memory_space<hbm>>)
    %add3A_561 = arith.constant 252 : i32
    %add3A_562 = arith.addi %mul3A_2, %add3A_561 : i32
    %dma_wait3A_563 = arith.constant 2 : i32
    %dma_wait3A_564 = arith.constant 0 : i32
    %dma_wait3A_565 = arith.constant 0 : i32
    %dma_wait3A_566 = arith.constant 2 : i32
    %dma_wait3A_567 = arith.constant 0 : i32
    %dma_wait3A_568 = arith.constant 0 : i32
    %dma_wait3A_569 = tpu.memref_slice %arg7[%dma_wait3A_563, %dma_wait3A_564, %dma_wait3A_567, %dma_wait3A_568] : memref<4x4x2x1024xf32, #tpu.memory_space<vmem>> -> memref<1x1x2x1024xf32, #tpu.memory_space<vmem>>
    %dma_wait3A_570 = tpu.memref_squeeze %dma_wait3A_569 : memref<1x1x2x1024xf32, #tpu.memory_space<vmem>> -> memref<2x1024xf32, #tpu.memory_space<vmem>>
    %dma_wait3A_571 = arith.constant 0 : i32
    %dma_wait3A_572 = tpu.memref_slice %arg4[%dma_wait3A_565, %add3A_562, %dma_wait3A_571] : memref<4x8192x1024xf32, #tpu.memory_space<hbm>> -> memref<1x2x1024xf32, #tpu.memory_space<hbm>>
    %dma_wait3A_573 = tpu.memref_squeeze %dma_wait3A_572 : memref<1x2x1024xf32, #tpu.memory_space<hbm>> -> memref<2x1024xf32, #tpu.memory_space<hbm>>
    %dma_wait3A_574 = tpu.memref_slice %arg9[%dma_wait3A_566] : memref<4x!tpu.dma_semaphore, #tpu.memory_space<semaphore_mem>> -> memref<1x!tpu.dma_semaphore, #tpu.memory_space<semaphore_mem>>
    %dma_wait3A_575 = tpu.memref_squeeze %dma_wait3A_574 : memref<1x!tpu.dma_semaphore, #tpu.memory_space<semaphore_mem>> -> memref<!tpu.dma_semaphore, #tpu.memory_space<semaphore_mem>>
    %dma_wait3A_576 = arith.constant 0 : i32
    %dma_wait3A_577 = tpu.memref_slice %arg4[%dma_wait3A_565, %add3A_562, %dma_wait3A_576] : memref<4x8192x1024xf32, #tpu.memory_space<hbm>> -> memref<1x2x1024xf32, #tpu.memory_space<hbm>>
    %dma_wait3A_578 = tpu.memref_squeeze %dma_wait3A_577 : memref<1x2x1024xf32, #tpu.memory_space<hbm>> -> memref<2x1024xf32, #tpu.memory_space<hbm>>
    %dma_wait3A_579 = arith.constant 0 : i32
    %dma_wait3A_580 = arith.constant 0 : i32
    %dma_wait3A_581 = tpu.memref_slice %arg7[%dma_wait3A_563, %dma_wait3A_564, %dma_wait3A_579, %dma_wait3A_580] : memref<4x4x2x1024xf32, #tpu.memory_space<vmem>> -> memref<1x1x2x1024xf32, #tpu.memory_space<vmem>>
    %dma_wait3A_582 = tpu.memref_squeeze %dma_wait3A_581 : memref<1x1x2x1024xf32, #tpu.memory_space<vmem>> -> memref<2x1024xf32, #tpu.memory_space<vmem>>
    tpu.wait_dma2 semaphore(%dma_wait3A_575 : memref<!tpu.dma_semaphore, #tpu.memory_space<semaphore_mem>>) src(%dma_wait3A_582 : memref<2x1024xf32, #tpu.memory_space<vmem>>) dst(%dma_wait3A_578 : memref<2x1024xf32, #tpu.memory_space<hbm>>)
    %dma_wait3A_583 = arith.constant 2 : i32
    %dma_wait3A_584 = arith.constant 1 : i32
    %dma_wait3A_585 = arith.constant 1 : i32
    %dma_wait3A_586 = arith.constant 2 : i32
    %dma_wait3A_587 = arith.constant 0 : i32
    %dma_wait3A_588 = arith.constant 0 : i32
    %dma_wait3A_589 = tpu.memref_slice %arg7[%dma_wait3A_583, %dma_wait3A_584, %dma_wait3A_587, %dma_wait3A_588] : memref<4x4x2x1024xf32, #tpu.memory_space<vmem>> -> memref<1x1x2x1024xf32, #tpu.memory_space<vmem>>
    %dma_wait3A_590 = tpu.memref_squeeze %dma_wait3A_589 : memref<1x1x2x1024xf32, #tpu.memory_space<vmem>> -> memref<2x1024xf32, #tpu.memory_space<vmem>>
    %dma_wait3A_591 = arith.constant 0 : i32
    %dma_wait3A_592 = tpu.memref_slice %arg4[%dma_wait3A_585, %add3A_562, %dma_wait3A_591] : memref<4x8192x1024xf32, #tpu.memory_space<hbm>> -> memref<1x2x1024xf32, #tpu.memory_space<hbm>>
    %dma_wait3A_593 = tpu.memref_squeeze %dma_wait3A_592 : memref<1x2x1024xf32, #tpu.memory_space<hbm>> -> memref<2x1024xf32, #tpu.memory_space<hbm>>
    %dma_wait3A_594 = tpu.memref_slice %arg9[%dma_wait3A_586] : memref<4x!tpu.dma_semaphore, #tpu.memory_space<semaphore_mem>> -> memref<1x!tpu.dma_semaphore, #tpu.memory_space<semaphore_mem>>
    %dma_wait3A_595 = tpu.memref_squeeze %dma_wait3A_594 : memref<1x!tpu.dma_semaphore, #tpu.memory_space<semaphore_mem>> -> memref<!tpu.dma_semaphore, #tpu.memory_space<semaphore_mem>>
    %dma_wait3A_596 = arith.constant 0 : i32
    %dma_wait3A_597 = tpu.memref_slice %arg4[%dma_wait3A_585, %add3A_562, %dma_wait3A_596] : memref<4x8192x1024xf32, #tpu.memory_space<hbm>> -> memref<1x2x1024xf32, #tpu.memory_space<hbm>>
    %dma_wait3A_598 = tpu.memref_squeeze %dma_wait3A_597 : memref<1x2x1024xf32, #tpu.memory_space<hbm>> -> memref<2x1024xf32, #tpu.memory_space<hbm>>
    %dma_wait3A_599 = arith.constant 0 : i32
    %dma_wait3A_600 = arith.constant 0 : i32
    %dma_wait3A_601 = tpu.memref_slice %arg7[%dma_wait3A_583, %dma_wait3A_584, %dma_wait3A_599, %dma_wait3A_600] : memref<4x4x2x1024xf32, #tpu.memory_space<vmem>> -> memref<1x1x2x1024xf32, #tpu.memory_space<vmem>>
    %dma_wait3A_602 = tpu.memref_squeeze %dma_wait3A_601 : memref<1x1x2x1024xf32, #tpu.memory_space<vmem>> -> memref<2x1024xf32, #tpu.memory_space<vmem>>
    tpu.wait_dma2 semaphore(%dma_wait3A_595 : memref<!tpu.dma_semaphore, #tpu.memory_space<semaphore_mem>>) src(%dma_wait3A_602 : memref<2x1024xf32, #tpu.memory_space<vmem>>) dst(%dma_wait3A_598 : memref<2x1024xf32, #tpu.memory_space<hbm>>)
    %dma_wait3A_603 = arith.constant 2 : i32
    %dma_wait3A_604 = arith.constant 2 : i32
    %dma_wait3A_605 = arith.constant 2 : i32
    %dma_wait3A_606 = arith.constant 2 : i32
    %dma_wait3A_607 = arith.constant 0 : i32
    %dma_wait3A_608 = arith.constant 0 : i32
    %dma_wait3A_609 = tpu.memref_slice %arg7[%dma_wait3A_603, %dma_wait3A_604, %dma_wait3A_607, %dma_wait3A_608] : memref<4x4x2x1024xf32, #tpu.memory_space<vmem>> -> memref<1x1x2x1024xf32, #tpu.memory_space<vmem>>
    %dma_wait3A_610 = tpu.memref_squeeze %dma_wait3A_609 : memref<1x1x2x1024xf32, #tpu.memory_space<vmem>> -> memref<2x1024xf32, #tpu.memory_space<vmem>>
    %dma_wait3A_611 = arith.constant 0 : i32
    %dma_wait3A_612 = tpu.memref_slice %arg4[%dma_wait3A_605, %add3A_562, %dma_wait3A_611] : memref<4x8192x1024xf32, #tpu.memory_space<hbm>> -> memref<1x2x1024xf32, #tpu.memory_space<hbm>>
    %dma_wait3A_613 = tpu.memref_squeeze %dma_wait3A_612 : memref<1x2x1024xf32, #tpu.memory_space<hbm>> -> memref<2x1024xf32, #tpu.memory_space<hbm>>
    %dma_wait3A_614 = tpu.memref_slice %arg9[%dma_wait3A_606] : memref<4x!tpu.dma_semaphore, #tpu.memory_space<semaphore_mem>> -> memref<1x!tpu.dma_semaphore, #tpu.memory_space<semaphore_mem>>
    %dma_wait3A_615 = tpu.memref_squeeze %dma_wait3A_614 : memref<1x!tpu.dma_semaphore, #tpu.memory_space<semaphore_mem>> -> memref<!tpu.dma_semaphore, #tpu.memory_space<semaphore_mem>>
    %dma_wait3A_616 = arith.constant 0 : i32
    %dma_wait3A_617 = tpu.memref_slice %arg4[%dma_wait3A_605, %add3A_562, %dma_wait3A_616] : memref<4x8192x1024xf32, #tpu.memory_space<hbm>> -> memref<1x2x1024xf32, #tpu.memory_space<hbm>>
    %dma_wait3A_618 = tpu.memref_squeeze %dma_wait3A_617 : memref<1x2x1024xf32, #tpu.memory_space<hbm>> -> memref<2x1024xf32, #tpu.memory_space<hbm>>
    %dma_wait3A_619 = arith.constant 0 : i32
    %dma_wait3A_620 = arith.constant 0 : i32
    %dma_wait3A_621 = tpu.memref_slice %arg7[%dma_wait3A_603, %dma_wait3A_604, %dma_wait3A_619, %dma_wait3A_620] : memref<4x4x2x1024xf32, #tpu.memory_space<vmem>> -> memref<1x1x2x1024xf32, #tpu.memory_space<vmem>>
    %dma_wait3A_622 = tpu.memref_squeeze %dma_wait3A_621 : memref<1x1x2x1024xf32, #tpu.memory_space<vmem>> -> memref<2x1024xf32, #tpu.memory_space<vmem>>
    tpu.wait_dma2 semaphore(%dma_wait3A_615 : memref<!tpu.dma_semaphore, #tpu.memory_space<semaphore_mem>>) src(%dma_wait3A_622 : memref<2x1024xf32, #tpu.memory_space<vmem>>) dst(%dma_wait3A_618 : memref<2x1024xf32, #tpu.memory_space<hbm>>)
    %dma_wait3A_623 = arith.constant 2 : i32
    %dma_wait3A_624 = arith.constant 3 : i32
    %dma_wait3A_625 = arith.constant 3 : i32
    %dma_wait3A_626 = arith.constant 2 : i32
    %dma_wait3A_627 = arith.constant 0 : i32
    %dma_wait3A_628 = arith.constant 0 : i32
    %dma_wait3A_629 = tpu.memref_slice %arg7[%dma_wait3A_623, %dma_wait3A_624, %dma_wait3A_627, %dma_wait3A_628] : memref<4x4x2x1024xf32, #tpu.memory_space<vmem>> -> memref<1x1x2x1024xf32, #tpu.memory_space<vmem>>
    %dma_wait3A_630 = tpu.memref_squeeze %dma_wait3A_629 : memref<1x1x2x1024xf32, #tpu.memory_space<vmem>> -> memref<2x1024xf32, #tpu.memory_space<vmem>>
    %dma_wait3A_631 = arith.constant 0 : i32
    %dma_wait3A_632 = tpu.memref_slice %arg4[%dma_wait3A_625, %add3A_562, %dma_wait3A_631] : memref<4x8192x1024xf32, #tpu.memory_space<hbm>> -> memref<1x2x1024xf32, #tpu.memory_space<hbm>>
    %dma_wait3A_633 = tpu.memref_squeeze %dma_wait3A_632 : memref<1x2x1024xf32, #tpu.memory_space<hbm>> -> memref<2x1024xf32, #tpu.memory_space<hbm>>
    %dma_wait3A_634 = tpu.memref_slice %arg9[%dma_wait3A_626] : memref<4x!tpu.dma_semaphore, #tpu.memory_space<semaphore_mem>> -> memref<1x!tpu.dma_semaphore, #tpu.memory_space<semaphore_mem>>
    %dma_wait3A_635 = tpu.memref_squeeze %dma_wait3A_634 : memref<1x!tpu.dma_semaphore, #tpu.memory_space<semaphore_mem>> -> memref<!tpu.dma_semaphore, #tpu.memory_space<semaphore_mem>>
    %dma_wait3A_636 = arith.constant 0 : i32
    %dma_wait3A_637 = tpu.memref_slice %arg4[%dma_wait3A_625, %add3A_562, %dma_wait3A_636] : memref<4x8192x1024xf32, #tpu.memory_space<hbm>> -> memref<1x2x1024xf32, #tpu.memory_space<hbm>>
    %dma_wait3A_638 = tpu.memref_squeeze %dma_wait3A_637 : memref<1x2x1024xf32, #tpu.memory_space<hbm>> -> memref<2x1024xf32, #tpu.memory_space<hbm>>
    %dma_wait3A_639 = arith.constant 0 : i32
    %dma_wait3A_640 = arith.constant 0 : i32
    %dma_wait3A_641 = tpu.memref_slice %arg7[%dma_wait3A_623, %dma_wait3A_624, %dma_wait3A_639, %dma_wait3A_640] : memref<4x4x2x1024xf32, #tpu.memory_space<vmem>> -> memref<1x1x2x1024xf32, #tpu.memory_space<vmem>>
    %dma_wait3A_642 = tpu.memref_squeeze %dma_wait3A_641 : memref<1x1x2x1024xf32, #tpu.memory_space<vmem>> -> memref<2x1024xf32, #tpu.memory_space<vmem>>
    tpu.wait_dma2 semaphore(%dma_wait3A_635 : memref<!tpu.dma_semaphore, #tpu.memory_space<semaphore_mem>>) src(%dma_wait3A_642 : memref<2x1024xf32, #tpu.memory_space<vmem>>) dst(%dma_wait3A_638 : memref<2x1024xf32, #tpu.memory_space<hbm>>)
    %add3A_643 = arith.constant 254 : i32
    %add3A_644 = arith.addi %mul3A_2, %add3A_643 : i32
    %dma_wait3A_645 = arith.constant 3 : i32
    %dma_wait3A_646 = arith.constant 0 : i32
    %dma_wait3A_647 = arith.constant 0 : i32
    %dma_wait3A_648 = arith.constant 3 : i32
    %dma_wait3A_649 = arith.constant 0 : i32
    %dma_wait3A_650 = arith.constant 0 : i32
    %dma_wait3A_651 = tpu.memref_slice %arg7[%dma_wait3A_645, %dma_wait3A_646, %dma_wait3A_649, %dma_wait3A_650] : memref<4x4x2x1024xf32, #tpu.memory_space<vmem>> -> memref<1x1x2x1024xf32, #tpu.memory_space<vmem>>
    %dma_wait3A_652 = tpu.memref_squeeze %dma_wait3A_651 : memref<1x1x2x1024xf32, #tpu.memory_space<vmem>> -> memref<2x1024xf32, #tpu.memory_space<vmem>>
    %dma_wait3A_653 = arith.constant 0 : i32
    %dma_wait3A_654 = tpu.memref_slice %arg4[%dma_wait3A_647, %add3A_644, %dma_wait3A_653] : memref<4x8192x1024xf32, #tpu.memory_space<hbm>> -> memref<1x2x1024xf32, #tpu.memory_space<hbm>>
    %dma_wait3A_655 = tpu.memref_squeeze %dma_wait3A_654 : memref<1x2x1024xf32, #tpu.memory_space<hbm>> -> memref<2x1024xf32, #tpu.memory_space<hbm>>
    %dma_wait3A_656 = tpu.memref_slice %arg9[%dma_wait3A_648] : memref<4x!tpu.dma_semaphore, #tpu.memory_space<semaphore_mem>> -> memref<1x!tpu.dma_semaphore, #tpu.memory_space<semaphore_mem>>
    %dma_wait3A_657 = tpu.memref_squeeze %dma_wait3A_656 : memref<1x!tpu.dma_semaphore, #tpu.memory_space<semaphore_mem>> -> memref<!tpu.dma_semaphore, #tpu.memory_space<semaphore_mem>>
    %dma_wait3A_658 = arith.constant 0 : i32
    %dma_wait3A_659 = tpu.memref_slice %arg4[%dma_wait3A_647, %add3A_644, %dma_wait3A_658] : memref<4x8192x1024xf32, #tpu.memory_space<hbm>> -> memref<1x2x1024xf32, #tpu.memory_space<hbm>>
    %dma_wait3A_660 = tpu.memref_squeeze %dma_wait3A_659 : memref<1x2x1024xf32, #tpu.memory_space<hbm>> -> memref<2x1024xf32, #tpu.memory_space<hbm>>
    %dma_wait3A_661 = arith.constant 0 : i32
    %dma_wait3A_662 = arith.constant 0 : i32
    %dma_wait3A_663 = tpu.memref_slice %arg7[%dma_wait3A_645, %dma_wait3A_646, %dma_wait3A_661, %dma_wait3A_662] : memref<4x4x2x1024xf32, #tpu.memory_space<vmem>> -> memref<1x1x2x1024xf32, #tpu.memory_space<vmem>>
    %dma_wait3A_664 = tpu.memref_squeeze %dma_wait3A_663 : memref<1x1x2x1024xf32, #tpu.memory_space<vmem>> -> memref<2x1024xf32, #tpu.memory_space<vmem>>
    tpu.wait_dma2 semaphore(%dma_wait3A_657 : memref<!tpu.dma_semaphore, #tpu.memory_space<semaphore_mem>>) src(%dma_wait3A_664 : memref<2x1024xf32, #tpu.memory_space<vmem>>) dst(%dma_wait3A_660 : memref<2x1024xf32, #tpu.memory_space<hbm>>)
    %dma_wait3A_665 = arith.constant 3 : i32
    %dma_wait3A_666 = arith.constant 1 : i32
    %dma_wait3A_667 = arith.constant 1 : i32
    %dma_wait3A_668 = arith.constant 3 : i32
    %dma_wait3A_669 = arith.constant 0 : i32
    %dma_wait3A_670 = arith.constant 0 : i32
    %dma_wait3A_671 = tpu.memref_slice %arg7[%dma_wait3A_665, %dma_wait3A_666, %dma_wait3A_669, %dma_wait3A_670] : memref<4x4x2x1024xf32, #tpu.memory_space<vmem>> -> memref<1x1x2x1024xf32, #tpu.memory_space<vmem>>
    %dma_wait3A_672 = tpu.memref_squeeze %dma_wait3A_671 : memref<1x1x2x1024xf32, #tpu.memory_space<vmem>> -> memref<2x1024xf32, #tpu.memory_space<vmem>>
    %dma_wait3A_673 = arith.constant 0 : i32
    %dma_wait3A_674 = tpu.memref_slice %arg4[%dma_wait3A_667, %add3A_644, %dma_wait3A_673] : memref<4x8192x1024xf32, #tpu.memory_space<hbm>> -> memref<1x2x1024xf32, #tpu.memory_space<hbm>>
    %dma_wait3A_675 = tpu.memref_squeeze %dma_wait3A_674 : memref<1x2x1024xf32, #tpu.memory_space<hbm>> -> memref<2x1024xf32, #tpu.memory_space<hbm>>
    %dma_wait3A_676 = tpu.memref_slice %arg9[%dma_wait3A_668] : memref<4x!tpu.dma_semaphore, #tpu.memory_space<semaphore_mem>> -> memref<1x!tpu.dma_semaphore, #tpu.memory_space<semaphore_mem>>
    %dma_wait3A_677 = tpu.memref_squeeze %dma_wait3A_676 : memref<1x!tpu.dma_semaphore, #tpu.memory_space<semaphore_mem>> -> memref<!tpu.dma_semaphore, #tpu.memory_space<semaphore_mem>>
    %dma_wait3A_678 = arith.constant 0 : i32
    %dma_wait3A_679 = tpu.memref_slice %arg4[%dma_wait3A_667, %add3A_644, %dma_wait3A_678] : memref<4x8192x1024xf32, #tpu.memory_space<hbm>> -> memref<1x2x1024xf32, #tpu.memory_space<hbm>>
    %dma_wait3A_680 = tpu.memref_squeeze %dma_wait3A_679 : memref<1x2x1024xf32, #tpu.memory_space<hbm>> -> memref<2x1024xf32, #tpu.memory_space<hbm>>
    %dma_wait3A_681 = arith.constant 0 : i32
    %dma_wait3A_682 = arith.constant 0 : i32
    %dma_wait3A_683 = tpu.memref_slice %arg7[%dma_wait3A_665, %dma_wait3A_666, %dma_wait3A_681, %dma_wait3A_682] : memref<4x4x2x1024xf32, #tpu.memory_space<vmem>> -> memref<1x1x2x1024xf32, #tpu.memory_space<vmem>>
    %dma_wait3A_684 = tpu.memref_squeeze %dma_wait3A_683 : memref<1x1x2x1024xf32, #tpu.memory_space<vmem>> -> memref<2x1024xf32, #tpu.memory_space<vmem>>
    tpu.wait_dma2 semaphore(%dma_wait3A_677 : memref<!tpu.dma_semaphore, #tpu.memory_space<semaphore_mem>>) src(%dma_wait3A_684 : memref<2x1024xf32, #tpu.memory_space<vmem>>) dst(%dma_wait3A_680 : memref<2x1024xf32, #tpu.memory_space<hbm>>)
    %dma_wait3A_685 = arith.constant 3 : i32
    %dma_wait3A_686 = arith.constant 2 : i32
    %dma_wait3A_687 = arith.constant 2 : i32
    %dma_wait3A_688 = arith.constant 3 : i32
    %dma_wait3A_689 = arith.constant 0 : i32
    %dma_wait3A_690 = arith.constant 0 : i32
    %dma_wait3A_691 = tpu.memref_slice %arg7[%dma_wait3A_685, %dma_wait3A_686, %dma_wait3A_689, %dma_wait3A_690] : memref<4x4x2x1024xf32, #tpu.memory_space<vmem>> -> memref<1x1x2x1024xf32, #tpu.memory_space<vmem>>
    %dma_wait3A_692 = tpu.memref_squeeze %dma_wait3A_691 : memref<1x1x2x1024xf32, #tpu.memory_space<vmem>> -> memref<2x1024xf32, #tpu.memory_space<vmem>>
    %dma_wait3A_693 = arith.constant 0 : i32
    %dma_wait3A_694 = tpu.memref_slice %arg4[%dma_wait3A_687, %add3A_644, %dma_wait3A_693] : memref<4x8192x1024xf32, #tpu.memory_space<hbm>> -> memref<1x2x1024xf32, #tpu.memory_space<hbm>>
    %dma_wait3A_695 = tpu.memref_squeeze %dma_wait3A_694 : memref<1x2x1024xf32, #tpu.memory_space<hbm>> -> memref<2x1024xf32, #tpu.memory_space<hbm>>
    %dma_wait3A_696 = tpu.memref_slice %arg9[%dma_wait3A_688] : memref<4x!tpu.dma_semaphore, #tpu.memory_space<semaphore_mem>> -> memref<1x!tpu.dma_semaphore, #tpu.memory_space<semaphore_mem>>
    %dma_wait3A_697 = tpu.memref_squeeze %dma_wait3A_696 : memref<1x!tpu.dma_semaphore, #tpu.memory_space<semaphore_mem>> -> memref<!tpu.dma_semaphore, #tpu.memory_space<semaphore_mem>>
    %dma_wait3A_698 = arith.constant 0 : i32
    %dma_wait3A_699 = tpu.memref_slice %arg4[%dma_wait3A_687, %add3A_644, %dma_wait3A_698] : memref<4x8192x1024xf32, #tpu.memory_space<hbm>> -> memref<1x2x1024xf32, #tpu.memory_space<hbm>>
    %dma_wait3A_700 = tpu.memref_squeeze %dma_wait3A_699 : memref<1x2x1024xf32, #tpu.memory_space<hbm>> -> memref<2x1024xf32, #tpu.memory_space<hbm>>
    %dma_wait3A_701 = arith.constant 0 : i32
    %dma_wait3A_702 = arith.constant 0 : i32
    %dma_wait3A_703 = tpu.memref_slice %arg7[%dma_wait3A_685, %dma_wait3A_686, %dma_wait3A_701, %dma_wait3A_702] : memref<4x4x2x1024xf32, #tpu.memory_space<vmem>> -> memref<1x1x2x1024xf32, #tpu.memory_space<vmem>>
    %dma_wait3A_704 = tpu.memref_squeeze %dma_wait3A_703 : memref<1x1x2x1024xf32, #tpu.memory_space<vmem>> -> memref<2x1024xf32, #tpu.memory_space<vmem>>
    tpu.wait_dma2 semaphore(%dma_wait3A_697 : memref<!tpu.dma_semaphore, #tpu.memory_space<semaphore_mem>>) src(%dma_wait3A_704 : memref<2x1024xf32, #tpu.memory_space<vmem>>) dst(%dma_wait3A_700 : memref<2x1024xf32, #tpu.memory_space<hbm>>)
    %dma_wait3A_705 = arith.constant 3 : i32
    %dma_wait3A_706 = arith.constant 3 : i32
    %dma_wait3A_707 = arith.constant 3 : i32
    %dma_wait3A_708 = arith.constant 3 : i32
    %dma_wait3A_709 = arith.constant 0 : i32
    %dma_wait3A_710 = arith.constant 0 : i32
    %dma_wait3A_711 = tpu.memref_slice %arg7[%dma_wait3A_705, %dma_wait3A_706, %dma_wait3A_709, %dma_wait3A_710] : memref<4x4x2x1024xf32, #tpu.memory_space<vmem>> -> memref<1x1x2x1024xf32, #tpu.memory_space<vmem>>
    %dma_wait3A_712 = tpu.memref_squeeze %dma_wait3A_711 : memref<1x1x2x1024xf32, #tpu.memory_space<vmem>> -> memref<2x1024xf32, #tpu.memory_space<vmem>>
    %dma_wait3A_713 = arith.constant 0 : i32
    %dma_wait3A_714 = tpu.memref_slice %arg4[%dma_wait3A_707, %add3A_644, %dma_wait3A_713] : memref<4x8192x1024xf32, #tpu.memory_space<hbm>> -> memref<1x2x1024xf32, #tpu.memory_space<hbm>>
    %dma_wait3A_715 = tpu.memref_squeeze %dma_wait3A_714 : memref<1x2x1024xf32, #tpu.memory_space<hbm>> -> memref<2x1024xf32, #tpu.memory_space<hbm>>
    %dma_wait3A_716 = tpu.memref_slice %arg9[%dma_wait3A_708] : memref<4x!tpu.dma_semaphore, #tpu.memory_space<semaphore_mem>> -> memref<1x!tpu.dma_semaphore, #tpu.memory_space<semaphore_mem>>
    %dma_wait3A_717 = tpu.memref_squeeze %dma_wait3A_716 : memref<1x!tpu.dma_semaphore, #tpu.memory_space<semaphore_mem>> -> memref<!tpu.dma_semaphore, #tpu.memory_space<semaphore_mem>>
    %dma_wait3A_718 = arith.constant 0 : i32
    %dma_wait3A_719 = tpu.memref_slice %arg4[%dma_wait3A_707, %add3A_644, %dma_wait3A_718] : memref<4x8192x1024xf32, #tpu.memory_space<hbm>> -> memref<1x2x1024xf32, #tpu.memory_space<hbm>>
    %dma_wait3A_720 = tpu.memref_squeeze %dma_wait3A_719 : memref<1x2x1024xf32, #tpu.memory_space<hbm>> -> memref<2x1024xf32, #tpu.memory_space<hbm>>
    %dma_wait3A_721 = arith.constant 0 : i32
    %dma_wait3A_722 = arith.constant 0 : i32
    %dma_wait3A_723 = tpu.memref_slice %arg7[%dma_wait3A_705, %dma_wait3A_706, %dma_wait3A_721, %dma_wait3A_722] : memref<4x4x2x1024xf32, #tpu.memory_space<vmem>> -> memref<1x1x2x1024xf32, #tpu.memory_space<vmem>>
    %dma_wait3A_724 = tpu.memref_squeeze %dma_wait3A_723 : memref<1x1x2x1024xf32, #tpu.memory_space<vmem>> -> memref<2x1024xf32, #tpu.memory_space<vmem>>
    tpu.wait_dma2 semaphore(%dma_wait3A_717 : memref<!tpu.dma_semaphore, #tpu.memory_space<semaphore_mem>>) src(%dma_wait3A_724 : memref<2x1024xf32, #tpu.memory_space<vmem>>) dst(%dma_wait3A_720 : memref<2x1024xf32, #tpu.memory_space<hbm>>)
    return
  }
}

</mosaic_0001>

<sc_bundles>
// kernel: kernel.3.cloned.1.call-start
scs
__scs_entry_jumppad:
0x0: {  	(pc) =	sbr.rel $0x88, $3  }
0x1: {  	(tag) =	ssettag $0x0;
	lr =	simm.s32 $0x1  }
0x2: {  	[smem:$0x3F9F] =	sst lr;
	_ =	strace $0xD0000000  }
0x3: {  	_ = 	snop  }
0x4: {  	_ = 	snop  }
0x5: {  	_ = 	snop  }
0x6: {  	_ = 	snop  }
0x7: {  	_ = 	snop  }
__scs_overlays_trampoline_lowered:
0x8: {  	[smem:$0x3FAE] =	sst s0  }
0x9: {  	[smem:$0x3FAF] =	sst s1  }
0xa: {  	[smem:$0x3FB0] =	sst s2  }
0xb: {  	[smem:$0x3FB1] =	sst s3  }
0xc: {  	[smem:$0x3FB2] =	sst s4  }
0xd: {  	[smem:$0x3FB3] =	sst s5  }
0xe: {  	[smem:$0x3FB4] =	sst s6  }
0xf: {  	[smem:$0x3FB5] =	sst s7  }
0x10: {  	[smem:$0x3FB6] =	sst s8  }
0x11: {  	[smem:$0x3FB7] =	sst s9;
	s0 =	simm.s32 @!p0 $0x0  }
0x12: {  	s1 =	sld [smem:$0x3F9D];
	s0 =	simm.s32 @p0 $0x1  }
0x13: {  	[smem:$0x3FB8] =	sst s0;
	s0 =	simm.s32 @!p1 $0x0  }
0x14: {  	s2 =	sld [smem:$0x3F9C];
	s0 =	simm.s32 @p1 $0x1  }
0x15: {  	[smem:$0x3FB9] =	sst s0;
	s0 =	simm.s32 @!p2 $0x0  }
0x16: {  	s3 =	sld [smem:$0x3FDB];
	s0 =	simm.s32 @p2 $0x1  }
0x17: {  	s4 =	simm.s32 $0x1BF5;
	[smem:$0x3FBB] =	sst s0  }
0x18: {  	s0 =	sld [smem:$0x3F9E];
	_ =	swait.ge [sflag:s4], $0x0  }
0x19: {  	s7 =	sld [smem:$0x3F9F]  }
0x1a: {  	s8 =	sadd.s32 $0xFFFFE003, lr  }
0x1b: {  	s9 =	sadd.s32 $0xFFFFFEF7, lr;
	s5 =	simm.s32 $0xFFFFFFFF;
	p2 =	slt.u32 s8, $0xFFFFF086  }
0x1c: {  	p1 =	slt.u32 s9, $0xF7A;
	s5 =	simm.s32 @!p2 $0x0  }
0x1d: {  	s5 =	simm.s32 @p1 $0x1;
	p0 =	seq.s32 s7, s2  }
0x1e: {  	s7 =	smul.u32 @!p0 $0xF7A, s2;
	p2 =	seq.s32 @!p0 s5, $0x0  }
0x1f: {  	s9 =	smul.u32 $0xF7A, s1;
	s8 =	simm.s32 @!p0 $0x1BF5;
	p2 =	por !p2, p0  }
0x20: {  	[sflag:s8] =	ssyncset.s32 @!p0 $0xFFFFF086;
	s6 =	sadd.s32 @!p0 s3, s7;
	s7 =	simm.s32 @!p0 $0x108  }
0x21: {  	s3 =	sadd.s32 s3, s9;
	s6 =	sadd.s32 @!p0 $0x88, s6;
	s7 =	simm.s32 @p2 $0x1082  }
0x22: {  	[simem:s7], [sflag:s8] =	dma.local @!p0 [hbm:s6], $0xF7A  }
0x23: {  	s9 =	sor.u32 $0xD0000000, s2;
	s6 =	simm.s32 $0x108;
	_ =	swait.ge @!p0 [sflag:s8], $0x0  }
0x24: {  	s3 =	sadd.s32 $0x88, s3;
	s6 =	simm.s32 @!p1 $0x1082;
	[sflag:s4] =	ssyncset.s32 $0xFFFFF086  }
0x25: {  	[simem:s6], [sflag:s4] =	dma.local [hbm:s3], $0xF7A  }
0x26: {  	[smem:$0x3F9F] =	sst s1;
	(tag) =	ssettag s2;
	_ =	strace s9  }
0x27: {  	s1 =	sld [smem:$0x3FAF]  }
0x28: {  	s2 =	sld [smem:$0x3FB0]  }
0x29: {  	s4 =	sld [smem:$0x3FB2]  }
0x2a: {  	p0 =	seq.s32 s5, $0x0;
	s5 =	sld [smem:$0x3FB3]  }
0x2b: {  	s6 =	sld [smem:$0x3FB4]  }
0x2c: {  	s7 =	sld [smem:$0x3FB5]  }
0x2d: {  	s3 =	simm.s32 $0x108;
	s8 =	sld [smem:$0x3FB6]  }
0x2e: {  	s3 =	simm.s32 @!p0 $0x1082;
	s9 =	sld [smem:$0x3FB7]  }
0x2f: {  	lr =	sadd.s32 s0, s3;
	s0 =	sld [smem:$0x3FAE]  }
0x30: {  	s3 =	sld [smem:$0x3FB1]  }
0x31: {  	[smem:$0x3FBA] =	sst s10  }
0x32: {  	s10 =	sld [smem:$0x3FB8];
	_ =	sdelay $0x3  }
0x33: {  	p0 =	seq.s32 s10, $0x1;
	s10 =	sld [smem:$0x3FBA];
	_ =	sdelay $0x3  }
0x34: {  	[smem:$0x3FBA] =	sst s10  }
0x35: {  	s10 =	sld [smem:$0x3FB9];
	_ =	sdelay $0x3  }
0x36: {  	p1 =	seq.s32 s10, $0x1;
	s10 =	sld [smem:$0x3FBA];
	_ =	sdelay $0x3  }
0x37: {  	[smem:$0x3FBA] =	sst s10  }
0x38: {  	s10 =	sld [smem:$0x3FBB]  }
0x39: {  	_ = 	snop;
	(pc) =	sbr.ind lr, $3  }
0x3a: {  	_ = 	snop  }
0x3b: {  	_ = 	snop  }
0x3c: {  	p2 =	seq.s32 s10, $0x1;
	s10 =	sld [smem:$0x3FBA]  }
0x3d: {  	_ =	shalt  }
0x3e: {  	_ =	shalt  }
0x3f: {  	_ =	shalt  }
0x40: {  	_ =	shalt  }
0x41: {  	_ =	shalt  }
0x42: {  	_ =	shalt  }
0x43: {  	_ =	shalt  }
0x44: {  	_ =	shalt  }
0x45: {  	_ =	shalt  }
0x46: {  	_ =	shalt  }
0x47: {  	_ =	shalt  }
0x48: {  	_ =	shalt  }
0x49: {  	_ =	shalt  }
0x4a: {  	_ =	shalt  }
0x4b: {  	_ =	shalt  }
0x4c: {  	_ =	shalt  }
0x4d: {  	_ =	shalt  }
0x4e: {  	_ =	shalt  }
0x4f: {  	_ =	shalt  }
0x50: {  	_ =	shalt  }
0x51: {  	_ =	shalt  }
0x52: {  	_ =	shalt  }
0x53: {  	_ =	shalt  }
0x54: {  	_ =	shalt  }
0x55: {  	_ =	shalt  }
0x56: {  	_ =	shalt  }
0x57: {  	_ =	shalt  }
0x58: {  	_ =	shalt  }
0x59: {  	_ =	shalt  }
0x5a: {  	_ =	shalt  }
0x5b: {  	_ =	shalt  }
0x5c: {  	_ =	shalt  }
0x5d: {  	_ =	shalt  }
0x5e: {  	_ =	shalt  }
0x5f: {  	_ =	shalt  }
0x60: {  	_ =	shalt  }
0x61: {  	_ =	shalt  }
0x62: {  	_ =	shalt  }
0x63: {  	_ =	shalt  }
0x64: {  	_ =	shalt  }
0x65: {  	_ =	shalt  }
0x66: {  	_ =	shalt  }
0x67: {  	_ =	shalt  }
0x68: {  	_ =	shalt  }
0x69: {  	_ =	shalt  }
0x6a: {  	_ =	shalt  }
0x6b: {  	_ =	shalt  }
0x6c: {  	_ =	shalt  }
0x6d: {  	_ =	shalt  }
0x6e: {  	_ =	shalt  }
0x6f: {  	_ =	shalt  }
0x70: {  	_ =	shalt  }
0x71: {  	_ =	shalt  }
0x72: {  	_ =	shalt  }
0x73: {  	_ =	shalt  }
0x74: {  	_ =	shalt  }
0x75: {  	_ =	shalt  }
0x76: {  	_ =	shalt  }
0x77: {  	_ =	shalt  }
0x78: {  	_ =	shalt  }
0x79: {  	_ =	shalt  }
0x7a: {  	_ =	shalt  }
0x7b: {  	_ =	shalt  }
0x7c: {  	_ =	shalt  }
0x7d: {  	_ =	shalt  }
0x7e: {  	_ =	shalt  }
0x7f: {  	_ =	shalt  }
0x80: {  	_ =	shalt  }
0x81: {  	_ =	shalt  }
0x82: {  	_ =	shalt  }
0x83: {  	_ =	shalt  }
0x84: {  	_ =	shalt  }
0x85: {  	_ =	shalt  }
0x86: {  	_ =	shalt  }
0x87: {  	_ =	shalt  }
.Lfunc_end0:
.L_simem_size_0:
called_computation_lowered:
.L_overlay_start_0:
0x88: {  	s2 =	sld [smem:$0x3FD9]  }
0x89: {  	s3 =	sld [smem:$0x3FFE];
	_ =	sdelay $0x1  }
0x8a: {  	s1 =	srdreg.scid  }
0x8b: {  	s0 =	sand.u32 $0x1, s1  }
0x8c: {  	s18 =	sshll.u32 s0, $0xA;
	s2 =	sadd.s32 s3, s2  }
0x8d: {  	s2 =	sadd.s32 s2, s18  }
0x8e: {  	[smem:$0x3FC6] =	sst s2  }
0x8f: {  	_ = 	snop  }
0x90: {  	s2 =	sld [smem:$0x3FC9]  }
0x91: {  	s19 =	sld [smem:$0x3FC8]  }
0x92: {  	s4 =	sld [smem:$0x3FD0];
	(tm) =	ssettm $0x1  }
0x93: {  	s5 =	sld [smem:$0x3FFB];
	_ =	sdelay $0x3  }
0x94: {  	_ =	strace s5  }
0x95: {  	s5 =	sld [smem:$0x3FFC];
	_ =	sdelay $0x3  }
0x96: {  	_ =	strace s5  }
0x97: {  	s5 =	sld [smem:$0x3FFD];
	_ =	sdelay $0x3  }
0x98: {  	_ =	strace s5  }
0x99: {  	_ =	strace $0x8FFFFFFF  }
0x9a: {  	s20 =	sld [smem:$0x3FDB];
	_ =	sdelay $0x1  }
0x9b: {  	s6 =	simm.s32 $_scs_section_size  }
0x9c: {  	s7 =	simm.s32 $_size__tile_overlayer_lowered;
	s8 =	simm.s32 $_tile_overlayer_lowered  }
0x9d: {  	s23 =	simm.s32 $0x1BFF;
	s22 =	sshll.u32 s8, $0x1;
	s5 =	sadd.s32 s6, s20  }
0x9e: {  	s9 =	simm.s32 $0x0;
	s21 =	sshll.u32 s7, $0x1;
	s7 =	sadd.s32 s22, s5  }
0x9f: {  	[timem:s9], [sflag:s23] =	dma.local [hbm:s7], s21  }
0xa0: {  	_ =	swait.ge [sflag:s23], s21  }
0xa1: {  	s6 =	ssub.s32 $0x0, s21;
	[sflag:s23] =	ssyncset.done $0x0  }
0xa2: {  	[sflag:s23] =	ssyncadd.s32 s6;
	_ =	sdelay $0x1  }
0xa3: {  	s24 =	simm.s32 $0x1B8B  }
0xa4: {  	_ =	swait.ge [sflag:s24], $0x1  }
0xa5: {  	[sflag:s24] =	ssyncset.done $0x0  }
0xa6: {  	s25 =	simm.s32 $0x1B8E;
	[sflag:s24] =	ssyncadd.s32 $0xFFFFFFFF  }
0xa7: {  	s26 =	simm.s32 $execute0_lowered;
	[smem:$0x3FD2] =	sst s25  }
0xa8: {  	s6 =	sshll.u32 s26, $0x1;
	_ =	strace $0x80000046;
	[dreg:$0x1] =	wrdreg $0xFFFFFFFF  }
0xa9: {  	s28 =	simm.s32 $_size_execute0_lowered;
	s5 =	sadd.s32 s5, s6;
	[dreg:$0x0] =	wrdreg $0x0  }
0xaa: {  	s6 =	sshll.u32 s28, $0x1;
	[dreg:$0x2] =	wrdreg s5  }
0xab: {  	[dreg:$0x3] =	wrdreg s6  }
0xac: {  	[dreg:$0x4] =	wrdreg $0xC0  }
0xad: {  	_ =	task [dreg:s9], $0x5FFFF  }
0xae: {  	[dreg:$0x1] =	wrdreg $0xFFFFFFFF  }
0xaf: {  	[dreg:$0x0] =	wrdreg $0x60  }
0xb0: {  	[dreg:$0x2] =	wrdreg s2  }
0xb1: {  	[dreg:$0x3] =	wrdreg s19  }
0xb2: {  	[dreg:$0x4] =	wrdreg s4  }
0xb3: {  	[dreg:$0x5] =	wrdreg $0x9  }
0xb4: {  	_ =	task.clear_ibuf [dreg:s9], $0x6FFFF;
	_ =	strace $0x90000046  }
0xb5: {  	s29 =	simm.s32 $0x9;
	_ =	strace $0x80000048  }
0xb6: {  	_ =	swait.ge [sflag:s29], $0x1  }
0xb7: {  	[sflag:s29] =	ssyncadd.s32 $0xFFFFFFFF  }
0xb8: {  	_ =	strace $0x90000048  }
0xb9: {  	_ =	sfence  }
0xba: {  	s30 =	sld [smem:$0x0];
	_ =	sdelay $0x2  }
0xbb: {  	s31 =	sshll.u32 s1, $0xD;
	s1 =	sshrl.u32 s1, $0x2  }
0xbc: {  	s3 =	sand.u32 $0x4000, s31;
	s1 =	sadd.s32 s1, s30  }
0xbd: {  	s0 =	sor.u32 s3, s0;
	s1 =	sshll.u32 s1, $0x11  }
0xbe: {  	s0 =	sor.u32 s1, s0  }
0xbf: {  	s0 =	sadd.s32 $0x8F2B, s0  }
0xc0: {  	[sflag:s0] =	ssyncadd.remote.s32 $0x1  }
0xc1: {  	_ =	sfence.sel $0xFFFF  }
0xc2: {  	[dreg:$0x0] =	wrdreg $0xFFFFFFFF;
	(pc) =	sbr.abs _section_cstart, $3  }
0xc3: {  	[dreg:$0x1] =	wrdreg $0xFFFFFFFF  }
0xc4: {  	_ =	task.clear_ibuf [dreg:s9], $0x2FFFF;
	_ =	strace $0x9FFFFFFF  }
0xc5: {  	(tm) =	ssettm $0x7FFFFFFF  }
tec
execute0_lowered:
.L_overlay_start_1:
0x0: {  	(tag) =	ssettag $0x1  }
0x1: {  	s0 =	srdreg.scid  }
0x2: {  	s1 =	rddreg [dreg:$0x0];
	s2 =	stileid.u32;
	s0 =	sand.u32 $0x1, s0  }
0x3: {  	s3 =	rddreg [dreg:$0x1];
	s2 =	sshll.u32 s2, $0x9;
	s5 =	sshll.u32 s0, $0x8  }
0x4: {  	s4 =	rddreg [dreg:$0x2];
	s0 =	ssub.s32 $0x2, s0;
	s2 =	sor.u32 s5, s2  }
0x5: {  	s6 =	simm.s32 $0x0;
	s10 =	sshrl.u32 s0, $0x1;
	s7 =	sshll.u32 s2, $0x7  }
0x6: {  	[smem:$0x7FF] =	sst s6;
	s0 =	ssub.s32 s0, s10;
	s11 =	sadd.s32 s3, s7  }
0x7: {  	_ =	strace $0x80000047;
	s0 =	smax.u32 s0, $0x1;
	[dreg:$0x5] =	wrdreg s11  }
0x8: {  	s8 =	sadd.s32 s1, s7;
	[dreg:$0x16] =	wrdreg s0  }
0x9: {  	s12 =	sadd.s32 $0x100000, s8;
	[dreg:$0x4] =	wrdreg s8  }
0xa: {  	s9 =	sadd.s32 $0x200000, s8;
	[dreg:$0x6] =	wrdreg s12  }
0xb: {  	s13 =	sor.u32 $0x20, s7;
	s14 =	sadd.s32 $0x300000, s8;
	[dreg:$0x7] =	wrdreg s9  }
0xc: {  	s15 =	sadd.s32 s3, s13;
	[dreg:$0x8] =	wrdreg s14  }
0xd: {  	s5 =	sadd.s32 s1, s13;
	[dreg:$0x9] =	wrdreg s15  }
0xe: {  	s30 =	sadd.s32 $0x300000, s4;
	s16 =	sadd.s32 $0x100020, s8;
	[dreg:$0xa] =	wrdreg s5  }
0xf: {  	s6 =	sshll.u32 s2, $0xA;
	s18 =	sadd.s32 $0x200020, s8;
	[dreg:$0xb] =	wrdreg s16  }
0x10: {  	s17 =	sor.u32 $0x40, s7;
	s19 =	sadd.s32 $0x300020, s8;
	[dreg:$0xc] =	wrdreg s18  }
0x11: {  	s22 =	sor.u32 $0x60, s7;
	s20 =	sadd.s32 s3, s17;
	[dreg:$0xd] =	wrdreg s19  }
0x12: {  	s31 =	sor.u32 $0x2000, s6;
	s21 =	sadd.s32 $0x100040, s8;
	[dreg:$0xe] =	wrdreg s20  }
0x13: {  	s23 =	sadd.s32 $0x200040, s8;
	s24 =	sadd.s32 $0x300040, s8;
	[dreg:$0x10] =	wrdreg s21  }
0x14: {  	s25 =	sadd.s32 s3, s22;
	s26 =	sadd.s32 $0x100060, s8;
	[dreg:$0x11] =	wrdreg s23  }
0x15: {  	s28 =	sadd.s32 $0x200060, s8;
	s29 =	sadd.s32 $0x300060, s8;
	[dreg:$0x12] =	wrdreg s24  }
0x16: {  	s0 =	sadd.s32 $0x20, s4;
	s8 =	simm.s32 $0x100;
	[dreg:$0x13] =	wrdreg s25  }
0x17: {  	s11 =	simm.s32 $0x4;
	s5 =	sadd.s32 s1, s17;
	[dreg:$0x15] =	wrdreg s26  }
.Ltmp0:
0x18: {  	s24 =	sshrl.u32 s2, $0x3;
	[dreg:$0x17] =	wrdreg s28;
	(pc) =	sbr.rel .LBB2_1-.Ltmp0, $4  }
0x19: {  	[dreg:$0x18] =	wrdreg s29;
	s2 =	sadd.s32 $0x40, s4;
	s9 =	simm.s32 $0x400  }
0x1a: {  	s15 =	simm.s32 $0x1;
	s20 =	simm.s32 $0x2;
	s26 =	simm.s32 $0x3  }
0x1b: {  	s16 =	simm.s32 $0x11800;
	[dreg:$0xf] =	wrdreg s5;
	s5 =	sadd.s32 s1, s22  }
0x1c: {  	s12 =	simm.s32 $0x0;
	[dreg:$0x14] =	wrdreg s5;
	s5 =	sadd.s32 $0x60, s4  }
.LBB2_20:
0x1d: {  	s7 =	simm.s32 $0x5  }
0x1e: {  	_ =	swait.ge [sflag:s7], $0x800  }
0x1f: {  	[sflag:s7] =	ssyncset.done $0x0  }
0x20: {  	[sflag:s7] =	ssyncadd.s32 $0xFFFFF800  }
0x21: {  	_ =	swait.ge [sflag:s7], $0x800  }
0x22: {  	[sflag:s7] =	ssyncset.done $0x0  }
0x23: {  	[sflag:s7] =	ssyncadd.s32 $0xFFFFF800  }
0x24: {  	_ =	swait.ge [sflag:s7], $0x800  }
0x25: {  	[sflag:s7] =	ssyncset.done $0x0  }
0x26: {  	[sflag:s7] =	ssyncadd.s32 $0xFFFFF800  }
0x27: {  	_ =	swait.ge [sflag:s7], $0x800  }
0x28: {  	[sflag:s7] =	ssyncset.done $0x0  }
0x29: {  	s25 =	simm.s32 $0x6;
	[sflag:s7] =	ssyncadd.s32 $0xFFFFF800  }
0x2a: {  	_ =	swait.ge [sflag:s25], $0x800  }
0x2b: {  	[sflag:s25] =	ssyncset.done $0x0  }
0x2c: {  	[sflag:s25] =	ssyncadd.s32 $0xFFFFF800  }
0x2d: {  	_ =	swait.ge [sflag:s25], $0x800  }
0x2e: {  	[sflag:s25] =	ssyncset.done $0x0  }
0x2f: {  	[sflag:s25] =	ssyncadd.s32 $0xFFFFF800  }
0x30: {  	_ =	swait.ge [sflag:s25], $0x800  }
0x31: {  	[sflag:s25] =	ssyncset.done $0x0  }
0x32: {  	[sflag:s25] =	ssyncadd.s32 $0xFFFFF800  }
0x33: {  	_ =	swait.ge [sflag:s25], $0x800  }
0x34: {  	[sflag:s25] =	ssyncset.done $0x0  }
0x35: {  	s28 =	simm.s32 $0x7;
	[sflag:s25] =	ssyncadd.s32 $0xFFFFF800  }
0x36: {  	_ =	swait.ge [sflag:s28], $0x800  }
0x37: {  	[sflag:s28] =	ssyncset.done $0x0  }
0x38: {  	[sflag:s28] =	ssyncadd.s32 $0xFFFFF800  }
0x39: {  	_ =	swait.ge [sflag:s28], $0x800  }
0x3a: {  	[sflag:s28] =	ssyncset.done $0x0  }
0x3b: {  	[sflag:s28] =	ssyncadd.s32 $0xFFFFF800  }
0x3c: {  	_ =	swait.ge [sflag:s28], $0x800  }
0x3d: {  	[sflag:s28] =	ssyncset.done $0x0  }
0x3e: {  	[sflag:s28] =	ssyncadd.s32 $0xFFFFF800  }
0x3f: {  	_ =	swait.ge [sflag:s28], $0x800  }
0x40: {  	[sflag:s28] =	ssyncset.done $0x0  }
0x41: {  	s10 =	simm.s32 $0x8;
	[sflag:s28] =	ssyncadd.s32 $0xFFFFF800  }
0x42: {  	_ =	swait.ge [sflag:s10], $0x800  }
0x43: {  	[sflag:s10] =	ssyncset.done $0x0  }
0x44: {  	[sflag:s10] =	ssyncadd.s32 $0xFFFFF800  }
0x45: {  	_ =	swait.ge [sflag:s10], $0x800  }
0x46: {  	[sflag:s10] =	ssyncset.done $0x0  }
0x47: {  	[sflag:s10] =	ssyncadd.s32 $0xFFFFF800  }
0x48: {  	_ =	swait.ge [sflag:s10], $0x800  }
0x49: {  	[sflag:s10] =	ssyncset.done $0x0  }
0x4a: {  	[sflag:s10] =	ssyncadd.s32 $0xFFFFF800  }
0x4b: {  	_ =	swait.ge [sflag:s10], $0x800  }
0x4c: {  	s12 =	rddreg [dreg:$0x19]  }
0x4d: {  	s29 =	rddreg [dreg:$0x16];
	s12 =	sadd.s32 $0x1, s12  }
0x4e: {  	p0 =	sne.s32 s12, s29  }
.Ltmp1:
0x4f: {  	_ = 	snop;
	(pc) =	sbr.rel @!p0 .LBB2_21-.Ltmp1, $3  }
0x50: {  	_ =	sdelay $0x1  }
0x51: {  	[sflag:s10] =	ssyncset.done $0x0  }
0x52: {  	[sflag:s10] =	ssyncadd.s32 $0xFFFFF800  }
.LBB2_1:
0x53: {  	[dreg:$0x19] =	wrdreg s12  }
0x54: {  	s7 =	rddreg [dreg:$0x5];
	s10 =	simm.s32 $0x8000  }
0x55: {  	[tilespmem:s10], [sflag:$0x1] =	stream.strided.gather [hbm4b:s7+s8], $0x800, s9, s8, $0x38;
	[tilespmem:$0x12000] =	vst v63  }
0x56: {  	s28 =	simm.s32 $0x0;
	s29 =	rddreg [dreg:$0x4]  }
0x57: {  	[tilespmem:s28], [sflag:$0x1] =	stream.strided.gather [hbm4b:s29+s8], $0x800, s9, s8, $0x38;
	[tilespmem:$0x12000] =	vst v63  }
0x58: {  	s12 =	rddreg [dreg:$0x6];
	s13 =	simm.s32 $0x800  }
0x59: {  	[tilespmem:s13], [sflag:$0x1] =	stream.strided.gather [hbm4b:s12+s8], $0x800, s9, s8, $0x38;
	[tilespmem:$0x12000] =	vst v63  }
0x5a: {  	s14 =	rddreg [dreg:$0x7];
	s17 =	simm.s32 $0x1000  }
0x5b: {  	[tilespmem:s17], [sflag:$0x1] =	stream.strided.gather [hbm4b:s14+s8], $0x800, s9, s8, $0x38;
	[tilespmem:$0x12000] =	vst v63  }
0x5c: {  	s18 =	rddreg [dreg:$0x8];
	s19 =	simm.s32 $0x1800  }
0x5d: {  	[tilespmem:s19], [sflag:$0x1] =	stream.strided.gather [hbm4b:s18+s8], $0x800, s9, s8, $0x38;
	[tilespmem:$0x12000] =	vst v63  }
0x5e: {  	s21 =	rddreg [dreg:$0x9];
	s22 =	simm.s32 $0x8800  }
0x5f: {  	[tilespmem:s22], [sflag:$0x2] =	stream.strided.gather [hbm4b:s21+s8], $0x800, s9, s8, $0x38;
	[tilespmem:$0x12000] =	vst v63  }
0x60: {  	s23 =	rddreg [dreg:$0xa];
	s25 =	simm.s32 $0x2000  }
0x61: {  	[tilespmem:s25], [sflag:$0x2] =	stream.strided.gather [hbm4b:s23+s8], $0x800, s9, s8, $0x38;
	[tilespmem:$0x12000] =	vst v63  }
0x62: {  	s28 =	rddreg [dreg:$0xb];
	s29 =	simm.s32 $0x2800  }
0x63: {  	[tilespmem:s29], [sflag:$0x2] =	stream.strided.gather [hbm4b:s28+s8], $0x800, s9, s8, $0x38;
	[tilespmem:$0x12000] =	vst v63  }
0x64: {  	s12 =	rddreg [dreg:$0xc];
	s13 =	simm.s32 $0x3000  }
0x65: {  	[tilespmem:s13], [sflag:$0x2] =	stream.strided.gather [hbm4b:s12+s8], $0x800, s9, s8, $0x38;
	[tilespmem:$0x12000] =	vst v63  }
0x66: {  	s14 =	rddreg [dreg:$0xd];
	s17 =	simm.s32 $0x3800  }
0x67: {  	[tilespmem:s17], [sflag:$0x2] =	stream.strided.gather [hbm4b:s14+s8], $0x800, s9, s8, $0x38;
	[tilespmem:$0x12000] =	vst v63  }
0x68: {  	s18 =	rddreg [dreg:$0xe];
	s19 =	simm.s32 $0x9000  }
0x69: {  	[tilespmem:s19], [sflag:$0x3] =	stream.strided.gather [hbm4b:s18+s8], $0x800, s9, s8, $0x38;
	[tilespmem:$0x12000] =	vst v63  }
0x6a: {  	s21 =	rddreg [dreg:$0xf];
	s22 =	simm.s32 $0x4000  }
0x6b: {  	[tilespmem:s22], [sflag:$0x3] =	stream.strided.gather [hbm4b:s21+s8], $0x800, s9, s8, $0x38;
	[tilespmem:$0x12000] =	vst v63  }
0x6c: {  	s23 =	rddreg [dreg:$0x10];
	s25 =	simm.s32 $0x4800  }
0x6d: {  	[tilespmem:s25], [sflag:$0x3] =	stream.strided.gather [hbm4b:s23+s8], $0x800, s9, s8, $0x38;
	[tilespmem:$0x12000] =	vst v63  }
0x6e: {  	s28 =	rddreg [dreg:$0x11];
	s29 =	simm.s32 $0x5000  }
0x6f: {  	[tilespmem:s29], [sflag:$0x3] =	stream.strided.gather [hbm4b:s28+s8], $0x800, s9, s8, $0x38;
	[tilespmem:$0x12000] =	vst v63  }
0x70: {  	s12 =	rddreg [dreg:$0x12];
	s13 =	simm.s32 $0x5800  }
0x71: {  	[tilespmem:s13], [sflag:$0x3] =	stream.strided.gather [hbm4b:s12+s8], $0x800, s9, s8, $0x38;
	[tilespmem:$0x12000] =	vst v63  }
0x72: {  	s14 =	rddreg [dreg:$0x13];
	s17 =	simm.s32 $0x9800  }
0x73: {  	[tilespmem:s17], [sflag:$0x4] =	stream.strided.gather [hbm4b:s14+s8], $0x800, s9, s8, $0x38;
	[tilespmem:$0x12000] =	vst v63  }
0x74: {  	s18 =	rddreg [dreg:$0x14];
	s19 =	simm.s32 $0x6000  }
0x75: {  	[tilespmem:s19], [sflag:$0x4] =	stream.strided.gather [hbm4b:s18+s8], $0x800, s9, s8, $0x38;
	[tilespmem:$0x12000] =	vst v63  }
0x76: {  	s21 =	rddreg [dreg:$0x15];
	s22 =	simm.s32 $0x6800  }
0x77: {  	[tilespmem:s22], [sflag:$0x4] =	stream.strided.gather [hbm4b:s21+s8], $0x800, s9, s8, $0x38;
	[tilespmem:$0x12000] =	vst v63  }
0x78: {  	s23 =	rddreg [dreg:$0x17];
	s25 =	simm.s32 $0x7000  }
0x79: {  	[tilespmem:s25], [sflag:$0x4] =	stream.strided.gather [hbm4b:s23+s8], $0x800, s9, s8, $0x38;
	[tilespmem:$0x12000] =	vst v63  }
0x7a: {  	s28 =	rddreg [dreg:$0x18];
	s29 =	simm.s32 $0x7800;
	s17 =	simm.s32 $0x0  }
0x7b: {  	[tilespmem:s29], [sflag:$0x4] =	stream.strided.gather [hbm4b:s28+s8], $0x800, s9, s8, $0x38;
	[tilespmem:$0x12000] =	vst v63  }
.LBB2_2:
0x7c: {  	_ =	swait.ge [sflag:s15], $0x800  }
0x7d: {  	[sflag:s15] =	ssyncset.done $0x0  }
0x7e: {  	[sflag:s15] =	ssyncadd.s32 $0xFFFFF800  }
0x7f: {  	_ =	swait.ge [sflag:s15], $0x800  }
0x80: {  	[sflag:s15] =	ssyncset.done $0x0  }
0x81: {  	[sflag:s15] =	ssyncadd.s32 $0xFFFFF800  }
0x82: {  	_ =	swait.ge [sflag:s15], $0x800  }
0x83: {  	[sflag:s15] =	ssyncset.done $0x0  }
0x84: {  	[sflag:s15] =	ssyncadd.s32 $0xFFFFF800  }
0x85: {  	_ =	swait.ge [sflag:s15], $0x800  }
0x86: {  	[sflag:s15] =	ssyncset.done $0x0  }
0x87: {  	[sflag:s15] =	ssyncadd.s32 $0xFFFFF800  }
0x88: {  	_ =	swait.ge [sflag:s15], $0x800  }
0x89: {  	p0 =	seq.s32 s17, $0x0;
	[sflag:s15] =	ssyncset.done $0x0  }
0x8a: {  	s7 =	simm.s32 @!p0 $0x5;
	[sflag:s15] =	ssyncadd.s32 $0xFFFFF800  }
0x8b: {  	_ =	swait.ge @!p0 [sflag:s7], $0x800  }
0x8c: {  	[sflag:s7] =	ssyncset.done @!p0 $0x0  }
0x8d: {  	[sflag:s7] =	ssyncadd.s32 @!p0 $0xFFFFF800  }
0x8e: {  	_ =	swait.ge @!p0 [sflag:s7], $0x800  }
0x8f: {  	[sflag:s7] =	ssyncset.done @!p0 $0x0  }
0x90: {  	[sflag:s7] =	ssyncadd.s32 @!p0 $0xFFFFF800  }
0x91: {  	_ =	swait.ge @!p0 [sflag:s7], $0x800  }
0x92: {  	[sflag:s7] =	ssyncset.done @!p0 $0x0  }
0x93: {  	[sflag:s7] =	ssyncadd.s32 @!p0 $0xFFFFF800  }
0x94: {  	_ =	swait.ge @!p0 [sflag:s7], $0x800  }
0x95: {  	[sflag:s7] =	ssyncset.done @!p0 $0x0  }
0x96: {  	s10 =	simm.s32 $0x8040;
	[sflag:s7] =	ssyncadd.s32 @!p0 $0xFFFFF800  }
0x97: {  	s21 =	simm.s32 $0x1000;
	v0 =	vld [tilespmem:s10+$0x30]  }
0x98: {  	v1 =	vld [tilespmem:s21+$0xFFFFF070]  }
0x99: {  	v2 =	vld [tilespmem:s21+$0xFFFFF000]  }
0x9a: {  	v3 =	vld [tilespmem:s10+$0xFFFFFFD0]  }
0x9b: {  	v4 =	vld [tilespmem:s21+$0xFFFFF010]  }
0x9c: {  	v5 =	vld [tilespmem:s10+$0xFFFFFFE0]  }
0x9d: {  	v6 =	vld [tilespmem:s21+$0xFFFFF020]  }
0x9e: {  	v7 =	vld [tilespmem:s10+$0xFFFFFFF0]  }
0x9f: {  	v8 =	vld [tilespmem:s21+$0xFFFFF030]  }
0xa0: {  	v9 =	vld [tilespmem:s10+$0x0]  }
0xa1: {  	v10 =	vld [tilespmem:s21+$0xFFFFF040]  }
0xa2: {  	v11 =	vld [tilespmem:s10+$0x10]  }
0xa3: {  	v12 =	vld [tilespmem:s21+$0xFFFFF050]  }
0xa4: {  	s22 =	simm.s32 $0x8140;
	v13 =	vld [tilespmem:s10+$0x20]  }
0xa5: {  	s28 =	simm.s32 $0x1100;
	v18 =	vld [tilespmem:s22+$0x30]  }
0xa6: {  	v19 =	vld [tilespmem:s28+$0xFFFFF000]  }
0xa7: {  	v20 =	vld [tilespmem:s22+$0xFFFFFFD0];
	v1 =	vadd.f32 v1, v0  }
0xa8: {  	s23 =	simm.s32 $0xB000;
	v21 =	vld [tilespmem:s28+$0xFFFFF010]  }
0xa9: {  	[tilespmem:s23+$0xFFFFF070] =	vst v1;
	v1 =	vadd.f32 v4, v3;
	v4 =	vld [tilespmem:s21+$0xFFFFF060]  }
0xaa: {  	v15 =	vadd.f32 v6, v5;
	v14 =	vld [tilespmem:s21+$0xFFFFF870]  }
0xab: {  	v6 =	vld [tilespmem:s10+$0xFFFFFFC0];
	[tilespmem:s23+$0xFFFFF010] =	vst v1;
	v1 =	vadd.f32 v8, v7  }
0xac: {  	[tilespmem:s23+$0xFFFFF020] =	vst v15;
	v8 =	vadd.f32 v10, v9;
	v10 =	vld [tilespmem:s21+$0xFFFFF810]  }
0xad: {  	[tilespmem:s23+$0xFFFFF030] =	vst v1;
	v1 =	vadd.f32 v12, v11;
	v12 =	vld [tilespmem:s21+$0xFFFFF820]  }
0xae: {  	[tilespmem:s23+$0xFFFFF040] =	vst v8;
	v8 =	vld [tilespmem:s21+$0xFFFFF830];
	v4 =	vadd.f32 v4, v13  }
0xaf: {  	v14 =	vadd.f32 v14, v0;
	[tilespmem:s23+$0xFFFFF050] =	vst v1;
	v1 =	vld [tilespmem:s21+$0xFFFFF840]  }
0xb0: {  	v2 =	vadd.f32 v2, v6;
	v15 =	vld [tilespmem:s21+$0xFFFFF850];
	[tilespmem:s23+$0xFFFFF060] =	vst v4  }
0xb1: {  	[tilespmem:s23+$0xFFFFF870] =	vst v14;
	v4 =	vadd.f32 v10, v3;
	v10 =	vld [tilespmem:s21+$0xFFFFF860]  }
0xb2: {  	[tilespmem:s23+$0xFFFFF000] =	vst v2;
	v14 =	vld [tilespmem:s21+$0x70];
	v2 =	vadd.f32 v12, v5  }
0xb3: {  	v12 =	vld [tilespmem:s21+$0xFFFFF800];
	[tilespmem:s23+$0xFFFFF810] =	vst v4;
	v4 =	vadd.f32 v8, v7  }
0xb4: {  	v8 =	vld [tilespmem:s21+$0x10];
	[tilespmem:s23+$0xFFFFF820] =	vst v2;
	v1 =	vadd.f32 v1, v9  }
0xb5: {  	v2 =	vld [tilespmem:s21+$0x20];
	[tilespmem:s23+$0xFFFFF830] =	vst v4;
	v4 =	vadd.f32 v15, v11  }
0xb6: {  	v15 =	vld [tilespmem:s21+$0x30];
	[tilespmem:s23+$0xFFFFF840] =	vst v1;
	v1 =	vadd.f32 v10, v13  }
0xb7: {  	v10 =	vadd.f32 v14, v0;
	v14 =	vld [tilespmem:s21+$0x40];
	[tilespmem:s23+$0xFFFFF850] =	vst v4  }
0xb8: {  	v4 =	vadd.f32 v12, v6;
	v12 =	vld [tilespmem:s21+$0x50];
	[tilespmem:s23+$0xFFFFF860] =	vst v1  }
0xb9: {  	[tilespmem:s23+$0x70] =	vst v10;
	v1 =	vadd.f32 v8, v3;
	v8 =	vld [tilespmem:s21+$0x60]  }
0xba: {  	[tilespmem:s23+$0xFFFFF800] =	vst v4;
	v10 =	vld [tilespmem:s21+$0x870];
	v2 =	vadd.f32 v2, v5  }
0xbb: {  	v4 =	vld [tilespmem:s21+$0x0];
	[tilespmem:s23+$0x10] =	vst v1;
	v1 =	vadd.f32 v15, v7  }
0xbc: {  	v15 =	vld [tilespmem:s21+$0x810];
	[tilespmem:s23+$0x20] =	vst v2;
	v2 =	vadd.f32 v14, v9  }
0xbd: {  	v14 =	vld [tilespmem:s21+$0x820];
	[tilespmem:s23+$0x30] =	vst v1  }
0xbe: {  	v1 =	vadd.f32 v12, v11;
	v12 =	vld [tilespmem:s21+$0x830];
	[tilespmem:s23+$0x40] =	vst v2  }
0xbf: {  	v2 =	vadd.f32 v8, v13;
	v8 =	vld [tilespmem:s21+$0x840]  }
0xc0: {  	[tilespmem:s23+$0x50] =	vst v1;
	v1 =	vld [tilespmem:s22+$0xFFFFFFE0]  }
0xc1: {  	[tilespmem:s23+$0x60] =	vst v2;
	v2 =	vld [tilespmem:s28+$0xFFFFF070]  }
0xc2: {  	v0 =	vadd.f32 v10, v0;
	v10 =	vld [tilespmem:s28+$0xFFFFF020]  }
0xc3: {  	v16 =	vld [tilespmem:s21+$0x850]  }
0xc4: {  	v17 =	vld [tilespmem:s21+$0x860];
	v3 =	vadd.f32 v15, v3  }
0xc5: {  	[tilespmem:s23+$0x870] =	vst v0;
	v0 =	vadd.f32 v4, v6;
	v15 =	vld [tilespmem:s28+$0xFFFFF030]  }
0xc6: {  	[tilespmem:s23+$0x810] =	vst v3;
	v3 =	vld [tilespmem:s22+$0x0];
	v22 =	vadd.f32 v2, v18  }
0xc7: {  	s25 =	simm.s32 $0xB100;
	[tilespmem:s23+$0x0] =	vst v0;
	v0 =	vadd.f32 v14, v5;
	v4 =	vadd.f32 v12, v7;
	v7 =	vld [tilespmem:s28+$0xFFFFF040]  }
0xc8: {  	v12 =	vld [tilespmem:s28+$0xFFFFF060];
	[tilespmem:s25+$0xFFFFF070] =	vst v22  }
0xc9: {  	v10 =	vadd.f32 v10, v1;
	[tilespmem:s23+$0x820] =	vst v0;
	v14 =	vld [tilespmem:s28+$0xFFFFF870]  }
0xca: {  	v2 =	vld [tilespmem:s22+$0xFFFFFFF0];
	v0 =	vadd.f32 v8, v9;
	[tilespmem:s23+$0x830] =	vst v4  }
0xcb: {  	v5 =	vadd.f32 v16, v11;
	v4 =	vld [tilespmem:s22+$0x10];
	[tilespmem:s25+$0xFFFFF020] =	vst v10  }
0xcc: {  	v8 =	vld [tilespmem:s28+$0xFFFFF050];
	[tilespmem:s23+$0x840] =	vst v0;
	v0 =	vadd.f32 v17, v13  }
0xcd: {  	v11 =	vadd.f32 v21, v20;
	[tilespmem:s23+$0x850] =	vst v5;
	v5 =	vld [tilespmem:s22+$0x20]  }
0xce: {  	[tilespmem:s23+$0x860] =	vst v0;
	v0 =	vld [tilespmem:s22+$0xFFFFFFC0];
	v9 =	vadd.f32 v14, v18  }
0xcf: {  	[tilespmem:s25+$0xFFFFF010] =	vst v11;
	v7 =	vadd.f32 v7, v3  }
0xd0: {  	v10 =	vld [tilespmem:s28+$0xFFFFF810];
	[tilespmem:s25+$0xFFFFF870] =	vst v9;
	v9 =	vadd.f32 v15, v2  }
0xd1: {  	v8 =	vadd.f32 v8, v4;
	[tilespmem:s25+$0xFFFFF040] =	vst v7;
	v11 =	vld [tilespmem:s28+$0x70]  }
0xd2: {  	v12 =	vadd.f32 v12, v5;
	[tilespmem:s25+$0xFFFFF030] =	vst v9;
	v9 =	vld [tilespmem:s28+$0xFFFFF820]  }
0xd3: {  	[tilespmem:s25+$0xFFFFF050] =	vst v8;
	v8 =	vadd.f32 v19, v0;
	v7 =	vld [tilespmem:s28+$0xFFFFF830]  }
0xd4: {  	v13 =	vld [tilespmem:s28+$0xFFFFF840];
	[tilespmem:s25+$0xFFFFF060] =	vst v12  }
0xd5: {  	v14 =	vld [tilespmem:s28+$0xFFFFF850];
	[tilespmem:s25+$0xFFFFF000] =	vst v8;
	v8 =	vadd.f32 v10, v20  }
0xd6: {  	v10 =	vld [tilespmem:s28+$0xFFFFF860];
	v11 =	vadd.f32 v11, v18  }
0xd7: {  	v12 =	vld [tilespmem:s28+$0xFFFFF800];
	[tilespmem:s25+$0xFFFFF810] =	vst v8;
	v9 =	vadd.f32 v9, v1  }
0xd8: {  	[tilespmem:s25+$0x70] =	vst v11;
	v7 =	vadd.f32 v7, v2;
	v11 =	vld [tilespmem:s28+$0x10]  }
0xd9: {  	v8 =	vld [tilespmem:s28+$0x870];
	[tilespmem:s25+$0xFFFFF820] =	vst v9;
	v9 =	vadd.f32 v13, v3  }
0xda: {  	v13 =	vld [tilespmem:s28+$0x20];
	[tilespmem:s25+$0xFFFFF830] =	vst v7;
	v7 =	vadd.f32 v14, v4  }
0xdb: {  	v14 =	vld [tilespmem:s28+$0x30];
	[tilespmem:s25+$0xFFFFF840] =	vst v9;
	v9 =	vadd.f32 v10, v5  }
0xdc: {  	v10 =	vadd.f32 v12, v0;
	v12 =	vld [tilespmem:s28+$0x40];
	[tilespmem:s25+$0xFFFFF850] =	vst v7  }
0xdd: {  	v7 =	vld [tilespmem:s28+$0x50];
	[tilespmem:s25+$0xFFFFF860] =	vst v9;
	v9 =	vadd.f32 v11, v20  }
0xde: {  	[tilespmem:s25+$0xFFFFF800] =	vst v10;
	v8 =	vadd.f32 v8, v18;
	v10 =	vld [tilespmem:s28+$0x60]  }
0xdf: {  	v11 =	vld [tilespmem:s28+$0x0];
	v13 =	vadd.f32 v13, v1;
	[tilespmem:s25+$0x10] =	vst v9  }
0xe0: {  	[tilespmem:s25+$0x870] =	vst v8;
	v9 =	vadd.f32 v14, v2;
	v14 =	vld [tilespmem:s21+$0x800]  }
0xe1: {  	v15 =	vld [tilespmem:s28+$0x810];
	[tilespmem:s25+$0x20] =	vst v13;
	v12 =	vadd.f32 v12, v3  }
0xe2: {  	v8 =	vld [tilespmem:s28+$0x820];
	[tilespmem:s25+$0x30] =	vst v9;
	v13 =	vadd.f32 v7, v4  }
0xe3: {  	v7 =	vld [tilespmem:s28+$0x830];
	[tilespmem:s25+$0x40] =	vst v12;
	v12 =	vadd.f32 v10, v5  }
0xe4: {  	s29 =	sor.u32 s24, s17;
	s18 =	sshll.u32 s17, $0xD;
	s13 =	simm.s32 $0x8240;
	v11 =	vadd.f32 v11, v0;
	v9 =	vld [tilespmem:s28+$0x840];
	[tilespmem:s25+$0x50] =	vst v13  }
0xe5: {  	s12 =	simm.s32 $0x1100;
	s19 =	sshll.u32 s29, $0xA;
	s7 =	simm.s32 $0x80F0;
	v10 =	vld [tilespmem:s28+$0x850];
	[tilespmem:s25+$0x60] =	vst v12;
	v12 =	vadd.f32 v14, v6  }
0xe6: {  	s10 =	simm.s32 $0x80;
	s22 =	simm.s32 $0x1080;
	s21 =	simm.s32 $0xB080;
	[tilespmem:s25+$0x0] =	vst v11;
	v6 =	vadd.f32 v15, v20;
	v11 =	vld [tilespmem:s28+$0x860]  }
.LBB2_3:
0xe7: {  	v13 =	vld [tilespmem:s13+$0x30];
	v1 =	vadd.f32 v8, v1;
	s28 =	sadd.s32 $0x100, s28;
	[tilespmem:s23+$0x800] =	vst v12;
	s23 =	smov.u32 s25  }
0xe8: {  	s10 =	sadd.s32 $0x80, s10;
	v8 =	vld [tilespmem:s28+$0xFFFFF070];
	[tilespmem:s25+$0x810] =	vst v6;
	v2 =	vadd.f32 v7, v2  }
0xe9: {  	p1 =	slt.u32 s10, $0x380;
	v7 =	vld [tilespmem:s28+$0xFFFFF000];
	[tilespmem:s25+$0x820] =	vst v1;
	v1 =	vadd.f32 v9, v3  }
0xea: {  	v6 =	vld [tilespmem:s13+$0xFFFFFFD0];
	[tilespmem:s25+$0x830] =	vst v2;
	v2 =	vadd.f32 v10, v4  }
0xeb: {  	v3 =	vld [tilespmem:s28+$0xFFFFF010];
	[tilespmem:s25+$0x840] =	vst v1;
	v4 =	vadd.f32 v11, v5  }
0xec: {  	v1 =	vld [tilespmem:s13+$0xFFFFFFE0];
	[tilespmem:s25+$0x850] =	vst v2  }
0xed: {  	v5 =	vld [tilespmem:s28+$0xFFFFF020];
	v8 =	vadd.f32 v8, v13;
	[tilespmem:s25+$0x860] =	vst v4  }
0xee: {  	s25 =	sadd.s32 $0x100, s25;
	v2 =	vld [tilespmem:s13+$0xFFFFFFF0]  }
0xef: {  	v9 =	vld [tilespmem:s28+$0xFFFFF030];
	[tilespmem:s25+$0xFFFFF070] =	vst v8  }
0xf0: {  	v4 =	vadd.f32 v3, v6;
	v8 =	vld [tilespmem:s28+$0xFFFFF870]  }
0xf1: {  	v3 =	vld [tilespmem:s13+$0x0]  }
0xf2: {  	[tilespmem:s25+$0xFFFFF010] =	vst v4;
	v5 =	vadd.f32 v5, v1;
	v10 =	vld [tilespmem:s28+$0xFFFFF040]  }
0xf3: {  	v4 =	vld [tilespmem:s13+$0x10]  }
0xf4: {  	[tilespmem:s25+$0xFFFFF020] =	vst v5;
	v9 =	vadd.f32 v9, v2;
	v11 =	vld [tilespmem:s28+$0xFFFFF050]  }
0xf5: {  	v5 =	vld [tilespmem:s13+$0x20];
	v8 =	vadd.f32 v8, v13  }
0xf6: {  	[tilespmem:s25+$0xFFFFF030] =	vst v9;
	v9 =	vld [tilespmem:s28+$0xFFFFF060]  }
0xf7: {  	v14 =	vld [tilespmem:s13+$0xFFFFFFC0];
	v10 =	vadd.f32 v10, v3;
	[tilespmem:s25+$0xFFFFF870] =	vst v8  }
0xf8: {  	v8 =	vld [tilespmem:s28+$0x70]  }
0xf9: {  	v12 =	vld [tilespmem:s28+$0xFFFFF810];
	[tilespmem:s25+$0xFFFFF040] =	vst v10;
	v10 =	vadd.f32 v11, v4  }
0xfa: {  	v11 =	vld [tilespmem:s28+$0xFFFFF820]  }
0xfb: {  	v15 =	vld [tilespmem:s28+$0xFFFFF830];
	[tilespmem:s25+$0xFFFFF050] =	vst v10;
	v9 =	vadd.f32 v9, v5  }
0xfc: {  	v7 =	vadd.f32 v7, v14;
	v10 =	vld [tilespmem:s28+$0xFFFFF840]  }
0xfd: {  	v16 =	vld [tilespmem:s28+$0xFFFFF850];
	[tilespmem:s25+$0xFFFFF060] =	vst v9;
	v8 =	vadd.f32 v8, v13  }
0xfe: {  	[tilespmem:s25+$0xFFFFF000] =	vst v7;
	v7 =	vadd.f32 v12, v6;
	v9 =	vld [tilespmem:s28+$0xFFFFF860]  }
0xff: {  	v12 =	vld [tilespmem:s28+$0xFFFFF800];
	v11 =	vadd.f32 v11, v1;
	[tilespmem:s25+$0x70] =	vst v8  }
0x100: {  	[tilespmem:s25+$0xFFFFF810] =	vst v7;
	v7 =	vadd.f32 v15, v2;
	v8 =	vld [tilespmem:s28+$0x870]  }
0x101: {  	v15 =	vld [tilespmem:s28+$0x10];
	[tilespmem:s25+$0xFFFFF820] =	vst v11;
	v10 =	vadd.f32 v10, v3  }
0x102: {  	v11 =	vld [tilespmem:s28+$0x20];
	[tilespmem:s25+$0xFFFFF830] =	vst v7;
	v7 =	vadd.f32 v16, v4  }
0x103: {  	v16 =	vld [tilespmem:s28+$0x30];
	[tilespmem:s25+$0xFFFFF840] =	vst v10;
	v9 =	vadd.f32 v9, v5  }
0x104: {  	v10 =	vadd.f32 v12, v14;
	v12 =	vld [tilespmem:s28+$0x40];
	[tilespmem:s25+$0xFFFFF850] =	vst v7  }
0x105: {  	v7 =	vld [tilespmem:s28+$0x50];
	[tilespmem:s25+$0xFFFFF860] =	vst v9;
	v8 =	vadd.f32 v8, v13  }
0x106: {  	[tilespmem:s25+$0xFFFFF800] =	vst v10;
	v9 =	vadd.f32 v15, v6;
	v10 =	vld [tilespmem:s28+$0x60]  }
0x107: {  	v13 =	vld [tilespmem:s28+$0x0];
	v11 =	vadd.f32 v11, v1;
	[tilespmem:s25+$0x870] =	vst v8  }
0x108: {  	[tilespmem:s25+$0x10] =	vst v9;
	v9 =	vadd.f32 v16, v2;
	v15 =	vld [tilespmem:s12+$0x800];
	s12 =	smov.u32 s28  }
0x109: {  	v16 =	vld [tilespmem:s28+$0x810];
	[tilespmem:s25+$0x20] =	vst v11;
	v11 =	vadd.f32 v12, v3  }
.Ltmp2:
0x10a: {  	v8 =	vld [tilespmem:s28+$0x820];
	[tilespmem:s25+$0x30] =	vst v9;
	v12 =	vadd.f32 v7, v4;
	(pc) =	sbr.rel @p1 .LBB2_3-.Ltmp2, $4  }
0x10b: {  	v7 =	vld [tilespmem:s28+$0x830];
	[tilespmem:s25+$0x40] =	vst v11;
	v11 =	vadd.f32 v10, v5  }
0x10c: {  	v13 =	vadd.f32 v13, v14;
	v9 =	vld [tilespmem:s28+$0x840];
	[tilespmem:s25+$0x50] =	vst v12  }
0x10d: {  	v10 =	vld [tilespmem:s28+$0x850];
	[tilespmem:s25+$0x60] =	vst v11;
	v12 =	vadd.f32 v15, v0;
	v0 =	vmov v14  }
0x10e: {  	s13 =	sadd.s32 $0x100, s13;
	[tilespmem:s25+$0x0] =	vst v13;
	v6 =	vadd.f32 v16, v6;
	v11 =	vld [tilespmem:s28+$0x860]  }
0x10f: {  	v1 =	vadd.f32 v8, v1;
	[tilespmem:s23+$0x800] =	vst v12;
	v8 =	vld [tilespmem:s12+$0x800]  }
0x110: {  	[tilespmem:s25+$0x810] =	vst v6;
	v2 =	vadd.f32 v7, v2  }
0x111: {  	[tilespmem:s25+$0x820] =	vst v1;
	v1 =	vadd.f32 v9, v3  }
0x112: {  	[tilespmem:s25+$0x830] =	vst v2;
	v2 =	vadd.f32 v10, v4  }
0x113: {  	[tilespmem:s25+$0x840] =	vst v1;
	v1 =	vadd.f32 v11, v5  }
0x114: {  	[tilespmem:s25+$0x850] =	vst v2;
	v0 =	vadd.f32 v8, v0  }
0x115: {  	[tilespmem:s25+$0x860] =	vst v1  }
0x116: {  	[tilespmem:s25+$0x800] =	vst v0  }
0x117: {  	v0 =	vld [tilespmem:s7+$0x0]  }
0x118: {  	v1 =	vld [tilespmem:s22+$0xFFFFF070]  }
0x119: {  	v2 =	vld [tilespmem:s22+$0xFFFFF000]  }
0x11a: {  	v3 =	vld [tilespmem:s7+$0xFFFFFFA0]  }
0x11b: {  	v4 =	vld [tilespmem:s22+$0xFFFFF010]  }
0x11c: {  	v5 =	vld [tilespmem:s7+$0xFFFFFFB0]  }
0x11d: {  	v6 =	vld [tilespmem:s22+$0xFFFFF020]  }
0x11e: {  	v7 =	vld [tilespmem:s7+$0xFFFFFFC0]  }
0x11f: {  	v8 =	vld [tilespmem:s22+$0xFFFFF030]  }
0x120: {  	v9 =	vld [tilespmem:s7+$0xFFFFFFD0]  }
0x121: {  	v10 =	vld [tilespmem:s22+$0xFFFFF040]  }
0x122: {  	v11 =	vld [tilespmem:s7+$0xFFFFFFE0]  }
0x123: {  	v12 =	vld [tilespmem:s22+$0xFFFFF050]  }
0x124: {  	s10 =	simm.s32 $0x81F0;
	v13 =	vld [tilespmem:s7+$0xFFFFFFF0]  }
0x125: {  	s23 =	simm.s32 $0x1180;
	v18 =	vld [tilespmem:s10+$0x0]  }
0x126: {  	v19 =	vld [tilespmem:s23+$0xFFFFF000]  }
0x127: {  	v20 =	vld [tilespmem:s10+$0xFFFFFFA0];
	v1 =	vadd.f32 v1, v0  }
0x128: {  	v21 =	vld [tilespmem:s23+$0xFFFFF010]  }
0x129: {  	[tilespmem:s21+$0xFFFFF070] =	vst v1;
	v1 =	vadd.f32 v4, v3;
	v4 =	vld [tilespmem:s22+$0xFFFFF060]  }
0x12a: {  	v15 =	vadd.f32 v6, v5;
	v14 =	vld [tilespmem:s22+$0xFFFFF870]  }
0x12b: {  	v6 =	vld [tilespmem:s7+$0xFFFFFF90];
	[tilespmem:s21+$0xFFFFF010] =	vst v1;
	v1 =	vadd.f32 v8, v7  }
0x12c: {  	[tilespmem:s21+$0xFFFFF020] =	vst v15;
	v8 =	vadd.f32 v10, v9;
	v10 =	vld [tilespmem:s22+$0xFFFFF810]  }
0x12d: {  	[tilespmem:s21+$0xFFFFF030] =	vst v1;
	v1 =	vadd.f32 v12, v11;
	v12 =	vld [tilespmem:s22+$0xFFFFF820]  }
0x12e: {  	[tilespmem:s21+$0xFFFFF040] =	vst v8;
	v8 =	vld [tilespmem:s22+$0xFFFFF830];
	v4 =	vadd.f32 v4, v13  }
0x12f: {  	v14 =	vadd.f32 v14, v0;
	[tilespmem:s21+$0xFFFFF050] =	vst v1;
	v1 =	vld [tilespmem:s22+$0xFFFFF840]  }
0x130: {  	v2 =	vadd.f32 v2, v6;
	v15 =	vld [tilespmem:s22+$0xFFFFF850];
	[tilespmem:s21+$0xFFFFF060] =	vst v4  }
0x131: {  	[tilespmem:s21+$0xFFFFF870] =	vst v14;
	v4 =	vadd.f32 v10, v3;
	v10 =	vld [tilespmem:s22+$0xFFFFF860]  }
0x132: {  	[tilespmem:s21+$0xFFFFF000] =	vst v2;
	v14 =	vld [tilespmem:s22+$0x70];
	v2 =	vadd.f32 v12, v5  }
0x133: {  	v12 =	vld [tilespmem:s22+$0xFFFFF800];
	[tilespmem:s21+$0xFFFFF810] =	vst v4;
	v4 =	vadd.f32 v8, v7  }
0x134: {  	v8 =	vld [tilespmem:s22+$0x10];
	[tilespmem:s21+$0xFFFFF820] =	vst v2;
	v1 =	vadd.f32 v1, v9  }
0x135: {  	v2 =	vld [tilespmem:s22+$0x20];
	[tilespmem:s21+$0xFFFFF830] =	vst v4;
	v4 =	vadd.f32 v15, v11  }
0x136: {  	v15 =	vld [tilespmem:s22+$0x30];
	[tilespmem:s21+$0xFFFFF840] =	vst v1;
	v1 =	vadd.f32 v10, v13  }
0x137: {  	v10 =	vadd.f32 v14, v0;
	v14 =	vld [tilespmem:s22+$0x40];
	[tilespmem:s21+$0xFFFFF850] =	vst v4  }
0x138: {  	v4 =	vadd.f32 v12, v6;
	v12 =	vld [tilespmem:s22+$0x50];
	[tilespmem:s21+$0xFFFFF860] =	vst v1  }
0x139: {  	[tilespmem:s21+$0x70] =	vst v10;
	v1 =	vadd.f32 v8, v3;
	v8 =	vld [tilespmem:s22+$0x60]  }
0x13a: {  	[tilespmem:s21+$0xFFFFF800] =	vst v4;
	v10 =	vld [tilespmem:s22+$0x870];
	v2 =	vadd.f32 v2, v5  }
0x13b: {  	v4 =	vld [tilespmem:s22+$0x0];
	[tilespmem:s21+$0x10] =	vst v1;
	v1 =	vadd.f32 v15, v7  }
0x13c: {  	v15 =	vld [tilespmem:s22+$0x810];
	[tilespmem:s21+$0x20] =	vst v2;
	v2 =	vadd.f32 v14, v9  }
0x13d: {  	v14 =	vld [tilespmem:s22+$0x820];
	[tilespmem:s21+$0x30] =	vst v1  }
0x13e: {  	v1 =	vadd.f32 v12, v11;
	v12 =	vld [tilespmem:s22+$0x830];
	[tilespmem:s21+$0x40] =	vst v2  }
0x13f: {  	v2 =	vadd.f32 v8, v13;
	v8 =	vld [tilespmem:s22+$0x840]  }
0x140: {  	[tilespmem:s21+$0x50] =	vst v1;
	v1 =	vld [tilespmem:s10+$0xFFFFFFB0]  }
0x141: {  	[tilespmem:s21+$0x60] =	vst v2;
	v2 =	vld [tilespmem:s23+$0xFFFFF070]  }
0x142: {  	v0 =	vadd.f32 v10, v0;
	v10 =	vld [tilespmem:s23+$0xFFFFF020]  }
0x143: {  	v16 =	vld [tilespmem:s22+$0x850]  }
0x144: {  	v17 =	vld [tilespmem:s22+$0x860];
	v3 =	vadd.f32 v15, v3  }
0x145: {  	[tilespmem:s21+$0x870] =	vst v0;
	v0 =	vadd.f32 v4, v6;
	v15 =	vld [tilespmem:s23+$0xFFFFF030]  }
0x146: {  	[tilespmem:s21+$0x810] =	vst v3;
	v3 =	vld [tilespmem:s10+$0xFFFFFFD0];
	v22 =	vadd.f32 v2, v18  }
0x147: {  	s7 =	simm.s32 $0xB180;
	[tilespmem:s21+$0x0] =	vst v0;
	v0 =	vadd.f32 v14, v5;
	v4 =	vadd.f32 v12, v7;
	v7 =	vld [tilespmem:s23+$0xFFFFF040]  }
0x148: {  	v12 =	vld [tilespmem:s23+$0xFFFFF060];
	[tilespmem:s7+$0xFFFFF070] =	vst v22  }
0x149: {  	v10 =	vadd.f32 v10, v1;
	[tilespmem:s21+$0x820] =	vst v0;
	v14 =	vld [tilespmem:s23+$0xFFFFF870]  }
0x14a: {  	v2 =	vld [tilespmem:s10+$0xFFFFFFC0];
	v0 =	vadd.f32 v8, v9;
	[tilespmem:s21+$0x830] =	vst v4  }
0x14b: {  	v5 =	vadd.f32 v16, v11;
	v4 =	vld [tilespmem:s10+$0xFFFFFFE0];
	[tilespmem:s7+$0xFFFFF020] =	vst v10  }
0x14c: {  	v8 =	vld [tilespmem:s23+$0xFFFFF050];
	[tilespmem:s21+$0x840] =	vst v0;
	v0 =	vadd.f32 v17, v13  }
0x14d: {  	v11 =	vadd.f32 v21, v20;
	[tilespmem:s21+$0x850] =	vst v5;
	v5 =	vld [tilespmem:s10+$0xFFFFFFF0]  }
0x14e: {  	[tilespmem:s21+$0x860] =	vst v0;
	v0 =	vld [tilespmem:s10+$0xFFFFFF90];
	v9 =	vadd.f32 v14, v18  }
0x14f: {  	[tilespmem:s7+$0xFFFFF010] =	vst v11;
	v7 =	vadd.f32 v7, v3  }
0x150: {  	v10 =	vld [tilespmem:s23+$0xFFFFF810];
	[tilespmem:s7+$0xFFFFF870] =	vst v9;
	v9 =	vadd.f32 v15, v2  }
0x151: {  	v8 =	vadd.f32 v8, v4;
	[tilespmem:s7+$0xFFFFF040] =	vst v7;
	v11 =	vld [tilespmem:s23+$0x70]  }
0x152: {  	v12 =	vadd.f32 v12, v5;
	[tilespmem:s7+$0xFFFFF030] =	vst v9;
	v9 =	vld [tilespmem:s23+$0xFFFFF820]  }
0x153: {  	[tilespmem:s7+$0xFFFFF050] =	vst v8;
	v8 =	vadd.f32 v19, v0;
	v7 =	vld [tilespmem:s23+$0xFFFFF830]  }
0x154: {  	v13 =	vld [tilespmem:s23+$0xFFFFF840];
	[tilespmem:s7+$0xFFFFF060] =	vst v12  }
0x155: {  	v14 =	vld [tilespmem:s23+$0xFFFFF850];
	[tilespmem:s7+$0xFFFFF000] =	vst v8;
	v8 =	vadd.f32 v10, v20  }
0x156: {  	v10 =	vld [tilespmem:s23+$0xFFFFF860];
	v11 =	vadd.f32 v11, v18  }
0x157: {  	v12 =	vld [tilespmem:s23+$0xFFFFF800];
	[tilespmem:s7+$0xFFFFF810] =	vst v8;
	v9 =	vadd.f32 v9, v1  }
0x158: {  	[tilespmem:s7+$0x70] =	vst v11;
	v7 =	vadd.f32 v7, v2;
	v11 =	vld [tilespmem:s23+$0x10]  }
0x159: {  	v8 =	vld [tilespmem:s23+$0x870];
	[tilespmem:s7+$0xFFFFF820] =	vst v9;
	v9 =	vadd.f32 v13, v3  }
0x15a: {  	v13 =	vld [tilespmem:s23+$0x20];
	[tilespmem:s7+$0xFFFFF830] =	vst v7;
	v7 =	vadd.f32 v14, v4  }
0x15b: {  	v14 =	vld [tilespmem:s23+$0x30];
	[tilespmem:s7+$0xFFFFF840] =	vst v9;
	v9 =	vadd.f32 v10, v5  }
0x15c: {  	v10 =	vadd.f32 v12, v0;
	v12 =	vld [tilespmem:s23+$0x40];
	[tilespmem:s7+$0xFFFFF850] =	vst v7  }
0x15d: {  	v7 =	vld [tilespmem:s23+$0x50];
	[tilespmem:s7+$0xFFFFF860] =	vst v9;
	v9 =	vadd.f32 v11, v20  }
0x15e: {  	[tilespmem:s7+$0xFFFFF800] =	vst v10;
	v8 =	vadd.f32 v8, v18;
	v11 =	vld [tilespmem:s23+$0x60]  }
0x15f: {  	v15 =	vld [tilespmem:s23+$0x0];
	v10 =	vadd.f32 v13, v1;
	[tilespmem:s7+$0x10] =	vst v9  }
0x160: {  	v13 =	vld [tilespmem:s22+$0x800];
	[tilespmem:s7+$0x870] =	vst v8;
	v8 =	vadd.f32 v14, v2  }
0x161: {  	v14 =	vld [tilespmem:s23+$0x810];
	[tilespmem:s7+$0x20] =	vst v10;
	v9 =	vadd.f32 v12, v3  }
0x162: {  	v10 =	vld [tilespmem:s23+$0x820];
	[tilespmem:s7+$0x30] =	vst v8;
	v8 =	vadd.f32 v7, v4  }
0x163: {  	v7 =	vld [tilespmem:s23+$0x830];
	[tilespmem:s7+$0x40] =	vst v9;
	v11 =	vadd.f32 v11, v5  }
0x164: {  	v15 =	vadd.f32 v15, v0;
	v9 =	vld [tilespmem:s23+$0x840];
	[tilespmem:s7+$0x50] =	vst v8  }
0x165: {  	v12 =	vadd.f32 v13, v6;
	v8 =	vld [tilespmem:s23+$0x850];
	[tilespmem:s7+$0x60] =	vst v11  }
0x166: {  	s13 =	simm.s32 $0x82F0;
	s12 =	simm.s32 $0x1180;
	s10 =	simm.s32 $0x80;
	[tilespmem:s7+$0x0] =	vst v15;
	v6 =	vadd.f32 v14, v20;
	v11 =	vld [tilespmem:s23+$0x860]  }
.LBB2_5:
0x167: {  	v13 =	vld [tilespmem:s13+$0x0];
	v1 =	vadd.f32 v10, v1;
	s23 =	sadd.s32 $0x100, s23;
	[tilespmem:s21+$0x800] =	vst v12;
	s21 =	smov.u32 s7  }
0x168: {  	s10 =	sadd.s32 $0x80, s10;
	v10 =	vld [tilespmem:s23+$0xFFFFF070];
	[tilespmem:s7+$0x810] =	vst v6;
	v2 =	vadd.f32 v7, v2  }
0x169: {  	p1 =	slt.u32 s10, $0x380;
	v7 =	vld [tilespmem:s23+$0xFFFFF000];
	[tilespmem:s7+$0x820] =	vst v1;
	v1 =	vadd.f32 v9, v3  }
0x16a: {  	v6 =	vld [tilespmem:s13+$0xFFFFFFA0];
	[tilespmem:s7+$0x830] =	vst v2;
	v2 =	vadd.f32 v8, v4  }
0x16b: {  	v3 =	vld [tilespmem:s23+$0xFFFFF010];
	[tilespmem:s7+$0x840] =	vst v1;
	v4 =	vadd.f32 v11, v5  }
0x16c: {  	v1 =	vld [tilespmem:s13+$0xFFFFFFB0];
	[tilespmem:s7+$0x850] =	vst v2  }
0x16d: {  	v5 =	vld [tilespmem:s23+$0xFFFFF020];
	v8 =	vadd.f32 v10, v13;
	[tilespmem:s7+$0x860] =	vst v4  }
0x16e: {  	s7 =	sadd.s32 $0x100, s7;
	v2 =	vld [tilespmem:s13+$0xFFFFFFC0]  }
0x16f: {  	v9 =	vld [tilespmem:s23+$0xFFFFF030];
	[tilespmem:s7+$0xFFFFF070] =	vst v8  }
0x170: {  	v4 =	vadd.f32 v3, v6;
	v8 =	vld [tilespmem:s23+$0xFFFFF870]  }
0x171: {  	v3 =	vld [tilespmem:s13+$0xFFFFFFD0]  }
0x172: {  	[tilespmem:s7+$0xFFFFF010] =	vst v4;
	v5 =	vadd.f32 v5, v1;
	v10 =	vld [tilespmem:s23+$0xFFFFF040]  }
0x173: {  	v4 =	vld [tilespmem:s13+$0xFFFFFFE0]  }
0x174: {  	[tilespmem:s7+$0xFFFFF020] =	vst v5;
	v9 =	vadd.f32 v9, v2;
	v11 =	vld [tilespmem:s23+$0xFFFFF050]  }
0x175: {  	v5 =	vld [tilespmem:s13+$0xFFFFFFF0];
	v8 =	vadd.f32 v8, v13  }
0x176: {  	[tilespmem:s7+$0xFFFFF030] =	vst v9;
	v9 =	vld [tilespmem:s23+$0xFFFFF060]  }
0x177: {  	v14 =	vld [tilespmem:s13+$0xFFFFFF90];
	v10 =	vadd.f32 v10, v3;
	[tilespmem:s7+$0xFFFFF870] =	vst v8  }
0x178: {  	v8 =	vld [tilespmem:s23+$0x70]  }
0x179: {  	v12 =	vld [tilespmem:s23+$0xFFFFF810];
	[tilespmem:s7+$0xFFFFF040] =	vst v10;
	v10 =	vadd.f32 v11, v4  }
0x17a: {  	v11 =	vld [tilespmem:s23+$0xFFFFF820]  }
0x17b: {  	v15 =	vld [tilespmem:s23+$0xFFFFF830];
	[tilespmem:s7+$0xFFFFF050] =	vst v10;
	v9 =	vadd.f32 v9, v5  }
0x17c: {  	v7 =	vadd.f32 v7, v14;
	v10 =	vld [tilespmem:s23+$0xFFFFF840]  }
0x17d: {  	v16 =	vld [tilespmem:s23+$0xFFFFF850];
	[tilespmem:s7+$0xFFFFF060] =	vst v9;
	v8 =	vadd.f32 v8, v13  }
0x17e: {  	[tilespmem:s7+$0xFFFFF000] =	vst v7;
	v7 =	vadd.f32 v12, v6;
	v9 =	vld [tilespmem:s23+$0xFFFFF860]  }
0x17f: {  	v12 =	vld [tilespmem:s23+$0xFFFFF800];
	v11 =	vadd.f32 v11, v1;
	[tilespmem:s7+$0x70] =	vst v8  }
0x180: {  	[tilespmem:s7+$0xFFFFF810] =	vst v7;
	v7 =	vadd.f32 v15, v2;
	v8 =	vld [tilespmem:s23+$0x870]  }
0x181: {  	v15 =	vld [tilespmem:s23+$0x10];
	[tilespmem:s7+$0xFFFFF820] =	vst v11;
	v10 =	vadd.f32 v10, v3  }
0x182: {  	v11 =	vld [tilespmem:s23+$0x20];
	[tilespmem:s7+$0xFFFFF830] =	vst v7;
	v7 =	vadd.f32 v16, v4  }
0x183: {  	v16 =	vld [tilespmem:s23+$0x30];
	[tilespmem:s7+$0xFFFFF840] =	vst v10;
	v9 =	vadd.f32 v9, v5  }
0x184: {  	v10 =	vadd.f32 v12, v14;
	v12 =	vld [tilespmem:s23+$0x40];
	[tilespmem:s7+$0xFFFFF850] =	vst v7  }
0x185: {  	v7 =	vld [tilespmem:s23+$0x50];
	[tilespmem:s7+$0xFFFFF860] =	vst v9;
	v8 =	vadd.f32 v8, v13  }
0x186: {  	[tilespmem:s7+$0xFFFFF800] =	vst v10;
	v9 =	vadd.f32 v15, v6;
	v13 =	vld [tilespmem:s23+$0x60]  }
0x187: {  	v15 =	vld [tilespmem:s23+$0x0];
	v10 =	vadd.f32 v11, v1;
	[tilespmem:s7+$0x870] =	vst v8  }
0x188: {  	[tilespmem:s7+$0x10] =	vst v9;
	v8 =	vadd.f32 v16, v2;
	v11 =	vld [tilespmem:s12+$0x800];
	s12 =	smov.u32 s23  }
0x189: {  	v16 =	vld [tilespmem:s23+$0x810];
	[tilespmem:s7+$0x20] =	vst v10;
	v9 =	vadd.f32 v12, v3  }
.Ltmp3:
0x18a: {  	v10 =	vld [tilespmem:s23+$0x820];
	[tilespmem:s7+$0x30] =	vst v8;
	v8 =	vadd.f32 v7, v4;
	(pc) =	sbr.rel @p1 .LBB2_5-.Ltmp3, $4  }
0x18b: {  	v7 =	vld [tilespmem:s23+$0x830];
	[tilespmem:s7+$0x40] =	vst v9;
	v12 =	vadd.f32 v13, v5  }
0x18c: {  	v13 =	vadd.f32 v15, v14;
	v9 =	vld [tilespmem:s23+$0x840];
	[tilespmem:s7+$0x50] =	vst v8  }
0x18d: {  	v8 =	vld [tilespmem:s23+$0x850];
	[tilespmem:s7+$0x60] =	vst v12;
	v12 =	vadd.f32 v11, v0;
	v0 =	vmov v14  }
0x18e: {  	s13 =	sadd.s32 $0x100, s13;
	[tilespmem:s7+$0x0] =	vst v13;
	v6 =	vadd.f32 v16, v6;
	v11 =	vld [tilespmem:s23+$0x860]  }
0x18f: {  	v1 =	vadd.f32 v10, v1;
	[tilespmem:s21+$0x800] =	vst v12;
	v10 =	vld [tilespmem:s12+$0x800]  }
0x190: {  	[tilespmem:s7+$0x810] =	vst v6;
	v2 =	vadd.f32 v7, v2  }
0x191: {  	[tilespmem:s7+$0x820] =	vst v1;
	v1 =	vadd.f32 v9, v3  }
0x192: {  	[tilespmem:s7+$0x830] =	vst v2;
	v2 =	vadd.f32 v8, v4  }
0x193: {  	[tilespmem:s7+$0x840] =	vst v1;
	v1 =	vadd.f32 v11, v5  }
0x194: {  	[tilespmem:s7+$0x850] =	vst v2;
	v0 =	vadd.f32 v10, v0  }
0x195: {  	[tilespmem:s7+$0x860] =	vst v1  }
0x196: {  	s25 =	sadd.s32 s4, s19;
	s10 =	simm.s32 $0xA000;
	[tilespmem:s7+$0x800] =	vst v0  }
0x197: {  	[hbm4b:s25+s8] =	stream.strided.scatter [tilespmem:s10], [sflag:$0x5], $0x800, s9, s8, $0x38;
	[tilespmem:$0x12000] =	vst v63  }
0x198: {  	s10 =	sor.u32 $0x100000, s19  }
0x199: {  	s12 =	simm.s32 $0xA800;
	s13 =	sor.u32 $0x200000, s19;
	s7 =	sadd.s32 s4, s10  }
0x19a: {  	[hbm4b:s7+s8] =	stream.strided.scatter [tilespmem:s12], [sflag:$0x5], $0x800, s9, s8, $0x38;
	[tilespmem:$0x12000] =	vst v63  }
0x19b: {  	s14 =	simm.s32 $0xB000;
	p1 =	seq.s32 s17, $0x1F;
	s7 =	sadd.s32 s4, s13  }
0x19c: {  	[hbm4b:s7+s8] =	stream.strided.scatter [tilespmem:s14], [sflag:$0x5], $0x800, s9, s8, $0x38;
	[tilespmem:$0x12000] =	vst v63  }
0x19d: {  	s21 =	simm.s32 $0xB800;
	s19 =	sadd.s32 s19, s30;
	s7 =	sadd.s32 @!p1 s18, s31  }
0x19e: {  	[hbm4b:s19+s8] =	stream.strided.scatter [tilespmem:s21], [sflag:$0x5], $0x800, s9, s8, $0x38;
	[tilespmem:$0x12000] =	vst v63  }
0x19f: {  	s10 =	simm.s32 @!p1 $0x100;
	s19 =	sshrl.u32 @!p1 s7, $0x3  }
0x1a0: {  	s12 =	simm.s32 @!p1 $0x400;
	s13 =	simm.s32 @!p1 $0x8000;
	s7 =	sadd.s32 @!p1 s3, s19  }
0x1a1: {  	[tilespmem:s13], [sflag:$0x1] =	stream.strided.gather @!p1 [hbm4b:s7+s10], $0x800, s12, s10, $0x38;
	[tilespmem:$0x12000] =	vst v63  }
0x1a2: {  	s21 =	sadd.s32 @!p1 s1, s19;
	s7 =	simm.s32 @!p1 $0x0  }
0x1a3: {  	[tilespmem:s7], [sflag:$0x1] =	stream.strided.gather @!p1 [hbm4b:s21+s10], $0x800, s12, s10, $0x38;
	[tilespmem:$0x12000] =	vst v63  }
0x1a4: {  	s13 =	simm.s32 @!p1 $0x800;
	s7 =	sadd.s32 @!p1 $0x100000, s21  }
0x1a5: {  	[tilespmem:s13], [sflag:$0x1] =	stream.strided.gather @!p1 [hbm4b:s7+s10], $0x800, s12, s10, $0x38;
	[tilespmem:$0x12000] =	vst v63  }
0x1a6: {  	s7 =	sor.u32 @!p1 $0x200000, s19  }
0x1a7: {  	s13 =	simm.s32 @!p1 $0x1000;
	s7 =	sadd.s32 @!p1 s1, s7  }
0x1a8: {  	[tilespmem:s13], [sflag:$0x1] =	stream.strided.gather @!p1 [hbm4b:s7+s10], $0x800, s12, s10, $0x38;
	[tilespmem:$0x12000] =	vst v63  }
0x1a9: {  	s7 =	sadd.s32 @!p1 $0x300000, s21;
	s13 =	simm.s32 @!p1 $0x1800  }
0x1aa: {  	[tilespmem:s13], [sflag:$0x1] =	stream.strided.gather @!p1 [hbm4b:s7+s10], $0x800, s12, s10, $0x38;
	[tilespmem:$0x12000] =	vst v63  }
0x1ab: {  	_ =	swait.ge [sflag:s20], $0x800  }
0x1ac: {  	[sflag:s20] =	ssyncset.done $0x0  }
0x1ad: {  	[sflag:s20] =	ssyncadd.s32 $0xFFFFF800  }
0x1ae: {  	_ =	swait.ge [sflag:s20], $0x800  }
0x1af: {  	[sflag:s20] =	ssyncset.done $0x0  }
0x1b0: {  	[sflag:s20] =	ssyncadd.s32 $0xFFFFF800  }
0x1b1: {  	_ =	swait.ge [sflag:s20], $0x800  }
0x1b2: {  	[sflag:s20] =	ssyncset.done $0x0  }
0x1b3: {  	[sflag:s20] =	ssyncadd.s32 $0xFFFFF800  }
0x1b4: {  	_ =	swait.ge [sflag:s20], $0x800  }
0x1b5: {  	[sflag:s20] =	ssyncset.done $0x0  }
0x1b6: {  	[sflag:s20] =	ssyncadd.s32 $0xFFFFF800  }
0x1b7: {  	_ =	swait.ge [sflag:s20], $0x800  }
0x1b8: {  	[sflag:s20] =	ssyncset.done $0x0  }
0x1b9: {  	s7 =	simm.s32 @!p0 $0x6;
	[sflag:s20] =	ssyncadd.s32 $0xFFFFF800  }
0x1ba: {  	_ =	swait.ge @!p0 [sflag:s7], $0x800  }
0x1bb: {  	[sflag:s7] =	ssyncset.done @!p0 $0x0  }
0x1bc: {  	[sflag:s7] =	ssyncadd.s32 @!p0 $0xFFFFF800  }
0x1bd: {  	_ =	swait.ge @!p0 [sflag:s7], $0x800  }
0x1be: {  	[sflag:s7] =	ssyncset.done @!p0 $0x0  }
0x1bf: {  	[sflag:s7] =	ssyncadd.s32 @!p0 $0xFFFFF800  }
0x1c0: {  	_ =	swait.ge @!p0 [sflag:s7], $0x800  }
0x1c1: {  	[sflag:s7] =	ssyncset.done @!p0 $0x0  }
0x1c2: {  	[sflag:s7] =	ssyncadd.s32 @!p0 $0xFFFFF800  }
0x1c3: {  	_ =	swait.ge @!p0 [sflag:s7], $0x800  }
0x1c4: {  	[sflag:s7] =	ssyncset.done @!p0 $0x0  }
0x1c5: {  	s22 =	simm.s32 $0x8870;
	[sflag:s7] =	ssyncadd.s32 @!p0 $0xFFFFF800  }
0x1c6: {  	s23 =	simm.s32 $0x3870;
	v0 =	vld [tilespmem:s22+$0x0]  }
0x1c7: {  	v1 =	vld [tilespmem:s23+$0xFFFFE800]  }
0x1c8: {  	v2 =	vld [tilespmem:s23+$0xFFFFE790]  }
0x1c9: {  	v3 =	vld [tilespmem:s22+$0xFFFFFFA0]  }
0x1ca: {  	v4 =	vld [tilespmem:s23+$0xFFFFE7A0]  }
0x1cb: {  	v5 =	vld [tilespmem:s22+$0xFFFFFFB0]  }
0x1cc: {  	v6 =	vld [tilespmem:s23+$0xFFFFE7B0]  }
0x1cd: {  	v7 =	vld [tilespmem:s22+$0xFFFFFFC0]  }
0x1ce: {  	v8 =	vld [tilespmem:s23+$0xFFFFE7C0]  }
0x1cf: {  	v9 =	vld [tilespmem:s22+$0xFFFFFFD0]  }
0x1d0: {  	v10 =	vld [tilespmem:s23+$0xFFFFE7D0]  }
0x1d1: {  	v11 =	vld [tilespmem:s22+$0xFFFFFFE0]  }
0x1d2: {  	v12 =	vld [tilespmem:s23+$0xFFFFE7E0]  }
0x1d3: {  	s25 =	simm.s32 $0x8970;
	v13 =	vld [tilespmem:s22+$0xFFFFFFF0]  }
0x1d4: {  	s7 =	simm.s32 $0x3970;
	v18 =	vld [tilespmem:s25+$0x0]  }
0x1d5: {  	v19 =	vld [tilespmem:s7+$0xFFFFE790]  }
0x1d6: {  	v20 =	vld [tilespmem:s25+$0xFFFFFFA0];
	v1 =	vadd.f32 v1, v0  }
0x1d7: {  	s28 =	simm.s32 $0xD870;
	v21 =	vld [tilespmem:s7+$0xFFFFE7A0]  }
0x1d8: {  	[tilespmem:s28+$0xFFFFE800] =	vst v1;
	v1 =	vadd.f32 v4, v3;
	v4 =	vld [tilespmem:s23+$0xFFFFE7F0]  }
0x1d9: {  	v15 =	vadd.f32 v6, v5;
	v14 =	vld [tilespmem:s23+$0xFFFFF000]  }
0x1da: {  	v6 =	vld [tilespmem:s22+$0xFFFFFF90];
	[tilespmem:s28+$0xFFFFE7A0] =	vst v1;
	v1 =	vadd.f32 v8, v7  }
0x1db: {  	[tilespmem:s28+$0xFFFFE7B0] =	vst v15;
	v8 =	vadd.f32 v10, v9;
	v10 =	vld [tilespmem:s23+$0xFFFFEFA0]  }
0x1dc: {  	[tilespmem:s28+$0xFFFFE7C0] =	vst v1;
	v1 =	vadd.f32 v12, v11;
	v12 =	vld [tilespmem:s23+$0xFFFFEFB0]  }
0x1dd: {  	[tilespmem:s28+$0xFFFFE7D0] =	vst v8;
	v8 =	vld [tilespmem:s23+$0xFFFFEFC0];
	v4 =	vadd.f32 v4, v13  }
0x1de: {  	v14 =	vadd.f32 v14, v0;
	[tilespmem:s28+$0xFFFFE7E0] =	vst v1;
	v1 =	vld [tilespmem:s23+$0xFFFFEFD0]  }
0x1df: {  	v2 =	vadd.f32 v2, v6;
	v15 =	vld [tilespmem:s23+$0xFFFFEFE0];
	[tilespmem:s28+$0xFFFFE7F0] =	vst v4  }
0x1e0: {  	[tilespmem:s28+$0xFFFFF000] =	vst v14;
	v4 =	vadd.f32 v10, v3;
	v10 =	vld [tilespmem:s23+$0xFFFFEFF0]  }
0x1e1: {  	[tilespmem:s28+$0xFFFFE790] =	vst v2;
	v14 =	vld [tilespmem:s23+$0xFFFFF800];
	v2 =	vadd.f32 v12, v5  }
0x1e2: {  	v12 =	vld [tilespmem:s23+$0xFFFFEF90];
	[tilespmem:s28+$0xFFFFEFA0] =	vst v4;
	v4 =	vadd.f32 v8, v7  }
0x1e3: {  	v8 =	vld [tilespmem:s23+$0xFFFFF7A0];
	[tilespmem:s28+$0xFFFFEFB0] =	vst v2;
	v1 =	vadd.f32 v1, v9  }
0x1e4: {  	v2 =	vld [tilespmem:s23+$0xFFFFF7B0];
	[tilespmem:s28+$0xFFFFEFC0] =	vst v4;
	v4 =	vadd.f32 v15, v11  }
0x1e5: {  	v15 =	vld [tilespmem:s23+$0xFFFFF7C0];
	[tilespmem:s28+$0xFFFFEFD0] =	vst v1;
	v1 =	vadd.f32 v10, v13  }
0x1e6: {  	v10 =	vadd.f32 v14, v0;
	v14 =	vld [tilespmem:s23+$0xFFFFF7D0];
	[tilespmem:s28+$0xFFFFEFE0] =	vst v4  }
0x1e7: {  	v4 =	vadd.f32 v12, v6;
	v12 =	vld [tilespmem:s23+$0xFFFFF7E0];
	[tilespmem:s28+$0xFFFFEFF0] =	vst v1  }
0x1e8: {  	[tilespmem:s28+$0xFFFFF800] =	vst v10;
	v1 =	vadd.f32 v8, v3;
	v8 =	vld [tilespmem:s23+$0xFFFFF7F0]  }
0x1e9: {  	[tilespmem:s28+$0xFFFFEF90] =	vst v4;
	v10 =	vld [tilespmem:s23+$0x0];
	v2 =	vadd.f32 v2, v5  }
0x1ea: {  	v4 =	vld [tilespmem:s23+$0xFFFFF790];
	[tilespmem:s28+$0xFFFFF7A0] =	vst v1;
	v1 =	vadd.f32 v15, v7  }
0x1eb: {  	v15 =	vld [tilespmem:s23+$0xFFFFFFA0];
	[tilespmem:s28+$0xFFFFF7B0] =	vst v2;
	v2 =	vadd.f32 v14, v9  }
0x1ec: {  	v14 =	vld [tilespmem:s23+$0xFFFFFFB0];
	[tilespmem:s28+$0xFFFFF7C0] =	vst v1  }
0x1ed: {  	v1 =	vadd.f32 v12, v11;
	v12 =	vld [tilespmem:s23+$0xFFFFFFC0];
	[tilespmem:s28+$0xFFFFF7D0] =	vst v2  }
0x1ee: {  	v2 =	vadd.f32 v8, v13;
	v8 =	vld [tilespmem:s23+$0xFFFFFFD0]  }
0x1ef: {  	[tilespmem:s28+$0xFFFFF7E0] =	vst v1;
	v1 =	vld [tilespmem:s25+$0xFFFFFFB0]  }
0x1f0: {  	[tilespmem:s28+$0xFFFFF7F0] =	vst v2;
	v2 =	vld [tilespmem:s7+$0xFFFFE800]  }
0x1f1: {  	v0 =	vadd.f32 v10, v0;
	v10 =	vld [tilespmem:s7+$0xFFFFE7B0]  }
0x1f2: {  	v16 =	vld [tilespmem:s23+$0xFFFFFFE0]  }
0x1f3: {  	v17 =	vld [tilespmem:s23+$0xFFFFFFF0];
	v3 =	vadd.f32 v15, v3  }
0x1f4: {  	[tilespmem:s28+$0x0] =	vst v0;
	v0 =	vadd.f32 v4, v6;
	v15 =	vld [tilespmem:s7+$0xFFFFE7C0]  }
0x1f5: {  	[tilespmem:s28+$0xFFFFFFA0] =	vst v3;
	v3 =	vld [tilespmem:s25+$0xFFFFFFD0];
	v22 =	vadd.f32 v2, v18  }
0x1f6: {  	s29 =	simm.s32 $0xD970;
	[tilespmem:s28+$0xFFFFF790] =	vst v0;
	v0 =	vadd.f32 v14, v5;
	v4 =	vadd.f32 v12, v7;
	v7 =	vld [tilespmem:s7+$0xFFFFE7D0]  }
0x1f7: {  	v12 =	vld [tilespmem:s7+$0xFFFFE7F0];
	[tilespmem:s29+$0xFFFFE800] =	vst v22  }
0x1f8: {  	v10 =	vadd.f32 v10, v1;
	[tilespmem:s28+$0xFFFFFFB0] =	vst v0;
	v14 =	vld [tilespmem:s7+$0xFFFFF000]  }
0x1f9: {  	v2 =	vld [tilespmem:s25+$0xFFFFFFC0];
	v0 =	vadd.f32 v8, v9;
	[tilespmem:s28+$0xFFFFFFC0] =	vst v4  }
0x1fa: {  	v5 =	vadd.f32 v16, v11;
	v4 =	vld [tilespmem:s25+$0xFFFFFFE0];
	[tilespmem:s29+$0xFFFFE7B0] =	vst v10  }
0x1fb: {  	v8 =	vld [tilespmem:s7+$0xFFFFE7E0];
	[tilespmem:s28+$0xFFFFFFD0] =	vst v0;
	v0 =	vadd.f32 v17, v13  }
0x1fc: {  	v11 =	vadd.f32 v21, v20;
	[tilespmem:s28+$0xFFFFFFE0] =	vst v5;
	v5 =	vld [tilespmem:s25+$0xFFFFFFF0]  }
0x1fd: {  	[tilespmem:s28+$0xFFFFFFF0] =	vst v0;
	v0 =	vld [tilespmem:s25+$0xFFFFFF90];
	v9 =	vadd.f32 v14, v18  }
0x1fe: {  	[tilespmem:s29+$0xFFFFE7A0] =	vst v11;
	v7 =	vadd.f32 v7, v3  }
0x1ff: {  	v10 =	vld [tilespmem:s7+$0xFFFFEFA0];
	[tilespmem:s29+$0xFFFFF000] =	vst v9;
	v9 =	vadd.f32 v15, v2  }
0x200: {  	v8 =	vadd.f32 v8, v4;
	[tilespmem:s29+$0xFFFFE7D0] =	vst v7;
	v11 =	vld [tilespmem:s7+$0xFFFFF800]  }
0x201: {  	v12 =	vadd.f32 v12, v5;
	[tilespmem:s29+$0xFFFFE7C0] =	vst v9;
	v9 =	vld [tilespmem:s7+$0xFFFFEFB0]  }
0x202: {  	[tilespmem:s29+$0xFFFFE7E0] =	vst v8;
	v8 =	vadd.f32 v19, v0;
	v7 =	vld [tilespmem:s7+$0xFFFFEFC0]  }
0x203: {  	v13 =	vld [tilespmem:s7+$0xFFFFEFD0];
	[tilespmem:s29+$0xFFFFE7F0] =	vst v12  }
0x204: {  	v14 =	vld [tilespmem:s7+$0xFFFFEFE0];
	[tilespmem:s29+$0xFFFFE790] =	vst v8;
	v8 =	vadd.f32 v10, v20  }
0x205: {  	v10 =	vld [tilespmem:s7+$0xFFFFEFF0];
	v11 =	vadd.f32 v11, v18  }
0x206: {  	v12 =	vld [tilespmem:s7+$0xFFFFEF90];
	[tilespmem:s29+$0xFFFFEFA0] =	vst v8;
	v9 =	vadd.f32 v9, v1  }
0x207: {  	[tilespmem:s29+$0xFFFFF800] =	vst v11;
	v7 =	vadd.f32 v7, v2;
	v11 =	vld [tilespmem:s7+$0xFFFFF7A0]  }
0x208: {  	v8 =	vld [tilespmem:s7+$0x0];
	[tilespmem:s29+$0xFFFFEFB0] =	vst v9;
	v9 =	vadd.f32 v13, v3  }
0x209: {  	v13 =	vld [tilespmem:s7+$0xFFFFF7B0];
	[tilespmem:s29+$0xFFFFEFC0] =	vst v7;
	v7 =	vadd.f32 v14, v4  }
0x20a: {  	v14 =	vld [tilespmem:s7+$0xFFFFF7C0];
	[tilespmem:s29+$0xFFFFEFD0] =	vst v9;
	v9 =	vadd.f32 v10, v5  }
0x20b: {  	v10 =	vadd.f32 v12, v0;
	v12 =	vld [tilespmem:s7+$0xFFFFF7D0];
	[tilespmem:s29+$0xFFFFEFE0] =	vst v7  }
0x20c: {  	v7 =	vld [tilespmem:s7+$0xFFFFF7E0];
	[tilespmem:s29+$0xFFFFEFF0] =	vst v9;
	v9 =	vadd.f32 v11, v20  }
0x20d: {  	[tilespmem:s29+$0xFFFFEF90] =	vst v10;
	v8 =	vadd.f32 v8, v18;
	v10 =	vld [tilespmem:s7+$0xFFFFF7F0]  }
0x20e: {  	v11 =	vld [tilespmem:s7+$0xFFFFF790];
	v13 =	vadd.f32 v13, v1;
	[tilespmem:s29+$0xFFFFF7A0] =	vst v9  }
0x20f: {  	[tilespmem:s29+$0x0] =	vst v8;
	v8 =	vadd.f32 v14, v2;
	v14 =	vld [tilespmem:s23+$0xFFFFFF90]  }
0x210: {  	v15 =	vld [tilespmem:s7+$0xFFFFFFA0];
	[tilespmem:s29+$0xFFFFF7B0] =	vst v13;
	v12 =	vadd.f32 v12, v3  }
0x211: {  	v9 =	vld [tilespmem:s7+$0xFFFFFFB0];
	[tilespmem:s29+$0xFFFFF7C0] =	vst v8;
	v13 =	vadd.f32 v7, v4  }
0x212: {  	v7 =	vld [tilespmem:s7+$0xFFFFFFC0];
	[tilespmem:s29+$0xFFFFF7D0] =	vst v12;
	v12 =	vadd.f32 v10, v5  }
0x213: {  	s14 =	simm.s32 $0x8A70;
	v11 =	vadd.f32 v11, v0;
	v8 =	vld [tilespmem:s7+$0xFFFFFFD0];
	[tilespmem:s29+$0xFFFFF7E0] =	vst v13  }
0x214: {  	s10 =	simm.s32 $0x88F0;
	s12 =	simm.s32 $0x80;
	s13 =	simm.s32 $0x3970;
	v10 =	vld [tilespmem:s7+$0xFFFFFFE0];
	[tilespmem:s29+$0xFFFFF7F0] =	vst v12;
	v12 =	vadd.f32 v14, v6  }
0x215: {  	s22 =	sor.u32 s6, s18;
	s25 =	simm.s32 $0x38F0;
	s23 =	simm.s32 $0xD8F0;
	[tilespmem:s29+$0xFFFFF790] =	vst v11;
	v6 =	vadd.f32 v15, v20;
	v11 =	vld [tilespmem:s7+$0xFFFFFFF0]  }
.LBB2_7:
0x216: {  	v13 =	vld [tilespmem:s14+$0x0];
	v1 =	vadd.f32 v9, v1;
	s7 =	sadd.s32 $0x100, s7;
	[tilespmem:s28+$0xFFFFFF90] =	vst v12;
	s28 =	smov.u32 s29  }
0x217: {  	s12 =	sadd.s32 $0x80, s12;
	v9 =	vld [tilespmem:s7+$0xFFFFE800];
	[tilespmem:s29+$0xFFFFFFA0] =	vst v6;
	v2 =	vadd.f32 v7, v2  }
0x218: {  	p2 =	slt.u32 s12, $0x380;
	v7 =	vld [tilespmem:s7+$0xFFFFE790];
	[tilespmem:s29+$0xFFFFFFB0] =	vst v1;
	v1 =	vadd.f32 v8, v3  }
0x219: {  	v6 =	vld [tilespmem:s14+$0xFFFFFFA0];
	[tilespmem:s29+$0xFFFFFFC0] =	vst v2;
	v2 =	vadd.f32 v10, v4  }
0x21a: {  	v3 =	vld [tilespmem:s7+$0xFFFFE7A0];
	[tilespmem:s29+$0xFFFFFFD0] =	vst v1;
	v4 =	vadd.f32 v11, v5  }
0x21b: {  	v1 =	vld [tilespmem:s14+$0xFFFFFFB0];
	[tilespmem:s29+$0xFFFFFFE0] =	vst v2  }
0x21c: {  	v5 =	vld [tilespmem:s7+$0xFFFFE7B0];
	v8 =	vadd.f32 v9, v13;
	[tilespmem:s29+$0xFFFFFFF0] =	vst v4  }
0x21d: {  	s29 =	sadd.s32 $0x100, s29;
	v2 =	vld [tilespmem:s14+$0xFFFFFFC0]  }
0x21e: {  	v9 =	vld [tilespmem:s7+$0xFFFFE7C0];
	[tilespmem:s29+$0xFFFFE800] =	vst v8  }
0x21f: {  	v4 =	vadd.f32 v3, v6;
	v8 =	vld [tilespmem:s7+$0xFFFFF000]  }
0x220: {  	v3 =	vld [tilespmem:s14+$0xFFFFFFD0]  }
0x221: {  	[tilespmem:s29+$0xFFFFE7A0] =	vst v4;
	v5 =	vadd.f32 v5, v1;
	v10 =	vld [tilespmem:s7+$0xFFFFE7D0]  }
0x222: {  	v4 =	vld [tilespmem:s14+$0xFFFFFFE0]  }
0x223: {  	[tilespmem:s29+$0xFFFFE7B0] =	vst v5;
	v9 =	vadd.f32 v9, v2;
	v11 =	vld [tilespmem:s7+$0xFFFFE7E0]  }
0x224: {  	v5 =	vld [tilespmem:s14+$0xFFFFFFF0];
	v8 =	vadd.f32 v8, v13  }
0x225: {  	[tilespmem:s29+$0xFFFFE7C0] =	vst v9;
	v9 =	vld [tilespmem:s7+$0xFFFFE7F0]  }
0x226: {  	v14 =	vld [tilespmem:s14+$0xFFFFFF90];
	v10 =	vadd.f32 v10, v3;
	[tilespmem:s29+$0xFFFFF000] =	vst v8  }
0x227: {  	v8 =	vld [tilespmem:s7+$0xFFFFF800]  }
0x228: {  	v12 =	vld [tilespmem:s7+$0xFFFFEFA0];
	[tilespmem:s29+$0xFFFFE7D0] =	vst v10;
	v10 =	vadd.f32 v11, v4  }
0x229: {  	v11 =	vld [tilespmem:s7+$0xFFFFEFB0]  }
0x22a: {  	v15 =	vld [tilespmem:s7+$0xFFFFEFC0];
	[tilespmem:s29+$0xFFFFE7E0] =	vst v10;
	v9 =	vadd.f32 v9, v5  }
0x22b: {  	v7 =	vadd.f32 v7, v14;
	v10 =	vld [tilespmem:s7+$0xFFFFEFD0]  }
0x22c: {  	v16 =	vld [tilespmem:s7+$0xFFFFEFE0];
	[tilespmem:s29+$0xFFFFE7F0] =	vst v9;
	v8 =	vadd.f32 v8, v13  }
0x22d: {  	[tilespmem:s29+$0xFFFFE790] =	vst v7;
	v7 =	vadd.f32 v12, v6;
	v9 =	vld [tilespmem:s7+$0xFFFFEFF0]  }
0x22e: {  	v12 =	vld [tilespmem:s7+$0xFFFFEF90];
	v11 =	vadd.f32 v11, v1;
	[tilespmem:s29+$0xFFFFF800] =	vst v8  }
0x22f: {  	[tilespmem:s29+$0xFFFFEFA0] =	vst v7;
	v7 =	vadd.f32 v15, v2;
	v8 =	vld [tilespmem:s7+$0x0]  }
0x230: {  	v15 =	vld [tilespmem:s7+$0xFFFFF7A0];
	[tilespmem:s29+$0xFFFFEFB0] =	vst v11;
	v10 =	vadd.f32 v10, v3  }
0x231: {  	v11 =	vld [tilespmem:s7+$0xFFFFF7B0];
	[tilespmem:s29+$0xFFFFEFC0] =	vst v7;
	v7 =	vadd.f32 v16, v4  }
0x232: {  	v16 =	vld [tilespmem:s7+$0xFFFFF7C0];
	[tilespmem:s29+$0xFFFFEFD0] =	vst v10;
	v9 =	vadd.f32 v9, v5  }
0x233: {  	v10 =	vadd.f32 v12, v14;
	v12 =	vld [tilespmem:s7+$0xFFFFF7D0];
	[tilespmem:s29+$0xFFFFEFE0] =	vst v7  }
0x234: {  	v7 =	vld [tilespmem:s7+$0xFFFFF7E0];
	[tilespmem:s29+$0xFFFFEFF0] =	vst v9;
	v8 =	vadd.f32 v8, v13  }
0x235: {  	[tilespmem:s29+$0xFFFFEF90] =	vst v10;
	v9 =	vadd.f32 v15, v6;
	v10 =	vld [tilespmem:s7+$0xFFFFF7F0]  }
0x236: {  	v13 =	vld [tilespmem:s7+$0xFFFFF790];
	v11 =	vadd.f32 v11, v1;
	[tilespmem:s29+$0x0] =	vst v8  }
0x237: {  	[tilespmem:s29+$0xFFFFF7A0] =	vst v9;
	v8 =	vadd.f32 v16, v2;
	v15 =	vld [tilespmem:s13+$0xFFFFFF90];
	s13 =	smov.u32 s7  }
0x238: {  	v16 =	vld [tilespmem:s7+$0xFFFFFFA0];
	[tilespmem:s29+$0xFFFFF7B0] =	vst v11;
	v11 =	vadd.f32 v12, v3  }
.Ltmp4:
0x239: {  	v9 =	vld [tilespmem:s7+$0xFFFFFFB0];
	[tilespmem:s29+$0xFFFFF7C0] =	vst v8;
	v12 =	vadd.f32 v7, v4;
	(pc) =	sbr.rel @p2 .LBB2_7-.Ltmp4, $4  }
0x23a: {  	v7 =	vld [tilespmem:s7+$0xFFFFFFC0];
	[tilespmem:s29+$0xFFFFF7D0] =	vst v11;
	v11 =	vadd.f32 v10, v5  }
0x23b: {  	v13 =	vadd.f32 v13, v14;
	v8 =	vld [tilespmem:s7+$0xFFFFFFD0];
	[tilespmem:s29+$0xFFFFF7E0] =	vst v12  }
0x23c: {  	v10 =	vld [tilespmem:s7+$0xFFFFFFE0];
	[tilespmem:s29+$0xFFFFF7F0] =	vst v11;
	v12 =	vadd.f32 v15, v0;
	v0 =	vmov v14  }
0x23d: {  	s14 =	sadd.s32 $0x100, s14;
	[tilespmem:s29+$0xFFFFF790] =	vst v13;
	v6 =	vadd.f32 v16, v6;
	v11 =	vld [tilespmem:s7+$0xFFFFFFF0]  }
0x23e: {  	v1 =	vadd.f32 v9, v1;
	[tilespmem:s28+$0xFFFFFF90] =	vst v12;
	v9 =	vld [tilespmem:s13+$0xFFFFFF90]  }
0x23f: {  	[tilespmem:s29+$0xFFFFFFA0] =	vst v6;
	v2 =	vadd.f32 v7, v2  }
0x240: {  	[tilespmem:s29+$0xFFFFFFB0] =	vst v1;
	v1 =	vadd.f32 v8, v3  }
0x241: {  	[tilespmem:s29+$0xFFFFFFC0] =	vst v2;
	v2 =	vadd.f32 v10, v4  }
0x242: {  	[tilespmem:s29+$0xFFFFFFD0] =	vst v1;
	v1 =	vadd.f32 v11, v5  }
0x243: {  	[tilespmem:s29+$0xFFFFFFE0] =	vst v2;
	v0 =	vadd.f32 v9, v0  }
0x244: {  	[tilespmem:s29+$0xFFFFFFF0] =	vst v1  }
0x245: {  	[tilespmem:s29+$0xFFFFFF90] =	vst v0  }
0x246: {  	v0 =	vld [tilespmem:s10+$0x0]  }
0x247: {  	v1 =	vld [tilespmem:s25+$0xFFFFE800]  }
0x248: {  	v2 =	vld [tilespmem:s25+$0xFFFFE790]  }
0x249: {  	v3 =	vld [tilespmem:s10+$0xFFFFFFA0]  }
0x24a: {  	v4 =	vld [tilespmem:s25+$0xFFFFE7A0]  }
0x24b: {  	v5 =	vld [tilespmem:s10+$0xFFFFFFB0]  }
0x24c: {  	v6 =	vld [tilespmem:s25+$0xFFFFE7B0]  }
0x24d: {  	v7 =	vld [tilespmem:s10+$0xFFFFFFC0]  }
0x24e: {  	v8 =	vld [tilespmem:s25+$0xFFFFE7C0]  }
0x24f: {  	v9 =	vld [tilespmem:s10+$0xFFFFFFD0]  }
0x250: {  	v10 =	vld [tilespmem:s25+$0xFFFFE7D0]  }
0x251: {  	v11 =	vld [tilespmem:s10+$0xFFFFFFE0]  }
0x252: {  	v12 =	vld [tilespmem:s25+$0xFFFFE7E0]  }
0x253: {  	s29 =	simm.s32 $0x89F0;
	v13 =	vld [tilespmem:s10+$0xFFFFFFF0]  }
0x254: {  	s7 =	simm.s32 $0x39F0;
	v18 =	vld [tilespmem:s29+$0x0]  }
0x255: {  	v19 =	vld [tilespmem:s7+$0xFFFFE790]  }
0x256: {  	v20 =	vld [tilespmem:s29+$0xFFFFFFA0];
	v1 =	vadd.f32 v1, v0  }
0x257: {  	v21 =	vld [tilespmem:s7+$0xFFFFE7A0]  }
0x258: {  	[tilespmem:s23+$0xFFFFE800] =	vst v1;
	v1 =	vadd.f32 v4, v3;
	v4 =	vld [tilespmem:s25+$0xFFFFE7F0]  }
0x259: {  	v15 =	vadd.f32 v6, v5;
	v14 =	vld [tilespmem:s25+$0xFFFFF000]  }
0x25a: {  	v6 =	vld [tilespmem:s10+$0xFFFFFF90];
	[tilespmem:s23+$0xFFFFE7A0] =	vst v1;
	v1 =	vadd.f32 v8, v7  }
0x25b: {  	[tilespmem:s23+$0xFFFFE7B0] =	vst v15;
	v8 =	vadd.f32 v10, v9;
	v10 =	vld [tilespmem:s25+$0xFFFFEFA0]  }
0x25c: {  	[tilespmem:s23+$0xFFFFE7C0] =	vst v1;
	v1 =	vadd.f32 v12, v11;
	v12 =	vld [tilespmem:s25+$0xFFFFEFB0]  }
0x25d: {  	[tilespmem:s23+$0xFFFFE7D0] =	vst v8;
	v8 =	vld [tilespmem:s25+$0xFFFFEFC0];
	v4 =	vadd.f32 v4, v13  }
0x25e: {  	v14 =	vadd.f32 v14, v0;
	[tilespmem:s23+$0xFFFFE7E0] =	vst v1;
	v1 =	vld [tilespmem:s25+$0xFFFFEFD0]  }
0x25f: {  	v2 =	vadd.f32 v2, v6;
	v15 =	vld [tilespmem:s25+$0xFFFFEFE0];
	[tilespmem:s23+$0xFFFFE7F0] =	vst v4  }
0x260: {  	[tilespmem:s23+$0xFFFFF000] =	vst v14;
	v4 =	vadd.f32 v10, v3;
	v10 =	vld [tilespmem:s25+$0xFFFFEFF0]  }
0x261: {  	[tilespmem:s23+$0xFFFFE790] =	vst v2;
	v14 =	vld [tilespmem:s25+$0xFFFFF800];
	v2 =	vadd.f32 v12, v5  }
0x262: {  	v12 =	vld [tilespmem:s25+$0xFFFFEF90];
	[tilespmem:s23+$0xFFFFEFA0] =	vst v4;
	v4 =	vadd.f32 v8, v7  }
0x263: {  	v8 =	vld [tilespmem:s25+$0xFFFFF7A0];
	[tilespmem:s23+$0xFFFFEFB0] =	vst v2;
	v1 =	vadd.f32 v1, v9  }
0x264: {  	v2 =	vld [tilespmem:s25+$0xFFFFF7B0];
	[tilespmem:s23+$0xFFFFEFC0] =	vst v4;
	v4 =	vadd.f32 v15, v11  }
0x265: {  	v15 =	vld [tilespmem:s25+$0xFFFFF7C0];
	[tilespmem:s23+$0xFFFFEFD0] =	vst v1;
	v1 =	vadd.f32 v10, v13  }
0x266: {  	v10 =	vadd.f32 v14, v0;
	v14 =	vld [tilespmem:s25+$0xFFFFF7D0];
	[tilespmem:s23+$0xFFFFEFE0] =	vst v4  }
0x267: {  	v4 =	vadd.f32 v12, v6;
	v12 =	vld [tilespmem:s25+$0xFFFFF7E0];
	[tilespmem:s23+$0xFFFFEFF0] =	vst v1  }
0x268: {  	[tilespmem:s23+$0xFFFFF800] =	vst v10;
	v1 =	vadd.f32 v8, v3;
	v8 =	vld [tilespmem:s25+$0xFFFFF7F0]  }
0x269: {  	[tilespmem:s23+$0xFFFFEF90] =	vst v4;
	v10 =	vld [tilespmem:s25+$0x0];
	v2 =	vadd.f32 v2, v5  }
0x26a: {  	v4 =	vld [tilespmem:s25+$0xFFFFF790];
	[tilespmem:s23+$0xFFFFF7A0] =	vst v1;
	v1 =	vadd.f32 v15, v7  }
0x26b: {  	v15 =	vld [tilespmem:s25+$0xFFFFFFA0];
	[tilespmem:s23+$0xFFFFF7B0] =	vst v2;
	v2 =	vadd.f32 v14, v9  }
0x26c: {  	v14 =	vld [tilespmem:s25+$0xFFFFFFB0];
	[tilespmem:s23+$0xFFFFF7C0] =	vst v1  }
0x26d: {  	v1 =	vadd.f32 v12, v11;
	v12 =	vld [tilespmem:s25+$0xFFFFFFC0];
	[tilespmem:s23+$0xFFFFF7D0] =	vst v2  }
0x26e: {  	v2 =	vadd.f32 v8, v13;
	v8 =	vld [tilespmem:s25+$0xFFFFFFD0]  }
0x26f: {  	[tilespmem:s23+$0xFFFFF7E0] =	vst v1;
	v1 =	vld [tilespmem:s29+$0xFFFFFFB0]  }
0x270: {  	[tilespmem:s23+$0xFFFFF7F0] =	vst v2;
	v2 =	vld [tilespmem:s7+$0xFFFFE800]  }
0x271: {  	v0 =	vadd.f32 v10, v0;
	v10 =	vld [tilespmem:s7+$0xFFFFE7B0]  }
0x272: {  	v16 =	vld [tilespmem:s25+$0xFFFFFFE0]  }
0x273: {  	v17 =	vld [tilespmem:s25+$0xFFFFFFF0];
	v3 =	vadd.f32 v15, v3  }
0x274: {  	[tilespmem:s23+$0x0] =	vst v0;
	v0 =	vadd.f32 v4, v6;
	v15 =	vld [tilespmem:s7+$0xFFFFE7C0]  }
0x275: {  	[tilespmem:s23+$0xFFFFFFA0] =	vst v3;
	v3 =	vld [tilespmem:s29+$0xFFFFFFD0];
	v22 =	vadd.f32 v2, v18  }
0x276: {  	s28 =	simm.s32 $0xD9F0;
	[tilespmem:s23+$0xFFFFF790] =	vst v0;
	v0 =	vadd.f32 v14, v5;
	v4 =	vadd.f32 v12, v7;
	v7 =	vld [tilespmem:s7+$0xFFFFE7D0]  }
0x277: {  	v12 =	vld [tilespmem:s7+$0xFFFFE7F0];
	[tilespmem:s28+$0xFFFFE800] =	vst v22  }
0x278: {  	v10 =	vadd.f32 v10, v1;
	[tilespmem:s23+$0xFFFFFFB0] =	vst v0;
	v14 =	vld [tilespmem:s7+$0xFFFFF000]  }
0x279: {  	v2 =	vld [tilespmem:s29+$0xFFFFFFC0];
	v0 =	vadd.f32 v8, v9;
	[tilespmem:s23+$0xFFFFFFC0] =	vst v4  }
0x27a: {  	v5 =	vadd.f32 v16, v11;
	v4 =	vld [tilespmem:s29+$0xFFFFFFE0];
	[tilespmem:s28+$0xFFFFE7B0] =	vst v10  }
0x27b: {  	v8 =	vld [tilespmem:s7+$0xFFFFE7E0];
	[tilespmem:s23+$0xFFFFFFD0] =	vst v0;
	v0 =	vadd.f32 v17, v13  }
0x27c: {  	v11 =	vadd.f32 v21, v20;
	[tilespmem:s23+$0xFFFFFFE0] =	vst v5;
	v5 =	vld [tilespmem:s29+$0xFFFFFFF0]  }
0x27d: {  	[tilespmem:s23+$0xFFFFFFF0] =	vst v0;
	v0 =	vld [tilespmem:s29+$0xFFFFFF90];
	v9 =	vadd.f32 v14, v18  }
0x27e: {  	[tilespmem:s28+$0xFFFFE7A0] =	vst v11;
	v7 =	vadd.f32 v7, v3  }
0x27f: {  	v10 =	vld [tilespmem:s7+$0xFFFFEFA0];
	[tilespmem:s28+$0xFFFFF000] =	vst v9;
	v9 =	vadd.f32 v15, v2  }
0x280: {  	v8 =	vadd.f32 v8, v4;
	[tilespmem:s28+$0xFFFFE7D0] =	vst v7;
	v11 =	vld [tilespmem:s7+$0xFFFFF800]  }
0x281: {  	v12 =	vadd.f32 v12, v5;
	[tilespmem:s28+$0xFFFFE7C0] =	vst v9;
	v9 =	vld [tilespmem:s7+$0xFFFFEFB0]  }
0x282: {  	[tilespmem:s28+$0xFFFFE7E0] =	vst v8;
	v8 =	vadd.f32 v19, v0;
	v7 =	vld [tilespmem:s7+$0xFFFFEFC0]  }
0x283: {  	v13 =	vld [tilespmem:s7+$0xFFFFEFD0];
	[tilespmem:s28+$0xFFFFE7F0] =	vst v12  }
0x284: {  	v14 =	vld [tilespmem:s7+$0xFFFFEFE0];
	[tilespmem:s28+$0xFFFFE790] =	vst v8;
	v8 =	vadd.f32 v10, v20  }
0x285: {  	v10 =	vld [tilespmem:s7+$0xFFFFEFF0];
	v11 =	vadd.f32 v11, v18  }
0x286: {  	v12 =	vld [tilespmem:s7+$0xFFFFEF90];
	[tilespmem:s28+$0xFFFFEFA0] =	vst v8;
	v9 =	vadd.f32 v9, v1  }
0x287: {  	[tilespmem:s28+$0xFFFFF800] =	vst v11;
	v7 =	vadd.f32 v7, v2;
	v11 =	vld [tilespmem:s7+$0xFFFFF7A0]  }
0x288: {  	v8 =	vld [tilespmem:s7+$0x0];
	[tilespmem:s28+$0xFFFFEFB0] =	vst v9;
	v9 =	vadd.f32 v13, v3  }
0x289: {  	v13 =	vld [tilespmem:s7+$0xFFFFF7B0];
	[tilespmem:s28+$0xFFFFEFC0] =	vst v7;
	v7 =	vadd.f32 v14, v4  }
0x28a: {  	v14 =	vld [tilespmem:s7+$0xFFFFF7C0];
	[tilespmem:s28+$0xFFFFEFD0] =	vst v9;
	v9 =	vadd.f32 v10, v5  }
0x28b: {  	v10 =	vadd.f32 v12, v0;
	v12 =	vld [tilespmem:s7+$0xFFFFF7D0];
	[tilespmem:s28+$0xFFFFEFE0] =	vst v7  }
0x28c: {  	v7 =	vld [tilespmem:s7+$0xFFFFF7E0];
	[tilespmem:s28+$0xFFFFEFF0] =	vst v9;
	v9 =	vadd.f32 v11, v20  }
0x28d: {  	[tilespmem:s28+$0xFFFFEF90] =	vst v10;
	v8 =	vadd.f32 v8, v18;
	v11 =	vld [tilespmem:s7+$0xFFFFF7F0]  }
0x28e: {  	v15 =	vld [tilespmem:s7+$0xFFFFF790];
	v10 =	vadd.f32 v13, v1;
	[tilespmem:s28+$0xFFFFF7A0] =	vst v9  }
0x28f: {  	v13 =	vld [tilespmem:s25+$0xFFFFFF90];
	[tilespmem:s28+$0x0] =	vst v8;
	v8 =	vadd.f32 v14, v2  }
0x290: {  	v14 =	vld [tilespmem:s7+$0xFFFFFFA0];
	[tilespmem:s28+$0xFFFFF7B0] =	vst v10;
	v9 =	vadd.f32 v12, v3  }
0x291: {  	v10 =	vld [tilespmem:s7+$0xFFFFFFB0];
	[tilespmem:s28+$0xFFFFF7C0] =	vst v8;
	v8 =	vadd.f32 v7, v4  }
0x292: {  	v7 =	vld [tilespmem:s7+$0xFFFFFFC0];
	[tilespmem:s28+$0xFFFFF7D0] =	vst v9;
	v11 =	vadd.f32 v11, v5  }
0x293: {  	v15 =	vadd.f32 v15, v0;
	v9 =	vld [tilespmem:s7+$0xFFFFFFD0];
	[tilespmem:s28+$0xFFFFF7E0] =	vst v8  }
0x294: {  	v12 =	vadd.f32 v13, v6;
	v8 =	vld [tilespmem:s7+$0xFFFFFFE0];
	[tilespmem:s28+$0xFFFFF7F0] =	vst v11  }
0x295: {  	s13 =	simm.s32 $0x8AF0;
	s12 =	simm.s32 $0x39F0;
	s10 =	simm.s32 $0x80;
	[tilespmem:s28+$0xFFFFF790] =	vst v15;
	v6 =	vadd.f32 v14, v20;
	v11 =	vld [tilespmem:s7+$0xFFFFFFF0]  }
.LBB2_9:
0x296: {  	v13 =	vld [tilespmem:s13+$0x0];
	v1 =	vadd.f32 v10, v1;
	s7 =	sadd.s32 $0x100, s7;
	[tilespmem:s23+$0xFFFFFF90] =	vst v12;
	s23 =	smov.u32 s28  }
0x297: {  	s10 =	sadd.s32 $0x80, s10;
	v10 =	vld [tilespmem:s7+$0xFFFFE800];
	[tilespmem:s28+$0xFFFFFFA0] =	vst v6;
	v2 =	vadd.f32 v7, v2  }
0x298: {  	p2 =	slt.u32 s10, $0x380;
	v7 =	vld [tilespmem:s7+$0xFFFFE790];
	[tilespmem:s28+$0xFFFFFFB0] =	vst v1;
	v1 =	vadd.f32 v9, v3  }
0x299: {  	v6 =	vld [tilespmem:s13+$0xFFFFFFA0];
	[tilespmem:s28+$0xFFFFFFC0] =	vst v2;
	v2 =	vadd.f32 v8, v4  }
0x29a: {  	v3 =	vld [tilespmem:s7+$0xFFFFE7A0];
	[tilespmem:s28+$0xFFFFFFD0] =	vst v1;
	v4 =	vadd.f32 v11, v5  }
0x29b: {  	v1 =	vld [tilespmem:s13+$0xFFFFFFB0];
	[tilespmem:s28+$0xFFFFFFE0] =	vst v2  }
0x29c: {  	v5 =	vld [tilespmem:s7+$0xFFFFE7B0];
	v8 =	vadd.f32 v10, v13;
	[tilespmem:s28+$0xFFFFFFF0] =	vst v4  }
0x29d: {  	s28 =	sadd.s32 $0x100, s28;
	v2 =	vld [tilespmem:s13+$0xFFFFFFC0]  }
0x29e: {  	v9 =	vld [tilespmem:s7+$0xFFFFE7C0];
	[tilespmem:s28+$0xFFFFE800] =	vst v8  }
0x29f: {  	v4 =	vadd.f32 v3, v6;
	v8 =	vld [tilespmem:s7+$0xFFFFF000]  }
0x2a0: {  	v3 =	vld [tilespmem:s13+$0xFFFFFFD0]  }
0x2a1: {  	[tilespmem:s28+$0xFFFFE7A0] =	vst v4;
	v5 =	vadd.f32 v5, v1;
	v10 =	vld [tilespmem:s7+$0xFFFFE7D0]  }
0x2a2: {  	v4 =	vld [tilespmem:s13+$0xFFFFFFE0]  }
0x2a3: {  	[tilespmem:s28+$0xFFFFE7B0] =	vst v5;
	v9 =	vadd.f32 v9, v2;
	v11 =	vld [tilespmem:s7+$0xFFFFE7E0]  }
0x2a4: {  	v5 =	vld [tilespmem:s13+$0xFFFFFFF0];
	v8 =	vadd.f32 v8, v13  }
0x2a5: {  	[tilespmem:s28+$0xFFFFE7C0] =	vst v9;
	v9 =	vld [tilespmem:s7+$0xFFFFE7F0]  }
0x2a6: {  	v14 =	vld [tilespmem:s13+$0xFFFFFF90];
	v10 =	vadd.f32 v10, v3;
	[tilespmem:s28+$0xFFFFF000] =	vst v8  }
0x2a7: {  	v8 =	vld [tilespmem:s7+$0xFFFFF800]  }
0x2a8: {  	v12 =	vld [tilespmem:s7+$0xFFFFEFA0];
	[tilespmem:s28+$0xFFFFE7D0] =	vst v10;
	v10 =	vadd.f32 v11, v4  }
0x2a9: {  	v11 =	vld [tilespmem:s7+$0xFFFFEFB0]  }
0x2aa: {  	v15 =	vld [tilespmem:s7+$0xFFFFEFC0];
	[tilespmem:s28+$0xFFFFE7E0] =	vst v10;
	v9 =	vadd.f32 v9, v5  }
0x2ab: {  	v7 =	vadd.f32 v7, v14;
	v10 =	vld [tilespmem:s7+$0xFFFFEFD0]  }
0x2ac: {  	v16 =	vld [tilespmem:s7+$0xFFFFEFE0];
	[tilespmem:s28+$0xFFFFE7F0] =	vst v9;
	v8 =	vadd.f32 v8, v13  }
0x2ad: {  	[tilespmem:s28+$0xFFFFE790] =	vst v7;
	v7 =	vadd.f32 v12, v6;
	v9 =	vld [tilespmem:s7+$0xFFFFEFF0]  }
0x2ae: {  	v12 =	vld [tilespmem:s7+$0xFFFFEF90];
	v11 =	vadd.f32 v11, v1;
	[tilespmem:s28+$0xFFFFF800] =	vst v8  }
0x2af: {  	[tilespmem:s28+$0xFFFFEFA0] =	vst v7;
	v7 =	vadd.f32 v15, v2;
	v8 =	vld [tilespmem:s7+$0x0]  }
0x2b0: {  	v15 =	vld [tilespmem:s7+$0xFFFFF7A0];
	[tilespmem:s28+$0xFFFFEFB0] =	vst v11;
	v10 =	vadd.f32 v10, v3  }
0x2b1: {  	v11 =	vld [tilespmem:s7+$0xFFFFF7B0];
	[tilespmem:s28+$0xFFFFEFC0] =	vst v7;
	v7 =	vadd.f32 v16, v4  }
0x2b2: {  	v16 =	vld [tilespmem:s7+$0xFFFFF7C0];
	[tilespmem:s28+$0xFFFFEFD0] =	vst v10;
	v9 =	vadd.f32 v9, v5  }
0x2b3: {  	v10 =	vadd.f32 v12, v14;
	v12 =	vld [tilespmem:s7+$0xFFFFF7D0];
	[tilespmem:s28+$0xFFFFEFE0] =	vst v7  }
0x2b4: {  	v7 =	vld [tilespmem:s7+$0xFFFFF7E0];
	[tilespmem:s28+$0xFFFFEFF0] =	vst v9;
	v8 =	vadd.f32 v8, v13  }
0x2b5: {  	[tilespmem:s28+$0xFFFFEF90] =	vst v10;
	v9 =	vadd.f32 v15, v6;
	v13 =	vld [tilespmem:s7+$0xFFFFF7F0]  }
0x2b6: {  	v15 =	vld [tilespmem:s7+$0xFFFFF790];
	v10 =	vadd.f32 v11, v1;
	[tilespmem:s28+$0x0] =	vst v8  }
0x2b7: {  	[tilespmem:s28+$0xFFFFF7A0] =	vst v9;
	v8 =	vadd.f32 v16, v2;
	v11 =	vld [tilespmem:s12+$0xFFFFFF90];
	s12 =	smov.u32 s7  }
0x2b8: {  	v16 =	vld [tilespmem:s7+$0xFFFFFFA0];
	[tilespmem:s28+$0xFFFFF7B0] =	vst v10;
	v9 =	vadd.f32 v12, v3  }
.Ltmp5:
0x2b9: {  	v10 =	vld [tilespmem:s7+$0xFFFFFFB0];
	[tilespmem:s28+$0xFFFFF7C0] =	vst v8;
	v8 =	vadd.f32 v7, v4;
	(pc) =	sbr.rel @p2 .LBB2_9-.Ltmp5, $4  }
0x2ba: {  	v7 =	vld [tilespmem:s7+$0xFFFFFFC0];
	[tilespmem:s28+$0xFFFFF7D0] =	vst v9;
	v12 =	vadd.f32 v13, v5  }
0x2bb: {  	v13 =	vadd.f32 v15, v14;
	v9 =	vld [tilespmem:s7+$0xFFFFFFD0];
	[tilespmem:s28+$0xFFFFF7E0] =	vst v8  }
0x2bc: {  	v8 =	vld [tilespmem:s7+$0xFFFFFFE0];
	[tilespmem:s28+$0xFFFFF7F0] =	vst v12;
	v12 =	vadd.f32 v11, v0;
	v0 =	vmov v14  }
0x2bd: {  	s13 =	sadd.s32 $0x100, s13;
	[tilespmem:s28+$0xFFFFF790] =	vst v13;
	v6 =	vadd.f32 v16, v6;
	v11 =	vld [tilespmem:s7+$0xFFFFFFF0]  }
0x2be: {  	v1 =	vadd.f32 v10, v1;
	[tilespmem:s23+$0xFFFFFF90] =	vst v12;
	v55 =	vld [tilespmem:s12+$0xFFFFFF90]  }
0x2bf: {  	[tilespmem:s28+$0xFFFFFFA0] =	vst v6;
	v2 =	vadd.f32 v7, v2  }
0x2c0: {  	[tilespmem:s28+$0xFFFFFFB0] =	vst v1;
	v1 =	vadd.f32 v9, v3  }
0x2c1: {  	[tilespmem:s28+$0xFFFFFFC0] =	vst v2;
	v2 =	vadd.f32 v8, v4  }
0x2c2: {  	[tilespmem:s28+$0xFFFFFFD0] =	vst v1;
	v1 =	vadd.f32 v11, v5  }
0x2c3: {  	[tilespmem:s28+$0xFFFFFFE0] =	vst v2;
	v0 =	vadd.f32 v55, v0  }
0x2c4: {  	s22 =	sshrl.u32 s22, $0x3;
	[tilespmem:s28+$0xFFFFFFF0] =	vst v1  }
0x2c5: {  	s10 =	simm.s32 $0xC000;
	s7 =	sadd.s32 s22, s0;
	s13 =	sor.u32 $0x100020, s22;
	[tilespmem:s28+$0xFFFFFF90] =	vst v0  }
0x2c6: {  	[hbm4b:s7+s8] =	stream.strided.scatter [tilespmem:s10], [sflag:$0x6], $0x800, s9, s8, $0x38;
	[tilespmem:$0x12000] =	vst v63  }
0x2c7: {  	s14 =	simm.s32 $0xC800;
	s23 =	sor.u32 $0x200020, s22;
	s7 =	sadd.s32 s4, s13  }
0x2c8: {  	[hbm4b:s7+s8] =	stream.strided.scatter [tilespmem:s14], [sflag:$0x6], $0x800, s9, s8, $0x38;
	[tilespmem:$0x12000] =	vst v63  }
0x2c9: {  	s25 =	simm.s32 $0xD000;
	s28 =	sor.u32 $0x300020, s22;
	s7 =	sadd.s32 s4, s23  }
0x2ca: {  	[hbm4b:s7+s8] =	stream.strided.scatter [tilespmem:s25], [sflag:$0x6], $0x800, s9, s8, $0x38;
	[tilespmem:$0x12000] =	vst v63  }
0x2cb: {  	s29 =	simm.s32 $0xD800;
	s7 =	sadd.s32 s4, s28  }
0x2cc: {  	[hbm4b:s7+s8] =	stream.strided.scatter [tilespmem:s29], [sflag:$0x6], $0x800, s9, s8, $0x38;
	[tilespmem:$0x12000] =	vst v63  }
0x2cd: {  	s12 =	simm.s32 @!p1 $0x100;
	s7 =	sor.u32 @!p1 $0x20, s19  }
0x2ce: {  	s13 =	simm.s32 @!p1 $0x400;
	s14 =	simm.s32 @!p1 $0x8800;
	s10 =	sadd.s32 @!p1 s3, s7  }
0x2cf: {  	[tilespmem:s14], [sflag:$0x2] =	stream.strided.gather @!p1 [hbm4b:s10+s12], $0x800, s13, s12, $0x38;
	[tilespmem:$0x12000] =	vst v63  }
0x2d0: {  	s7 =	sadd.s32 @!p1 s1, s7;
	s10 =	simm.s32 @!p1 $0x2000  }
0x2d1: {  	[tilespmem:s10], [sflag:$0x2] =	stream.strided.gather @!p1 [hbm4b:s7+s12], $0x800, s13, s12, $0x38;
	[tilespmem:$0x12000] =	vst v63  }
0x2d2: {  	s7 =	sadd.s32 @!p1 $0x100020, s21;
	s10 =	simm.s32 @!p1 $0x2800  }
0x2d3: {  	[tilespmem:s10], [sflag:$0x2] =	stream.strided.gather @!p1 [hbm4b:s7+s12], $0x800, s13, s12, $0x38;
	[tilespmem:$0x12000] =	vst v63  }
0x2d4: {  	s7 =	sor.u32 @!p1 $0x200020, s19  }
0x2d5: {  	s10 =	simm.s32 @!p1 $0x3000;
	s7 =	sadd.s32 @!p1 s1, s7  }
0x2d6: {  	[tilespmem:s10], [sflag:$0x2] =	stream.strided.gather @!p1 [hbm4b:s7+s12], $0x800, s13, s12, $0x38;
	[tilespmem:$0x12000] =	vst v63  }
0x2d7: {  	s7 =	sadd.s32 @!p1 $0x300020, s21;
	s10 =	simm.s32 @!p1 $0x3800  }
0x2d8: {  	[tilespmem:s10], [sflag:$0x2] =	stream.strided.gather @!p1 [hbm4b:s7+s12], $0x800, s13, s12, $0x38;
	[tilespmem:$0x12000] =	vst v63  }
0x2d9: {  	_ =	swait.ge [sflag:s26], $0x800  }
0x2da: {  	[sflag:s26] =	ssyncset.done $0x0  }
0x2db: {  	[sflag:s26] =	ssyncadd.s32 $0xFFFFF800  }
0x2dc: {  	_ =	swait.ge [sflag:s26], $0x800  }
0x2dd: {  	[sflag:s26] =	ssyncset.done $0x0  }
0x2de: {  	[sflag:s26] =	ssyncadd.s32 $0xFFFFF800  }
0x2df: {  	_ =	swait.ge [sflag:s26], $0x800  }
0x2e0: {  	[sflag:s26] =	ssyncset.done $0x0  }
0x2e1: {  	[sflag:s26] =	ssyncadd.s32 $0xFFFFF800  }
0x2e2: {  	_ =	swait.ge [sflag:s26], $0x800  }
0x2e3: {  	[sflag:s26] =	ssyncset.done $0x0  }
0x2e4: {  	[sflag:s26] =	ssyncadd.s32 $0xFFFFF800  }
0x2e5: {  	_ =	swait.ge [sflag:s26], $0x800  }
0x2e6: {  	[sflag:s26] =	ssyncset.done $0x0  }
0x2e7: {  	s7 =	simm.s32 @!p0 $0x7;
	[sflag:s26] =	ssyncadd.s32 $0xFFFFF800  }
0x2e8: {  	_ =	swait.ge @!p0 [sflag:s7], $0x800  }
0x2e9: {  	[sflag:s7] =	ssyncset.done @!p0 $0x0  }
0x2ea: {  	[sflag:s7] =	ssyncadd.s32 @!p0 $0xFFFFF800  }
0x2eb: {  	_ =	swait.ge @!p0 [sflag:s7], $0x800  }
0x2ec: {  	[sflag:s7] =	ssyncset.done @!p0 $0x0  }
0x2ed: {  	[sflag:s7] =	ssyncadd.s32 @!p0 $0xFFFFF800  }
0x2ee: {  	_ =	swait.ge @!p0 [sflag:s7], $0x800  }
0x2ef: {  	[sflag:s7] =	ssyncset.done @!p0 $0x0  }
0x2f0: {  	[sflag:s7] =	ssyncadd.s32 @!p0 $0xFFFFF800  }
0x2f1: {  	_ =	swait.ge @!p0 [sflag:s7], $0x800  }
0x2f2: {  	[sflag:s7] =	ssyncset.done @!p0 $0x0  }
0x2f3: {  	s23 =	simm.s32 $0x0;
	[sflag:s7] =	ssyncadd.s32 @!p0 $0xFFFFF800  }
0x2f4: {  	v0 =	vld [tilespmem:s23+$0x9070]  }
0x2f5: {  	v1 =	vld [tilespmem:s23+$0x5870]  }
0x2f6: {  	v2 =	vld [tilespmem:s23+$0x9000]  }
0x2f7: {  	v3 =	vld [tilespmem:s23+$0x4000]  }
0x2f8: {  	v4 =	vld [tilespmem:s23+$0x4800]  }
0x2f9: {  	v5 =	vld [tilespmem:s23+$0x5000]  }
0x2fa: {  	v6 =	vld [tilespmem:s23+$0x5800]  }
0x2fb: {  	v7 =	vld [tilespmem:s23+$0x9010]  }
0x2fc: {  	v8 =	vld [tilespmem:s23+$0x4010]  }
0x2fd: {  	v56 =	vld [tilespmem:s23+$0x4810]  }
0x2fe: {  	v57 =	vld [tilespmem:s23+$0x5010]  }
0x2ff: {  	v58 =	vld [tilespmem:s23+$0x5810]  }
0x300: {  	v59 =	vld [tilespmem:s23+$0x9020];
	v1 =	vadd.f32 v1, v0  }
0x301: {  	v13 =	vld [tilespmem:s23+$0x4020];
	v3 =	vadd.f32 v3, v2  }
0x302: {  	v60 =	vld [tilespmem:s23+$0x4830];
	[tilespmem:s23+$0xF870] =	vst v1;
	v1 =	vadd.f32 v4, v2  }
0x303: {  	v61 =	vld [tilespmem:s23+$0x5830];
	[tilespmem:s23+$0xE000] =	vst v3;
	v3 =	vadd.f32 v5, v2  }
0x304: {  	v4 =	vld [tilespmem:s23+$0x4820];
	[tilespmem:s23+$0xE800] =	vst v1;
	v1 =	vadd.f32 v6, v2  }
0x305: {  	v5 =	vld [tilespmem:s23+$0x5020];
	[tilespmem:s23+$0xF000] =	vst v3;
	v3 =	vadd.f32 v8, v7  }
0x306: {  	v2 =	vld [tilespmem:s23+$0x5820];
	[tilespmem:s23+$0xF800] =	vst v1;
	v1 =	vadd.f32 v56, v7  }
0x307: {  	v6 =	vld [tilespmem:s23+$0x9030];
	[tilespmem:s23+$0xE010] =	vst v3;
	v3 =	vadd.f32 v57, v7  }
0x308: {  	v8 =	vld [tilespmem:s23+$0x4030];
	[tilespmem:s23+$0xE810] =	vst v1;
	v1 =	vadd.f32 v58, v7  }
0x309: {  	v62 =	vld [tilespmem:s23+$0x5840];
	[tilespmem:s23+$0xF010] =	vst v3;
	v3 =	vadd.f32 v13, v59  }
0x30a: {  	v7 =	vld [tilespmem:s23+$0x5030];
	[tilespmem:s23+$0xF810] =	vst v1;
	v1 =	vadd.f32 v4, v59  }
0x30b: {  	v4 =	vld [tilespmem:s23+$0x9040];
	[tilespmem:s23+$0xE020] =	vst v3;
	v3 =	vadd.f32 v5, v59  }
0x30c: {  	v5 =	vld [tilespmem:s23+$0x4040];
	[tilespmem:s23+$0xE820] =	vst v1;
	v1 =	vadd.f32 v2, v59  }
0x30d: {  	v2 =	vld [tilespmem:s23+$0x4840];
	[tilespmem:s23+$0xF020] =	vst v3;
	v3 =	vadd.f32 v8, v6  }
0x30e: {  	v8 =	vld [tilespmem:s23+$0x5040];
	[tilespmem:s23+$0xF820] =	vst v1;
	v1 =	vadd.f32 v60, v6  }
0x30f: {  	[tilespmem:s23+$0xE030] =	vst v3;
	v3 =	vadd.f32 v7, v6;
	v7 =	vld [tilespmem:s23+$0x9050]  }
0x310: {  	[tilespmem:s23+$0xE830] =	vst v1;
	v1 =	vadd.f32 v61, v6;
	v6 =	vld [tilespmem:s23+$0x4050]  }
0x311: {  	[tilespmem:s23+$0xF030] =	vst v3;
	v3 =	vadd.f32 v5, v4;
	v5 =	vld [tilespmem:s23+$0x4850]  }
0x312: {  	[tilespmem:s23+$0xF830] =	vst v1;
	v1 =	vadd.f32 v2, v4;
	v2 =	vld [tilespmem:s23+$0x5050]  }
0x313: {  	[tilespmem:s23+$0xE040] =	vst v3;
	v3 =	vadd.f32 v8, v4;
	v8 =	vld [tilespmem:s23+$0x5850]  }
0x314: {  	v63 =	vld [tilespmem:s23+$0x4060];
	v4 =	vadd.f32 v62, v4;
	[tilespmem:s23+$0xE840] =	vst v1  }
0x315: {  	v1 =	vld [tilespmem:s23+$0x9060];
	[tilespmem:s23+$0xF040] =	vst v3;
	v3 =	vadd.f32 v6, v7  }
0x316: {  	[tilespmem:s23+$0xF840] =	vst v4;
	v4 =	vadd.f32 v5, v7;
	v6 =	vld [tilespmem:s23+$0x4860]  }
0x317: {  	[tilespmem:s23+$0xE050] =	vst v3;
	v2 =	vadd.f32 v2, v7;
	v3 =	vld [tilespmem:s23+$0x5060]  }
0x318: {  	[tilespmem:s23+$0xE850] =	vst v4;
	v5 =	vadd.f32 v8, v7;
	v4 =	vld [tilespmem:s23+$0x5860]  }
0x319: {  	[tilespmem:s23+$0xF050] =	vst v2;
	v2 =	vld [tilespmem:s23+$0x4070]  }
0x31a: {  	s10 =	simm.s32 $0x0;
	s12 =	simm.s32 $0x400;
	s7 =	simm.s32 $0x0;
	[tilespmem:s23+$0xF850] =	vst v5;
	v7 =	vadd.f32 v63, v1;
	v5 =	vld [tilespmem:s23+$0x4870]  }
.LBB2_11:
0x31b: {  	s13 =	sshra.s32 s12, $0x2;
	v6 =	vadd.f32 v6, v1;
	v8 =	vld [tilespmem:s7+$0x5070]  }
0x31c: {  	s10 =	sadd.s32 $0x80, s10;
	v9 =	vld [tilespmem:s13+$0x9070];
	[tilespmem:s7+$0xE060] =	vst v7;
	v3 =	vadd.f32 v3, v1  }
0x31d: {  	p2 =	slt.u32 s10, $0x380;
	v7 =	vld [tilespmem:s13+$0x5870];
	[tilespmem:s7+$0xE860] =	vst v6;
	v1 =	vadd.f32 v4, v1  }
0x31e: {  	v4 =	vld [tilespmem:s13+$0x9000];
	[tilespmem:s7+$0xF060] =	vst v3;
	v2 =	vadd.f32 v2, v0  }
0x31f: {  	v3 =	vld [tilespmem:s13+$0x4000];
	[tilespmem:s7+$0xF860] =	vst v1;
	v1 =	vadd.f32 v5, v0  }
0x320: {  	v5 =	vld [tilespmem:s13+$0x4800];
	[tilespmem:s7+$0xE070] =	vst v2;
	v2 =	vadd.f32 v8, v0  }
0x321: {  	v6 =	vld [tilespmem:s13+$0x5000];
	[tilespmem:s7+$0xE870] =	vst v1;
	v0 =	vmov v9  }
0x322: {  	v1 =	vld [tilespmem:s13+$0x5800];
	v7 =	vadd.f32 v7, v0;
	[tilespmem:s7+$0xF070] =	vst v2;
	s7 =	smov.u32 s13  }
0x323: {  	v2 =	vld [tilespmem:s7+$0x9010]  }
0x324: {  	v3 =	vadd.f32 v3, v4;
	v8 =	vld [tilespmem:s7+$0x4010];
	[tilespmem:s7+$0xF870] =	vst v7  }
0x325: {  	v5 =	vadd.f32 v5, v4;
	v7 =	vld [tilespmem:s7+$0x4810]  }
0x326: {  	[tilespmem:s7+$0xE000] =	vst v3;
	v3 =	vadd.f32 v6, v4;
	v6 =	vld [tilespmem:s7+$0x5010]  }
0x327: {  	[tilespmem:s7+$0xE800] =	vst v5;
	v1 =	vadd.f32 v1, v4;
	v4 =	vld [tilespmem:s7+$0x5810]  }
0x328: {  	[tilespmem:s7+$0xF000] =	vst v3;
	v3 =	vld [tilespmem:s7+$0x9020]  }
0x329: {  	[tilespmem:s7+$0xF800] =	vst v1;
	v1 =	vadd.f32 v8, v2;
	v5 =	vld [tilespmem:s7+$0x4020]  }
0x32a: {  	v7 =	vadd.f32 v7, v2;
	v8 =	vld [tilespmem:s7+$0x4820]  }
0x32b: {  	[tilespmem:s7+$0xE010] =	vst v1;
	v1 =	vadd.f32 v6, v2;
	v6 =	vld [tilespmem:s7+$0x5020]  }
0x32c: {  	[tilespmem:s7+$0xE810] =	vst v7;
	v2 =	vadd.f32 v4, v2;
	v4 =	vld [tilespmem:s7+$0x5820]  }
0x32d: {  	[tilespmem:s7+$0xF010] =	vst v1;
	v1 =	vld [tilespmem:s7+$0x9030]  }
0x32e: {  	[tilespmem:s7+$0xF810] =	vst v2;
	v2 =	vadd.f32 v5, v3;
	v5 =	vld [tilespmem:s7+$0x4030]  }
0x32f: {  	v7 =	vadd.f32 v8, v3;
	v8 =	vld [tilespmem:s7+$0x4830]  }
0x330: {  	[tilespmem:s7+$0xE020] =	vst v2;
	v2 =	vadd.f32 v6, v3;
	v6 =	vld [tilespmem:s7+$0x5030]  }
0x331: {  	[tilespmem:s7+$0xE820] =	vst v7;
	v3 =	vadd.f32 v4, v3;
	v4 =	vld [tilespmem:s7+$0x5830]  }
0x332: {  	[tilespmem:s7+$0xF020] =	vst v2;
	v2 =	vld [tilespmem:s7+$0x9040]  }
0x333: {  	[tilespmem:s7+$0xF820] =	vst v3;
	v3 =	vadd.f32 v5, v1;
	v5 =	vld [tilespmem:s7+$0x4040]  }
0x334: {  	v7 =	vadd.f32 v8, v1;
	v8 =	vld [tilespmem:s7+$0x4840]  }
0x335: {  	[tilespmem:s7+$0xE030] =	vst v3;
	v3 =	vadd.f32 v6, v1;
	v6 =	vld [tilespmem:s7+$0x5040]  }
0x336: {  	[tilespmem:s7+$0xE830] =	vst v7;
	v1 =	vadd.f32 v4, v1;
	v4 =	vld [tilespmem:s7+$0x5840]  }
0x337: {  	[tilespmem:s7+$0xF030] =	vst v3;
	v7 =	vld [tilespmem:s7+$0x9050]  }
0x338: {  	[tilespmem:s7+$0xF830] =	vst v1;
	v1 =	vadd.f32 v5, v2;
	v3 =	vld [tilespmem:s7+$0x4050]  }
0x339: {  	v5 =	vadd.f32 v8, v2;
	v8 =	vld [tilespmem:s7+$0x4850]  }
0x33a: {  	[tilespmem:s7+$0xE040] =	vst v1;
	v1 =	vadd.f32 v6, v2;
	v9 =	vld [tilespmem:s7+$0x5050]  }
0x33b: {  	[tilespmem:s7+$0xE840] =	vst v5;
	v2 =	vadd.f32 v4, v2;
	v4 =	vld [tilespmem:s7+$0x5850]  }
0x33c: {  	[tilespmem:s7+$0xF040] =	vst v1;
	v1 =	vld [tilespmem:s7+$0x9060]  }
0x33d: {  	[tilespmem:s7+$0xF840] =	vst v2;
	v2 =	vadd.f32 v3, v7;
	v5 =	vld [tilespmem:s7+$0x4060]  }
.Ltmp6:
0x33e: {  	v8 =	vadd.f32 v8, v7;
	v6 =	vld [tilespmem:s7+$0x4860];
	(pc) =	sbr.rel @p2 .LBB2_11-.Ltmp6, $4  }
0x33f: {  	[tilespmem:s7+$0xE050] =	vst v2;
	v2 =	vadd.f32 v9, v7;
	v3 =	vld [tilespmem:s7+$0x5060]  }
0x340: {  	[tilespmem:s7+$0xE850] =	vst v8;
	v7 =	vadd.f32 v4, v7;
	v4 =	vld [tilespmem:s7+$0x5860]  }
0x341: {  	[tilespmem:s7+$0xF050] =	vst v2;
	v2 =	vld [tilespmem:s7+$0x4070]  }
0x342: {  	s12 =	sadd.s32 $0x400, s12;
	[tilespmem:s7+$0xF850] =	vst v7;
	v7 =	vadd.f32 v5, v1;
	v5 =	vld [tilespmem:s7+$0x4870]  }
0x343: {  	v6 =	vadd.f32 v6, v1;
	v8 =	vld [tilespmem:s7+$0x5070]  }
0x344: {  	[tilespmem:s7+$0xE060] =	vst v7;
	v3 =	vadd.f32 v3, v1  }
0x345: {  	[tilespmem:s7+$0xE860] =	vst v6;
	v1 =	vadd.f32 v4, v1  }
0x346: {  	[tilespmem:s7+$0xF060] =	vst v3;
	v2 =	vadd.f32 v2, v0  }
0x347: {  	[tilespmem:s7+$0xF860] =	vst v1;
	v1 =	vadd.f32 v5, v0  }
0x348: {  	[tilespmem:s7+$0xE070] =	vst v2;
	v0 =	vadd.f32 v8, v0  }
0x349: {  	[tilespmem:s7+$0xE870] =	vst v1  }
0x34a: {  	[tilespmem:s7+$0xF070] =	vst v0  }
0x34b: {  	v0 =	vld [tilespmem:s23+$0x90F0]  }
0x34c: {  	v1 =	vld [tilespmem:s23+$0x58F0]  }
0x34d: {  	v2 =	vld [tilespmem:s23+$0x9080]  }
0x34e: {  	v3 =	vld [tilespmem:s23+$0x4080]  }
0x34f: {  	v4 =	vld [tilespmem:s23+$0x4880]  }
0x350: {  	v5 =	vld [tilespmem:s23+$0x5080]  }
0x351: {  	v6 =	vld [tilespmem:s23+$0x5880]  }
0x352: {  	v7 =	vld [tilespmem:s23+$0x9090]  }
0x353: {  	v8 =	vld [tilespmem:s23+$0x4090]  }
0x354: {  	v9 =	vld [tilespmem:s23+$0x4890]  }
0x355: {  	v10 =	vld [tilespmem:s23+$0x5090]  }
0x356: {  	v11 =	vld [tilespmem:s23+$0x5890]  }
0x357: {  	v12 =	vld [tilespmem:s23+$0x90A0];
	v1 =	vadd.f32 v1, v0  }
0x358: {  	v13 =	vld [tilespmem:s23+$0x40A0];
	v3 =	vadd.f32 v3, v2  }
0x359: {  	v60 =	vld [tilespmem:s23+$0x48B0];
	[tilespmem:s23+$0xF8F0] =	vst v1;
	v1 =	vadd.f32 v4, v2  }
0x35a: {  	v61 =	vld [tilespmem:s23+$0x58B0];
	[tilespmem:s23+$0xE080] =	vst v3;
	v3 =	vadd.f32 v5, v2  }
0x35b: {  	v4 =	vld [tilespmem:s23+$0x48A0];
	[tilespmem:s23+$0xE880] =	vst v1;
	v1 =	vadd.f32 v6, v2  }
0x35c: {  	v5 =	vld [tilespmem:s23+$0x50A0];
	[tilespmem:s23+$0xF080] =	vst v3;
	v3 =	vadd.f32 v8, v7  }
0x35d: {  	v2 =	vld [tilespmem:s23+$0x58A0];
	[tilespmem:s23+$0xF880] =	vst v1;
	v1 =	vadd.f32 v9, v7  }
0x35e: {  	v6 =	vld [tilespmem:s23+$0x90B0];
	[tilespmem:s23+$0xE090] =	vst v3;
	v3 =	vadd.f32 v10, v7  }
0x35f: {  	v8 =	vld [tilespmem:s23+$0x40B0];
	[tilespmem:s23+$0xE890] =	vst v1;
	v1 =	vadd.f32 v11, v7  }
0x360: {  	v62 =	vld [tilespmem:s23+$0x58C0];
	[tilespmem:s23+$0xF090] =	vst v3;
	v3 =	vadd.f32 v13, v12  }
0x361: {  	v7 =	vld [tilespmem:s23+$0x50B0];
	[tilespmem:s23+$0xF890] =	vst v1;
	v1 =	vadd.f32 v4, v12  }
0x362: {  	v4 =	vld [tilespmem:s23+$0x90C0];
	[tilespmem:s23+$0xE0A0] =	vst v3;
	v3 =	vadd.f32 v5, v12  }
0x363: {  	v5 =	vld [tilespmem:s23+$0x40C0];
	[tilespmem:s23+$0xE8A0] =	vst v1;
	v1 =	vadd.f32 v2, v12  }
0x364: {  	v2 =	vld [tilespmem:s23+$0x48C0];
	[tilespmem:s23+$0xF0A0] =	vst v3;
	v3 =	vadd.f32 v8, v6  }
0x365: {  	v8 =	vld [tilespmem:s23+$0x50C0];
	[tilespmem:s23+$0xF8A0] =	vst v1;
	v1 =	vadd.f32 v60, v6  }
0x366: {  	[tilespmem:s23+$0xE0B0] =	vst v3;
	v3 =	vadd.f32 v7, v6;
	v7 =	vld [tilespmem:s23+$0x90D0]  }
0x367: {  	[tilespmem:s23+$0xE8B0] =	vst v1;
	v1 =	vadd.f32 v61, v6;
	v6 =	vld [tilespmem:s23+$0x40D0]  }
0x368: {  	[tilespmem:s23+$0xF0B0] =	vst v3;
	v3 =	vadd.f32 v5, v4;
	v5 =	vld [tilespmem:s23+$0x48D0]  }
0x369: {  	[tilespmem:s23+$0xF8B0] =	vst v1;
	v1 =	vadd.f32 v2, v4;
	v2 =	vld [tilespmem:s23+$0x50D0]  }
0x36a: {  	[tilespmem:s23+$0xE0C0] =	vst v3;
	v3 =	vadd.f32 v8, v4;
	v8 =	vld [tilespmem:s23+$0x58D0]  }
0x36b: {  	v63 =	vld [tilespmem:s23+$0x40E0];
	v4 =	vadd.f32 v62, v4;
	[tilespmem:s23+$0xE8C0] =	vst v1  }
0x36c: {  	v1 =	vld [tilespmem:s23+$0x90E0];
	[tilespmem:s23+$0xF0C0] =	vst v3;
	v3 =	vadd.f32 v6, v7  }
0x36d: {  	[tilespmem:s23+$0xF8C0] =	vst v4;
	v4 =	vadd.f32 v5, v7;
	v6 =	vld [tilespmem:s23+$0x48E0]  }
0x36e: {  	[tilespmem:s23+$0xE0D0] =	vst v3;
	v2 =	vadd.f32 v2, v7;
	v3 =	vld [tilespmem:s23+$0x50E0]  }
0x36f: {  	[tilespmem:s23+$0xE8D0] =	vst v4;
	v5 =	vadd.f32 v8, v7;
	v4 =	vld [tilespmem:s23+$0x58E0]  }
0x370: {  	[tilespmem:s23+$0xF0D0] =	vst v2;
	v2 =	vld [tilespmem:s23+$0x40F0]  }
0x371: {  	s10 =	simm.s32 $0x400;
	s7 =	simm.s32 $0x0;
	[tilespmem:s23+$0xF8D0] =	vst v5;
	v7 =	vadd.f32 v63, v1;
	v5 =	vld [tilespmem:s23+$0x48F0]  }
.LBB2_13:
0x372: {  	s12 =	sshra.s32 s10, $0x2;
	v6 =	vadd.f32 v6, v1;
	v8 =	vld [tilespmem:s23+$0x50F0]  }
0x373: {  	s7 =	sadd.s32 $0x80, s7;
	v9 =	vld [tilespmem:s12+$0x90F0];
	[tilespmem:s23+$0xE0E0] =	vst v7;
	v3 =	vadd.f32 v3, v1  }
0x374: {  	p2 =	slt.u32 s7, $0x380;
	v7 =	vld [tilespmem:s12+$0x58F0];
	[tilespmem:s23+$0xE8E0] =	vst v6;
	v1 =	vadd.f32 v4, v1  }
0x375: {  	v4 =	vld [tilespmem:s12+$0x9080];
	[tilespmem:s23+$0xF0E0] =	vst v3;
	v2 =	vadd.f32 v2, v0  }
0x376: {  	v3 =	vld [tilespmem:s12+$0x4080];
	[tilespmem:s23+$0xF8E0] =	vst v1;
	v1 =	vadd.f32 v5, v0  }
0x377: {  	v5 =	vld [tilespmem:s12+$0x4880];
	[tilespmem:s23+$0xE0F0] =	vst v2;
	v2 =	vadd.f32 v8, v0  }
0x378: {  	v6 =	vld [tilespmem:s12+$0x5080];
	[tilespmem:s23+$0xE8F0] =	vst v1;
	v0 =	vmov v9  }
0x379: {  	v1 =	vld [tilespmem:s12+$0x5880];
	v7 =	vadd.f32 v7, v0;
	[tilespmem:s23+$0xF0F0] =	vst v2;
	s23 =	smov.u32 s12  }
0x37a: {  	v2 =	vld [tilespmem:s23+$0x9090]  }
0x37b: {  	v3 =	vadd.f32 v3, v4;
	v8 =	vld [tilespmem:s23+$0x4090];
	[tilespmem:s23+$0xF8F0] =	vst v7  }
0x37c: {  	v5 =	vadd.f32 v5, v4;
	v7 =	vld [tilespmem:s23+$0x4890]  }
0x37d: {  	[tilespmem:s23+$0xE080] =	vst v3;
	v3 =	vadd.f32 v6, v4;
	v6 =	vld [tilespmem:s23+$0x5090]  }
0x37e: {  	[tilespmem:s23+$0xE880] =	vst v5;
	v1 =	vadd.f32 v1, v4;
	v4 =	vld [tilespmem:s23+$0x5890]  }
0x37f: {  	[tilespmem:s23+$0xF080] =	vst v3;
	v3 =	vld [tilespmem:s23+$0x90A0]  }
0x380: {  	[tilespmem:s23+$0xF880] =	vst v1;
	v1 =	vadd.f32 v8, v2;
	v5 =	vld [tilespmem:s23+$0x40A0]  }
0x381: {  	v7 =	vadd.f32 v7, v2;
	v8 =	vld [tilespmem:s23+$0x48A0]  }
0x382: {  	[tilespmem:s23+$0xE090] =	vst v1;
	v1 =	vadd.f32 v6, v2;
	v6 =	vld [tilespmem:s23+$0x50A0]  }
0x383: {  	[tilespmem:s23+$0xE890] =	vst v7;
	v2 =	vadd.f32 v4, v2;
	v4 =	vld [tilespmem:s23+$0x58A0]  }
0x384: {  	[tilespmem:s23+$0xF090] =	vst v1;
	v1 =	vld [tilespmem:s23+$0x90B0]  }
0x385: {  	[tilespmem:s23+$0xF890] =	vst v2;
	v2 =	vadd.f32 v5, v3;
	v5 =	vld [tilespmem:s23+$0x40B0]  }
0x386: {  	v7 =	vadd.f32 v8, v3;
	v8 =	vld [tilespmem:s23+$0x48B0]  }
0x387: {  	[tilespmem:s23+$0xE0A0] =	vst v2;
	v2 =	vadd.f32 v6, v3;
	v6 =	vld [tilespmem:s23+$0x50B0]  }
0x388: {  	[tilespmem:s23+$0xE8A0] =	vst v7;
	v3 =	vadd.f32 v4, v3;
	v4 =	vld [tilespmem:s23+$0x58B0]  }
0x389: {  	[tilespmem:s23+$0xF0A0] =	vst v2;
	v2 =	vld [tilespmem:s23+$0x90C0]  }
0x38a: {  	[tilespmem:s23+$0xF8A0] =	vst v3;
	v3 =	vadd.f32 v5, v1;
	v5 =	vld [tilespmem:s23+$0x40C0]  }
0x38b: {  	v7 =	vadd.f32 v8, v1;
	v8 =	vld [tilespmem:s23+$0x48C0]  }
0x38c: {  	[tilespmem:s23+$0xE0B0] =	vst v3;
	v3 =	vadd.f32 v6, v1;
	v6 =	vld [tilespmem:s23+$0x50C0]  }
0x38d: {  	[tilespmem:s23+$0xE8B0] =	vst v7;
	v1 =	vadd.f32 v4, v1;
	v4 =	vld [tilespmem:s23+$0x58C0]  }
0x38e: {  	[tilespmem:s23+$0xF0B0] =	vst v3;
	v7 =	vld [tilespmem:s23+$0x90D0]  }
0x38f: {  	[tilespmem:s23+$0xF8B0] =	vst v1;
	v1 =	vadd.f32 v5, v2;
	v3 =	vld [tilespmem:s23+$0x40D0]  }
0x390: {  	v5 =	vadd.f32 v8, v2;
	v8 =	vld [tilespmem:s23+$0x48D0]  }
0x391: {  	[tilespmem:s23+$0xE0C0] =	vst v1;
	v1 =	vadd.f32 v6, v2;
	v9 =	vld [tilespmem:s23+$0x50D0]  }
0x392: {  	[tilespmem:s23+$0xE8C0] =	vst v5;
	v2 =	vadd.f32 v4, v2;
	v4 =	vld [tilespmem:s23+$0x58D0]  }
0x393: {  	[tilespmem:s23+$0xF0C0] =	vst v1;
	v1 =	vld [tilespmem:s23+$0x90E0]  }
0x394: {  	[tilespmem:s23+$0xF8C0] =	vst v2;
	v2 =	vadd.f32 v3, v7;
	v5 =	vld [tilespmem:s23+$0x40E0]  }
.Ltmp7:
0x395: {  	v8 =	vadd.f32 v8, v7;
	v6 =	vld [tilespmem:s23+$0x48E0];
	(pc) =	sbr.rel @p2 .LBB2_13-.Ltmp7, $4  }
0x396: {  	[tilespmem:s23+$0xE0D0] =	vst v2;
	v2 =	vadd.f32 v9, v7;
	v3 =	vld [tilespmem:s23+$0x50E0]  }
0x397: {  	[tilespmem:s23+$0xE8D0] =	vst v8;
	v7 =	vadd.f32 v4, v7;
	v4 =	vld [tilespmem:s23+$0x58E0]  }
0x398: {  	[tilespmem:s23+$0xF0D0] =	vst v2;
	v2 =	vld [tilespmem:s23+$0x40F0]  }
0x399: {  	s10 =	sadd.s32 $0x400, s10;
	[tilespmem:s23+$0xF8D0] =	vst v7;
	v7 =	vadd.f32 v5, v1;
	v5 =	vld [tilespmem:s23+$0x48F0]  }
0x39a: {  	v6 =	vadd.f32 v6, v1;
	v8 =	vld [tilespmem:s23+$0x50F0]  }
0x39b: {  	[tilespmem:s23+$0xE0E0] =	vst v7;
	v3 =	vadd.f32 v3, v1  }
0x39c: {  	[tilespmem:s23+$0xE8E0] =	vst v6;
	v1 =	vadd.f32 v4, v1  }
0x39d: {  	[tilespmem:s23+$0xF0E0] =	vst v3;
	v2 =	vadd.f32 v2, v0  }
0x39e: {  	[tilespmem:s23+$0xF8E0] =	vst v1;
	v1 =	vadd.f32 v5, v0  }
0x39f: {  	[tilespmem:s23+$0xE0F0] =	vst v2;
	v0 =	vadd.f32 v8, v0  }
0x3a0: {  	[tilespmem:s23+$0xE8F0] =	vst v1  }
0x3a1: {  	s7 =	sadd.s32 s22, s2;
	s10 =	simm.s32 $0xE000;
	s13 =	sor.u32 $0x100040, s22;
	[tilespmem:s23+$0xF0F0] =	vst v0  }
0x3a2: {  	[hbm4b:s7+s8] =	stream.strided.scatter [tilespmem:s10], [sflag:$0x7], $0x800, s9, s8, $0x38;
	[tilespmem:$0x12000] =	vst v63  }
0x3a3: {  	s14 =	simm.s32 $0xE800;
	s23 =	sor.u32 $0x200040, s22;
	s7 =	sadd.s32 s4, s13  }
0x3a4: {  	[hbm4b:s7+s8] =	stream.strided.scatter [tilespmem:s14], [sflag:$0x7], $0x800, s9, s8, $0x38;
	[tilespmem:$0x12000] =	vst v63  }
0x3a5: {  	s25 =	simm.s32 $0xF000;
	s28 =	sor.u32 $0x300040, s22;
	s7 =	sadd.s32 s4, s23  }
0x3a6: {  	[hbm4b:s7+s8] =	stream.strided.scatter [tilespmem:s25], [sflag:$0x7], $0x800, s9, s8, $0x38;
	[tilespmem:$0x12000] =	vst v63  }
0x3a7: {  	s29 =	simm.s32 $0xF800;
	s7 =	sadd.s32 s4, s28  }
0x3a8: {  	[hbm4b:s7+s8] =	stream.strided.scatter [tilespmem:s29], [sflag:$0x7], $0x800, s9, s8, $0x38;
	[tilespmem:$0x12000] =	vst v63  }
0x3a9: {  	s12 =	simm.s32 @!p1 $0x100;
	s7 =	sor.u32 @!p1 $0x40, s19  }
0x3aa: {  	s13 =	simm.s32 @!p1 $0x400;
	s14 =	simm.s32 @!p1 $0x9000;
	s10 =	sadd.s32 @!p1 s3, s7  }
0x3ab: {  	[tilespmem:s14], [sflag:$0x3] =	stream.strided.gather @!p1 [hbm4b:s10+s12], $0x800, s13, s12, $0x38;
	[tilespmem:$0x12000] =	vst v63  }
0x3ac: {  	s7 =	sadd.s32 @!p1 s1, s7;
	s10 =	simm.s32 @!p1 $0x4000  }
0x3ad: {  	[tilespmem:s10], [sflag:$0x3] =	stream.strided.gather @!p1 [hbm4b:s7+s12], $0x800, s13, s12, $0x38;
	[tilespmem:$0x12000] =	vst v63  }
0x3ae: {  	s7 =	sadd.s32 @!p1 $0x100040, s21;
	s10 =	simm.s32 @!p1 $0x4800  }
0x3af: {  	[tilespmem:s10], [sflag:$0x3] =	stream.strided.gather @!p1 [hbm4b:s7+s12], $0x800, s13, s12, $0x38;
	[tilespmem:$0x12000] =	vst v63  }
0x3b0: {  	s7 =	sor.u32 @!p1 $0x200040, s19  }
0x3b1: {  	s10 =	simm.s32 @!p1 $0x5000;
	s7 =	sadd.s32 @!p1 s1, s7  }
0x3b2: {  	[tilespmem:s10], [sflag:$0x3] =	stream.strided.gather @!p1 [hbm4b:s7+s12], $0x800, s13, s12, $0x38;
	[tilespmem:$0x12000] =	vst v63  }
0x3b3: {  	s7 =	sadd.s32 @!p1 $0x300040, s21;
	s10 =	simm.s32 @!p1 $0x5800  }
0x3b4: {  	[tilespmem:s10], [sflag:$0x3] =	stream.strided.gather @!p1 [hbm4b:s7+s12], $0x800, s13, s12, $0x38;
	[tilespmem:$0x12000] =	vst v63  }
0x3b5: {  	_ =	swait.ge [sflag:s11], $0x800  }
0x3b6: {  	[sflag:s11] =	ssyncset.done $0x0  }
0x3b7: {  	[sflag:s11] =	ssyncadd.s32 $0xFFFFF800  }
0x3b8: {  	_ =	swait.ge [sflag:s11], $0x800  }
0x3b9: {  	[sflag:s11] =	ssyncset.done $0x0  }
0x3ba: {  	[sflag:s11] =	ssyncadd.s32 $0xFFFFF800  }
0x3bb: {  	_ =	swait.ge [sflag:s11], $0x800  }
0x3bc: {  	[sflag:s11] =	ssyncset.done $0x0  }
0x3bd: {  	[sflag:s11] =	ssyncadd.s32 $0xFFFFF800  }
0x3be: {  	_ =	swait.ge [sflag:s11], $0x800  }
0x3bf: {  	[sflag:s11] =	ssyncset.done $0x0  }
0x3c0: {  	[sflag:s11] =	ssyncadd.s32 $0xFFFFF800  }
0x3c1: {  	_ =	swait.ge [sflag:s11], $0x800  }
0x3c2: {  	[sflag:s11] =	ssyncset.done $0x0  }
0x3c3: {  	s7 =	simm.s32 @!p0 $0x8;
	[sflag:s11] =	ssyncadd.s32 $0xFFFFF800  }
0x3c4: {  	_ =	swait.ge @!p0 [sflag:s7], $0x800  }
0x3c5: {  	[sflag:s7] =	ssyncset.done @!p0 $0x0  }
0x3c6: {  	[sflag:s7] =	ssyncadd.s32 @!p0 $0xFFFFF800  }
0x3c7: {  	_ =	swait.ge @!p0 [sflag:s7], $0x800  }
0x3c8: {  	[sflag:s7] =	ssyncset.done @!p0 $0x0  }
0x3c9: {  	[sflag:s7] =	ssyncadd.s32 @!p0 $0xFFFFF800  }
0x3ca: {  	_ =	swait.ge @!p0 [sflag:s7], $0x800  }
0x3cb: {  	[sflag:s7] =	ssyncset.done @!p0 $0x0  }
0x3cc: {  	[sflag:s7] =	ssyncadd.s32 @!p0 $0xFFFFF800  }
0x3cd: {  	_ =	swait.ge @!p0 [sflag:s7], $0x800  }
0x3ce: {  	[sflag:s7] =	ssyncset.done @!p0 $0x0  }
0x3cf: {  	s19 =	simm.s32 $0x0;
	[sflag:s7] =	ssyncadd.s32 @!p0 $0xFFFFF800  }
0x3d0: {  	v0 =	vld [tilespmem:s19+$0x9870]  }
0x3d1: {  	v1 =	vld [tilespmem:s19+$0x7870]  }
0x3d2: {  	v2 =	vld [tilespmem:s19+$0x9800]  }
0x3d3: {  	v3 =	vld [tilespmem:s19+$0x6000]  }
0x3d4: {  	v4 =	vld [tilespmem:s19+$0x6800]  }
0x3d5: {  	v5 =	vld [tilespmem:s19+$0x7000]  }
0x3d6: {  	v6 =	vld [tilespmem:s19+$0x7800]  }
0x3d7: {  	v7 =	vld [tilespmem:s19+$0x9810]  }
0x3d8: {  	v8 =	vld [tilespmem:s19+$0x6010]  }
0x3d9: {  	v9 =	vld [tilespmem:s19+$0x6810]  }
0x3da: {  	v10 =	vld [tilespmem:s19+$0x7010]  }
0x3db: {  	v11 =	vld [tilespmem:s19+$0x7810]  }
0x3dc: {  	v12 =	vld [tilespmem:s19+$0x9820];
	v1 =	vadd.f32 v1, v0  }
0x3dd: {  	v13 =	vld [tilespmem:s19+$0x6020];
	v3 =	vadd.f32 v3, v2  }
0x3de: {  	v60 =	vld [tilespmem:s19+$0x6830];
	[tilespmem:s19+$0x11870] =	vst v1;
	v1 =	vadd.f32 v4, v2  }
0x3df: {  	v61 =	vld [tilespmem:s19+$0x7830];
	[tilespmem:s19+$0x10000] =	vst v3;
	v3 =	vadd.f32 v5, v2  }
0x3e0: {  	v4 =	vld [tilespmem:s19+$0x6820];
	[tilespmem:s19+$0x10800] =	vst v1;
	v1 =	vadd.f32 v6, v2  }
0x3e1: {  	v5 =	vld [tilespmem:s19+$0x7020];
	[tilespmem:s19+$0x11000] =	vst v3;
	v3 =	vadd.f32 v8, v7  }
0x3e2: {  	v2 =	vld [tilespmem:s19+$0x7820];
	[tilespmem:s19+$0x11800] =	vst v1;
	v1 =	vadd.f32 v9, v7  }
0x3e3: {  	v6 =	vld [tilespmem:s19+$0x9830];
	[tilespmem:s19+$0x10010] =	vst v3;
	v3 =	vadd.f32 v10, v7  }
0x3e4: {  	v8 =	vld [tilespmem:s19+$0x6030];
	[tilespmem:s19+$0x10810] =	vst v1;
	v1 =	vadd.f32 v11, v7  }
0x3e5: {  	v62 =	vld [tilespmem:s19+$0x7840];
	[tilespmem:s19+$0x11010] =	vst v3;
	v3 =	vadd.f32 v13, v12  }
0x3e6: {  	v7 =	vld [tilespmem:s19+$0x7030];
	[tilespmem:s19+$0x11810] =	vst v1;
	v1 =	vadd.f32 v4, v12  }
0x3e7: {  	v4 =	vld [tilespmem:s19+$0x9840];
	[tilespmem:s19+$0x10020] =	vst v3;
	v3 =	vadd.f32 v5, v12  }
0x3e8: {  	v5 =	vld [tilespmem:s19+$0x6040];
	[tilespmem:s19+$0x10820] =	vst v1;
	v1 =	vadd.f32 v2, v12  }
0x3e9: {  	v2 =	vld [tilespmem:s19+$0x6840];
	[tilespmem:s19+$0x11020] =	vst v3;
	v3 =	vadd.f32 v8, v6  }
0x3ea: {  	v8 =	vld [tilespmem:s19+$0x7040];
	[tilespmem:s19+$0x11820] =	vst v1;
	v1 =	vadd.f32 v60, v6  }
0x3eb: {  	[tilespmem:s19+$0x10030] =	vst v3;
	v3 =	vadd.f32 v7, v6;
	v7 =	vld [tilespmem:s19+$0x9850]  }
0x3ec: {  	[tilespmem:s19+$0x10830] =	vst v1;
	v1 =	vadd.f32 v61, v6;
	v6 =	vld [tilespmem:s19+$0x6050]  }
0x3ed: {  	[tilespmem:s19+$0x11030] =	vst v3;
	v3 =	vadd.f32 v5, v4;
	v5 =	vld [tilespmem:s19+$0x6850]  }
0x3ee: {  	[tilespmem:s19+$0x11830] =	vst v1;
	v1 =	vadd.f32 v2, v4;
	v2 =	vld [tilespmem:s19+$0x7050]  }
0x3ef: {  	[tilespmem:s19+$0x10040] =	vst v3;
	v3 =	vadd.f32 v8, v4;
	v8 =	vld [tilespmem:s19+$0x7850]  }
0x3f0: {  	v63 =	vld [tilespmem:s19+$0x6060];
	v4 =	vadd.f32 v62, v4;
	[tilespmem:s19+$0x10840] =	vst v1  }
0x3f1: {  	v1 =	vld [tilespmem:s19+$0x9860];
	[tilespmem:s19+$0x11040] =	vst v3;
	v3 =	vadd.f32 v6, v7  }
0x3f2: {  	[tilespmem:s19+$0x11840] =	vst v4;
	v4 =	vadd.f32 v5, v7;
	v6 =	vld [tilespmem:s19+$0x6860]  }
0x3f3: {  	[tilespmem:s19+$0x10050] =	vst v3;
	v2 =	vadd.f32 v2, v7;
	v3 =	vld [tilespmem:s19+$0x7060]  }
0x3f4: {  	[tilespmem:s19+$0x10850] =	vst v4;
	v5 =	vadd.f32 v8, v7;
	v4 =	vld [tilespmem:s19+$0x7860]  }
0x3f5: {  	[tilespmem:s19+$0x11050] =	vst v2;
	v2 =	vld [tilespmem:s19+$0x6070]  }
0x3f6: {  	s10 =	simm.s32 $0x0;
	s12 =	simm.s32 $0x400;
	s7 =	simm.s32 $0x0;
	[tilespmem:s19+$0x11850] =	vst v5;
	v7 =	vadd.f32 v63, v1;
	v5 =	vld [tilespmem:s19+$0x6870]  }
.LBB2_15:
0x3f7: {  	s13 =	sshra.s32 s12, $0x2;
	v6 =	vadd.f32 v6, v1;
	v8 =	vld [tilespmem:s7+$0x7070]  }
0x3f8: {  	s10 =	sadd.s32 $0x80, s10;
	v9 =	vld [tilespmem:s13+$0x9870];
	[tilespmem:s7+$0x10060] =	vst v7;
	v3 =	vadd.f32 v3, v1  }
0x3f9: {  	p0 =	slt.u32 s10, $0x380;
	v7 =	vld [tilespmem:s13+$0x7870];
	[tilespmem:s7+$0x10860] =	vst v6;
	v1 =	vadd.f32 v4, v1  }
0x3fa: {  	v4 =	vld [tilespmem:s13+$0x9800];
	[tilespmem:s7+$0x11060] =	vst v3;
	v2 =	vadd.f32 v2, v0  }
0x3fb: {  	v3 =	vld [tilespmem:s13+$0x6000];
	[tilespmem:s7+$0x11860] =	vst v1;
	v1 =	vadd.f32 v5, v0  }
0x3fc: {  	v5 =	vld [tilespmem:s13+$0x6800];
	[tilespmem:s7+$0x10070] =	vst v2;
	v2 =	vadd.f32 v8, v0  }
0x3fd: {  	v6 =	vld [tilespmem:s13+$0x7000];
	[tilespmem:s7+$0x10870] =	vst v1;
	v0 =	vmov v9  }
0x3fe: {  	v1 =	vld [tilespmem:s13+$0x7800];
	v7 =	vadd.f32 v7, v0;
	[tilespmem:s7+$0x11070] =	vst v2;
	s7 =	smov.u32 s13  }
0x3ff: {  	v2 =	vld [tilespmem:s7+$0x9810]  }
0x400: {  	v3 =	vadd.f32 v3, v4;
	v8 =	vld [tilespmem:s7+$0x6010];
	[tilespmem:s7+$0x11870] =	vst v7  }
0x401: {  	v5 =	vadd.f32 v5, v4;
	v7 =	vld [tilespmem:s7+$0x6810]  }
0x402: {  	[tilespmem:s7+$0x10000] =	vst v3;
	v3 =	vadd.f32 v6, v4;
	v6 =	vld [tilespmem:s7+$0x7010]  }
0x403: {  	[tilespmem:s7+$0x10800] =	vst v5;
	v1 =	vadd.f32 v1, v4;
	v4 =	vld [tilespmem:s7+$0x7810]  }
0x404: {  	[tilespmem:s7+$0x11000] =	vst v3;
	v3 =	vld [tilespmem:s7+$0x9820]  }
0x405: {  	[tilespmem:s7+$0x11800] =	vst v1;
	v1 =	vadd.f32 v8, v2;
	v5 =	vld [tilespmem:s7+$0x6020]  }
0x406: {  	v7 =	vadd.f32 v7, v2;
	v8 =	vld [tilespmem:s7+$0x6820]  }
0x407: {  	[tilespmem:s7+$0x10010] =	vst v1;
	v1 =	vadd.f32 v6, v2;
	v6 =	vld [tilespmem:s7+$0x7020]  }
0x408: {  	[tilespmem:s7+$0x10810] =	vst v7;
	v2 =	vadd.f32 v4, v2;
	v4 =	vld [tilespmem:s7+$0x7820]  }
0x409: {  	[tilespmem:s7+$0x11010] =	vst v1;
	v1 =	vld [tilespmem:s7+$0x9830]  }
0x40a: {  	[tilespmem:s7+$0x11810] =	vst v2;
	v2 =	vadd.f32 v5, v3;
	v5 =	vld [tilespmem:s7+$0x6030]  }
0x40b: {  	v7 =	vadd.f32 v8, v3;
	v8 =	vld [tilespmem:s7+$0x6830]  }
0x40c: {  	[tilespmem:s7+$0x10020] =	vst v2;
	v2 =	vadd.f32 v6, v3;
	v6 =	vld [tilespmem:s7+$0x7030]  }
0x40d: {  	[tilespmem:s7+$0x10820] =	vst v7;
	v3 =	vadd.f32 v4, v3;
	v4 =	vld [tilespmem:s7+$0x7830]  }
0x40e: {  	[tilespmem:s7+$0x11020] =	vst v2;
	v2 =	vld [tilespmem:s7+$0x9840]  }
0x40f: {  	[tilespmem:s7+$0x11820] =	vst v3;
	v3 =	vadd.f32 v5, v1;
	v5 =	vld [tilespmem:s7+$0x6040]  }
0x410: {  	v7 =	vadd.f32 v8, v1;
	v8 =	vld [tilespmem:s7+$0x6840]  }
0x411: {  	[tilespmem:s7+$0x10030] =	vst v3;
	v3 =	vadd.f32 v6, v1;
	v6 =	vld [tilespmem:s7+$0x7040]  }
0x412: {  	[tilespmem:s7+$0x10830] =	vst v7;
	v1 =	vadd.f32 v4, v1;
	v4 =	vld [tilespmem:s7+$0x7840]  }
0x413: {  	[tilespmem:s7+$0x11030] =	vst v3;
	v7 =	vld [tilespmem:s7+$0x9850]  }
0x414: {  	[tilespmem:s7+$0x11830] =	vst v1;
	v1 =	vadd.f32 v5, v2;
	v3 =	vld [tilespmem:s7+$0x6050]  }
0x415: {  	v5 =	vadd.f32 v8, v2;
	v8 =	vld [tilespmem:s7+$0x6850]  }
0x416: {  	[tilespmem:s7+$0x10040] =	vst v1;
	v1 =	vadd.f32 v6, v2;
	v9 =	vld [tilespmem:s7+$0x7050]  }
0x417: {  	[tilespmem:s7+$0x10840] =	vst v5;
	v2 =	vadd.f32 v4, v2;
	v4 =	vld [tilespmem:s7+$0x7850]  }
0x418: {  	[tilespmem:s7+$0x11040] =	vst v1;
	v1 =	vld [tilespmem:s7+$0x9860]  }
0x419: {  	[tilespmem:s7+$0x11840] =	vst v2;
	v2 =	vadd.f32 v3, v7;
	v5 =	vld [tilespmem:s7+$0x6060]  }
.Ltmp8:
0x41a: {  	v8 =	vadd.f32 v8, v7;
	v6 =	vld [tilespmem:s7+$0x6860];
	(pc) =	sbr.rel @p0 .LBB2_15-.Ltmp8, $4  }
0x41b: {  	[tilespmem:s7+$0x10050] =	vst v2;
	v2 =	vadd.f32 v9, v7;
	v3 =	vld [tilespmem:s7+$0x7060]  }
0x41c: {  	[tilespmem:s7+$0x10850] =	vst v8;
	v7 =	vadd.f32 v4, v7;
	v4 =	vld [tilespmem:s7+$0x7860]  }
0x41d: {  	[tilespmem:s7+$0x11050] =	vst v2;
	v2 =	vld [tilespmem:s7+$0x6070]  }
0x41e: {  	s12 =	sadd.s32 $0x400, s12;
	[tilespmem:s7+$0x11850] =	vst v7;
	v7 =	vadd.f32 v5, v1;
	v5 =	vld [tilespmem:s7+$0x6870]  }
0x41f: {  	v6 =	vadd.f32 v6, v1;
	v8 =	vld [tilespmem:s7+$0x7070]  }
0x420: {  	[tilespmem:s7+$0x10060] =	vst v7;
	v3 =	vadd.f32 v3, v1  }
0x421: {  	[tilespmem:s7+$0x10860] =	vst v6;
	v1 =	vadd.f32 v4, v1  }
0x422: {  	[tilespmem:s7+$0x11060] =	vst v3;
	v2 =	vadd.f32 v2, v0  }
0x423: {  	[tilespmem:s7+$0x11860] =	vst v1;
	v1 =	vadd.f32 v5, v0  }
0x424: {  	[tilespmem:s7+$0x10070] =	vst v2;
	v0 =	vadd.f32 v8, v0  }
0x425: {  	[tilespmem:s7+$0x10870] =	vst v1  }
0x426: {  	[tilespmem:s7+$0x11070] =	vst v0  }
0x427: {  	v0 =	vld [tilespmem:s19+$0x98F0]  }
0x428: {  	v1 =	vld [tilespmem:s19+$0x78F0]  }
0x429: {  	v2 =	vld [tilespmem:s19+$0x9880]  }
0x42a: {  	v3 =	vld [tilespmem:s19+$0x6080]  }
0x42b: {  	v4 =	vld [tilespmem:s19+$0x6880]  }
0x42c: {  	v5 =	vld [tilespmem:s19+$0x7080]  }
0x42d: {  	v6 =	vld [tilespmem:s19+$0x7880]  }
0x42e: {  	v7 =	vld [tilespmem:s19+$0x9890]  }
0x42f: {  	v8 =	vld [tilespmem:s19+$0x6090]  }
0x430: {  	v9 =	vld [tilespmem:s19+$0x6890]  }
0x431: {  	v10 =	vld [tilespmem:s19+$0x7090]  }
0x432: {  	v11 =	vld [tilespmem:s19+$0x7890]  }
0x433: {  	v12 =	vld [tilespmem:s19+$0x98A0];
	v1 =	vadd.f32 v1, v0  }
0x434: {  	v13 =	vld [tilespmem:s19+$0x60A0];
	v3 =	vadd.f32 v3, v2  }
0x435: {  	v60 =	vld [tilespmem:s19+$0x68B0];
	[tilespmem:s19+$0x118F0] =	vst v1;
	v1 =	vadd.f32 v4, v2  }
0x436: {  	v61 =	vld [tilespmem:s19+$0x78B0];
	[tilespmem:s19+$0x10080] =	vst v3;
	v3 =	vadd.f32 v5, v2  }
0x437: {  	v4 =	vld [tilespmem:s19+$0x68A0];
	[tilespmem:s19+$0x10880] =	vst v1;
	v1 =	vadd.f32 v6, v2  }
0x438: {  	v5 =	vld [tilespmem:s19+$0x70A0];
	[tilespmem:s19+$0x11080] =	vst v3;
	v3 =	vadd.f32 v8, v7  }
0x439: {  	v2 =	vld [tilespmem:s19+$0x78A0];
	[tilespmem:s19+$0x11880] =	vst v1;
	v1 =	vadd.f32 v9, v7  }
0x43a: {  	v6 =	vld [tilespmem:s19+$0x98B0];
	[tilespmem:s19+$0x10090] =	vst v3;
	v3 =	vadd.f32 v10, v7  }
0x43b: {  	v8 =	vld [tilespmem:s19+$0x60B0];
	[tilespmem:s19+$0x10890] =	vst v1;
	v1 =	vadd.f32 v11, v7  }
0x43c: {  	v62 =	vld [tilespmem:s19+$0x78C0];
	[tilespmem:s19+$0x11090] =	vst v3;
	v3 =	vadd.f32 v13, v12  }
0x43d: {  	v7 =	vld [tilespmem:s19+$0x70B0];
	[tilespmem:s19+$0x11890] =	vst v1;
	v1 =	vadd.f32 v4, v12  }
0x43e: {  	v4 =	vld [tilespmem:s19+$0x98C0];
	[tilespmem:s19+$0x100A0] =	vst v3;
	v3 =	vadd.f32 v5, v12  }
0x43f: {  	v5 =	vld [tilespmem:s19+$0x60C0];
	[tilespmem:s19+$0x108A0] =	vst v1;
	v1 =	vadd.f32 v2, v12  }
0x440: {  	v2 =	vld [tilespmem:s19+$0x68C0];
	[tilespmem:s19+$0x110A0] =	vst v3;
	v3 =	vadd.f32 v8, v6  }
0x441: {  	v8 =	vld [tilespmem:s19+$0x70C0];
	[tilespmem:s19+$0x118A0] =	vst v1;
	v1 =	vadd.f32 v60, v6  }
0x442: {  	[tilespmem:s19+$0x100B0] =	vst v3;
	v3 =	vadd.f32 v7, v6;
	v7 =	vld [tilespmem:s19+$0x98D0]  }
0x443: {  	[tilespmem:s19+$0x108B0] =	vst v1;
	v1 =	vadd.f32 v61, v6;
	v6 =	vld [tilespmem:s19+$0x60D0]  }
0x444: {  	[tilespmem:s19+$0x110B0] =	vst v3;
	v3 =	vadd.f32 v5, v4;
	v5 =	vld [tilespmem:s19+$0x68D0]  }
0x445: {  	[tilespmem:s19+$0x118B0] =	vst v1;
	v1 =	vadd.f32 v2, v4;
	v2 =	vld [tilespmem:s19+$0x70D0]  }
0x446: {  	[tilespmem:s19+$0x100C0] =	vst v3;
	v3 =	vadd.f32 v8, v4;
	v8 =	vld [tilespmem:s19+$0x78D0]  }
0x447: {  	v63 =	vld [tilespmem:s19+$0x60E0];
	v4 =	vadd.f32 v62, v4;
	[tilespmem:s19+$0x108C0] =	vst v1  }
0x448: {  	v1 =	vld [tilespmem:s19+$0x98E0];
	[tilespmem:s19+$0x110C0] =	vst v3;
	v3 =	vadd.f32 v6, v7  }
0x449: {  	[tilespmem:s19+$0x118C0] =	vst v4;
	v4 =	vadd.f32 v5, v7;
	v6 =	vld [tilespmem:s19+$0x68E0]  }
0x44a: {  	[tilespmem:s19+$0x100D0] =	vst v3;
	v2 =	vadd.f32 v2, v7;
	v3 =	vld [tilespmem:s19+$0x70E0]  }
0x44b: {  	[tilespmem:s19+$0x108D0] =	vst v4;
	v5 =	vadd.f32 v8, v7;
	v4 =	vld [tilespmem:s19+$0x78E0]  }
0x44c: {  	[tilespmem:s19+$0x110D0] =	vst v2;
	v2 =	vld [tilespmem:s19+$0x60F0]  }
0x44d: {  	s10 =	simm.s32 $0x400;
	s7 =	simm.s32 $0x0;
	[tilespmem:s19+$0x118D0] =	vst v5;
	v7 =	vadd.f32 v63, v1;
	v5 =	vld [tilespmem:s19+$0x68F0]  }
.LBB2_17:
0x44e: {  	s12 =	sshra.s32 s10, $0x2;
	v6 =	vadd.f32 v6, v1;
	v8 =	vld [tilespmem:s19+$0x70F0]  }
0x44f: {  	s7 =	sadd.s32 $0x80, s7;
	v9 =	vld [tilespmem:s12+$0x98F0];
	[tilespmem:s19+$0x100E0] =	vst v7;
	v3 =	vadd.f32 v3, v1  }
0x450: {  	p0 =	slt.u32 s7, $0x380;
	v7 =	vld [tilespmem:s12+$0x78F0];
	[tilespmem:s19+$0x108E0] =	vst v6;
	v1 =	vadd.f32 v4, v1  }
0x451: {  	v4 =	vld [tilespmem:s12+$0x9880];
	[tilespmem:s19+$0x110E0] =	vst v3;
	v2 =	vadd.f32 v2, v0  }
0x452: {  	v3 =	vld [tilespmem:s12+$0x6080];
	[tilespmem:s19+$0x118E0] =	vst v1;
	v1 =	vadd.f32 v5, v0  }
0x453: {  	v5 =	vld [tilespmem:s12+$0x6880];
	[tilespmem:s19+$0x100F0] =	vst v2;
	v2 =	vadd.f32 v8, v0  }
0x454: {  	v6 =	vld [tilespmem:s12+$0x7080];
	[tilespmem:s19+$0x108F0] =	vst v1;
	v0 =	vmov v9  }
0x455: {  	v1 =	vld [tilespmem:s12+$0x7880];
	v7 =	vadd.f32 v7, v0;
	[tilespmem:s19+$0x110F0] =	vst v2;
	s19 =	smov.u32 s12  }
0x456: {  	v2 =	vld [tilespmem:s19+$0x9890]  }
0x457: {  	v3 =	vadd.f32 v3, v4;
	v8 =	vld [tilespmem:s19+$0x6090];
	[tilespmem:s19+$0x118F0] =	vst v7  }
0x458: {  	v5 =	vadd.f32 v5, v4;
	v7 =	vld [tilespmem:s19+$0x6890]  }
0x459: {  	[tilespmem:s19+$0x10080] =	vst v3;
	v3 =	vadd.f32 v6, v4;
	v6 =	vld [tilespmem:s19+$0x7090]  }
0x45a: {  	[tilespmem:s19+$0x10880] =	vst v5;
	v1 =	vadd.f32 v1, v4;
	v4 =	vld [tilespmem:s19+$0x7890]  }
0x45b: {  	[tilespmem:s19+$0x11080] =	vst v3;
	v3 =	vld [tilespmem:s19+$0x98A0]  }
0x45c: {  	[tilespmem:s19+$0x11880] =	vst v1;
	v1 =	vadd.f32 v8, v2;
	v5 =	vld [tilespmem:s19+$0x60A0]  }
0x45d: {  	v7 =	vadd.f32 v7, v2;
	v8 =	vld [tilespmem:s19+$0x68A0]  }
0x45e: {  	[tilespmem:s19+$0x10090] =	vst v1;
	v1 =	vadd.f32 v6, v2;
	v6 =	vld [tilespmem:s19+$0x70A0]  }
0x45f: {  	[tilespmem:s19+$0x10890] =	vst v7;
	v2 =	vadd.f32 v4, v2;
	v4 =	vld [tilespmem:s19+$0x78A0]  }
0x460: {  	[tilespmem:s19+$0x11090] =	vst v1;
	v1 =	vld [tilespmem:s19+$0x98B0]  }
0x461: {  	[tilespmem:s19+$0x11890] =	vst v2;
	v2 =	vadd.f32 v5, v3;
	v5 =	vld [tilespmem:s19+$0x60B0]  }
0x462: {  	v7 =	vadd.f32 v8, v3;
	v8 =	vld [tilespmem:s19+$0x68B0]  }
0x463: {  	[tilespmem:s19+$0x100A0] =	vst v2;
	v2 =	vadd.f32 v6, v3;
	v6 =	vld [tilespmem:s19+$0x70B0]  }
0x464: {  	[tilespmem:s19+$0x108A0] =	vst v7;
	v3 =	vadd.f32 v4, v3;
	v4 =	vld [tilespmem:s19+$0x78B0]  }
0x465: {  	[tilespmem:s19+$0x110A0] =	vst v2;
	v2 =	vld [tilespmem:s19+$0x98C0]  }
0x466: {  	[tilespmem:s19+$0x118A0] =	vst v3;
	v3 =	vadd.f32 v5, v1;
	v5 =	vld [tilespmem:s19+$0x60C0]  }
0x467: {  	v7 =	vadd.f32 v8, v1;
	v8 =	vld [tilespmem:s19+$0x68C0]  }
0x468: {  	[tilespmem:s19+$0x100B0] =	vst v3;
	v3 =	vadd.f32 v6, v1;
	v6 =	vld [tilespmem:s19+$0x70C0]  }
0x469: {  	[tilespmem:s19+$0x108B0] =	vst v7;
	v1 =	vadd.f32 v4, v1;
	v4 =	vld [tilespmem:s19+$0x78C0]  }
0x46a: {  	[tilespmem:s19+$0x110B0] =	vst v3;
	v7 =	vld [tilespmem:s19+$0x98D0]  }
0x46b: {  	[tilespmem:s19+$0x118B0] =	vst v1;
	v1 =	vadd.f32 v5, v2;
	v3 =	vld [tilespmem:s19+$0x60D0]  }
0x46c: {  	v5 =	vadd.f32 v8, v2;
	v8 =	vld [tilespmem:s19+$0x68D0]  }
0x46d: {  	[tilespmem:s19+$0x100C0] =	vst v1;
	v1 =	vadd.f32 v6, v2;
	v9 =	vld [tilespmem:s19+$0x70D0]  }
0x46e: {  	[tilespmem:s19+$0x108C0] =	vst v5;
	v2 =	vadd.f32 v4, v2;
	v4 =	vld [tilespmem:s19+$0x78D0]  }
0x46f: {  	[tilespmem:s19+$0x110C0] =	vst v1;
	v1 =	vld [tilespmem:s19+$0x98E0]  }
0x470: {  	[tilespmem:s19+$0x118C0] =	vst v2;
	v2 =	vadd.f32 v3, v7;
	v5 =	vld [tilespmem:s19+$0x60E0]  }
.Ltmp9:
0x471: {  	v8 =	vadd.f32 v8, v7;
	v6 =	vld [tilespmem:s19+$0x68E0];
	(pc) =	sbr.rel @p0 .LBB2_17-.Ltmp9, $4  }
0x472: {  	[tilespmem:s19+$0x100D0] =	vst v2;
	v2 =	vadd.f32 v9, v7;
	v3 =	vld [tilespmem:s19+$0x70E0]  }
0x473: {  	[tilespmem:s19+$0x108D0] =	vst v8;
	v7 =	vadd.f32 v4, v7;
	v4 =	vld [tilespmem:s19+$0x78E0]  }
0x474: {  	[tilespmem:s19+$0x110D0] =	vst v2;
	v2 =	vld [tilespmem:s19+$0x60F0]  }
0x475: {  	s10 =	sadd.s32 $0x400, s10;
	[tilespmem:s19+$0x118D0] =	vst v7;
	v7 =	vadd.f32 v5, v1;
	v5 =	vld [tilespmem:s19+$0x68F0]  }
0x476: {  	v6 =	vadd.f32 v6, v1;
	v8 =	vld [tilespmem:s19+$0x70F0]  }
0x477: {  	[tilespmem:s19+$0x100E0] =	vst v7;
	v3 =	vadd.f32 v3, v1  }
0x478: {  	[tilespmem:s19+$0x108E0] =	vst v6;
	v61 =	vadd.f32 v4, v1  }
0x479: {  	[tilespmem:s19+$0x110E0] =	vst v3;
	v2 =	vadd.f32 v2, v0  }
0x47a: {  	[tilespmem:s19+$0x118E0] =	vst v61;
	v62 =	vadd.f32 v5, v0  }
0x47b: {  	[tilespmem:s19+$0x100F0] =	vst v2;
	v63 =	vadd.f32 v8, v0  }
0x47c: {  	[tilespmem:s19+$0x108F0] =	vst v62  }
0x47d: {  	s7 =	sadd.s32 s22, s5;
	s10 =	simm.s32 $0x10000;
	s21 =	sor.u32 $0x100060, s22;
	[tilespmem:s19+$0x110F0] =	vst v63  }
0x47e: {  	[hbm4b:s7+s8] =	stream.strided.scatter [tilespmem:s10], [sflag:$0x8], $0x800, s9, s8, $0x38;
	[tilespmem:$0x12000] =	vst v63  }
0x47f: {  	s23 =	simm.s32 $0x10800;
	s7 =	sadd.s32 s4, s21  }
0x480: {  	[hbm4b:s7+s8] =	stream.strided.scatter [tilespmem:s23], [sflag:$0x8], $0x800, s9, s8, $0x38;
	[tilespmem:$0x12000] =	vst v63  }
.Ltmp10:
0x481: {  	s25 =	sor.u32 $0x200060, s22;
	(pc) =	sbr.rel @p1 .LBB2_20-.Ltmp10, $4  }
0x482: {  	s28 =	simm.s32 $0x11000;
	s29 =	sor.u32 $0x300060, s22;
	s7 =	sadd.s32 s4, s25  }
0x483: {  	[hbm4b:s7+s8] =	stream.strided.scatter [tilespmem:s28], [sflag:$0x8], $0x800, s9, s8, $0x38;
	[tilespmem:$0x12000] =	vst v63  }
0x484: {  	s7 =	sadd.s32 s4, s29  }
0x485: {  	[hbm4b:s7+s8] =	stream.strided.scatter [tilespmem:s16], [sflag:$0x8], $0x800, s9, s8, $0x38;
	[tilespmem:$0x12000] =	vst v63  }
0x486: {  	s7 =	sadd.s32 s18, s31  }
0x487: {  	s7 =	sshrl.u32 s7, $0x3  }
0x488: {  	s10 =	sor.u32 $0x60, s7  }
0x489: {  	s13 =	simm.s32 $0x9800;
	s12 =	sadd.s32 s3, s10  }
0x48a: {  	[tilespmem:s13], [sflag:$0x4] =	stream.strided.gather [hbm4b:s12+s8], $0x800, s9, s8, $0x38;
	[tilespmem:$0x12000] =	vst v63  }
0x48b: {  	s19 =	simm.s32 $0x6000;
	s21 =	sadd.s32 s1, s7;
	s10 =	sadd.s32 s1, s10  }
0x48c: {  	[tilespmem:s19], [sflag:$0x4] =	stream.strided.gather [hbm4b:s10+s8], $0x800, s9, s8, $0x38;
	[tilespmem:$0x12000] =	vst v63  }
0x48d: {  	s23 =	simm.s32 $0x6800;
	s22 =	sadd.s32 $0x100060, s21  }
0x48e: {  	[tilespmem:s23], [sflag:$0x4] =	stream.strided.gather [hbm4b:s22+s8], $0x800, s9, s8, $0x38;
	[tilespmem:$0x12000] =	vst v63  }
.Ltmp11:
0x48f: {  	s7 =	sor.u32 $0x200060, s7;
	(pc) =	sbr.rel .LBB2_2-.Ltmp11, $4  }
0x490: {  	s25 =	simm.s32 $0x7000;
	s7 =	sadd.s32 s1, s7  }
0x491: {  	[tilespmem:s25], [sflag:$0x4] =	stream.strided.gather [hbm4b:s7+s8], $0x800, s9, s8, $0x38;
	[tilespmem:$0x12000] =	vst v63  }
0x492: {  	s29 =	simm.s32 $0x7800;
	s17 =	sadd.s32 $0x1, s17;
	s28 =	sadd.s32 $0x300060, s21  }
0x493: {  	[tilespmem:s29], [sflag:$0x4] =	stream.strided.gather [hbm4b:s28+s8], $0x800, s9, s8, $0x38;
	[tilespmem:$0x12000] =	vst v63  }
.LBB2_21:
0x494: {  	_ =	sfence.sel $0x180000  }
0x495: {  	[bflag:$0x0] =	sbarrier.arrive $0xFFFF  }
0x496: {  	_ =	strace $0x90000047  }
0x497: {  	s0 =	stileid.u32;
	[bflag:$0x2] =	sbarrier.arrive $0xFFFF  }
0x498: {  	p0 =	sne.s32 s0, $0x0;
	s0 =	rddreg [dreg:$0x3]  }
0x499: {  	s0 =	sadd.s32 @!p0 $0x100000, s0  }
0x49a: {  	[sflag:s0] =	ssyncadd.tile.s32 @!p0 $0x1;
	_ =	shalt  }
.Lfunc_end2:
_tile_overlayer_lowered:
.L_overlay_start_2:
0x49b: {  	(tag) =	ssettag $0x2  }
0x49c: {  	s0 =	rddreg [dreg:$0x0];
	s2 =	stileid.u32  }
0x49d: {  	s1 =	rddreg [dreg:$0x1];
	p0 =	sne.s32 s2, $0x0  }
0x49e: {  	s3 =	rddreg [dreg:$0x2];
	[bflag:$0x3] =	sbarrier.arrive $0xFFFF;
	s2 =	simm.s32 @!p0 $0x1C09  }
0x49f: {  	[timem:s3], [sflag:s2] =	dma.local @!p0 [hbm:s0], s1  }
0x4a0: {  	s0 =	simm.s32 @!p0 $0x9  }
0x4a1: {  	_ =	swait.ge @!p0 [sflag:s0], s1  }
0x4a2: {  	s1 =	ssub.s32 @!p0 $0x0, s1;
	[sflag:s0] =	ssyncset.done @!p0 $0x0  }
0x4a3: {  	[sflag:s0] =	ssyncadd.s32 @!p0 s1  }
0x4a4: {  	[bflag:$0x3] =	sbarrier.arrive $0xFFFF  }
0x4a5: {  	_ =	shalt  }

</sc_bundles>
